<compile_context>
chip_gen: v7x
topology: tpu7x:2x2x1
jax: 0.10.2.dev20260603
libtpu: 0.0.44.dev20260713+nightly
codegen_flags: <defaults>
</compile_context>

<pallas_src>
import functools

import jax
import jax.numpy as jnp
from jax import lax
from jax.experimental import pallas as pl
from jax.experimental.pallas import tpu as pltpu
from jax.experimental.pallas import tpu_sc as plsc

N = 10000
E = 320000
D_IN = 128
D_HID = 16
D_OUT = 64

NC = 2
NS = 16
NW = NC * NS

CHUNK = 128
CPT = 80
EPT = CPT * CHUNK
E_PAD = EPT * NW
E_ROWS = E_PAD // CHUNK
DROWS = E_ROWS // NS

CPT0 = 96
CPT1 = 2 * CPT - CPT0
CPT_MAX = max(CPT0, CPT1)
E_ROWS_STAGE = E_ROWS + 32

NACC = 10240
STRIPE = NACC // NS
DUMMY = N

L = 16
NVEC = STRIPE // L


def _take16(y, idx):
    dnums = lax.GatherDimensionNumbers(offset_dims=(), collapsed_slice_dims=(0,),
                                       start_index_map=(0,))
    return lax.gather(y, idx[:, None], dnums, slice_sizes=(1,),
                      mode=lax.GatherScatterMode.PROMISE_IN_BOUNDS)


def _rsqrt16(d):
    i = plsc.bitcast(d, jnp.int32)
    i = jnp.int32(0x5F3759DF) - lax.shift_right_logical(i, 1)
    y = plsc.bitcast(i, jnp.float32)
    for _ in range(3):
        y = y * (1.5 - 0.5 * d * y * y)
    return y


def _stage1_body(u_hbm, src_hbm, dst_hbm, zeros_hbm,
                 s1_hbm, g1_hbm, dinv_hbm, dstp_hbm,
                 hist, sdg, ddg, tmp, dvbuf, g1buf, sps, spd, rows,
                 spm, acc, gs0, gs1):
    c = lax.axis_index("c")
    s = lax.axis_index("s")
    tid = c * NS + s
    zero16 = jnp.zeros((16,), jnp.int32)
    ones16 = jnp.ones((16,), jnp.float32)

    pltpu.sync_copy(zeros_hbm, hist)
    pltpu.sync_copy(src_hbm.at[pl.ds(s * DROWS, DROWS)], sdg)
    pltpu.sync_copy(dst_hbm.at[pl.ds(s * DROWS, DROWS)], ddg)

    def hist_row(j, carry):
        for k in range(CHUNK // L):
            sv = sdg[j, pl.ds(k * L, L)]
            dv = ddg[j, pl.ds(k * L, L)]
            dp = jnp.where(sv == dv, jnp.int32(DUMMY), dv)
            ddg[j, pl.ds(k * L, L)] = dp
            plsc.addupdate_scatter(
                hist, [lax.shift_right_logical(dp, 4), dp & 15], ones16)
        return carry

    lax.fori_loop(0, DROWS, hist_row, 0)

    base_row = jnp.where(c == 0, s * CPT0, NS * CPT0 + s * CPT1)
    pltpu.sync_copy(src_hbm.at[pl.ds(base_row, CPT_MAX)],
                    sps.at[pl.ds(0, CPT_MAX)])
    pltpu.sync_copy(dst_hbm.at[pl.ds(base_row, CPT_MAX)], spd)
    slab = c * NACC

    def prep_row(j, carry):
        for k in range(CHUNK // L):
            sv = sps[j, pl.ds(k * L, L)]
            dv = spd[j, pl.ds(k * L, L)]
            spd[j, pl.ds(k * L, L)] = jnp.where(sv == dv, jnp.int32(DUMMY), dv)
            sps[j, pl.ds(k * L, L)] = sv + slab
        return carry

    lax.fori_loop(0, CPT_MAX, prep_row, 0)

    pltpu.sync_copy(hist, spm.at[s])
    pltpu.sync_copy(zeros_hbm, acc.at[pl.ds(s * STRIPE, STRIPE)])
    @pl.when(c == 0)
    def _():
        pltpu.sync_copy(ddg, dstp_hbm.at[pl.ds(s * DROWS, DROWS)])
    plsc.subcore_barrier()

    for t in range(NS):
        pltpu.sync_copy(spm.at[t, pl.ds(s * NVEC, NVEC)], tmp.at[t])
    pltpu.sync_copy(u_hbm.at[pl.ds(s * STRIPE, STRIPE)], g1buf)

    lane_ids = [jnp.full((L,), i, jnp.int32) for i in range(L)]

    def dinv_vec(v, carry):
        deg = tmp[0, v, :] + 1.0
        for t in range(1, NS):
            deg = deg + tmp[t, v, :]
        y = _rsqrt16(deg)
        dvbuf[pl.ds(v * L, L)] = y
        for i in range(L):
            row = v * L + i
            g1buf[row, :] = g1buf[row, :] * _take16(y, lane_ids[i])
        return carry

    lax.fori_loop(0, NVEC, dinv_vec, 0)
    pltpu.sync_copy(g1buf, g1_hbm.at[pl.ds(slab + s * STRIPE, STRIPE)])
    pltpu.sync_copy(dvbuf, dinv_hbm.at[c, pl.ds(s * STRIPE, STRIPE)])
    plsc.subcore_barrier()

    sems = (gs0, gs1)

    def gather(j, b):
        return pltpu.async_copy(g1_hbm.at[sps.at[j]], rows.at[b], sems[b])

    def gather_wait(j, b):
        pltpu.make_async_copy(g1_hbm.at[sps.at[j]], rows.at[b], sems[b]).wait()

    def prop(t, carry):
        j = 2 * t
        gather(j + 1, 1)
        gather_wait(j, 0)
        pltpu.sync_copy(rows.at[0], acc.at[spd.at[j]], add=True)
        gather(j + 2, 0)
        gather_wait(j + 1, 1)
        pltpu.sync_copy(rows.at[1], acc.at[spd.at[j + 1]], add=True)
        return carry

    def run_prop(cpt):
        for k in range(CHUNK // L):
            sps[cpt, pl.ds(k * L, L)] = zero16
        gather(0, 0)
        lax.fori_loop(0, cpt // 2, prop, 0)
        gather_wait(cpt, 0)

    @pl.when(c == 0)
    def _():
        run_prop(CPT0)

    @pl.when(c == 1)
    def _():
        run_prop(CPT1)

    plsc.subcore_barrier()
    pltpu.sync_copy(acc.at[pl.ds(s * STRIPE, STRIPE)],
                    s1_hbm.at[c, pl.ds(s * STRIPE, STRIPE)])


def _prop_body(g_hbm, src_hbm, dstp_hbm, zeros_hbm,
               out_hbm,
               idx_s, idx_d, rows, acc, gs0, gs1):
    c = lax.axis_index("c")
    s = lax.axis_index("s")
    base_row = jnp.where(c == 0, s * CPT0, NS * CPT0 + s * CPT1)
    pltpu.sync_copy(zeros_hbm, acc.at[pl.ds(s * STRIPE, STRIPE)])
    pltpu.sync_copy(src_hbm.at[pl.ds(base_row, CPT_MAX)],
                    idx_s.at[pl.ds(0, CPT_MAX)])
    pltpu.sync_copy(dstp_hbm.at[pl.ds(base_row, CPT_MAX)], idx_d)
    plsc.subcore_barrier()

    sems = (gs0, gs1)

    def gather(j, b):
        return pltpu.async_copy(g_hbm.at[idx_s.at[j]], rows.at[b], sems[b])

    def gather_wait(j, b):
        pltpu.make_async_copy(g_hbm.at[idx_s.at[j]], rows.at[b], sems[b]).wait()

    def body(t, carry):
        j = 2 * t
        gather(j + 1, 1)
        gather_wait(j, 0)
        pltpu.sync_copy(rows.at[0], acc.at[idx_d.at[j]], add=True)
        gather(j + 2, 0)
        gather_wait(j + 1, 1)
        pltpu.sync_copy(rows.at[1], acc.at[idx_d.at[j + 1]], add=True)
        return carry

    zero16 = jnp.zeros((16,), jnp.int32)

    def run_prop(cpt):
        for k in range(CHUNK // L):
            idx_s[cpt, pl.ds(k * L, L)] = zero16
        gather(0, 0)
        lax.fori_loop(0, cpt // 2, body, 0)
        gather_wait(cpt, 0)

    @pl.when(c == 0)
    def _():
        run_prop(CPT0)

    @pl.when(c == 1)
    def _():
        run_prop(CPT1)

    plsc.subcore_barrier()
    pltpu.sync_copy(acc.at[pl.ds(s * STRIPE, STRIPE)],
                    out_hbm.at[c, pl.ds(s * STRIPE, STRIPE)])


@functools.cache
def _sc_kernels():
    mesh = plsc.VectorSubcoreMesh(core_axis_name="c", subcore_axis_name="s",
                                  num_cores=NC, num_subcores=NS)
    params = pltpu.CompilerParams(use_tc_tiling_on_sc=False,
                                  needs_layout_passes=False)
    stage1_kernel = pl.kernel(
        _stage1_body,
        out_type=(jax.ShapeDtypeStruct((NC, NACC, D_HID), jnp.float32),
                  jax.ShapeDtypeStruct((NC * NACC, D_HID), jnp.float32),
                  jax.ShapeDtypeStruct((NC, NACC), jnp.float32),
                  jax.ShapeDtypeStruct((E_ROWS_STAGE, CHUNK), jnp.int32)),
        mesh=mesh,
        scratch_types=[
            pltpu.VMEM((NACC // L, L), jnp.float32),
            pltpu.VMEM((DROWS, CHUNK), jnp.int32),
            pltpu.VMEM((DROWS, CHUNK), jnp.int32),
            pltpu.VMEM((NS, NVEC, L), jnp.float32),
            pltpu.VMEM((STRIPE,), jnp.float32),
            pltpu.VMEM((STRIPE, D_HID), jnp.float32),
            pltpu.VMEM((CPT_MAX + 8, CHUNK), jnp.int32),
            pltpu.VMEM((CPT_MAX, CHUNK), jnp.int32),
            pltpu.VMEM((2, CHUNK, D_HID), jnp.float32),
            pltpu.VMEM_SHARED((NS, NACC // L, L), jnp.float32),
            pltpu.VMEM_SHARED((NACC, D_HID), jnp.float32),
            pltpu.SemaphoreType.DMA,
            pltpu.SemaphoreType.DMA,
        ],
        compiler_params=params,
    )
    prop_kernel = pl.kernel(
        _prop_body,
        out_type=jax.ShapeDtypeStruct((NC, NACC, D_HID), jnp.float32),
        mesh=mesh,
        scratch_types=[
            pltpu.VMEM((CPT_MAX + 8, CHUNK), jnp.int32),
            pltpu.VMEM((CPT_MAX, CHUNK), jnp.int32),
            pltpu.VMEM((2, CHUNK, D_HID), jnp.float32),
            pltpu.VMEM_SHARED((NACC, D_HID), jnp.float32),
            pltpu.SemaphoreType.DMA,
            pltpu.SemaphoreType.DMA,
        ],
        compiler_params=params,
    )
    return stage1_kernel, prop_kernel


_RB = 10000


def _lin1_body(x_ref, w1_ref, u_ref):
    u_ref[...] = jnp.dot(x_ref[...], w1_ref[...],
                         preferred_element_type=jnp.float32)


def _lin1(x, W1):
    return pl.pallas_call(
        _lin1_body,
        grid=(N // _RB,),
        in_specs=[
            pl.BlockSpec((_RB, D_IN), lambda i: (i, 0)),
            pl.BlockSpec((D_IN, D_HID), lambda i: (0, 0)),
        ],
        out_specs=pl.BlockSpec((_RB, D_HID), lambda i: (i, 0)),
        out_shape=jax.ShapeDtypeStruct((N, D_HID), jnp.float32),
    )(x, W1)


def _hid_body(s1_ref, g1_ref, dinv_ref, b1_ref, g2_ref):
    dinv = dinv_ref[...]
    pre = dinv * (s1_ref[0] + s1_ref[1] + g1_ref[...]) + b1_ref[...]
    g2_ref[...] = dinv * jnp.maximum(pre, 0.0)


def _hid(s1, g1, dinv, b1):
    return pl.pallas_call(
        _hid_body,
        grid=(N // _RB,),
        in_specs=[
            pl.BlockSpec((NC, _RB, D_HID), lambda i: (0, i, 0)),
            pl.BlockSpec((_RB, D_HID), lambda i: (i, 0)),
            pl.BlockSpec((_RB, 1), lambda i: (i, 0)),
            pl.BlockSpec((1, D_HID), lambda i: (0, 0)),
        ],
        out_specs=pl.BlockSpec((_RB, D_HID), lambda i: (i, 0)),
        out_shape=jax.ShapeDtypeStruct((N, D_HID), jnp.float32),
    )(s1, g1, dinv, b1)


def _out_body(s2_ref, g2_ref, dinv_ref, w2_ref, b2_ref, out_ref):
    h = dinv_ref[...] * (s2_ref[0] + s2_ref[1] + g2_ref[...])
    z = jnp.dot(h, w2_ref[...], preferred_element_type=jnp.float32) + b2_ref[...]
    m = jnp.max(z, axis=1, keepdims=True)
    lse = jnp.log(jnp.sum(jnp.exp(z - m), axis=1, keepdims=True)) + m
    out_ref[...] = z - lse


def _out(s2, g2, dinv, W2, b2):
    return pl.pallas_call(
        _out_body,
        grid=(N // _RB,),
        in_specs=[
            pl.BlockSpec((NC, _RB, D_HID), lambda i: (0, i, 0)),
            pl.BlockSpec((_RB, D_HID), lambda i: (i, 0)),
            pl.BlockSpec((_RB, 1), lambda i: (i, 0)),
            pl.BlockSpec((D_HID, D_OUT), lambda i: (0, 0)),
            pl.BlockSpec((1, D_OUT), lambda i: (0, 0)),
        ],
        out_specs=pl.BlockSpec((_RB, D_OUT), lambda i: (i, 0)),
        out_shape=jax.ShapeDtypeStruct((N, D_OUT), jnp.float32),
    )(s2, g2, dinv, W2, b2)


def kernel(x, edge_index, W1, b1, W2, b2):
    src = edge_index[0].astype(jnp.int32)
    dst = edge_index[1].astype(jnp.int32)
    pad = E_ROWS_STAGE * CHUNK - E
    src_p = jnp.concatenate([src, jnp.zeros((pad,), jnp.int32)]).reshape(E_ROWS_STAGE, CHUNK)
    dst_p = jnp.concatenate([dst, jnp.full((pad,), DUMMY, jnp.int32)]).reshape(E_ROWS_STAGE, CHUNK)

    zeros_stripe = jnp.zeros((STRIPE, D_HID), jnp.float32)

    stage1_kernel, prop_kernel = _sc_kernels()

    u = _lin1(x, W1)
    u_pad = jnp.pad(u, ((0, NACC - N), (0, 0)))
    s1, g1, dinv2, dstp = stage1_kernel(u_pad, src_p, dst_p, zeros_stripe)
    dinv = dinv2[0, :N].reshape(N, 1)
    g2 = _hid(s1[:, :N], g1[:N], dinv, b1.reshape(1, D_HID))

    g2_pad = jnp.pad(g2, ((0, NACC - N), (0, 0)))
    s2 = prop_kernel(g2_pad, src_p, dstp, zeros_stripe)
    return _out(s2[:, :N], g2, dinv, W2, b2.reshape(1, D_OUT))

# --- scband reference (transcript-rebuilt; emitter-appended) ---
"""Pipeline reference for scband-gcn-23149873725486 (READ-ONLY COPY).

The authoritative reference and input builder live on the scoring server;
editing this copy changes nothing except your own understanding.
"""

import jax, jax.numpy as jnp
import numpy as np

N_NODES = 10000
N_EDGES = 320000
D_IN = 128
D_HID = 16
D_OUT = 64


def setup_inputs(seed: int = 0) -> dict:
    key = jax.random.key(seed)
    k1, k2, k3, k4, k5, k6 = jax.random.split(key, 6)
    x = jax.random.normal(k1, (N_NODES, D_IN), dtype=jnp.float32)
    edge_index = jax.random.randint(k2, (2, N_EDGES), 0, N_NODES, dtype=jnp.int64)
    # GCNConv weights (glorot-style scaling)
    W1 = jax.random.normal(k3, (D_IN, D_HID), dtype=jnp.float32) * (1.0 / np.sqrt(D_IN))
    b1 = jnp.zeros((D_HID,), dtype=jnp.float32)
    W2 = jax.random.normal(k4, (D_HID, D_OUT), dtype=jnp.float32) * (1.0 / np.sqrt(D_HID))
    b2 = jnp.zeros((D_OUT,), dtype=jnp.float32)
    return {"x": x, "edge_index": edge_index, "W1": W1, "b1": b1, "W2": W2, "b2": b2}


def _prep_edges(edge_index, num_nodes):
    # remove_self_loops then add_self_loops (as in the torch forward),
    # expressed with fixed shapes: self-loop edges get weight 0 so they
    # contribute exactly 0.0 everywhere they are used.
    src = edge_index[0]
    dst = edge_index[1]
    mask = src != dst
    loop = jnp.arange(num_nodes, dtype=src.dtype)
    src = jnp.concatenate([src, loop])
    dst = jnp.concatenate([dst, loop])
    w = jnp.concatenate([mask.astype(jnp.float32),
                         jnp.ones((num_nodes,), dtype=jnp.float32)])
    return src, dst, w


def _gcn_conv(h, W, b, src, dst, norm, num_nodes):
    h = h @ W
    msg = h[src] * norm[:, None]
    out = jax.ops.segment_sum(msg, dst, num_segments=num_nodes)
    return out + b


def reference(x, edge_index, W1, b1, W2, b2):
    N = x.shape[0]
    src, dst, w = _prep_edges(edge_index, N)
    # symmetric normalization D^{-1/2} A D^{-1/2}
    deg = jax.ops.segment_sum(w.astype(x.dtype), dst, num_segments=N)
    dinv = jnp.where(deg > 0, deg ** -0.5, 0.0)
    norm = dinv[src] * dinv[dst] * w.astype(x.dtype)
    h = jax.nn.relu(_gcn_conv(x, W1, b1, src, dst, norm, N))
    # F.dropout(training=self.training): identity in eval mode
    h = _gcn_conv(h, W2, b2, src, dst, norm, N)
    return jax.nn.log_softmax(h, axis=1)

if __name__ == "__main__":
    import jax
    _d = setup_inputs()
    print(jax.jit(kernel)(*tuple(_d.values())))

</pallas_src>

<mosaic_0001>
#map = affine_map<(d0, d1) -> (0, 0)>
#map1 = affine_map<(d0, d1) -> (0, 0, 0)>
module attributes {stable_mosaic.version = 14 : i64} {
  func.func @_stage1_body(%arg0: i32, %arg1: i32, %arg2: memref<10240x16xf32, #tpu.memory_space<hbm>>, %arg3: memref<2592x128xi32, #tpu.memory_space<hbm>>, %arg4: memref<2592x128xi32, #tpu.memory_space<hbm>>, %arg5: memref<640x16xf32, #tpu.memory_space<hbm>>, %arg6: memref<2x10240x16xf32, #tpu.memory_space<hbm>>, %arg7: memref<20480x16xf32, #tpu.memory_space<hbm>>, %arg8: memref<2x10240xf32, #tpu.memory_space<hbm>>, %arg9: memref<2592x128xi32, #tpu.memory_space<hbm>>, %arg10: memref<640x16xf32, #tpu.memory_space<vmem>>, %arg11: memref<160x128xi32, #tpu.memory_space<vmem>>, %arg12: memref<160x128xi32, #tpu.memory_space<vmem>>, %arg13: memref<16x40x16xf32, #tpu.memory_space<vmem>>, %arg14: memref<640xf32, #tpu.memory_space<vmem>>, %arg15: memref<640x16xf32, #tpu.memory_space<vmem>>, %arg16: memref<104x128xi32, #tpu.memory_space<vmem>>, %arg17: memref<96x128xi32, #tpu.memory_space<vmem>>, %arg18: memref<2x128x16xf32, #tpu.memory_space<vmem>>, %arg19: memref<16x640x16xf32, #tpu.memory_space<vmem_shared>>, %arg20: memref<10240x16xf32, #tpu.memory_space<vmem_shared>>, %arg21: memref<!tpu.dma_semaphore, #tpu.memory_space<semaphore_mem>>, %arg22: memref<!tpu.dma_semaphore, #tpu.memory_space<semaphore_mem>>) attributes {dimension_semantics = [#tpu.dimension_semantics<core_parallel>, #tpu.dimension_semantics<subcore_parallel>], iteration_bounds = array<i64: 2, 16>, scalar_prefetch = 0 : i64, scratch_operands = 13 : i64, tpu.core_type = #tpu.core_type<sc_vector_subcore>, window_params = [{transform_indices = #map}, {transform_indices = #map}, {transform_indices = #map}, {transform_indices = #map}, {transform_indices = #map1}, {transform_indices = #map}, {transform_indices = #map}, {transform_indices = #map}]} {
    %mul3A = arith.constant 16 : i32
    %mul3A_0 = arith.muli %arg0, %mul3A : i32
    %add3A = arith.addi %mul3A_0, %arg1 : i32
    %broadcast_in_dim3A = arith.constant 0 : i32
    %broadcast_in_dim3A_1 = vector.broadcast %broadcast_in_dim3A : i32 to vector<16xi32>
    %broadcast_in_dim3A_2 = arith.constant 1.000000e+00 : f32
    %broadcast_in_dim3A_3 = vector.broadcast %broadcast_in_dim3A_2 : f32 to vector<16xf32>
    "tpu.region"() ({
      %run_scoped3A_157 = tpu.sem_alloc : memref<!tpu.dma_semaphore, #tpu.memory_space<semaphore_mem>>
      tpu.enqueue_dma source(%arg5 : memref<640x16xf32, #tpu.memory_space<hbm>>) target(%arg10 : memref<640x16xf32, #tpu.memory_space<vmem>>) target_semaphore(%run_scoped3A_157 : memref<!tpu.dma_semaphore, #tpu.memory_space<semaphore_mem>>)
      tpu.wait_dma2 semaphore(%run_scoped3A_157 : memref<!tpu.dma_semaphore, #tpu.memory_space<semaphore_mem>>) src(%arg5 : memref<640x16xf32, #tpu.memory_space<hbm>>) dst(%arg10 : memref<640x16xf32, #tpu.memory_space<vmem>>)
      tpu.yield
    }) : () -> ()
    %mul3A_4 = arith.constant 160 : i32
    %mul3A_5 = arith.muli %arg1, %mul3A_4 : i32
    "tpu.region"() ({
      %run_scoped3A_157 = tpu.sem_alloc : memref<!tpu.dma_semaphore, #tpu.memory_space<semaphore_mem>>
      %dma_start3A = arith.constant 0 : i32
      %dma_start3A_158 = tpu.memref_slice %arg3[%mul3A_5, %dma_start3A] : memref<2592x128xi32, #tpu.memory_space<hbm>> -> memref<160x128xi32, #tpu.memory_space<hbm>>
      %dma_start3A_159 = arith.constant 0 : i32
      %dma_start3A_160 = tpu.memref_slice %arg3[%mul3A_5, %dma_start3A_159] : memref<2592x128xi32, #tpu.memory_space<hbm>> -> memref<160x128xi32, #tpu.memory_space<hbm>>
      tpu.enqueue_dma source(%dma_start3A_160 : memref<160x128xi32, #tpu.memory_space<hbm>>) target(%arg11 : memref<160x128xi32, #tpu.memory_space<vmem>>) target_semaphore(%run_scoped3A_157 : memref<!tpu.dma_semaphore, #tpu.memory_space<semaphore_mem>>)
      %dma_wait3A = arith.constant 0 : i32
      %dma_wait3A_161 = tpu.memref_slice %arg3[%mul3A_5, %dma_wait3A] : memref<2592x128xi32, #tpu.memory_space<hbm>> -> memref<160x128xi32, #tpu.memory_space<hbm>>
      %dma_wait3A_162 = arith.constant 0 : i32
      %dma_wait3A_163 = tpu.memref_slice %arg3[%mul3A_5, %dma_wait3A_162] : memref<2592x128xi32, #tpu.memory_space<hbm>> -> memref<160x128xi32, #tpu.memory_space<hbm>>
      tpu.wait_dma2 semaphore(%run_scoped3A_157 : memref<!tpu.dma_semaphore, #tpu.memory_space<semaphore_mem>>) src(%dma_wait3A_163 : memref<160x128xi32, #tpu.memory_space<hbm>>) dst(%arg11 : memref<160x128xi32, #tpu.memory_space<vmem>>)
      tpu.yield
    }) : () -> ()
    %mul3A_6 = arith.constant 160 : i32
    %mul3A_7 = arith.muli %arg1, %mul3A_6 : i32
    "tpu.region"() ({
      %run_scoped3A_157 = tpu.sem_alloc : memref<!tpu.dma_semaphore, #tpu.memory_space<semaphore_mem>>
      %dma_start3A = arith.constant 0 : i32
      %dma_start3A_158 = tpu.memref_slice %arg4[%mul3A_7, %dma_start3A] : memref<2592x128xi32, #tpu.memory_space<hbm>> -> memref<160x128xi32, #tpu.memory_space<hbm>>
      %dma_start3A_159 = arith.constant 0 : i32
      %dma_start3A_160 = tpu.memref_slice %arg4[%mul3A_7, %dma_start3A_159] : memref<2592x128xi32, #tpu.memory_space<hbm>> -> memref<160x128xi32, #tpu.memory_space<hbm>>
      tpu.enqueue_dma source(%dma_start3A_160 : memref<160x128xi32, #tpu.memory_space<hbm>>) target(%arg12 : memref<160x128xi32, #tpu.memory_space<vmem>>) target_semaphore(%run_scoped3A_157 : memref<!tpu.dma_semaphore, #tpu.memory_space<semaphore_mem>>)
      %dma_wait3A = arith.constant 0 : i32
      %dma_wait3A_161 = tpu.memref_slice %arg4[%mul3A_7, %dma_wait3A] : memref<2592x128xi32, #tpu.memory_space<hbm>> -> memref<160x128xi32, #tpu.memory_space<hbm>>
      %dma_wait3A_162 = arith.constant 0 : i32
      %dma_wait3A_163 = tpu.memref_slice %arg4[%mul3A_7, %dma_wait3A_162] : memref<2592x128xi32, #tpu.memory_space<hbm>> -> memref<160x128xi32, #tpu.memory_space<hbm>>
      tpu.wait_dma2 semaphore(%run_scoped3A_157 : memref<!tpu.dma_semaphore, #tpu.memory_space<semaphore_mem>>) src(%dma_wait3A_163 : memref<160x128xi32, #tpu.memory_space<hbm>>) dst(%arg12 : memref<160x128xi32, #tpu.memory_space<vmem>>)
      tpu.yield
    }) : () -> ()
    %scan3A = arith.constant 0 : i32
    %scan3A_8 = arith.constant 0 : i32
    %scan3A_9 = arith.constant 160 : i32
    %scan3A_10 = arith.addi %scan3A_8, %scan3A_9 : i32
    %scan3A_11 = arith.constant 1 : i32
    scf.for %scan3A_157 = %scan3A_8 to %scan3A_10 step %scan3A_11  : i32 {
      %get3A = arith.index_cast %scan3A_157 : i32 to index
      %get3A_158 = arith.constant 0 : index
      %get3A_159 = tpu.vector_load %arg11[%get3A, %get3A_158] {strides = array<i32>} : memref<160x128xi32, #tpu.memory_space<vmem>>, vector<16xi32>,
      %get3A_160 = arith.index_cast %scan3A_157 : i32 to index
      %get3A_161 = arith.constant 0 : index
      %get3A_162 = tpu.vector_load %arg12[%get3A_160, %get3A_161] {strides = array<i32>} : memref<160x128xi32, #tpu.memory_space<vmem>>, vector<16xi32>,
      %eq3A_163 = arith.cmpi eq, %get3A_159, %get3A_162 : vector<16xi32>
      %jit3A = arith.constant 10000 : i32
      %broadcast_in_dim3A_164 = vector.broadcast %jit3A : i32 to vector<16xi32>
      %select_n3A_165 = arith.select %eq3A_163, %broadcast_in_dim3A_164, %get3A_162 : vector<16xi1>, vector<16xi32>
      %swap3A = arith.index_cast %scan3A_157 : i32 to index
      %swap3A_166 = arith.constant 0 : index
      %swap3A_167 = tpu.vector_load %arg12[%swap3A, %swap3A_166] {strides = array<i32>} : memref<160x128xi32, #tpu.memory_space<vmem>>, vector<16xi32>,
      tpu.vector_store %arg12[%swap3A, %swap3A_166], %select_n3A_165 {strides = array<i32>} : memref<160x128xi32, #tpu.memory_space<vmem>>, vector<16xi32>,
      %shift_right_logical3A = arith.constant 4 : i32
      %shift_right_logical3A_168 = vector.broadcast %shift_right_logical3A : i32 to vector<16xi32>
      %shift_right_logical3A_169 = arith.shrui %select_n3A_165, %shift_right_logical3A_168 : vector<16xi32>
      %and3A = arith.constant 15 : i32
      %and3A_170 = vector.broadcast %and3A : i32 to vector<16xi32>
      %and3A_171 = arith.andi %select_n3A_165, %and3A_170 : vector<16xi32>
      tpu.vector_store_idx %arg10[%shift_right_logical3A_169, %and3A_171], %broadcast_in_dim3A_3 {add = true} : memref<640x16xf32, #tpu.memory_space<vmem>>[vector<16xi32>, vector<16xi32>], vector<16xf32>,
      %get3A_172 = arith.index_cast %scan3A_157 : i32 to index
      %get3A_173 = arith.constant 16 : index
      %get3A_174 = tpu.vector_load %arg11[%get3A_172, %get3A_173] {strides = array<i32>} : memref<160x128xi32, #tpu.memory_space<vmem>>, vector<16xi32>,
      %get3A_175 = arith.index_cast %scan3A_157 : i32 to index
      %get3A_176 = arith.constant 16 : index
      %get3A_177 = tpu.vector_load %arg12[%get3A_175, %get3A_176] {strides = array<i32>} : memref<160x128xi32, #tpu.memory_space<vmem>>, vector<16xi32>,
      %eq3A_178 = arith.cmpi eq, %get3A_174, %get3A_177 : vector<16xi32>
      %jit3A_179 = arith.constant 10000 : i32
      %broadcast_in_dim3A_180 = vector.broadcast %jit3A_179 : i32 to vector<16xi32>
      %select_n3A_181 = arith.select %eq3A_178, %broadcast_in_dim3A_180, %get3A_177 : vector<16xi1>, vector<16xi32>
      %swap3A_182 = arith.index_cast %scan3A_157 : i32 to index
      %swap3A_183 = arith.constant 16 : index
      %swap3A_184 = tpu.vector_load %arg12[%swap3A_182, %swap3A_183] {strides = array<i32>} : memref<160x128xi32, #tpu.memory_space<vmem>>, vector<16xi32>,
      tpu.vector_store %arg12[%swap3A_182, %swap3A_183], %select_n3A_181 {strides = array<i32>} : memref<160x128xi32, #tpu.memory_space<vmem>>, vector<16xi32>,
      %shift_right_logical3A_185 = arith.constant 4 : i32
      %shift_right_logical3A_186 = vector.broadcast %shift_right_logical3A_185 : i32 to vector<16xi32>
      %shift_right_logical3A_187 = arith.shrui %select_n3A_181, %shift_right_logical3A_186 : vector<16xi32>
      %and3A_188 = arith.constant 15 : i32
      %and3A_189 = vector.broadcast %and3A_188 : i32 to vector<16xi32>
      %and3A_190 = arith.andi %select_n3A_181, %and3A_189 : vector<16xi32>
      tpu.vector_store_idx %arg10[%shift_right_logical3A_187, %and3A_190], %broadcast_in_dim3A_3 {add = true} : memref<640x16xf32, #tpu.memory_space<vmem>>[vector<16xi32>, vector<16xi32>], vector<16xf32>,
      %get3A_191 = arith.index_cast %scan3A_157 : i32 to index
      %get3A_192 = arith.constant 32 : index
      %get3A_193 = tpu.vector_load %arg11[%get3A_191, %get3A_192] {strides = array<i32>} : memref<160x128xi32, #tpu.memory_space<vmem>>, vector<16xi32>,
      %get3A_194 = arith.index_cast %scan3A_157 : i32 to index
      %get3A_195 = arith.constant 32 : index
      %get3A_196 = tpu.vector_load %arg12[%get3A_194, %get3A_195] {strides = array<i32>} : memref<160x128xi32, #tpu.memory_space<vmem>>, vector<16xi32>,
      %eq3A_197 = arith.cmpi eq, %get3A_193, %get3A_196 : vector<16xi32>
      %jit3A_198 = arith.constant 10000 : i32
      %broadcast_in_dim3A_199 = vector.broadcast %jit3A_198 : i32 to vector<16xi32>
      %select_n3A_200 = arith.select %eq3A_197, %broadcast_in_dim3A_199, %get3A_196 : vector<16xi1>, vector<16xi32>
      %swap3A_201 = arith.index_cast %scan3A_157 : i32 to index
      %swap3A_202 = arith.constant 32 : index
      %swap3A_203 = tpu.vector_load %arg12[%swap3A_201, %swap3A_202] {strides = array<i32>} : memref<160x128xi32, #tpu.memory_space<vmem>>, vector<16xi32>,
      tpu.vector_store %arg12[%swap3A_201, %swap3A_202], %select_n3A_200 {strides = array<i32>} : memref<160x128xi32, #tpu.memory_space<vmem>>, vector<16xi32>,
      %shift_right_logical3A_204 = arith.constant 4 : i32
      %shift_right_logical3A_205 = vector.broadcast %shift_right_logical3A_204 : i32 to vector<16xi32>
      %shift_right_logical3A_206 = arith.shrui %select_n3A_200, %shift_right_logical3A_205 : vector<16xi32>
      %and3A_207 = arith.constant 15 : i32
      %and3A_208 = vector.broadcast %and3A_207 : i32 to vector<16xi32>
      %and3A_209 = arith.andi %select_n3A_200, %and3A_208 : vector<16xi32>
      tpu.vector_store_idx %arg10[%shift_right_logical3A_206, %and3A_209], %broadcast_in_dim3A_3 {add = true} : memref<640x16xf32, #tpu.memory_space<vmem>>[vector<16xi32>, vector<16xi32>], vector<16xf32>,
      %get3A_210 = arith.index_cast %scan3A_157 : i32 to index
      %get3A_211 = arith.constant 48 : index
      %get3A_212 = tpu.vector_load %arg11[%get3A_210, %get3A_211] {strides = array<i32>} : memref<160x128xi32, #tpu.memory_space<vmem>>, vector<16xi32>,
      %get3A_213 = arith.index_cast %scan3A_157 : i32 to index
      %get3A_214 = arith.constant 48 : index
      %get3A_215 = tpu.vector_load %arg12[%get3A_213, %get3A_214] {strides = array<i32>} : memref<160x128xi32, #tpu.memory_space<vmem>>, vector<16xi32>,
      %eq3A_216 = arith.cmpi eq, %get3A_212, %get3A_215 : vector<16xi32>
      %jit3A_217 = arith.constant 10000 : i32
      %broadcast_in_dim3A_218 = vector.broadcast %jit3A_217 : i32 to vector<16xi32>
      %select_n3A_219 = arith.select %eq3A_216, %broadcast_in_dim3A_218, %get3A_215 : vector<16xi1>, vector<16xi32>
      %swap3A_220 = arith.index_cast %scan3A_157 : i32 to index
      %swap3A_221 = arith.constant 48 : index
      %swap3A_222 = tpu.vector_load %arg12[%swap3A_220, %swap3A_221] {strides = array<i32>} : memref<160x128xi32, #tpu.memory_space<vmem>>, vector<16xi32>,
      tpu.vector_store %arg12[%swap3A_220, %swap3A_221], %select_n3A_219 {strides = array<i32>} : memref<160x128xi32, #tpu.memory_space<vmem>>, vector<16xi32>,
      %shift_right_logical3A_223 = arith.constant 4 : i32
      %shift_right_logical3A_224 = vector.broadcast %shift_right_logical3A_223 : i32 to vector<16xi32>
      %shift_right_logical3A_225 = arith.shrui %select_n3A_219, %shift_right_logical3A_224 : vector<16xi32>
      %and3A_226 = arith.constant 15 : i32
      %and3A_227 = vector.broadcast %and3A_226 : i32 to vector<16xi32>
      %and3A_228 = arith.andi %select_n3A_219, %and3A_227 : vector<16xi32>
      tpu.vector_store_idx %arg10[%shift_right_logical3A_225, %and3A_228], %broadcast_in_dim3A_3 {add = true} : memref<640x16xf32, #tpu.memory_space<vmem>>[vector<16xi32>, vector<16xi32>], vector<16xf32>,
      %get3A_229 = arith.index_cast %scan3A_157 : i32 to index
      %get3A_230 = arith.constant 64 : index
      %get3A_231 = tpu.vector_load %arg11[%get3A_229, %get3A_230] {strides = array<i32>} : memref<160x128xi32, #tpu.memory_space<vmem>>, vector<16xi32>,
      %get3A_232 = arith.index_cast %scan3A_157 : i32 to index
      %get3A_233 = arith.constant 64 : index
      %get3A_234 = tpu.vector_load %arg12[%get3A_232, %get3A_233] {strides = array<i32>} : memref<160x128xi32, #tpu.memory_space<vmem>>, vector<16xi32>,
      %eq3A_235 = arith.cmpi eq, %get3A_231, %get3A_234 : vector<16xi32>
      %jit3A_236 = arith.constant 10000 : i32
      %broadcast_in_dim3A_237 = vector.broadcast %jit3A_236 : i32 to vector<16xi32>
      %select_n3A_238 = arith.select %eq3A_235, %broadcast_in_dim3A_237, %get3A_234 : vector<16xi1>, vector<16xi32>
      %swap3A_239 = arith.index_cast %scan3A_157 : i32 to index
      %swap3A_240 = arith.constant 64 : index
      %swap3A_241 = tpu.vector_load %arg12[%swap3A_239, %swap3A_240] {strides = array<i32>} : memref<160x128xi32, #tpu.memory_space<vmem>>, vector<16xi32>,
      tpu.vector_store %arg12[%swap3A_239, %swap3A_240], %select_n3A_238 {strides = array<i32>} : memref<160x128xi32, #tpu.memory_space<vmem>>, vector<16xi32>,
      %shift_right_logical3A_242 = arith.constant 4 : i32
      %shift_right_logical3A_243 = vector.broadcast %shift_right_logical3A_242 : i32 to vector<16xi32>
      %shift_right_logical3A_244 = arith.shrui %select_n3A_238, %shift_right_logical3A_243 : vector<16xi32>
      %and3A_245 = arith.constant 15 : i32
      %and3A_246 = vector.broadcast %and3A_245 : i32 to vector<16xi32>
      %and3A_247 = arith.andi %select_n3A_238, %and3A_246 : vector<16xi32>
      tpu.vector_store_idx %arg10[%shift_right_logical3A_244, %and3A_247], %broadcast_in_dim3A_3 {add = true} : memref<640x16xf32, #tpu.memory_space<vmem>>[vector<16xi32>, vector<16xi32>], vector<16xf32>,
      %get3A_248 = arith.index_cast %scan3A_157 : i32 to index
      %get3A_249 = arith.constant 80 : index
      %get3A_250 = tpu.vector_load %arg11[%get3A_248, %get3A_249] {strides = array<i32>} : memref<160x128xi32, #tpu.memory_space<vmem>>, vector<16xi32>,
      %get3A_251 = arith.index_cast %scan3A_157 : i32 to index
      %get3A_252 = arith.constant 80 : index
      %get3A_253 = tpu.vector_load %arg12[%get3A_251, %get3A_252] {strides = array<i32>} : memref<160x128xi32, #tpu.memory_space<vmem>>, vector<16xi32>,
      %eq3A_254 = arith.cmpi eq, %get3A_250, %get3A_253 : vector<16xi32>
      %jit3A_255 = arith.constant 10000 : i32
      %broadcast_in_dim3A_256 = vector.broadcast %jit3A_255 : i32 to vector<16xi32>
      %select_n3A_257 = arith.select %eq3A_254, %broadcast_in_dim3A_256, %get3A_253 : vector<16xi1>, vector<16xi32>
      %swap3A_258 = arith.index_cast %scan3A_157 : i32 to index
      %swap3A_259 = arith.constant 80 : index
      %swap3A_260 = tpu.vector_load %arg12[%swap3A_258, %swap3A_259] {strides = array<i32>} : memref<160x128xi32, #tpu.memory_space<vmem>>, vector<16xi32>,
      tpu.vector_store %arg12[%swap3A_258, %swap3A_259], %select_n3A_257 {strides = array<i32>} : memref<160x128xi32, #tpu.memory_space<vmem>>, vector<16xi32>,
      %shift_right_logical3A_261 = arith.constant 4 : i32
      %shift_right_logical3A_262 = vector.broadcast %shift_right_logical3A_261 : i32 to vector<16xi32>
      %shift_right_logical3A_263 = arith.shrui %select_n3A_257, %shift_right_logical3A_262 : vector<16xi32>
      %and3A_264 = arith.constant 15 : i32
      %and3A_265 = vector.broadcast %and3A_264 : i32 to vector<16xi32>
      %and3A_266 = arith.andi %select_n3A_257, %and3A_265 : vector<16xi32>
      tpu.vector_store_idx %arg10[%shift_right_logical3A_263, %and3A_266], %broadcast_in_dim3A_3 {add = true} : memref<640x16xf32, #tpu.memory_space<vmem>>[vector<16xi32>, vector<16xi32>], vector<16xf32>,
      %get3A_267 = arith.index_cast %scan3A_157 : i32 to index
      %get3A_268 = arith.constant 96 : index
      %get3A_269 = tpu.vector_load %arg11[%get3A_267, %get3A_268] {strides = array<i32>} : memref<160x128xi32, #tpu.memory_space<vmem>>, vector<16xi32>,
      %get3A_270 = arith.index_cast %scan3A_157 : i32 to index
      %get3A_271 = arith.constant 96 : index
      %get3A_272 = tpu.vector_load %arg12[%get3A_270, %get3A_271] {strides = array<i32>} : memref<160x128xi32, #tpu.memory_space<vmem>>, vector<16xi32>,
      %eq3A_273 = arith.cmpi eq, %get3A_269, %get3A_272 : vector<16xi32>
      %jit3A_274 = arith.constant 10000 : i32
      %broadcast_in_dim3A_275 = vector.broadcast %jit3A_274 : i32 to vector<16xi32>
      %select_n3A_276 = arith.select %eq3A_273, %broadcast_in_dim3A_275, %get3A_272 : vector<16xi1>, vector<16xi32>
      %swap3A_277 = arith.index_cast %scan3A_157 : i32 to index
      %swap3A_278 = arith.constant 96 : index
      %swap3A_279 = tpu.vector_load %arg12[%swap3A_277, %swap3A_278] {strides = array<i32>} : memref<160x128xi32, #tpu.memory_space<vmem>>, vector<16xi32>,
      tpu.vector_store %arg12[%swap3A_277, %swap3A_278], %select_n3A_276 {strides = array<i32>} : memref<160x128xi32, #tpu.memory_space<vmem>>, vector<16xi32>,
      %shift_right_logical3A_280 = arith.constant 4 : i32
      %shift_right_logical3A_281 = vector.broadcast %shift_right_logical3A_280 : i32 to vector<16xi32>
      %shift_right_logical3A_282 = arith.shrui %select_n3A_276, %shift_right_logical3A_281 : vector<16xi32>
      %and3A_283 = arith.constant 15 : i32
      %and3A_284 = vector.broadcast %and3A_283 : i32 to vector<16xi32>
      %and3A_285 = arith.andi %select_n3A_276, %and3A_284 : vector<16xi32>
      tpu.vector_store_idx %arg10[%shift_right_logical3A_282, %and3A_285], %broadcast_in_dim3A_3 {add = true} : memref<640x16xf32, #tpu.memory_space<vmem>>[vector<16xi32>, vector<16xi32>], vector<16xf32>,
      %get3A_286 = arith.index_cast %scan3A_157 : i32 to index
      %get3A_287 = arith.constant 112 : index
      %get3A_288 = tpu.vector_load %arg11[%get3A_286, %get3A_287] {strides = array<i32>} : memref<160x128xi32, #tpu.memory_space<vmem>>, vector<16xi32>,
      %get3A_289 = arith.index_cast %scan3A_157 : i32 to index
      %get3A_290 = arith.constant 112 : index
      %get3A_291 = tpu.vector_load %arg12[%get3A_289, %get3A_290] {strides = array<i32>} : memref<160x128xi32, #tpu.memory_space<vmem>>, vector<16xi32>,
      %eq3A_292 = arith.cmpi eq, %get3A_288, %get3A_291 : vector<16xi32>
      %jit3A_293 = arith.constant 10000 : i32
      %broadcast_in_dim3A_294 = vector.broadcast %jit3A_293 : i32 to vector<16xi32>
      %select_n3A_295 = arith.select %eq3A_292, %broadcast_in_dim3A_294, %get3A_291 : vector<16xi1>, vector<16xi32>
      %swap3A_296 = arith.index_cast %scan3A_157 : i32 to index
      %swap3A_297 = arith.constant 112 : index
      %swap3A_298 = tpu.vector_load %arg12[%swap3A_296, %swap3A_297] {strides = array<i32>} : memref<160x128xi32, #tpu.memory_space<vmem>>, vector<16xi32>,
      tpu.vector_store %arg12[%swap3A_296, %swap3A_297], %select_n3A_295 {strides = array<i32>} : memref<160x128xi32, #tpu.memory_space<vmem>>, vector<16xi32>,
      %shift_right_logical3A_299 = arith.constant 4 : i32
      %shift_right_logical3A_300 = vector.broadcast %shift_right_logical3A_299 : i32 to vector<16xi32>
      %shift_right_logical3A_301 = arith.shrui %select_n3A_295, %shift_right_logical3A_300 : vector<16xi32>
      %and3A_302 = arith.constant 15 : i32
      %and3A_303 = vector.broadcast %and3A_302 : i32 to vector<16xi32>
      %and3A_304 = arith.andi %select_n3A_295, %and3A_303 : vector<16xi32>
      tpu.vector_store_idx %arg10[%shift_right_logical3A_301, %and3A_304], %broadcast_in_dim3A_3 {add = true} : memref<640x16xf32, #tpu.memory_space<vmem>>[vector<16xi32>, vector<16xi32>], vector<16xf32>,
    }
    %scan3A_12 = arith.constant 160 : i32
    %eq3A = arith.constant 0 : i32
    %eq3A_13 = arith.cmpi eq, %arg0, %eq3A : i32
    %mul3A_14 = arith.constant 96 : i32
    %mul3A_15 = arith.muli %arg1, %mul3A_14 : i32
    %mul3A_16 = arith.constant 64 : i32
    %mul3A_17 = arith.muli %arg1, %mul3A_16 : i32
    %add3A_18 = arith.constant 1536 : i32
    %add3A_19 = arith.addi %add3A_18, %mul3A_17 : i32
    %select_n3A = arith.select %eq3A_13, %mul3A_15, %add3A_19 : i32
    "tpu.region"() ({
      %run_scoped3A_157 = tpu.sem_alloc : memref<!tpu.dma_semaphore, #tpu.memory_space<semaphore_mem>>
      %dma_start3A = arith.constant 0 : i32
      %dma_start3A_158 = arith.constant 0 : i32
      %dma_start3A_159 = tpu.memref_slice %arg16[%dma_start3A, %dma_start3A_158] : memref<104x128xi32, #tpu.memory_space<vmem>> -> memref<96x128xi32, #tpu.memory_space<vmem>>
      %dma_start3A_160 = arith.constant 0 : i32
      %dma_start3A_161 = tpu.memref_slice %arg3[%select_n3A, %dma_start3A_160] : memref<2592x128xi32, #tpu.memory_space<hbm>> -> memref<96x128xi32, #tpu.memory_space<hbm>>
      %dma_start3A_162 = arith.constant 0 : i32
      %dma_start3A_163 = arith.constant 0 : i32
      %dma_start3A_164 = tpu.memref_slice %arg16[%dma_start3A_162, %dma_start3A_163] : memref<104x128xi32, #tpu.memory_space<vmem>> -> memref<96x128xi32, #tpu.memory_space<vmem>>
      %dma_start3A_165 = arith.constant 0 : i32
      %dma_start3A_166 = tpu.memref_slice %arg3[%select_n3A, %dma_start3A_165] : memref<2592x128xi32, #tpu.memory_space<hbm>> -> memref<96x128xi32, #tpu.memory_space<hbm>>
      tpu.enqueue_dma source(%dma_start3A_166 : memref<96x128xi32, #tpu.memory_space<hbm>>) target(%dma_start3A_164 : memref<96x128xi32, #tpu.memory_space<vmem>>) target_semaphore(%run_scoped3A_157 : memref<!tpu.dma_semaphore, #tpu.memory_space<semaphore_mem>>)
      %dma_wait3A = arith.constant 0 : i32
      %dma_wait3A_167 = arith.constant 0 : i32
      %dma_wait3A_168 = tpu.memref_slice %arg16[%dma_wait3A, %dma_wait3A_167] : memref<104x128xi32, #tpu.memory_space<vmem>> -> memref<96x128xi32, #tpu.memory_space<vmem>>
      %dma_wait3A_169 = arith.constant 0 : i32
      %dma_wait3A_170 = tpu.memref_slice %arg3[%select_n3A, %dma_wait3A_169] : memref<2592x128xi32, #tpu.memory_space<hbm>> -> memref<96x128xi32, #tpu.memory_space<hbm>>
      %dma_wait3A_171 = arith.constant 0 : i32
      %dma_wait3A_172 = arith.constant 0 : i32
      %dma_wait3A_173 = tpu.memref_slice %arg16[%dma_wait3A_171, %dma_wait3A_172] : memref<104x128xi32, #tpu.memory_space<vmem>> -> memref<96x128xi32, #tpu.memory_space<vmem>>
      %dma_wait3A_174 = arith.constant 0 : i32
      %dma_wait3A_175 = tpu.memref_slice %arg3[%select_n3A, %dma_wait3A_174] : memref<2592x128xi32, #tpu.memory_space<hbm>> -> memref<96x128xi32, #tpu.memory_space<hbm>>
      tpu.wait_dma2 semaphore(%run_scoped3A_157 : memref<!tpu.dma_semaphore, #tpu.memory_space<semaphore_mem>>) src(%dma_wait3A_175 : memref<96x128xi32, #tpu.memory_space<hbm>>) dst(%dma_wait3A_173 : memref<96x128xi32, #tpu.memory_space<vmem>>)
      tpu.yield
    }) : () -> ()
    "tpu.region"() ({
      %run_scoped3A_157 = tpu.sem_alloc : memref<!tpu.dma_semaphore, #tpu.memory_space<semaphore_mem>>
      %dma_start3A = arith.constant 0 : i32
      %dma_start3A_158 = tpu.memref_slice %arg4[%select_n3A, %dma_start3A] : memref<2592x128xi32, #tpu.memory_space<hbm>> -> memref<96x128xi32, #tpu.memory_space<hbm>>
      %dma_start3A_159 = arith.constant 0 : i32
      %dma_start3A_160 = tpu.memref_slice %arg4[%select_n3A, %dma_start3A_159] : memref<2592x128xi32, #tpu.memory_space<hbm>> -> memref<96x128xi32, #tpu.memory_space<hbm>>
      tpu.enqueue_dma source(%dma_start3A_160 : memref<96x128xi32, #tpu.memory_space<hbm>>) target(%arg17 : memref<96x128xi32, #tpu.memory_space<vmem>>) target_semaphore(%run_scoped3A_157 : memref<!tpu.dma_semaphore, #tpu.memory_space<semaphore_mem>>)
      %dma_wait3A = arith.constant 0 : i32
      %dma_wait3A_161 = tpu.memref_slice %arg4[%select_n3A, %dma_wait3A] : memref<2592x128xi32, #tpu.memory_space<hbm>> -> memref<96x128xi32, #tpu.memory_space<hbm>>
      %dma_wait3A_162 = arith.constant 0 : i32
      %dma_wait3A_163 = tpu.memref_slice %arg4[%select_n3A, %dma_wait3A_162] : memref<2592x128xi32, #tpu.memory_space<hbm>> -> memref<96x128xi32, #tpu.memory_space<hbm>>
      tpu.wait_dma2 semaphore(%run_scoped3A_157 : memref<!tpu.dma_semaphore, #tpu.memory_space<semaphore_mem>>) src(%dma_wait3A_163 : memref<96x128xi32, #tpu.memory_space<hbm>>) dst(%arg17 : memref<96x128xi32, #tpu.memory_space<vmem>>)
      tpu.yield
    }) : () -> ()
    %mul3A_20 = arith.constant 10240 : i32
    %mul3A_21 = arith.muli %arg0, %mul3A_20 : i32
    %scan3A_22 = arith.constant 0 : i32
    %scan3A_23 = arith.constant 0 : i32
    %scan3A_24 = arith.constant 96 : i32
    %scan3A_25 = arith.addi %scan3A_23, %scan3A_24 : i32
    %scan3A_26 = arith.constant 1 : i32
    scf.for %scan3A_157 = %scan3A_23 to %scan3A_25 step %scan3A_26  : i32 {
      %get3A = arith.index_cast %scan3A_157 : i32 to index
      %get3A_158 = arith.constant 0 : index
      %get3A_159 = tpu.vector_load %arg16[%get3A, %get3A_158] {strides = array<i32>} : memref<104x128xi32, #tpu.memory_space<vmem>>, vector<16xi32>,
      %get3A_160 = arith.index_cast %scan3A_157 : i32 to index
      %get3A_161 = arith.constant 0 : index
      %get3A_162 = tpu.vector_load %arg17[%get3A_160, %get3A_161] {strides = array<i32>} : memref<96x128xi32, #tpu.memory_space<vmem>>, vector<16xi32>,
      %eq3A_163 = arith.cmpi eq, %get3A_159, %get3A_162 : vector<16xi32>
      %jit3A = arith.constant 10000 : i32
      %broadcast_in_dim3A_164 = vector.broadcast %jit3A : i32 to vector<16xi32>
      %select_n3A_165 = arith.select %eq3A_163, %broadcast_in_dim3A_164, %get3A_162 : vector<16xi1>, vector<16xi32>
      %swap3A = arith.index_cast %scan3A_157 : i32 to index
      %swap3A_166 = arith.constant 0 : index
      %swap3A_167 = tpu.vector_load %arg17[%swap3A, %swap3A_166] {strides = array<i32>} : memref<96x128xi32, #tpu.memory_space<vmem>>, vector<16xi32>,
      tpu.vector_store %arg17[%swap3A, %swap3A_166], %select_n3A_165 {strides = array<i32>} : memref<96x128xi32, #tpu.memory_space<vmem>>, vector<16xi32>,
      %add3A_168 = vector.broadcast %mul3A_21 : i32 to vector<16xi32>
      %add3A_169 = arith.addi %get3A_159, %add3A_168 : vector<16xi32>
      %swap3A_170 = arith.index_cast %scan3A_157 : i32 to index
      %swap3A_171 = arith.constant 0 : index
      %swap3A_172 = tpu.vector_load %arg16[%swap3A_170, %swap3A_171] {strides = array<i32>} : memref<104x128xi32, #tpu.memory_space<vmem>>, vector<16xi32>,
      tpu.vector_store %arg16[%swap3A_170, %swap3A_171], %add3A_169 {strides = array<i32>} : memref<104x128xi32, #tpu.memory_space<vmem>>, vector<16xi32>,
      %get3A_173 = arith.index_cast %scan3A_157 : i32 to index
      %get3A_174 = arith.constant 16 : index
      %get3A_175 = tpu.vector_load %arg16[%get3A_173, %get3A_174] {strides = array<i32>} : memref<104x128xi32, #tpu.memory_space<vmem>>, vector<16xi32>,
      %get3A_176 = arith.index_cast %scan3A_157 : i32 to index
      %get3A_177 = arith.constant 16 : index
      %get3A_178 = tpu.vector_load %arg17[%get3A_176, %get3A_177] {strides = array<i32>} : memref<96x128xi32, #tpu.memory_space<vmem>>, vector<16xi32>,
      %eq3A_179 = arith.cmpi eq, %get3A_175, %get3A_178 : vector<16xi32>
      %jit3A_180 = arith.constant 10000 : i32
      %broadcast_in_dim3A_181 = vector.broadcast %jit3A_180 : i32 to vector<16xi32>
      %select_n3A_182 = arith.select %eq3A_179, %broadcast_in_dim3A_181, %get3A_178 : vector<16xi1>, vector<16xi32>
      %swap3A_183 = arith.index_cast %scan3A_157 : i32 to index
      %swap3A_184 = arith.constant 16 : index
      %swap3A_185 = tpu.vector_load %arg17[%swap3A_183, %swap3A_184] {strides = array<i32>} : memref<96x128xi32, #tpu.memory_space<vmem>>, vector<16xi32>,
      tpu.vector_store %arg17[%swap3A_183, %swap3A_184], %select_n3A_182 {strides = array<i32>} : memref<96x128xi32, #tpu.memory_space<vmem>>, vector<16xi32>,
      %add3A_186 = vector.broadcast %mul3A_21 : i32 to vector<16xi32>
      %add3A_187 = arith.addi %get3A_175, %add3A_186 : vector<16xi32>
      %swap3A_188 = arith.index_cast %scan3A_157 : i32 to index
      %swap3A_189 = arith.constant 16 : index
      %swap3A_190 = tpu.vector_load %arg16[%swap3A_188, %swap3A_189] {strides = array<i32>} : memref<104x128xi32, #tpu.memory_space<vmem>>, vector<16xi32>,
      tpu.vector_store %arg16[%swap3A_188, %swap3A_189], %add3A_187 {strides = array<i32>} : memref<104x128xi32, #tpu.memory_space<vmem>>, vector<16xi32>,
      %get3A_191 = arith.index_cast %scan3A_157 : i32 to index
      %get3A_192 = arith.constant 32 : index
      %get3A_193 = tpu.vector_load %arg16[%get3A_191, %get3A_192] {strides = array<i32>} : memref<104x128xi32, #tpu.memory_space<vmem>>, vector<16xi32>,
      %get3A_194 = arith.index_cast %scan3A_157 : i32 to index
      %get3A_195 = arith.constant 32 : index
      %get3A_196 = tpu.vector_load %arg17[%get3A_194, %get3A_195] {strides = array<i32>} : memref<96x128xi32, #tpu.memory_space<vmem>>, vector<16xi32>,
      %eq3A_197 = arith.cmpi eq, %get3A_193, %get3A_196 : vector<16xi32>
      %jit3A_198 = arith.constant 10000 : i32
      %broadcast_in_dim3A_199 = vector.broadcast %jit3A_198 : i32 to vector<16xi32>
      %select_n3A_200 = arith.select %eq3A_197, %broadcast_in_dim3A_199, %get3A_196 : vector<16xi1>, vector<16xi32>
      %swap3A_201 = arith.index_cast %scan3A_157 : i32 to index
      %swap3A_202 = arith.constant 32 : index
      %swap3A_203 = tpu.vector_load %arg17[%swap3A_201, %swap3A_202] {strides = array<i32>} : memref<96x128xi32, #tpu.memory_space<vmem>>, vector<16xi32>,
      tpu.vector_store %arg17[%swap3A_201, %swap3A_202], %select_n3A_200 {strides = array<i32>} : memref<96x128xi32, #tpu.memory_space<vmem>>, vector<16xi32>,
      %add3A_204 = vector.broadcast %mul3A_21 : i32 to vector<16xi32>
      %add3A_205 = arith.addi %get3A_193, %add3A_204 : vector<16xi32>
      %swap3A_206 = arith.index_cast %scan3A_157 : i32 to index
      %swap3A_207 = arith.constant 32 : index
      %swap3A_208 = tpu.vector_load %arg16[%swap3A_206, %swap3A_207] {strides = array<i32>} : memref<104x128xi32, #tpu.memory_space<vmem>>, vector<16xi32>,
      tpu.vector_store %arg16[%swap3A_206, %swap3A_207], %add3A_205 {strides = array<i32>} : memref<104x128xi32, #tpu.memory_space<vmem>>, vector<16xi32>,
      %get3A_209 = arith.index_cast %scan3A_157 : i32 to index
      %get3A_210 = arith.constant 48 : index
      %get3A_211 = tpu.vector_load %arg16[%get3A_209, %get3A_210] {strides = array<i32>} : memref<104x128xi32, #tpu.memory_space<vmem>>, vector<16xi32>,
      %get3A_212 = arith.index_cast %scan3A_157 : i32 to index
      %get3A_213 = arith.constant 48 : index
      %get3A_214 = tpu.vector_load %arg17[%get3A_212, %get3A_213] {strides = array<i32>} : memref<96x128xi32, #tpu.memory_space<vmem>>, vector<16xi32>,
      %eq3A_215 = arith.cmpi eq, %get3A_211, %get3A_214 : vector<16xi32>
      %jit3A_216 = arith.constant 10000 : i32
      %broadcast_in_dim3A_217 = vector.broadcast %jit3A_216 : i32 to vector<16xi32>
      %select_n3A_218 = arith.select %eq3A_215, %broadcast_in_dim3A_217, %get3A_214 : vector<16xi1>, vector<16xi32>
      %swap3A_219 = arith.index_cast %scan3A_157 : i32 to index
      %swap3A_220 = arith.constant 48 : index
      %swap3A_221 = tpu.vector_load %arg17[%swap3A_219, %swap3A_220] {strides = array<i32>} : memref<96x128xi32, #tpu.memory_space<vmem>>, vector<16xi32>,
      tpu.vector_store %arg17[%swap3A_219, %swap3A_220], %select_n3A_218 {strides = array<i32>} : memref<96x128xi32, #tpu.memory_space<vmem>>, vector<16xi32>,
      %add3A_222 = vector.broadcast %mul3A_21 : i32 to vector<16xi32>
      %add3A_223 = arith.addi %get3A_211, %add3A_222 : vector<16xi32>
      %swap3A_224 = arith.index_cast %scan3A_157 : i32 to index
      %swap3A_225 = arith.constant 48 : index
      %swap3A_226 = tpu.vector_load %arg16[%swap3A_224, %swap3A_225] {strides = array<i32>} : memref<104x128xi32, #tpu.memory_space<vmem>>, vector<16xi32>,
      tpu.vector_store %arg16[%swap3A_224, %swap3A_225], %add3A_223 {strides = array<i32>} : memref<104x128xi32, #tpu.memory_space<vmem>>, vector<16xi32>,
      %get3A_227 = arith.index_cast %scan3A_157 : i32 to index
      %get3A_228 = arith.constant 64 : index
      %get3A_229 = tpu.vector_load %arg16[%get3A_227, %get3A_228] {strides = array<i32>} : memref<104x128xi32, #tpu.memory_space<vmem>>, vector<16xi32>,
      %get3A_230 = arith.index_cast %scan3A_157 : i32 to index
      %get3A_231 = arith.constant 64 : index
      %get3A_232 = tpu.vector_load %arg17[%get3A_230, %get3A_231] {strides = array<i32>} : memref<96x128xi32, #tpu.memory_space<vmem>>, vector<16xi32>,
      %eq3A_233 = arith.cmpi eq, %get3A_229, %get3A_232 : vector<16xi32>
      %jit3A_234 = arith.constant 10000 : i32
      %broadcast_in_dim3A_235 = vector.broadcast %jit3A_234 : i32 to vector<16xi32>
      %select_n3A_236 = arith.select %eq3A_233, %broadcast_in_dim3A_235, %get3A_232 : vector<16xi1>, vector<16xi32>
      %swap3A_237 = arith.index_cast %scan3A_157 : i32 to index
      %swap3A_238 = arith.constant 64 : index
      %swap3A_239 = tpu.vector_load %arg17[%swap3A_237, %swap3A_238] {strides = array<i32>} : memref<96x128xi32, #tpu.memory_space<vmem>>, vector<16xi32>,
      tpu.vector_store %arg17[%swap3A_237, %swap3A_238], %select_n3A_236 {strides = array<i32>} : memref<96x128xi32, #tpu.memory_space<vmem>>, vector<16xi32>,
      %add3A_240 = vector.broadcast %mul3A_21 : i32 to vector<16xi32>
      %add3A_241 = arith.addi %get3A_229, %add3A_240 : vector<16xi32>
      %swap3A_242 = arith.index_cast %scan3A_157 : i32 to index
      %swap3A_243 = arith.constant 64 : index
      %swap3A_244 = tpu.vector_load %arg16[%swap3A_242, %swap3A_243] {strides = array<i32>} : memref<104x128xi32, #tpu.memory_space<vmem>>, vector<16xi32>,
      tpu.vector_store %arg16[%swap3A_242, %swap3A_243], %add3A_241 {strides = array<i32>} : memref<104x128xi32, #tpu.memory_space<vmem>>, vector<16xi32>,
      %get3A_245 = arith.index_cast %scan3A_157 : i32 to index
      %get3A_246 = arith.constant 80 : index
      %get3A_247 = tpu.vector_load %arg16[%get3A_245, %get3A_246] {strides = array<i32>} : memref<104x128xi32, #tpu.memory_space<vmem>>, vector<16xi32>,
      %get3A_248 = arith.index_cast %scan3A_157 : i32 to index
      %get3A_249 = arith.constant 80 : index
      %get3A_250 = tpu.vector_load %arg17[%get3A_248, %get3A_249] {strides = array<i32>} : memref<96x128xi32, #tpu.memory_space<vmem>>, vector<16xi32>,
      %eq3A_251 = arith.cmpi eq, %get3A_247, %get3A_250 : vector<16xi32>
      %jit3A_252 = arith.constant 10000 : i32
      %broadcast_in_dim3A_253 = vector.broadcast %jit3A_252 : i32 to vector<16xi32>
      %select_n3A_254 = arith.select %eq3A_251, %broadcast_in_dim3A_253, %get3A_250 : vector<16xi1>, vector<16xi32>
      %swap3A_255 = arith.index_cast %scan3A_157 : i32 to index
      %swap3A_256 = arith.constant 80 : index
      %swap3A_257 = tpu.vector_load %arg17[%swap3A_255, %swap3A_256] {strides = array<i32>} : memref<96x128xi32, #tpu.memory_space<vmem>>, vector<16xi32>,
      tpu.vector_store %arg17[%swap3A_255, %swap3A_256], %select_n3A_254 {strides = array<i32>} : memref<96x128xi32, #tpu.memory_space<vmem>>, vector<16xi32>,
      %add3A_258 = vector.broadcast %mul3A_21 : i32 to vector<16xi32>
      %add3A_259 = arith.addi %get3A_247, %add3A_258 : vector<16xi32>
      %swap3A_260 = arith.index_cast %scan3A_157 : i32 to index
      %swap3A_261 = arith.constant 80 : index
      %swap3A_262 = tpu.vector_load %arg16[%swap3A_260, %swap3A_261] {strides = array<i32>} : memref<104x128xi32, #tpu.memory_space<vmem>>, vector<16xi32>,
      tpu.vector_store %arg16[%swap3A_260, %swap3A_261], %add3A_259 {strides = array<i32>} : memref<104x128xi32, #tpu.memory_space<vmem>>, vector<16xi32>,
      %get3A_263 = arith.index_cast %scan3A_157 : i32 to index
      %get3A_264 = arith.constant 96 : index
      %get3A_265 = tpu.vector_load %arg16[%get3A_263, %get3A_264] {strides = array<i32>} : memref<104x128xi32, #tpu.memory_space<vmem>>, vector<16xi32>,
      %get3A_266 = arith.index_cast %scan3A_157 : i32 to index
      %get3A_267 = arith.constant 96 : index
      %get3A_268 = tpu.vector_load %arg17[%get3A_266, %get3A_267] {strides = array<i32>} : memref<96x128xi32, #tpu.memory_space<vmem>>, vector<16xi32>,
      %eq3A_269 = arith.cmpi eq, %get3A_265, %get3A_268 : vector<16xi32>
      %jit3A_270 = arith.constant 10000 : i32
      %broadcast_in_dim3A_271 = vector.broadcast %jit3A_270 : i32 to vector<16xi32>
      %select_n3A_272 = arith.select %eq3A_269, %broadcast_in_dim3A_271, %get3A_268 : vector<16xi1>, vector<16xi32>
      %swap3A_273 = arith.index_cast %scan3A_157 : i32 to index
      %swap3A_274 = arith.constant 96 : index
      %swap3A_275 = tpu.vector_load %arg17[%swap3A_273, %swap3A_274] {strides = array<i32>} : memref<96x128xi32, #tpu.memory_space<vmem>>, vector<16xi32>,
      tpu.vector_store %arg17[%swap3A_273, %swap3A_274], %select_n3A_272 {strides = array<i32>} : memref<96x128xi32, #tpu.memory_space<vmem>>, vector<16xi32>,
      %add3A_276 = vector.broadcast %mul3A_21 : i32 to vector<16xi32>
      %add3A_277 = arith.addi %get3A_265, %add3A_276 : vector<16xi32>
      %swap3A_278 = arith.index_cast %scan3A_157 : i32 to index
      %swap3A_279 = arith.constant 96 : index
      %swap3A_280 = tpu.vector_load %arg16[%swap3A_278, %swap3A_279] {strides = array<i32>} : memref<104x128xi32, #tpu.memory_space<vmem>>, vector<16xi32>,
      tpu.vector_store %arg16[%swap3A_278, %swap3A_279], %add3A_277 {strides = array<i32>} : memref<104x128xi32, #tpu.memory_space<vmem>>, vector<16xi32>,
      %get3A_281 = arith.index_cast %scan3A_157 : i32 to index
      %get3A_282 = arith.constant 112 : index
      %get3A_283 = tpu.vector_load %arg16[%get3A_281, %get3A_282] {strides = array<i32>} : memref<104x128xi32, #tpu.memory_space<vmem>>, vector<16xi32>,
      %get3A_284 = arith.index_cast %scan3A_157 : i32 to index
      %get3A_285 = arith.constant 112 : index
      %get3A_286 = tpu.vector_load %arg17[%get3A_284, %get3A_285] {strides = array<i32>} : memref<96x128xi32, #tpu.memory_space<vmem>>, vector<16xi32>,
      %eq3A_287 = arith.cmpi eq, %get3A_283, %get3A_286 : vector<16xi32>
      %jit3A_288 = arith.constant 10000 : i32
      %broadcast_in_dim3A_289 = vector.broadcast %jit3A_288 : i32 to vector<16xi32>
      %select_n3A_290 = arith.select %eq3A_287, %broadcast_in_dim3A_289, %get3A_286 : vector<16xi1>, vector<16xi32>
      %swap3A_291 = arith.index_cast %scan3A_157 : i32 to index
      %swap3A_292 = arith.constant 112 : index
      %swap3A_293 = tpu.vector_load %arg17[%swap3A_291, %swap3A_292] {strides = array<i32>} : memref<96x128xi32, #tpu.memory_space<vmem>>, vector<16xi32>,
      tpu.vector_store %arg17[%swap3A_291, %swap3A_292], %select_n3A_290 {strides = array<i32>} : memref<96x128xi32, #tpu.memory_space<vmem>>, vector<16xi32>,
      %add3A_294 = vector.broadcast %mul3A_21 : i32 to vector<16xi32>
      %add3A_295 = arith.addi %get3A_283, %add3A_294 : vector<16xi32>
      %swap3A_296 = arith.index_cast %scan3A_157 : i32 to index
      %swap3A_297 = arith.constant 112 : index
      %swap3A_298 = tpu.vector_load %arg16[%swap3A_296, %swap3A_297] {strides = array<i32>} : memref<104x128xi32, #tpu.memory_space<vmem>>, vector<16xi32>,
      tpu.vector_store %arg16[%swap3A_296, %swap3A_297], %add3A_295 {strides = array<i32>} : memref<104x128xi32, #tpu.memory_space<vmem>>, vector<16xi32>,
    }
    %scan3A_27 = arith.constant 96 : i32
    "tpu.region"() ({
      %run_scoped3A_157 = tpu.sem_alloc : memref<!tpu.dma_semaphore, #tpu.memory_space<semaphore_mem>>
      %dma_start3A = arith.constant 0 : i32
      %dma_start3A_158 = arith.constant 0 : i32
      %dma_start3A_159 = tpu.memref_slice %arg19[%arg1, %dma_start3A, %dma_start3A_158] : memref<16x640x16xf32, #tpu.memory_space<vmem_shared>> -> memref<1x640x16xf32, #tpu.memory_space<vmem_shared>>
      %dma_start3A_160 = tpu.memref_squeeze %dma_start3A_159 : memref<1x640x16xf32, #tpu.memory_space<vmem_shared>> -> memref<640x16xf32, #tpu.memory_space<vmem_shared>>
      %dma_start3A_161 = arith.constant 0 : i32
      %dma_start3A_162 = arith.constant 0 : i32
      %dma_start3A_163 = tpu.memref_slice %arg19[%arg1, %dma_start3A_161, %dma_start3A_162] : memref<16x640x16xf32, #tpu.memory_space<vmem_shared>> -> memref<1x640x16xf32, #tpu.memory_space<vmem_shared>>
      %dma_start3A_164 = tpu.memref_squeeze %dma_start3A_163 : memref<1x640x16xf32, #tpu.memory_space<vmem_shared>> -> memref<640x16xf32, #tpu.memory_space<vmem_shared>>
      tpu.enqueue_dma source(%arg10 : memref<640x16xf32, #tpu.memory_space<vmem>>) target(%dma_start3A_164 : memref<640x16xf32, #tpu.memory_space<vmem_shared>>) target_semaphore(%run_scoped3A_157 : memref<!tpu.dma_semaphore, #tpu.memory_space<semaphore_mem>>)
      %dma_wait3A = arith.constant 0 : i32
      %dma_wait3A_165 = arith.constant 0 : i32
      %dma_wait3A_166 = tpu.memref_slice %arg19[%arg1, %dma_wait3A, %dma_wait3A_165] : memref<16x640x16xf32, #tpu.memory_space<vmem_shared>> -> memref<1x640x16xf32, #tpu.memory_space<vmem_shared>>
      %dma_wait3A_167 = tpu.memref_squeeze %dma_wait3A_166 : memref<1x640x16xf32, #tpu.memory_space<vmem_shared>> -> memref<640x16xf32, #tpu.memory_space<vmem_shared>>
      %dma_wait3A_168 = arith.constant 0 : i32
      %dma_wait3A_169 = arith.constant 0 : i32
      %dma_wait3A_170 = tpu.memref_slice %arg19[%arg1, %dma_wait3A_168, %dma_wait3A_169] : memref<16x640x16xf32, #tpu.memory_space<vmem_shared>> -> memref<1x640x16xf32, #tpu.memory_space<vmem_shared>>
      %dma_wait3A_171 = tpu.memref_squeeze %dma_wait3A_170 : memref<1x640x16xf32, #tpu.memory_space<vmem_shared>> -> memref<640x16xf32, #tpu.memory_space<vmem_shared>>
      tpu.wait_dma2 semaphore(%run_scoped3A_157 : memref<!tpu.dma_semaphore, #tpu.memory_space<semaphore_mem>>) src(%arg10 : memref<640x16xf32, #tpu.memory_space<vmem>>) dst(%dma_wait3A_171 : memref<640x16xf32, #tpu.memory_space<vmem_shared>>)
      tpu.yield
    }) : () -> ()
    %mul3A_28 = arith.constant 640 : i32
    %mul3A_29 = arith.muli %arg1, %mul3A_28 : i32
    "tpu.region"() ({
      %run_scoped3A_157 = tpu.sem_alloc : memref<!tpu.dma_semaphore, #tpu.memory_space<semaphore_mem>>
      %dma_start3A = arith.constant 0 : i32
      %dma_start3A_158 = tpu.memref_slice %arg20[%mul3A_29, %dma_start3A] : memref<10240x16xf32, #tpu.memory_space<vmem_shared>> -> memref<640x16xf32, #tpu.memory_space<vmem_shared>>
      tpu.enqueue_dma source(%arg5 : memref<640x16xf32, #tpu.memory_space<hbm>>) target(%dma_start3A_158 : memref<640x16xf32, #tpu.memory_space<vmem_shared>>) target_semaphore(%run_scoped3A_157 : memref<!tpu.dma_semaphore, #tpu.memory_space<semaphore_mem>>)
      %dma_wait3A = arith.constant 0 : i32
      %dma_wait3A_159 = tpu.memref_slice %arg20[%mul3A_29, %dma_wait3A] : memref<10240x16xf32, #tpu.memory_space<vmem_shared>> -> memref<640x16xf32, #tpu.memory_space<vmem_shared>>
      tpu.wait_dma2 semaphore(%run_scoped3A_157 : memref<!tpu.dma_semaphore, #tpu.memory_space<semaphore_mem>>) src(%arg5 : memref<640x16xf32, #tpu.memory_space<hbm>>) dst(%dma_wait3A_159 : memref<640x16xf32, #tpu.memory_space<vmem_shared>>)
      tpu.yield
    }) : () -> ()
    %eq3A_30 = arith.constant 0 : i32
    %eq3A_31 = arith.cmpi eq, %arg0, %eq3A_30 : i32
    %convert_element_type3A = arith.extui %eq3A_31 : i1 to i32
    %cond3A = arith.constant 0 : i32
    %cond3A_32 = arith.cmpi ne, %convert_element_type3A, %cond3A : i32
    scf.if %cond3A_32 {
      %mul3A_157 = arith.constant 160 : i32
      %mul3A_158 = arith.muli %arg1, %mul3A_157 : i32
      "tpu.region"() ({
        %run_scoped3A_159 = tpu.sem_alloc : memref<!tpu.dma_semaphore, #tpu.memory_space<semaphore_mem>>
        %dma_start3A = arith.constant 0 : i32
        %dma_start3A_160 = tpu.memref_slice %arg9[%mul3A_158, %dma_start3A] : memref<2592x128xi32, #tpu.memory_space<hbm>> -> memref<160x128xi32, #tpu.memory_space<hbm>>
        %dma_start3A_161 = arith.constant 0 : i32
        %dma_start3A_162 = tpu.memref_slice %arg9[%mul3A_158, %dma_start3A_161] : memref<2592x128xi32, #tpu.memory_space<hbm>> -> memref<160x128xi32, #tpu.memory_space<hbm>>
        tpu.enqueue_dma source(%arg12 : memref<160x128xi32, #tpu.memory_space<vmem>>) target(%dma_start3A_162 : memref<160x128xi32, #tpu.memory_space<hbm>>) target_semaphore(%run_scoped3A_159 : memref<!tpu.dma_semaphore, #tpu.memory_space<semaphore_mem>>)
        %dma_wait3A = arith.constant 0 : i32
        %dma_wait3A_163 = tpu.memref_slice %arg9[%mul3A_158, %dma_wait3A] : memref<2592x128xi32, #tpu.memory_space<hbm>> -> memref<160x128xi32, #tpu.memory_space<hbm>>
        %dma_wait3A_164 = arith.constant 0 : i32
        %dma_wait3A_165 = tpu.memref_slice %arg9[%mul3A_158, %dma_wait3A_164] : memref<2592x128xi32, #tpu.memory_space<hbm>> -> memref<160x128xi32, #tpu.memory_space<hbm>>
        tpu.wait_dma2 semaphore(%run_scoped3A_159 : memref<!tpu.dma_semaphore, #tpu.memory_space<semaphore_mem>>) src(%arg12 : memref<160x128xi32, #tpu.memory_space<vmem>>) dst(%dma_wait3A_165 : memref<160x128xi32, #tpu.memory_space<hbm>>)
        tpu.yield
      }) : () -> ()
    } else {
    }
    %barrier3A = arith.constant 0 : index
    tpu.barrier barrier_id(%barrier3A)
    %mul3A_33 = arith.constant 40 : i32
    %mul3A_34 = arith.muli %arg1, %mul3A_33 : i32
    %run_scoped3A = arith.constant 0 : i32
    %run_scoped3A_35 = arith.constant 0 : i32
    "tpu.region"() ({
      %run_scoped3A_157 = tpu.sem_alloc : memref<!tpu.dma_semaphore, #tpu.memory_space<semaphore_mem>>
      %dma_start3A = arith.constant 0 : i32
      %dma_start3A_158 = arith.constant 0 : i32
      %dma_start3A_159 = tpu.memref_slice %arg13[%run_scoped3A_35, %dma_start3A, %dma_start3A_158] : memref<16x40x16xf32, #tpu.memory_space<vmem>> -> memref<1x40x16xf32, #tpu.memory_space<vmem>>
      %dma_start3A_160 = tpu.memref_squeeze %dma_start3A_159 : memref<1x40x16xf32, #tpu.memory_space<vmem>> -> memref<40x16xf32, #tpu.memory_space<vmem>>
      %dma_start3A_161 = arith.constant 0 : i32
      %dma_start3A_162 = tpu.memref_slice %arg19[%run_scoped3A, %mul3A_34, %dma_start3A_161] : memref<16x640x16xf32, #tpu.memory_space<vmem_shared>> -> memref<1x40x16xf32, #tpu.memory_space<vmem_shared>>
      %dma_start3A_163 = tpu.memref_squeeze %dma_start3A_162 : memref<1x40x16xf32, #tpu.memory_space<vmem_shared>> -> memref<40x16xf32, #tpu.memory_space<vmem_shared>>
      %dma_start3A_164 = arith.constant 0 : i32
      %dma_start3A_165 = arith.constant 0 : i32
      %dma_start3A_166 = tpu.memref_slice %arg13[%run_scoped3A_35, %dma_start3A_164, %dma_start3A_165] : memref<16x40x16xf32, #tpu.memory_space<vmem>> -> memref<1x40x16xf32, #tpu.memory_space<vmem>>
      %dma_start3A_167 = tpu.memref_squeeze %dma_start3A_166 : memref<1x40x16xf32, #tpu.memory_space<vmem>> -> memref<40x16xf32, #tpu.memory_space<vmem>>
      %dma_start3A_168 = arith.constant 0 : i32
      %dma_start3A_169 = tpu.memref_slice %arg19[%run_scoped3A, %mul3A_34, %dma_start3A_168] : memref<16x640x16xf32, #tpu.memory_space<vmem_shared>> -> memref<1x40x16xf32, #tpu.memory_space<vmem_shared>>
      %dma_start3A_170 = tpu.memref_squeeze %dma_start3A_169 : memref<1x40x16xf32, #tpu.memory_space<vmem_shared>> -> memref<40x16xf32, #tpu.memory_space<vmem_shared>>
      tpu.enqueue_dma source(%dma_start3A_170 : memref<40x16xf32, #tpu.memory_space<vmem_shared>>) target(%dma_start3A_167 : memref<40x16xf32, #tpu.memory_space<vmem>>) target_semaphore(%run_scoped3A_157 : memref<!tpu.dma_semaphore, #tpu.memory_space<semaphore_mem>>)
      %dma_wait3A = arith.constant 0 : i32
      %dma_wait3A_171 = arith.constant 0 : i32
      %dma_wait3A_172 = tpu.memref_slice %arg13[%run_scoped3A_35, %dma_wait3A, %dma_wait3A_171] : memref<16x40x16xf32, #tpu.memory_space<vmem>> -> memref<1x40x16xf32, #tpu.memory_space<vmem>>
      %dma_wait3A_173 = tpu.memref_squeeze %dma_wait3A_172 : memref<1x40x16xf32, #tpu.memory_space<vmem>> -> memref<40x16xf32, #tpu.memory_space<vmem>>
      %dma_wait3A_174 = arith.constant 0 : i32
      %dma_wait3A_175 = tpu.memref_slice %arg19[%run_scoped3A, %mul3A_34, %dma_wait3A_174] : memref<16x640x16xf32, #tpu.memory_space<vmem_shared>> -> memref<1x40x16xf32, #tpu.memory_space<vmem_shared>>
      %dma_wait3A_176 = tpu.memref_squeeze %dma_wait3A_175 : memref<1x40x16xf32, #tpu.memory_space<vmem_shared>> -> memref<40x16xf32, #tpu.memory_space<vmem_shared>>
      %dma_wait3A_177 = arith.constant 0 : i32
      %dma_wait3A_178 = arith.constant 0 : i32
      %dma_wait3A_179 = tpu.memref_slice %arg13[%run_scoped3A_35, %dma_wait3A_177, %dma_wait3A_178] : memref<16x40x16xf32, #tpu.memory_space<vmem>> -> memref<1x40x16xf32, #tpu.memory_space<vmem>>
      %dma_wait3A_180 = tpu.memref_squeeze %dma_wait3A_179 : memref<1x40x16xf32, #tpu.memory_space<vmem>> -> memref<40x16xf32, #tpu.memory_space<vmem>>
      %dma_wait3A_181 = arith.constant 0 : i32
      %dma_wait3A_182 = tpu.memref_slice %arg19[%run_scoped3A, %mul3A_34, %dma_wait3A_181] : memref<16x640x16xf32, #tpu.memory_space<vmem_shared>> -> memref<1x40x16xf32, #tpu.memory_space<vmem_shared>>
      %dma_wait3A_183 = tpu.memref_squeeze %dma_wait3A_182 : memref<1x40x16xf32, #tpu.memory_space<vmem_shared>> -> memref<40x16xf32, #tpu.memory_space<vmem_shared>>
      tpu.wait_dma2 semaphore(%run_scoped3A_157 : memref<!tpu.dma_semaphore, #tpu.memory_space<semaphore_mem>>) src(%dma_wait3A_183 : memref<40x16xf32, #tpu.memory_space<vmem_shared>>) dst(%dma_wait3A_180 : memref<40x16xf32, #tpu.memory_space<vmem>>)
      tpu.yield
    }) : () -> ()
    %mul3A_36 = arith.constant 40 : i32
    %mul3A_37 = arith.muli %arg1, %mul3A_36 : i32
    %run_scoped3A_38 = arith.constant 1 : i32
    %run_scoped3A_39 = arith.constant 1 : i32
    "tpu.region"() ({
      %run_scoped3A_157 = tpu.sem_alloc : memref<!tpu.dma_semaphore, #tpu.memory_space<semaphore_mem>>
      %dma_start3A = arith.constant 0 : i32
      %dma_start3A_158 = arith.constant 0 : i32
      %dma_start3A_159 = tpu.memref_slice %arg13[%run_scoped3A_39, %dma_start3A, %dma_start3A_158] : memref<16x40x16xf32, #tpu.memory_space<vmem>> -> memref<1x40x16xf32, #tpu.memory_space<vmem>>
      %dma_start3A_160 = tpu.memref_squeeze %dma_start3A_159 : memref<1x40x16xf32, #tpu.memory_space<vmem>> -> memref<40x16xf32, #tpu.memory_space<vmem>>
      %dma_start3A_161 = arith.constant 0 : i32
      %dma_start3A_162 = tpu.memref_slice %arg19[%run_scoped3A_38, %mul3A_37, %dma_start3A_161] : memref<16x640x16xf32, #tpu.memory_space<vmem_shared>> -> memref<1x40x16xf32, #tpu.memory_space<vmem_shared>>
      %dma_start3A_163 = tpu.memref_squeeze %dma_start3A_162 : memref<1x40x16xf32, #tpu.memory_space<vmem_shared>> -> memref<40x16xf32, #tpu.memory_space<vmem_shared>>
      %dma_start3A_164 = arith.constant 0 : i32
      %dma_start3A_165 = arith.constant 0 : i32
      %dma_start3A_166 = tpu.memref_slice %arg13[%run_scoped3A_39, %dma_start3A_164, %dma_start3A_165] : memref<16x40x16xf32, #tpu.memory_space<vmem>> -> memref<1x40x16xf32, #tpu.memory_space<vmem>>
      %dma_start3A_167 = tpu.memref_squeeze %dma_start3A_166 : memref<1x40x16xf32, #tpu.memory_space<vmem>> -> memref<40x16xf32, #tpu.memory_space<vmem>>
      %dma_start3A_168 = arith.constant 0 : i32
      %dma_start3A_169 = tpu.memref_slice %arg19[%run_scoped3A_38, %mul3A_37, %dma_start3A_168] : memref<16x640x16xf32, #tpu.memory_space<vmem_shared>> -> memref<1x40x16xf32, #tpu.memory_space<vmem_shared>>
      %dma_start3A_170 = tpu.memref_squeeze %dma_start3A_169 : memref<1x40x16xf32, #tpu.memory_space<vmem_shared>> -> memref<40x16xf32, #tpu.memory_space<vmem_shared>>
      tpu.enqueue_dma source(%dma_start3A_170 : memref<40x16xf32, #tpu.memory_space<vmem_shared>>) target(%dma_start3A_167 : memref<40x16xf32, #tpu.memory_space<vmem>>) target_semaphore(%run_scoped3A_157 : memref<!tpu.dma_semaphore, #tpu.memory_space<semaphore_mem>>)
      %dma_wait3A = arith.constant 0 : i32
      %dma_wait3A_171 = arith.constant 0 : i32
      %dma_wait3A_172 = tpu.memref_slice %arg13[%run_scoped3A_39, %dma_wait3A, %dma_wait3A_171] : memref<16x40x16xf32, #tpu.memory_space<vmem>> -> memref<1x40x16xf32, #tpu.memory_space<vmem>>
      %dma_wait3A_173 = tpu.memref_squeeze %dma_wait3A_172 : memref<1x40x16xf32, #tpu.memory_space<vmem>> -> memref<40x16xf32, #tpu.memory_space<vmem>>
      %dma_wait3A_174 = arith.constant 0 : i32
      %dma_wait3A_175 = tpu.memref_slice %arg19[%run_scoped3A_38, %mul3A_37, %dma_wait3A_174] : memref<16x640x16xf32, #tpu.memory_space<vmem_shared>> -> memref<1x40x16xf32, #tpu.memory_space<vmem_shared>>
      %dma_wait3A_176 = tpu.memref_squeeze %dma_wait3A_175 : memref<1x40x16xf32, #tpu.memory_space<vmem_shared>> -> memref<40x16xf32, #tpu.memory_space<vmem_shared>>
      %dma_wait3A_177 = arith.constant 0 : i32
      %dma_wait3A_178 = arith.constant 0 : i32
      %dma_wait3A_179 = tpu.memref_slice %arg13[%run_scoped3A_39, %dma_wait3A_177, %dma_wait3A_178] : memref<16x40x16xf32, #tpu.memory_space<vmem>> -> memref<1x40x16xf32, #tpu.memory_space<vmem>>
      %dma_wait3A_180 = tpu.memref_squeeze %dma_wait3A_179 : memref<1x40x16xf32, #tpu.memory_space<vmem>> -> memref<40x16xf32, #tpu.memory_space<vmem>>
      %dma_wait3A_181 = arith.constant 0 : i32
      %dma_wait3A_182 = tpu.memref_slice %arg19[%run_scoped3A_38, %mul3A_37, %dma_wait3A_181] : memref<16x640x16xf32, #tpu.memory_space<vmem_shared>> -> memref<1x40x16xf32, #tpu.memory_space<vmem_shared>>
      %dma_wait3A_183 = tpu.memref_squeeze %dma_wait3A_182 : memref<1x40x16xf32, #tpu.memory_space<vmem_shared>> -> memref<40x16xf32, #tpu.memory_space<vmem_shared>>
      tpu.wait_dma2 semaphore(%run_scoped3A_157 : memref<!tpu.dma_semaphore, #tpu.memory_space<semaphore_mem>>) src(%dma_wait3A_183 : memref<40x16xf32, #tpu.memory_space<vmem_shared>>) dst(%dma_wait3A_180 : memref<40x16xf32, #tpu.memory_space<vmem>>)
      tpu.yield
    }) : () -> ()
    %mul3A_40 = arith.constant 40 : i32
    %mul3A_41 = arith.muli %arg1, %mul3A_40 : i32
    %run_scoped3A_42 = arith.constant 2 : i32
    %run_scoped3A_43 = arith.constant 2 : i32
    "tpu.region"() ({
      %run_scoped3A_157 = tpu.sem_alloc : memref<!tpu.dma_semaphore, #tpu.memory_space<semaphore_mem>>
      %dma_start3A = arith.constant 0 : i32
      %dma_start3A_158 = arith.constant 0 : i32
      %dma_start3A_159 = tpu.memref_slice %arg13[%run_scoped3A_43, %dma_start3A, %dma_start3A_158] : memref<16x40x16xf32, #tpu.memory_space<vmem>> -> memref<1x40x16xf32, #tpu.memory_space<vmem>>
      %dma_start3A_160 = tpu.memref_squeeze %dma_start3A_159 : memref<1x40x16xf32, #tpu.memory_space<vmem>> -> memref<40x16xf32, #tpu.memory_space<vmem>>
      %dma_start3A_161 = arith.constant 0 : i32
      %dma_start3A_162 = tpu.memref_slice %arg19[%run_scoped3A_42, %mul3A_41, %dma_start3A_161] : memref<16x640x16xf32, #tpu.memory_space<vmem_shared>> -> memref<1x40x16xf32, #tpu.memory_space<vmem_shared>>
      %dma_start3A_163 = tpu.memref_squeeze %dma_start3A_162 : memref<1x40x16xf32, #tpu.memory_space<vmem_shared>> -> memref<40x16xf32, #tpu.memory_space<vmem_shared>>
      %dma_start3A_164 = arith.constant 0 : i32
      %dma_start3A_165 = arith.constant 0 : i32
      %dma_start3A_166 = tpu.memref_slice %arg13[%run_scoped3A_43, %dma_start3A_164, %dma_start3A_165] : memref<16x40x16xf32, #tpu.memory_space<vmem>> -> memref<1x40x16xf32, #tpu.memory_space<vmem>>
      %dma_start3A_167 = tpu.memref_squeeze %dma_start3A_166 : memref<1x40x16xf32, #tpu.memory_space<vmem>> -> memref<40x16xf32, #tpu.memory_space<vmem>>
      %dma_start3A_168 = arith.constant 0 : i32
      %dma_start3A_169 = tpu.memref_slice %arg19[%run_scoped3A_42, %mul3A_41, %dma_start3A_168] : memref<16x640x16xf32, #tpu.memory_space<vmem_shared>> -> memref<1x40x16xf32, #tpu.memory_space<vmem_shared>>
      %dma_start3A_170 = tpu.memref_squeeze %dma_start3A_169 : memref<1x40x16xf32, #tpu.memory_space<vmem_shared>> -> memref<40x16xf32, #tpu.memory_space<vmem_shared>>
      tpu.enqueue_dma source(%dma_start3A_170 : memref<40x16xf32, #tpu.memory_space<vmem_shared>>) target(%dma_start3A_167 : memref<40x16xf32, #tpu.memory_space<vmem>>) target_semaphore(%run_scoped3A_157 : memref<!tpu.dma_semaphore, #tpu.memory_space<semaphore_mem>>)
      %dma_wait3A = arith.constant 0 : i32
      %dma_wait3A_171 = arith.constant 0 : i32
      %dma_wait3A_172 = tpu.memref_slice %arg13[%run_scoped3A_43, %dma_wait3A, %dma_wait3A_171] : memref<16x40x16xf32, #tpu.memory_space<vmem>> -> memref<1x40x16xf32, #tpu.memory_space<vmem>>
      %dma_wait3A_173 = tpu.memref_squeeze %dma_wait3A_172 : memref<1x40x16xf32, #tpu.memory_space<vmem>> -> memref<40x16xf32, #tpu.memory_space<vmem>>
      %dma_wait3A_174 = arith.constant 0 : i32
      %dma_wait3A_175 = tpu.memref_slice %arg19[%run_scoped3A_42, %mul3A_41, %dma_wait3A_174] : memref<16x640x16xf32, #tpu.memory_space<vmem_shared>> -> memref<1x40x16xf32, #tpu.memory_space<vmem_shared>>
      %dma_wait3A_176 = tpu.memref_squeeze %dma_wait3A_175 : memref<1x40x16xf32, #tpu.memory_space<vmem_shared>> -> memref<40x16xf32, #tpu.memory_space<vmem_shared>>
      %dma_wait3A_177 = arith.constant 0 : i32
      %dma_wait3A_178 = arith.constant 0 : i32
      %dma_wait3A_179 = tpu.memref_slice %arg13[%run_scoped3A_43, %dma_wait3A_177, %dma_wait3A_178] : memref<16x40x16xf32, #tpu.memory_space<vmem>> -> memref<1x40x16xf32, #tpu.memory_space<vmem>>
      %dma_wait3A_180 = tpu.memref_squeeze %dma_wait3A_179 : memref<1x40x16xf32, #tpu.memory_space<vmem>> -> memref<40x16xf32, #tpu.memory_space<vmem>>
      %dma_wait3A_181 = arith.constant 0 : i32
      %dma_wait3A_182 = tpu.memref_slice %arg19[%run_scoped3A_42, %mul3A_41, %dma_wait3A_181] : memref<16x640x16xf32, #tpu.memory_space<vmem_shared>> -> memref<1x40x16xf32, #tpu.memory_space<vmem_shared>>
      %dma_wait3A_183 = tpu.memref_squeeze %dma_wait3A_182 : memref<1x40x16xf32, #tpu.memory_space<vmem_shared>> -> memref<40x16xf32, #tpu.memory_space<vmem_shared>>
      tpu.wait_dma2 semaphore(%run_scoped3A_157 : memref<!tpu.dma_semaphore, #tpu.memory_space<semaphore_mem>>) src(%dma_wait3A_183 : memref<40x16xf32, #tpu.memory_space<vmem_shared>>) dst(%dma_wait3A_180 : memref<40x16xf32, #tpu.memory_space<vmem>>)
      tpu.yield
    }) : () -> ()
    %mul3A_44 = arith.constant 40 : i32
    %mul3A_45 = arith.muli %arg1, %mul3A_44 : i32
    %run_scoped3A_46 = arith.constant 3 : i32
    %run_scoped3A_47 = arith.constant 3 : i32
    "tpu.region"() ({
      %run_scoped3A_157 = tpu.sem_alloc : memref<!tpu.dma_semaphore, #tpu.memory_space<semaphore_mem>>
      %dma_start3A = arith.constant 0 : i32
      %dma_start3A_158 = arith.constant 0 : i32
      %dma_start3A_159 = tpu.memref_slice %arg13[%run_scoped3A_47, %dma_start3A, %dma_start3A_158] : memref<16x40x16xf32, #tpu.memory_space<vmem>> -> memref<1x40x16xf32, #tpu.memory_space<vmem>>
      %dma_start3A_160 = tpu.memref_squeeze %dma_start3A_159 : memref<1x40x16xf32, #tpu.memory_space<vmem>> -> memref<40x16xf32, #tpu.memory_space<vmem>>
      %dma_start3A_161 = arith.constant 0 : i32
      %dma_start3A_162 = tpu.memref_slice %arg19[%run_scoped3A_46, %mul3A_45, %dma_start3A_161] : memref<16x640x16xf32, #tpu.memory_space<vmem_shared>> -> memref<1x40x16xf32, #tpu.memory_space<vmem_shared>>
      %dma_start3A_163 = tpu.memref_squeeze %dma_start3A_162 : memref<1x40x16xf32, #tpu.memory_space<vmem_shared>> -> memref<40x16xf32, #tpu.memory_space<vmem_shared>>
      %dma_start3A_164 = arith.constant 0 : i32
      %dma_start3A_165 = arith.constant 0 : i32
      %dma_start3A_166 = tpu.memref_slice %arg13[%run_scoped3A_47, %dma_start3A_164, %dma_start3A_165] : memref<16x40x16xf32, #tpu.memory_space<vmem>> -> memref<1x40x16xf32, #tpu.memory_space<vmem>>
      %dma_start3A_167 = tpu.memref_squeeze %dma_start3A_166 : memref<1x40x16xf32, #tpu.memory_space<vmem>> -> memref<40x16xf32, #tpu.memory_space<vmem>>
      %dma_start3A_168 = arith.constant 0 : i32
      %dma_start3A_169 = tpu.memref_slice %arg19[%run_scoped3A_46, %mul3A_45, %dma_start3A_168] : memref<16x640x16xf32, #tpu.memory_space<vmem_shared>> -> memref<1x40x16xf32, #tpu.memory_space<vmem_shared>>
      %dma_start3A_170 = tpu.memref_squeeze %dma_start3A_169 : memref<1x40x16xf32, #tpu.memory_space<vmem_shared>> -> memref<40x16xf32, #tpu.memory_space<vmem_shared>>
      tpu.enqueue_dma source(%dma_start3A_170 : memref<40x16xf32, #tpu.memory_space<vmem_shared>>) target(%dma_start3A_167 : memref<40x16xf32, #tpu.memory_space<vmem>>) target_semaphore(%run_scoped3A_157 : memref<!tpu.dma_semaphore, #tpu.memory_space<semaphore_mem>>)
      %dma_wait3A = arith.constant 0 : i32
      %dma_wait3A_171 = arith.constant 0 : i32
      %dma_wait3A_172 = tpu.memref_slice %arg13[%run_scoped3A_47, %dma_wait3A, %dma_wait3A_171] : memref<16x40x16xf32, #tpu.memory_space<vmem>> -> memref<1x40x16xf32, #tpu.memory_space<vmem>>
      %dma_wait3A_173 = tpu.memref_squeeze %dma_wait3A_172 : memref<1x40x16xf32, #tpu.memory_space<vmem>> -> memref<40x16xf32, #tpu.memory_space<vmem>>
      %dma_wait3A_174 = arith.constant 0 : i32
      %dma_wait3A_175 = tpu.memref_slice %arg19[%run_scoped3A_46, %mul3A_45, %dma_wait3A_174] : memref<16x640x16xf32, #tpu.memory_space<vmem_shared>> -> memref<1x40x16xf32, #tpu.memory_space<vmem_shared>>
      %dma_wait3A_176 = tpu.memref_squeeze %dma_wait3A_175 : memref<1x40x16xf32, #tpu.memory_space<vmem_shared>> -> memref<40x16xf32, #tpu.memory_space<vmem_shared>>
      %dma_wait3A_177 = arith.constant 0 : i32
      %dma_wait3A_178 = arith.constant 0 : i32
      %dma_wait3A_179 = tpu.memref_slice %arg13[%run_scoped3A_47, %dma_wait3A_177, %dma_wait3A_178] : memref<16x40x16xf32, #tpu.memory_space<vmem>> -> memref<1x40x16xf32, #tpu.memory_space<vmem>>
      %dma_wait3A_180 = tpu.memref_squeeze %dma_wait3A_179 : memref<1x40x16xf32, #tpu.memory_space<vmem>> -> memref<40x16xf32, #tpu.memory_space<vmem>>
      %dma_wait3A_181 = arith.constant 0 : i32
      %dma_wait3A_182 = tpu.memref_slice %arg19[%run_scoped3A_46, %mul3A_45, %dma_wait3A_181] : memref<16x640x16xf32, #tpu.memory_space<vmem_shared>> -> memref<1x40x16xf32, #tpu.memory_space<vmem_shared>>
      %dma_wait3A_183 = tpu.memref_squeeze %dma_wait3A_182 : memref<1x40x16xf32, #tpu.memory_space<vmem_shared>> -> memref<40x16xf32, #tpu.memory_space<vmem_shared>>
      tpu.wait_dma2 semaphore(%run_scoped3A_157 : memref<!tpu.dma_semaphore, #tpu.memory_space<semaphore_mem>>) src(%dma_wait3A_183 : memref<40x16xf32, #tpu.memory_space<vmem_shared>>) dst(%dma_wait3A_180 : memref<40x16xf32, #tpu.memory_space<vmem>>)
      tpu.yield
    }) : () -> ()
    %mul3A_48 = arith.constant 40 : i32
    %mul3A_49 = arith.muli %arg1, %mul3A_48 : i32
    %run_scoped3A_50 = arith.constant 4 : i32
    %run_scoped3A_51 = arith.constant 4 : i32
    "tpu.region"() ({
      %run_scoped3A_157 = tpu.sem_alloc : memref<!tpu.dma_semaphore, #tpu.memory_space<semaphore_mem>>
      %dma_start3A = arith.constant 0 : i32
      %dma_start3A_158 = arith.constant 0 : i32
      %dma_start3A_159 = tpu.memref_slice %arg13[%run_scoped3A_51, %dma_start3A, %dma_start3A_158] : memref<16x40x16xf32, #tpu.memory_space<vmem>> -> memref<1x40x16xf32, #tpu.memory_space<vmem>>
      %dma_start3A_160 = tpu.memref_squeeze %dma_start3A_159 : memref<1x40x16xf32, #tpu.memory_space<vmem>> -> memref<40x16xf32, #tpu.memory_space<vmem>>
      %dma_start3A_161 = arith.constant 0 : i32
      %dma_start3A_162 = tpu.memref_slice %arg19[%run_scoped3A_50, %mul3A_49, %dma_start3A_161] : memref<16x640x16xf32, #tpu.memory_space<vmem_shared>> -> memref<1x40x16xf32, #tpu.memory_space<vmem_shared>>
      %dma_start3A_163 = tpu.memref_squeeze %dma_start3A_162 : memref<1x40x16xf32, #tpu.memory_space<vmem_shared>> -> memref<40x16xf32, #tpu.memory_space<vmem_shared>>
      %dma_start3A_164 = arith.constant 0 : i32
      %dma_start3A_165 = arith.constant 0 : i32
      %dma_start3A_166 = tpu.memref_slice %arg13[%run_scoped3A_51, %dma_start3A_164, %dma_start3A_165] : memref<16x40x16xf32, #tpu.memory_space<vmem>> -> memref<1x40x16xf32, #tpu.memory_space<vmem>>
      %dma_start3A_167 = tpu.memref_squeeze %dma_start3A_166 : memref<1x40x16xf32, #tpu.memory_space<vmem>> -> memref<40x16xf32, #tpu.memory_space<vmem>>
      %dma_start3A_168 = arith.constant 0 : i32
      %dma_start3A_169 = tpu.memref_slice %arg19[%run_scoped3A_50, %mul3A_49, %dma_start3A_168] : memref<16x640x16xf32, #tpu.memory_space<vmem_shared>> -> memref<1x40x16xf32, #tpu.memory_space<vmem_shared>>
      %dma_start3A_170 = tpu.memref_squeeze %dma_start3A_169 : memref<1x40x16xf32, #tpu.memory_space<vmem_shared>> -> memref<40x16xf32, #tpu.memory_space<vmem_shared>>
      tpu.enqueue_dma source(%dma_start3A_170 : memref<40x16xf32, #tpu.memory_space<vmem_shared>>) target(%dma_start3A_167 : memref<40x16xf32, #tpu.memory_space<vmem>>) target_semaphore(%run_scoped3A_157 : memref<!tpu.dma_semaphore, #tpu.memory_space<semaphore_mem>>)
      %dma_wait3A = arith.constant 0 : i32
      %dma_wait3A_171 = arith.constant 0 : i32
      %dma_wait3A_172 = tpu.memref_slice %arg13[%run_scoped3A_51, %dma_wait3A, %dma_wait3A_171] : memref<16x40x16xf32, #tpu.memory_space<vmem>> -> memref<1x40x16xf32, #tpu.memory_space<vmem>>
      %dma_wait3A_173 = tpu.memref_squeeze %dma_wait3A_172 : memref<1x40x16xf32, #tpu.memory_space<vmem>> -> memref<40x16xf32, #tpu.memory_space<vmem>>
      %dma_wait3A_174 = arith.constant 0 : i32
      %dma_wait3A_175 = tpu.memref_slice %arg19[%run_scoped3A_50, %mul3A_49, %dma_wait3A_174] : memref<16x640x16xf32, #tpu.memory_space<vmem_shared>> -> memref<1x40x16xf32, #tpu.memory_space<vmem_shared>>
      %dma_wait3A_176 = tpu.memref_squeeze %dma_wait3A_175 : memref<1x40x16xf32, #tpu.memory_space<vmem_shared>> -> memref<40x16xf32, #tpu.memory_space<vmem_shared>>
      %dma_wait3A_177 = arith.constant 0 : i32
      %dma_wait3A_178 = arith.constant 0 : i32
      %dma_wait3A_179 = tpu.memref_slice %arg13[%run_scoped3A_51, %dma_wait3A_177, %dma_wait3A_178] : memref<16x40x16xf32, #tpu.memory_space<vmem>> -> memref<1x40x16xf32, #tpu.memory_space<vmem>>
      %dma_wait3A_180 = tpu.memref_squeeze %dma_wait3A_179 : memref<1x40x16xf32, #tpu.memory_space<vmem>> -> memref<40x16xf32, #tpu.memory_space<vmem>>
      %dma_wait3A_181 = arith.constant 0 : i32
      %dma_wait3A_182 = tpu.memref_slice %arg19[%run_scoped3A_50, %mul3A_49, %dma_wait3A_181] : memref<16x640x16xf32, #tpu.memory_space<vmem_shared>> -> memref<1x40x16xf32, #tpu.memory_space<vmem_shared>>
      %dma_wait3A_183 = tpu.memref_squeeze %dma_wait3A_182 : memref<1x40x16xf32, #tpu.memory_space<vmem_shared>> -> memref<40x16xf32, #tpu.memory_space<vmem_shared>>
      tpu.wait_dma2 semaphore(%run_scoped3A_157 : memref<!tpu.dma_semaphore, #tpu.memory_space<semaphore_mem>>) src(%dma_wait3A_183 : memref<40x16xf32, #tpu.memory_space<vmem_shared>>) dst(%dma_wait3A_180 : memref<40x16xf32, #tpu.memory_space<vmem>>)
      tpu.yield
    }) : () -> ()
    %mul3A_52 = arith.constant 40 : i32
    %mul3A_53 = arith.muli %arg1, %mul3A_52 : i32
    %run_scoped3A_54 = arith.constant 5 : i32
    %run_scoped3A_55 = arith.constant 5 : i32
    "tpu.region"() ({
      %run_scoped3A_157 = tpu.sem_alloc : memref<!tpu.dma_semaphore, #tpu.memory_space<semaphore_mem>>
      %dma_start3A = arith.constant 0 : i32
      %dma_start3A_158 = arith.constant 0 : i32
      %dma_start3A_159 = tpu.memref_slice %arg13[%run_scoped3A_55, %dma_start3A, %dma_start3A_158] : memref<16x40x16xf32, #tpu.memory_space<vmem>> -> memref<1x40x16xf32, #tpu.memory_space<vmem>>
      %dma_start3A_160 = tpu.memref_squeeze %dma_start3A_159 : memref<1x40x16xf32, #tpu.memory_space<vmem>> -> memref<40x16xf32, #tpu.memory_space<vmem>>
      %dma_start3A_161 = arith.constant 0 : i32
      %dma_start3A_162 = tpu.memref_slice %arg19[%run_scoped3A_54, %mul3A_53, %dma_start3A_161] : memref<16x640x16xf32, #tpu.memory_space<vmem_shared>> -> memref<1x40x16xf32, #tpu.memory_space<vmem_shared>>
      %dma_start3A_163 = tpu.memref_squeeze %dma_start3A_162 : memref<1x40x16xf32, #tpu.memory_space<vmem_shared>> -> memref<40x16xf32, #tpu.memory_space<vmem_shared>>
      %dma_start3A_164 = arith.constant 0 : i32
      %dma_start3A_165 = arith.constant 0 : i32
      %dma_start3A_166 = tpu.memref_slice %arg13[%run_scoped3A_55, %dma_start3A_164, %dma_start3A_165] : memref<16x40x16xf32, #tpu.memory_space<vmem>> -> memref<1x40x16xf32, #tpu.memory_space<vmem>>
      %dma_start3A_167 = tpu.memref_squeeze %dma_start3A_166 : memref<1x40x16xf32, #tpu.memory_space<vmem>> -> memref<40x16xf32, #tpu.memory_space<vmem>>
      %dma_start3A_168 = arith.constant 0 : i32
      %dma_start3A_169 = tpu.memref_slice %arg19[%run_scoped3A_54, %mul3A_53, %dma_start3A_168] : memref<16x640x16xf32, #tpu.memory_space<vmem_shared>> -> memref<1x40x16xf32, #tpu.memory_space<vmem_shared>>
      %dma_start3A_170 = tpu.memref_squeeze %dma_start3A_169 : memref<1x40x16xf32, #tpu.memory_space<vmem_shared>> -> memref<40x16xf32, #tpu.memory_space<vmem_shared>>
      tpu.enqueue_dma source(%dma_start3A_170 : memref<40x16xf32, #tpu.memory_space<vmem_shared>>) target(%dma_start3A_167 : memref<40x16xf32, #tpu.memory_space<vmem>>) target_semaphore(%run_scoped3A_157 : memref<!tpu.dma_semaphore, #tpu.memory_space<semaphore_mem>>)
      %dma_wait3A = arith.constant 0 : i32
      %dma_wait3A_171 = arith.constant 0 : i32
      %dma_wait3A_172 = tpu.memref_slice %arg13[%run_scoped3A_55, %dma_wait3A, %dma_wait3A_171] : memref<16x40x16xf32, #tpu.memory_space<vmem>> -> memref<1x40x16xf32, #tpu.memory_space<vmem>>
      %dma_wait3A_173 = tpu.memref_squeeze %dma_wait3A_172 : memref<1x40x16xf32, #tpu.memory_space<vmem>> -> memref<40x16xf32, #tpu.memory_space<vmem>>
      %dma_wait3A_174 = arith.constant 0 : i32
      %dma_wait3A_175 = tpu.memref_slice %arg19[%run_scoped3A_54, %mul3A_53, %dma_wait3A_174] : memref<16x640x16xf32, #tpu.memory_space<vmem_shared>> -> memref<1x40x16xf32, #tpu.memory_space<vmem_shared>>
      %dma_wait3A_176 = tpu.memref_squeeze %dma_wait3A_175 : memref<1x40x16xf32, #tpu.memory_space<vmem_shared>> -> memref<40x16xf32, #tpu.memory_space<vmem_shared>>
      %dma_wait3A_177 = arith.constant 0 : i32
      %dma_wait3A_178 = arith.constant 0 : i32
      %dma_wait3A_179 = tpu.memref_slice %arg13[%run_scoped3A_55, %dma_wait3A_177, %dma_wait3A_178] : memref<16x40x16xf32, #tpu.memory_space<vmem>> -> memref<1x40x16xf32, #tpu.memory_space<vmem>>
      %dma_wait3A_180 = tpu.memref_squeeze %dma_wait3A_179 : memref<1x40x16xf32, #tpu.memory_space<vmem>> -> memref<40x16xf32, #tpu.memory_space<vmem>>
      %dma_wait3A_181 = arith.constant 0 : i32
      %dma_wait3A_182 = tpu.memref_slice %arg19[%run_scoped3A_54, %mul3A_53, %dma_wait3A_181] : memref<16x640x16xf32, #tpu.memory_space<vmem_shared>> -> memref<1x40x16xf32, #tpu.memory_space<vmem_shared>>
      %dma_wait3A_183 = tpu.memref_squeeze %dma_wait3A_182 : memref<1x40x16xf32, #tpu.memory_space<vmem_shared>> -> memref<40x16xf32, #tpu.memory_space<vmem_shared>>
      tpu.wait_dma2 semaphore(%run_scoped3A_157 : memref<!tpu.dma_semaphore, #tpu.memory_space<semaphore_mem>>) src(%dma_wait3A_183 : memref<40x16xf32, #tpu.memory_space<vmem_shared>>) dst(%dma_wait3A_180 : memref<40x16xf32, #tpu.memory_space<vmem>>)
      tpu.yield
    }) : () -> ()
    %mul3A_56 = arith.constant 40 : i32
    %mul3A_57 = arith.muli %arg1, %mul3A_56 : i32
    %run_scoped3A_58 = arith.constant 6 : i32
    %run_scoped3A_59 = arith.constant 6 : i32
    "tpu.region"() ({
      %run_scoped3A_157 = tpu.sem_alloc : memref<!tpu.dma_semaphore, #tpu.memory_space<semaphore_mem>>
      %dma_start3A = arith.constant 0 : i32
      %dma_start3A_158 = arith.constant 0 : i32
      %dma_start3A_159 = tpu.memref_slice %arg13[%run_scoped3A_59, %dma_start3A, %dma_start3A_158] : memref<16x40x16xf32, #tpu.memory_space<vmem>> -> memref<1x40x16xf32, #tpu.memory_space<vmem>>
      %dma_start3A_160 = tpu.memref_squeeze %dma_start3A_159 : memref<1x40x16xf32, #tpu.memory_space<vmem>> -> memref<40x16xf32, #tpu.memory_space<vmem>>
      %dma_start3A_161 = arith.constant 0 : i32
      %dma_start3A_162 = tpu.memref_slice %arg19[%run_scoped3A_58, %mul3A_57, %dma_start3A_161] : memref<16x640x16xf32, #tpu.memory_space<vmem_shared>> -> memref<1x40x16xf32, #tpu.memory_space<vmem_shared>>
      %dma_start3A_163 = tpu.memref_squeeze %dma_start3A_162 : memref<1x40x16xf32, #tpu.memory_space<vmem_shared>> -> memref<40x16xf32, #tpu.memory_space<vmem_shared>>
      %dma_start3A_164 = arith.constant 0 : i32
      %dma_start3A_165 = arith.constant 0 : i32
      %dma_start3A_166 = tpu.memref_slice %arg13[%run_scoped3A_59, %dma_start3A_164, %dma_start3A_165] : memref<16x40x16xf32, #tpu.memory_space<vmem>> -> memref<1x40x16xf32, #tpu.memory_space<vmem>>
      %dma_start3A_167 = tpu.memref_squeeze %dma_start3A_166 : memref<1x40x16xf32, #tpu.memory_space<vmem>> -> memref<40x16xf32, #tpu.memory_space<vmem>>
      %dma_start3A_168 = arith.constant 0 : i32
      %dma_start3A_169 = tpu.memref_slice %arg19[%run_scoped3A_58, %mul3A_57, %dma_start3A_168] : memref<16x640x16xf32, #tpu.memory_space<vmem_shared>> -> memref<1x40x16xf32, #tpu.memory_space<vmem_shared>>
      %dma_start3A_170 = tpu.memref_squeeze %dma_start3A_169 : memref<1x40x16xf32, #tpu.memory_space<vmem_shared>> -> memref<40x16xf32, #tpu.memory_space<vmem_shared>>
      tpu.enqueue_dma source(%dma_start3A_170 : memref<40x16xf32, #tpu.memory_space<vmem_shared>>) target(%dma_start3A_167 : memref<40x16xf32, #tpu.memory_space<vmem>>) target_semaphore(%run_scoped3A_157 : memref<!tpu.dma_semaphore, #tpu.memory_space<semaphore_mem>>)
      %dma_wait3A = arith.constant 0 : i32
      %dma_wait3A_171 = arith.constant 0 : i32
      %dma_wait3A_172 = tpu.memref_slice %arg13[%run_scoped3A_59, %dma_wait3A, %dma_wait3A_171] : memref<16x40x16xf32, #tpu.memory_space<vmem>> -> memref<1x40x16xf32, #tpu.memory_space<vmem>>
      %dma_wait3A_173 = tpu.memref_squeeze %dma_wait3A_172 : memref<1x40x16xf32, #tpu.memory_space<vmem>> -> memref<40x16xf32, #tpu.memory_space<vmem>>
      %dma_wait3A_174 = arith.constant 0 : i32
      %dma_wait3A_175 = tpu.memref_slice %arg19[%run_scoped3A_58, %mul3A_57, %dma_wait3A_174] : memref<16x640x16xf32, #tpu.memory_space<vmem_shared>> -> memref<1x40x16xf32, #tpu.memory_space<vmem_shared>>
      %dma_wait3A_176 = tpu.memref_squeeze %dma_wait3A_175 : memref<1x40x16xf32, #tpu.memory_space<vmem_shared>> -> memref<40x16xf32, #tpu.memory_space<vmem_shared>>
      %dma_wait3A_177 = arith.constant 0 : i32
      %dma_wait3A_178 = arith.constant 0 : i32
      %dma_wait3A_179 = tpu.memref_slice %arg13[%run_scoped3A_59, %dma_wait3A_177, %dma_wait3A_178] : memref<16x40x16xf32, #tpu.memory_space<vmem>> -> memref<1x40x16xf32, #tpu.memory_space<vmem>>
      %dma_wait3A_180 = tpu.memref_squeeze %dma_wait3A_179 : memref<1x40x16xf32, #tpu.memory_space<vmem>> -> memref<40x16xf32, #tpu.memory_space<vmem>>
      %dma_wait3A_181 = arith.constant 0 : i32
      %dma_wait3A_182 = tpu.memref_slice %arg19[%run_scoped3A_58, %mul3A_57, %dma_wait3A_181] : memref<16x640x16xf32, #tpu.memory_space<vmem_shared>> -> memref<1x40x16xf32, #tpu.memory_space<vmem_shared>>
      %dma_wait3A_183 = tpu.memref_squeeze %dma_wait3A_182 : memref<1x40x16xf32, #tpu.memory_space<vmem_shared>> -> memref<40x16xf32, #tpu.memory_space<vmem_shared>>
      tpu.wait_dma2 semaphore(%run_scoped3A_157 : memref<!tpu.dma_semaphore, #tpu.memory_space<semaphore_mem>>) src(%dma_wait3A_183 : memref<40x16xf32, #tpu.memory_space<vmem_shared>>) dst(%dma_wait3A_180 : memref<40x16xf32, #tpu.memory_space<vmem>>)
      tpu.yield
    }) : () -> ()
    %mul3A_60 = arith.constant 40 : i32
    %mul3A_61 = arith.muli %arg1, %mul3A_60 : i32
    %run_scoped3A_62 = arith.constant 7 : i32
    %run_scoped3A_63 = arith.constant 7 : i32
    "tpu.region"() ({
      %run_scoped3A_157 = tpu.sem_alloc : memref<!tpu.dma_semaphore, #tpu.memory_space<semaphore_mem>>
      %dma_start3A = arith.constant 0 : i32
      %dma_start3A_158 = arith.constant 0 : i32
      %dma_start3A_159 = tpu.memref_slice %arg13[%run_scoped3A_63, %dma_start3A, %dma_start3A_158] : memref<16x40x16xf32, #tpu.memory_space<vmem>> -> memref<1x40x16xf32, #tpu.memory_space<vmem>>
      %dma_start3A_160 = tpu.memref_squeeze %dma_start3A_159 : memref<1x40x16xf32, #tpu.memory_space<vmem>> -> memref<40x16xf32, #tpu.memory_space<vmem>>
      %dma_start3A_161 = arith.constant 0 : i32
      %dma_start3A_162 = tpu.memref_slice %arg19[%run_scoped3A_62, %mul3A_61, %dma_start3A_161] : memref<16x640x16xf32, #tpu.memory_space<vmem_shared>> -> memref<1x40x16xf32, #tpu.memory_space<vmem_shared>>
      %dma_start3A_163 = tpu.memref_squeeze %dma_start3A_162 : memref<1x40x16xf32, #tpu.memory_space<vmem_shared>> -> memref<40x16xf32, #tpu.memory_space<vmem_shared>>
      %dma_start3A_164 = arith.constant 0 : i32
      %dma_start3A_165 = arith.constant 0 : i32
      %dma_start3A_166 = tpu.memref_slice %arg13[%run_scoped3A_63, %dma_start3A_164, %dma_start3A_165] : memref<16x40x16xf32, #tpu.memory_space<vmem>> -> memref<1x40x16xf32, #tpu.memory_space<vmem>>
      %dma_start3A_167 = tpu.memref_squeeze %dma_start3A_166 : memref<1x40x16xf32, #tpu.memory_space<vmem>> -> memref<40x16xf32, #tpu.memory_space<vmem>>
      %dma_start3A_168 = arith.constant 0 : i32
      %dma_start3A_169 = tpu.memref_slice %arg19[%run_scoped3A_62, %mul3A_61, %dma_start3A_168] : memref<16x640x16xf32, #tpu.memory_space<vmem_shared>> -> memref<1x40x16xf32, #tpu.memory_space<vmem_shared>>
      %dma_start3A_170 = tpu.memref_squeeze %dma_start3A_169 : memref<1x40x16xf32, #tpu.memory_space<vmem_shared>> -> memref<40x16xf32, #tpu.memory_space<vmem_shared>>
      tpu.enqueue_dma source(%dma_start3A_170 : memref<40x16xf32, #tpu.memory_space<vmem_shared>>) target(%dma_start3A_167 : memref<40x16xf32, #tpu.memory_space<vmem>>) target_semaphore(%run_scoped3A_157 : memref<!tpu.dma_semaphore, #tpu.memory_space<semaphore_mem>>)
      %dma_wait3A = arith.constant 0 : i32
      %dma_wait3A_171 = arith.constant 0 : i32
      %dma_wait3A_172 = tpu.memref_slice %arg13[%run_scoped3A_63, %dma_wait3A, %dma_wait3A_171] : memref<16x40x16xf32, #tpu.memory_space<vmem>> -> memref<1x40x16xf32, #tpu.memory_space<vmem>>
      %dma_wait3A_173 = tpu.memref_squeeze %dma_wait3A_172 : memref<1x40x16xf32, #tpu.memory_space<vmem>> -> memref<40x16xf32, #tpu.memory_space<vmem>>
      %dma_wait3A_174 = arith.constant 0 : i32
      %dma_wait3A_175 = tpu.memref_slice %arg19[%run_scoped3A_62, %mul3A_61, %dma_wait3A_174] : memref<16x640x16xf32, #tpu.memory_space<vmem_shared>> -> memref<1x40x16xf32, #tpu.memory_space<vmem_shared>>
      %dma_wait3A_176 = tpu.memref_squeeze %dma_wait3A_175 : memref<1x40x16xf32, #tpu.memory_space<vmem_shared>> -> memref<40x16xf32, #tpu.memory_space<vmem_shared>>
      %dma_wait3A_177 = arith.constant 0 : i32
      %dma_wait3A_178 = arith.constant 0 : i32
      %dma_wait3A_179 = tpu.memref_slice %arg13[%run_scoped3A_63, %dma_wait3A_177, %dma_wait3A_178] : memref<16x40x16xf32, #tpu.memory_space<vmem>> -> memref<1x40x16xf32, #tpu.memory_space<vmem>>
      %dma_wait3A_180 = tpu.memref_squeeze %dma_wait3A_179 : memref<1x40x16xf32, #tpu.memory_space<vmem>> -> memref<40x16xf32, #tpu.memory_space<vmem>>
      %dma_wait3A_181 = arith.constant 0 : i32
      %dma_wait3A_182 = tpu.memref_slice %arg19[%run_scoped3A_62, %mul3A_61, %dma_wait3A_181] : memref<16x640x16xf32, #tpu.memory_space<vmem_shared>> -> memref<1x40x16xf32, #tpu.memory_space<vmem_shared>>
      %dma_wait3A_183 = tpu.memref_squeeze %dma_wait3A_182 : memref<1x40x16xf32, #tpu.memory_space<vmem_shared>> -> memref<40x16xf32, #tpu.memory_space<vmem_shared>>
      tpu.wait_dma2 semaphore(%run_scoped3A_157 : memref<!tpu.dma_semaphore, #tpu.memory_space<semaphore_mem>>) src(%dma_wait3A_183 : memref<40x16xf32, #tpu.memory_space<vmem_shared>>) dst(%dma_wait3A_180 : memref<40x16xf32, #tpu.memory_space<vmem>>)
      tpu.yield
    }) : () -> ()
    %mul3A_64 = arith.constant 40 : i32
    %mul3A_65 = arith.muli %arg1, %mul3A_64 : i32
    %run_scoped3A_66 = arith.constant 8 : i32
    %run_scoped3A_67 = arith.constant 8 : i32
    "tpu.region"() ({
      %run_scoped3A_157 = tpu.sem_alloc : memref<!tpu.dma_semaphore, #tpu.memory_space<semaphore_mem>>
      %dma_start3A = arith.constant 0 : i32
      %dma_start3A_158 = arith.constant 0 : i32
      %dma_start3A_159 = tpu.memref_slice %arg13[%run_scoped3A_67, %dma_start3A, %dma_start3A_158] : memref<16x40x16xf32, #tpu.memory_space<vmem>> -> memref<1x40x16xf32, #tpu.memory_space<vmem>>
      %dma_start3A_160 = tpu.memref_squeeze %dma_start3A_159 : memref<1x40x16xf32, #tpu.memory_space<vmem>> -> memref<40x16xf32, #tpu.memory_space<vmem>>
      %dma_start3A_161 = arith.constant 0 : i32
      %dma_start3A_162 = tpu.memref_slice %arg19[%run_scoped3A_66, %mul3A_65, %dma_start3A_161] : memref<16x640x16xf32, #tpu.memory_space<vmem_shared>> -> memref<1x40x16xf32, #tpu.memory_space<vmem_shared>>
      %dma_start3A_163 = tpu.memref_squeeze %dma_start3A_162 : memref<1x40x16xf32, #tpu.memory_space<vmem_shared>> -> memref<40x16xf32, #tpu.memory_space<vmem_shared>>
      %dma_start3A_164 = arith.constant 0 : i32
      %dma_start3A_165 = arith.constant 0 : i32
      %dma_start3A_166 = tpu.memref_slice %arg13[%run_scoped3A_67, %dma_start3A_164, %dma_start3A_165] : memref<16x40x16xf32, #tpu.memory_space<vmem>> -> memref<1x40x16xf32, #tpu.memory_space<vmem>>
      %dma_start3A_167 = tpu.memref_squeeze %dma_start3A_166 : memref<1x40x16xf32, #tpu.memory_space<vmem>> -> memref<40x16xf32, #tpu.memory_space<vmem>>
      %dma_start3A_168 = arith.constant 0 : i32
      %dma_start3A_169 = tpu.memref_slice %arg19[%run_scoped3A_66, %mul3A_65, %dma_start3A_168] : memref<16x640x16xf32, #tpu.memory_space<vmem_shared>> -> memref<1x40x16xf32, #tpu.memory_space<vmem_shared>>
      %dma_start3A_170 = tpu.memref_squeeze %dma_start3A_169 : memref<1x40x16xf32, #tpu.memory_space<vmem_shared>> -> memref<40x16xf32, #tpu.memory_space<vmem_shared>>
      tpu.enqueue_dma source(%dma_start3A_170 : memref<40x16xf32, #tpu.memory_space<vmem_shared>>) target(%dma_start3A_167 : memref<40x16xf32, #tpu.memory_space<vmem>>) target_semaphore(%run_scoped3A_157 : memref<!tpu.dma_semaphore, #tpu.memory_space<semaphore_mem>>)
      %dma_wait3A = arith.constant 0 : i32
      %dma_wait3A_171 = arith.constant 0 : i32
      %dma_wait3A_172 = tpu.memref_slice %arg13[%run_scoped3A_67, %dma_wait3A, %dma_wait3A_171] : memref<16x40x16xf32, #tpu.memory_space<vmem>> -> memref<1x40x16xf32, #tpu.memory_space<vmem>>
      %dma_wait3A_173 = tpu.memref_squeeze %dma_wait3A_172 : memref<1x40x16xf32, #tpu.memory_space<vmem>> -> memref<40x16xf32, #tpu.memory_space<vmem>>
      %dma_wait3A_174 = arith.constant 0 : i32
      %dma_wait3A_175 = tpu.memref_slice %arg19[%run_scoped3A_66, %mul3A_65, %dma_wait3A_174] : memref<16x640x16xf32, #tpu.memory_space<vmem_shared>> -> memref<1x40x16xf32, #tpu.memory_space<vmem_shared>>
      %dma_wait3A_176 = tpu.memref_squeeze %dma_wait3A_175 : memref<1x40x16xf32, #tpu.memory_space<vmem_shared>> -> memref<40x16xf32, #tpu.memory_space<vmem_shared>>
      %dma_wait3A_177 = arith.constant 0 : i32
      %dma_wait3A_178 = arith.constant 0 : i32
      %dma_wait3A_179 = tpu.memref_slice %arg13[%run_scoped3A_67, %dma_wait3A_177, %dma_wait3A_178] : memref<16x40x16xf32, #tpu.memory_space<vmem>> -> memref<1x40x16xf32, #tpu.memory_space<vmem>>
      %dma_wait3A_180 = tpu.memref_squeeze %dma_wait3A_179 : memref<1x40x16xf32, #tpu.memory_space<vmem>> -> memref<40x16xf32, #tpu.memory_space<vmem>>
      %dma_wait3A_181 = arith.constant 0 : i32
      %dma_wait3A_182 = tpu.memref_slice %arg19[%run_scoped3A_66, %mul3A_65, %dma_wait3A_181] : memref<16x640x16xf32, #tpu.memory_space<vmem_shared>> -> memref<1x40x16xf32, #tpu.memory_space<vmem_shared>>
      %dma_wait3A_183 = tpu.memref_squeeze %dma_wait3A_182 : memref<1x40x16xf32, #tpu.memory_space<vmem_shared>> -> memref<40x16xf32, #tpu.memory_space<vmem_shared>>
      tpu.wait_dma2 semaphore(%run_scoped3A_157 : memref<!tpu.dma_semaphore, #tpu.memory_space<semaphore_mem>>) src(%dma_wait3A_183 : memref<40x16xf32, #tpu.memory_space<vmem_shared>>) dst(%dma_wait3A_180 : memref<40x16xf32, #tpu.memory_space<vmem>>)
      tpu.yield
    }) : () -> ()
    %mul3A_68 = arith.constant 40 : i32
    %mul3A_69 = arith.muli %arg1, %mul3A_68 : i32
    %run_scoped3A_70 = arith.constant 9 : i32
    %run_scoped3A_71 = arith.constant 9 : i32
    "tpu.region"() ({
      %run_scoped3A_157 = tpu.sem_alloc : memref<!tpu.dma_semaphore, #tpu.memory_space<semaphore_mem>>
      %dma_start3A = arith.constant 0 : i32
      %dma_start3A_158 = arith.constant 0 : i32
      %dma_start3A_159 = tpu.memref_slice %arg13[%run_scoped3A_71, %dma_start3A, %dma_start3A_158] : memref<16x40x16xf32, #tpu.memory_space<vmem>> -> memref<1x40x16xf32, #tpu.memory_space<vmem>>
      %dma_start3A_160 = tpu.memref_squeeze %dma_start3A_159 : memref<1x40x16xf32, #tpu.memory_space<vmem>> -> memref<40x16xf32, #tpu.memory_space<vmem>>
      %dma_start3A_161 = arith.constant 0 : i32
      %dma_start3A_162 = tpu.memref_slice %arg19[%run_scoped3A_70, %mul3A_69, %dma_start3A_161] : memref<16x640x16xf32, #tpu.memory_space<vmem_shared>> -> memref<1x40x16xf32, #tpu.memory_space<vmem_shared>>
      %dma_start3A_163 = tpu.memref_squeeze %dma_start3A_162 : memref<1x40x16xf32, #tpu.memory_space<vmem_shared>> -> memref<40x16xf32, #tpu.memory_space<vmem_shared>>
      %dma_start3A_164 = arith.constant 0 : i32
      %dma_start3A_165 = arith.constant 0 : i32
      %dma_start3A_166 = tpu.memref_slice %arg13[%run_scoped3A_71, %dma_start3A_164, %dma_start3A_165] : memref<16x40x16xf32, #tpu.memory_space<vmem>> -> memref<1x40x16xf32, #tpu.memory_space<vmem>>
      %dma_start3A_167 = tpu.memref_squeeze %dma_start3A_166 : memref<1x40x16xf32, #tpu.memory_space<vmem>> -> memref<40x16xf32, #tpu.memory_space<vmem>>
      %dma_start3A_168 = arith.constant 0 : i32
      %dma_start3A_169 = tpu.memref_slice %arg19[%run_scoped3A_70, %mul3A_69, %dma_start3A_168] : memref<16x640x16xf32, #tpu.memory_space<vmem_shared>> -> memref<1x40x16xf32, #tpu.memory_space<vmem_shared>>
      %dma_start3A_170 = tpu.memref_squeeze %dma_start3A_169 : memref<1x40x16xf32, #tpu.memory_space<vmem_shared>> -> memref<40x16xf32, #tpu.memory_space<vmem_shared>>
      tpu.enqueue_dma source(%dma_start3A_170 : memref<40x16xf32, #tpu.memory_space<vmem_shared>>) target(%dma_start3A_167 : memref<40x16xf32, #tpu.memory_space<vmem>>) target_semaphore(%run_scoped3A_157 : memref<!tpu.dma_semaphore, #tpu.memory_space<semaphore_mem>>)
      %dma_wait3A = arith.constant 0 : i32
      %dma_wait3A_171 = arith.constant 0 : i32
      %dma_wait3A_172 = tpu.memref_slice %arg13[%run_scoped3A_71, %dma_wait3A, %dma_wait3A_171] : memref<16x40x16xf32, #tpu.memory_space<vmem>> -> memref<1x40x16xf32, #tpu.memory_space<vmem>>
      %dma_wait3A_173 = tpu.memref_squeeze %dma_wait3A_172 : memref<1x40x16xf32, #tpu.memory_space<vmem>> -> memref<40x16xf32, #tpu.memory_space<vmem>>
      %dma_wait3A_174 = arith.constant 0 : i32
      %dma_wait3A_175 = tpu.memref_slice %arg19[%run_scoped3A_70, %mul3A_69, %dma_wait3A_174] : memref<16x640x16xf32, #tpu.memory_space<vmem_shared>> -> memref<1x40x16xf32, #tpu.memory_space<vmem_shared>>
      %dma_wait3A_176 = tpu.memref_squeeze %dma_wait3A_175 : memref<1x40x16xf32, #tpu.memory_space<vmem_shared>> -> memref<40x16xf32, #tpu.memory_space<vmem_shared>>
      %dma_wait3A_177 = arith.constant 0 : i32
      %dma_wait3A_178 = arith.constant 0 : i32
      %dma_wait3A_179 = tpu.memref_slice %arg13[%run_scoped3A_71, %dma_wait3A_177, %dma_wait3A_178] : memref<16x40x16xf32, #tpu.memory_space<vmem>> -> memref<1x40x16xf32, #tpu.memory_space<vmem>>
      %dma_wait3A_180 = tpu.memref_squeeze %dma_wait3A_179 : memref<1x40x16xf32, #tpu.memory_space<vmem>> -> memref<40x16xf32, #tpu.memory_space<vmem>>
      %dma_wait3A_181 = arith.constant 0 : i32
      %dma_wait3A_182 = tpu.memref_slice %arg19[%run_scoped3A_70, %mul3A_69, %dma_wait3A_181] : memref<16x640x16xf32, #tpu.memory_space<vmem_shared>> -> memref<1x40x16xf32, #tpu.memory_space<vmem_shared>>
      %dma_wait3A_183 = tpu.memref_squeeze %dma_wait3A_182 : memref<1x40x16xf32, #tpu.memory_space<vmem_shared>> -> memref<40x16xf32, #tpu.memory_space<vmem_shared>>
      tpu.wait_dma2 semaphore(%run_scoped3A_157 : memref<!tpu.dma_semaphore, #tpu.memory_space<semaphore_mem>>) src(%dma_wait3A_183 : memref<40x16xf32, #tpu.memory_space<vmem_shared>>) dst(%dma_wait3A_180 : memref<40x16xf32, #tpu.memory_space<vmem>>)
      tpu.yield
    }) : () -> ()
    %mul3A_72 = arith.constant 40 : i32
    %mul3A_73 = arith.muli %arg1, %mul3A_72 : i32
    %run_scoped3A_74 = arith.constant 10 : i32
    %run_scoped3A_75 = arith.constant 10 : i32
    "tpu.region"() ({
      %run_scoped3A_157 = tpu.sem_alloc : memref<!tpu.dma_semaphore, #tpu.memory_space<semaphore_mem>>
      %dma_start3A = arith.constant 0 : i32
      %dma_start3A_158 = arith.constant 0 : i32
      %dma_start3A_159 = tpu.memref_slice %arg13[%run_scoped3A_75, %dma_start3A, %dma_start3A_158] : memref<16x40x16xf32, #tpu.memory_space<vmem>> -> memref<1x40x16xf32, #tpu.memory_space<vmem>>
      %dma_start3A_160 = tpu.memref_squeeze %dma_start3A_159 : memref<1x40x16xf32, #tpu.memory_space<vmem>> -> memref<40x16xf32, #tpu.memory_space<vmem>>
      %dma_start3A_161 = arith.constant 0 : i32
      %dma_start3A_162 = tpu.memref_slice %arg19[%run_scoped3A_74, %mul3A_73, %dma_start3A_161] : memref<16x640x16xf32, #tpu.memory_space<vmem_shared>> -> memref<1x40x16xf32, #tpu.memory_space<vmem_shared>>
      %dma_start3A_163 = tpu.memref_squeeze %dma_start3A_162 : memref<1x40x16xf32, #tpu.memory_space<vmem_shared>> -> memref<40x16xf32, #tpu.memory_space<vmem_shared>>
      %dma_start3A_164 = arith.constant 0 : i32
      %dma_start3A_165 = arith.constant 0 : i32
      %dma_start3A_166 = tpu.memref_slice %arg13[%run_scoped3A_75, %dma_start3A_164, %dma_start3A_165] : memref<16x40x16xf32, #tpu.memory_space<vmem>> -> memref<1x40x16xf32, #tpu.memory_space<vmem>>
      %dma_start3A_167 = tpu.memref_squeeze %dma_start3A_166 : memref<1x40x16xf32, #tpu.memory_space<vmem>> -> memref<40x16xf32, #tpu.memory_space<vmem>>
      %dma_start3A_168 = arith.constant 0 : i32
      %dma_start3A_169 = tpu.memref_slice %arg19[%run_scoped3A_74, %mul3A_73, %dma_start3A_168] : memref<16x640x16xf32, #tpu.memory_space<vmem_shared>> -> memref<1x40x16xf32, #tpu.memory_space<vmem_shared>>
      %dma_start3A_170 = tpu.memref_squeeze %dma_start3A_169 : memref<1x40x16xf32, #tpu.memory_space<vmem_shared>> -> memref<40x16xf32, #tpu.memory_space<vmem_shared>>
      tpu.enqueue_dma source(%dma_start3A_170 : memref<40x16xf32, #tpu.memory_space<vmem_shared>>) target(%dma_start3A_167 : memref<40x16xf32, #tpu.memory_space<vmem>>) target_semaphore(%run_scoped3A_157 : memref<!tpu.dma_semaphore, #tpu.memory_space<semaphore_mem>>)
      %dma_wait3A = arith.constant 0 : i32
      %dma_wait3A_171 = arith.constant 0 : i32
      %dma_wait3A_172 = tpu.memref_slice %arg13[%run_scoped3A_75, %dma_wait3A, %dma_wait3A_171] : memref<16x40x16xf32, #tpu.memory_space<vmem>> -> memref<1x40x16xf32, #tpu.memory_space<vmem>>
      %dma_wait3A_173 = tpu.memref_squeeze %dma_wait3A_172 : memref<1x40x16xf32, #tpu.memory_space<vmem>> -> memref<40x16xf32, #tpu.memory_space<vmem>>
      %dma_wait3A_174 = arith.constant 0 : i32
      %dma_wait3A_175 = tpu.memref_slice %arg19[%run_scoped3A_74, %mul3A_73, %dma_wait3A_174] : memref<16x640x16xf32, #tpu.memory_space<vmem_shared>> -> memref<1x40x16xf32, #tpu.memory_space<vmem_shared>>
      %dma_wait3A_176 = tpu.memref_squeeze %dma_wait3A_175 : memref<1x40x16xf32, #tpu.memory_space<vmem_shared>> -> memref<40x16xf32, #tpu.memory_space<vmem_shared>>
      %dma_wait3A_177 = arith.constant 0 : i32
      %dma_wait3A_178 = arith.constant 0 : i32
      %dma_wait3A_179 = tpu.memref_slice %arg13[%run_scoped3A_75, %dma_wait3A_177, %dma_wait3A_178] : memref<16x40x16xf32, #tpu.memory_space<vmem>> -> memref<1x40x16xf32, #tpu.memory_space<vmem>>
      %dma_wait3A_180 = tpu.memref_squeeze %dma_wait3A_179 : memref<1x40x16xf32, #tpu.memory_space<vmem>> -> memref<40x16xf32, #tpu.memory_space<vmem>>
      %dma_wait3A_181 = arith.constant 0 : i32
      %dma_wait3A_182 = tpu.memref_slice %arg19[%run_scoped3A_74, %mul3A_73, %dma_wait3A_181] : memref<16x640x16xf32, #tpu.memory_space<vmem_shared>> -> memref<1x40x16xf32, #tpu.memory_space<vmem_shared>>
      %dma_wait3A_183 = tpu.memref_squeeze %dma_wait3A_182 : memref<1x40x16xf32, #tpu.memory_space<vmem_shared>> -> memref<40x16xf32, #tpu.memory_space<vmem_shared>>
      tpu.wait_dma2 semaphore(%run_scoped3A_157 : memref<!tpu.dma_semaphore, #tpu.memory_space<semaphore_mem>>) src(%dma_wait3A_183 : memref<40x16xf32, #tpu.memory_space<vmem_shared>>) dst(%dma_wait3A_180 : memref<40x16xf32, #tpu.memory_space<vmem>>)
      tpu.yield
    }) : () -> ()
    %mul3A_76 = arith.constant 40 : i32
    %mul3A_77 = arith.muli %arg1, %mul3A_76 : i32
    %run_scoped3A_78 = arith.constant 11 : i32
    %run_scoped3A_79 = arith.constant 11 : i32
    "tpu.region"() ({
      %run_scoped3A_157 = tpu.sem_alloc : memref<!tpu.dma_semaphore, #tpu.memory_space<semaphore_mem>>
      %dma_start3A = arith.constant 0 : i32
      %dma_start3A_158 = arith.constant 0 : i32
      %dma_start3A_159 = tpu.memref_slice %arg13[%run_scoped3A_79, %dma_start3A, %dma_start3A_158] : memref<16x40x16xf32, #tpu.memory_space<vmem>> -> memref<1x40x16xf32, #tpu.memory_space<vmem>>
      %dma_start3A_160 = tpu.memref_squeeze %dma_start3A_159 : memref<1x40x16xf32, #tpu.memory_space<vmem>> -> memref<40x16xf32, #tpu.memory_space<vmem>>
      %dma_start3A_161 = arith.constant 0 : i32
      %dma_start3A_162 = tpu.memref_slice %arg19[%run_scoped3A_78, %mul3A_77, %dma_start3A_161] : memref<16x640x16xf32, #tpu.memory_space<vmem_shared>> -> memref<1x40x16xf32, #tpu.memory_space<vmem_shared>>
      %dma_start3A_163 = tpu.memref_squeeze %dma_start3A_162 : memref<1x40x16xf32, #tpu.memory_space<vmem_shared>> -> memref<40x16xf32, #tpu.memory_space<vmem_shared>>
      %dma_start3A_164 = arith.constant 0 : i32
      %dma_start3A_165 = arith.constant 0 : i32
      %dma_start3A_166 = tpu.memref_slice %arg13[%run_scoped3A_79, %dma_start3A_164, %dma_start3A_165] : memref<16x40x16xf32, #tpu.memory_space<vmem>> -> memref<1x40x16xf32, #tpu.memory_space<vmem>>
      %dma_start3A_167 = tpu.memref_squeeze %dma_start3A_166 : memref<1x40x16xf32, #tpu.memory_space<vmem>> -> memref<40x16xf32, #tpu.memory_space<vmem>>
      %dma_start3A_168 = arith.constant 0 : i32
      %dma_start3A_169 = tpu.memref_slice %arg19[%run_scoped3A_78, %mul3A_77, %dma_start3A_168] : memref<16x640x16xf32, #tpu.memory_space<vmem_shared>> -> memref<1x40x16xf32, #tpu.memory_space<vmem_shared>>
      %dma_start3A_170 = tpu.memref_squeeze %dma_start3A_169 : memref<1x40x16xf32, #tpu.memory_space<vmem_shared>> -> memref<40x16xf32, #tpu.memory_space<vmem_shared>>
      tpu.enqueue_dma source(%dma_start3A_170 : memref<40x16xf32, #tpu.memory_space<vmem_shared>>) target(%dma_start3A_167 : memref<40x16xf32, #tpu.memory_space<vmem>>) target_semaphore(%run_scoped3A_157 : memref<!tpu.dma_semaphore, #tpu.memory_space<semaphore_mem>>)
      %dma_wait3A = arith.constant 0 : i32
      %dma_wait3A_171 = arith.constant 0 : i32
      %dma_wait3A_172 = tpu.memref_slice %arg13[%run_scoped3A_79, %dma_wait3A, %dma_wait3A_171] : memref<16x40x16xf32, #tpu.memory_space<vmem>> -> memref<1x40x16xf32, #tpu.memory_space<vmem>>
      %dma_wait3A_173 = tpu.memref_squeeze %dma_wait3A_172 : memref<1x40x16xf32, #tpu.memory_space<vmem>> -> memref<40x16xf32, #tpu.memory_space<vmem>>
      %dma_wait3A_174 = arith.constant 0 : i32
      %dma_wait3A_175 = tpu.memref_slice %arg19[%run_scoped3A_78, %mul3A_77, %dma_wait3A_174] : memref<16x640x16xf32, #tpu.memory_space<vmem_shared>> -> memref<1x40x16xf32, #tpu.memory_space<vmem_shared>>
      %dma_wait3A_176 = tpu.memref_squeeze %dma_wait3A_175 : memref<1x40x16xf32, #tpu.memory_space<vmem_shared>> -> memref<40x16xf32, #tpu.memory_space<vmem_shared>>
      %dma_wait3A_177 = arith.constant 0 : i32
      %dma_wait3A_178 = arith.constant 0 : i32
      %dma_wait3A_179 = tpu.memref_slice %arg13[%run_scoped3A_79, %dma_wait3A_177, %dma_wait3A_178] : memref<16x40x16xf32, #tpu.memory_space<vmem>> -> memref<1x40x16xf32, #tpu.memory_space<vmem>>
      %dma_wait3A_180 = tpu.memref_squeeze %dma_wait3A_179 : memref<1x40x16xf32, #tpu.memory_space<vmem>> -> memref<40x16xf32, #tpu.memory_space<vmem>>
      %dma_wait3A_181 = arith.constant 0 : i32
      %dma_wait3A_182 = tpu.memref_slice %arg19[%run_scoped3A_78, %mul3A_77, %dma_wait3A_181] : memref<16x640x16xf32, #tpu.memory_space<vmem_shared>> -> memref<1x40x16xf32, #tpu.memory_space<vmem_shared>>
      %dma_wait3A_183 = tpu.memref_squeeze %dma_wait3A_182 : memref<1x40x16xf32, #tpu.memory_space<vmem_shared>> -> memref<40x16xf32, #tpu.memory_space<vmem_shared>>
      tpu.wait_dma2 semaphore(%run_scoped3A_157 : memref<!tpu.dma_semaphore, #tpu.memory_space<semaphore_mem>>) src(%dma_wait3A_183 : memref<40x16xf32, #tpu.memory_space<vmem_shared>>) dst(%dma_wait3A_180 : memref<40x16xf32, #tpu.memory_space<vmem>>)
      tpu.yield
    }) : () -> ()
    %mul3A_80 = arith.constant 40 : i32
    %mul3A_81 = arith.muli %arg1, %mul3A_80 : i32
    %run_scoped3A_82 = arith.constant 12 : i32
    %run_scoped3A_83 = arith.constant 12 : i32
    "tpu.region"() ({
      %run_scoped3A_157 = tpu.sem_alloc : memref<!tpu.dma_semaphore, #tpu.memory_space<semaphore_mem>>
      %dma_start3A = arith.constant 0 : i32
      %dma_start3A_158 = arith.constant 0 : i32
      %dma_start3A_159 = tpu.memref_slice %arg13[%run_scoped3A_83, %dma_start3A, %dma_start3A_158] : memref<16x40x16xf32, #tpu.memory_space<vmem>> -> memref<1x40x16xf32, #tpu.memory_space<vmem>>
      %dma_start3A_160 = tpu.memref_squeeze %dma_start3A_159 : memref<1x40x16xf32, #tpu.memory_space<vmem>> -> memref<40x16xf32, #tpu.memory_space<vmem>>
      %dma_start3A_161 = arith.constant 0 : i32
      %dma_start3A_162 = tpu.memref_slice %arg19[%run_scoped3A_82, %mul3A_81, %dma_start3A_161] : memref<16x640x16xf32, #tpu.memory_space<vmem_shared>> -> memref<1x40x16xf32, #tpu.memory_space<vmem_shared>>
      %dma_start3A_163 = tpu.memref_squeeze %dma_start3A_162 : memref<1x40x16xf32, #tpu.memory_space<vmem_shared>> -> memref<40x16xf32, #tpu.memory_space<vmem_shared>>
      %dma_start3A_164 = arith.constant 0 : i32
      %dma_start3A_165 = arith.constant 0 : i32
      %dma_start3A_166 = tpu.memref_slice %arg13[%run_scoped3A_83, %dma_start3A_164, %dma_start3A_165] : memref<16x40x16xf32, #tpu.memory_space<vmem>> -> memref<1x40x16xf32, #tpu.memory_space<vmem>>
      %dma_start3A_167 = tpu.memref_squeeze %dma_start3A_166 : memref<1x40x16xf32, #tpu.memory_space<vmem>> -> memref<40x16xf32, #tpu.memory_space<vmem>>
      %dma_start3A_168 = arith.constant 0 : i32
      %dma_start3A_169 = tpu.memref_slice %arg19[%run_scoped3A_82, %mul3A_81, %dma_start3A_168] : memref<16x640x16xf32, #tpu.memory_space<vmem_shared>> -> memref<1x40x16xf32, #tpu.memory_space<vmem_shared>>
      %dma_start3A_170 = tpu.memref_squeeze %dma_start3A_169 : memref<1x40x16xf32, #tpu.memory_space<vmem_shared>> -> memref<40x16xf32, #tpu.memory_space<vmem_shared>>
      tpu.enqueue_dma source(%dma_start3A_170 : memref<40x16xf32, #tpu.memory_space<vmem_shared>>) target(%dma_start3A_167 : memref<40x16xf32, #tpu.memory_space<vmem>>) target_semaphore(%run_scoped3A_157 : memref<!tpu.dma_semaphore, #tpu.memory_space<semaphore_mem>>)
      %dma_wait3A = arith.constant 0 : i32
      %dma_wait3A_171 = arith.constant 0 : i32
      %dma_wait3A_172 = tpu.memref_slice %arg13[%run_scoped3A_83, %dma_wait3A, %dma_wait3A_171] : memref<16x40x16xf32, #tpu.memory_space<vmem>> -> memref<1x40x16xf32, #tpu.memory_space<vmem>>
      %dma_wait3A_173 = tpu.memref_squeeze %dma_wait3A_172 : memref<1x40x16xf32, #tpu.memory_space<vmem>> -> memref<40x16xf32, #tpu.memory_space<vmem>>
      %dma_wait3A_174 = arith.constant 0 : i32
      %dma_wait3A_175 = tpu.memref_slice %arg19[%run_scoped3A_82, %mul3A_81, %dma_wait3A_174] : memref<16x640x16xf32, #tpu.memory_space<vmem_shared>> -> memref<1x40x16xf32, #tpu.memory_space<vmem_shared>>
      %dma_wait3A_176 = tpu.memref_squeeze %dma_wait3A_175 : memref<1x40x16xf32, #tpu.memory_space<vmem_shared>> -> memref<40x16xf32, #tpu.memory_space<vmem_shared>>
      %dma_wait3A_177 = arith.constant 0 : i32
      %dma_wait3A_178 = arith.constant 0 : i32
      %dma_wait3A_179 = tpu.memref_slice %arg13[%run_scoped3A_83, %dma_wait3A_177, %dma_wait3A_178] : memref<16x40x16xf32, #tpu.memory_space<vmem>> -> memref<1x40x16xf32, #tpu.memory_space<vmem>>
      %dma_wait3A_180 = tpu.memref_squeeze %dma_wait3A_179 : memref<1x40x16xf32, #tpu.memory_space<vmem>> -> memref<40x16xf32, #tpu.memory_space<vmem>>
      %dma_wait3A_181 = arith.constant 0 : i32
      %dma_wait3A_182 = tpu.memref_slice %arg19[%run_scoped3A_82, %mul3A_81, %dma_wait3A_181] : memref<16x640x16xf32, #tpu.memory_space<vmem_shared>> -> memref<1x40x16xf32, #tpu.memory_space<vmem_shared>>
      %dma_wait3A_183 = tpu.memref_squeeze %dma_wait3A_182 : memref<1x40x16xf32, #tpu.memory_space<vmem_shared>> -> memref<40x16xf32, #tpu.memory_space<vmem_shared>>
      tpu.wait_dma2 semaphore(%run_scoped3A_157 : memref<!tpu.dma_semaphore, #tpu.memory_space<semaphore_mem>>) src(%dma_wait3A_183 : memref<40x16xf32, #tpu.memory_space<vmem_shared>>) dst(%dma_wait3A_180 : memref<40x16xf32, #tpu.memory_space<vmem>>)
      tpu.yield
    }) : () -> ()
    %mul3A_84 = arith.constant 40 : i32
    %mul3A_85 = arith.muli %arg1, %mul3A_84 : i32
    %run_scoped3A_86 = arith.constant 13 : i32
    %run_scoped3A_87 = arith.constant 13 : i32
    "tpu.region"() ({
      %run_scoped3A_157 = tpu.sem_alloc : memref<!tpu.dma_semaphore, #tpu.memory_space<semaphore_mem>>
      %dma_start3A = arith.constant 0 : i32
      %dma_start3A_158 = arith.constant 0 : i32
      %dma_start3A_159 = tpu.memref_slice %arg13[%run_scoped3A_87, %dma_start3A, %dma_start3A_158] : memref<16x40x16xf32, #tpu.memory_space<vmem>> -> memref<1x40x16xf32, #tpu.memory_space<vmem>>
      %dma_start3A_160 = tpu.memref_squeeze %dma_start3A_159 : memref<1x40x16xf32, #tpu.memory_space<vmem>> -> memref<40x16xf32, #tpu.memory_space<vmem>>
      %dma_start3A_161 = arith.constant 0 : i32
      %dma_start3A_162 = tpu.memref_slice %arg19[%run_scoped3A_86, %mul3A_85, %dma_start3A_161] : memref<16x640x16xf32, #tpu.memory_space<vmem_shared>> -> memref<1x40x16xf32, #tpu.memory_space<vmem_shared>>
      %dma_start3A_163 = tpu.memref_squeeze %dma_start3A_162 : memref<1x40x16xf32, #tpu.memory_space<vmem_shared>> -> memref<40x16xf32, #tpu.memory_space<vmem_shared>>
      %dma_start3A_164 = arith.constant 0 : i32
      %dma_start3A_165 = arith.constant 0 : i32
      %dma_start3A_166 = tpu.memref_slice %arg13[%run_scoped3A_87, %dma_start3A_164, %dma_start3A_165] : memref<16x40x16xf32, #tpu.memory_space<vmem>> -> memref<1x40x16xf32, #tpu.memory_space<vmem>>
      %dma_start3A_167 = tpu.memref_squeeze %dma_start3A_166 : memref<1x40x16xf32, #tpu.memory_space<vmem>> -> memref<40x16xf32, #tpu.memory_space<vmem>>
      %dma_start3A_168 = arith.constant 0 : i32
      %dma_start3A_169 = tpu.memref_slice %arg19[%run_scoped3A_86, %mul3A_85, %dma_start3A_168] : memref<16x640x16xf32, #tpu.memory_space<vmem_shared>> -> memref<1x40x16xf32, #tpu.memory_space<vmem_shared>>
      %dma_start3A_170 = tpu.memref_squeeze %dma_start3A_169 : memref<1x40x16xf32, #tpu.memory_space<vmem_shared>> -> memref<40x16xf32, #tpu.memory_space<vmem_shared>>
      tpu.enqueue_dma source(%dma_start3A_170 : memref<40x16xf32, #tpu.memory_space<vmem_shared>>) target(%dma_start3A_167 : memref<40x16xf32, #tpu.memory_space<vmem>>) target_semaphore(%run_scoped3A_157 : memref<!tpu.dma_semaphore, #tpu.memory_space<semaphore_mem>>)
      %dma_wait3A = arith.constant 0 : i32
      %dma_wait3A_171 = arith.constant 0 : i32
      %dma_wait3A_172 = tpu.memref_slice %arg13[%run_scoped3A_87, %dma_wait3A, %dma_wait3A_171] : memref<16x40x16xf32, #tpu.memory_space<vmem>> -> memref<1x40x16xf32, #tpu.memory_space<vmem>>
      %dma_wait3A_173 = tpu.memref_squeeze %dma_wait3A_172 : memref<1x40x16xf32, #tpu.memory_space<vmem>> -> memref<40x16xf32, #tpu.memory_space<vmem>>
      %dma_wait3A_174 = arith.constant 0 : i32
      %dma_wait3A_175 = tpu.memref_slice %arg19[%run_scoped3A_86, %mul3A_85, %dma_wait3A_174] : memref<16x640x16xf32, #tpu.memory_space<vmem_shared>> -> memref<1x40x16xf32, #tpu.memory_space<vmem_shared>>
      %dma_wait3A_176 = tpu.memref_squeeze %dma_wait3A_175 : memref<1x40x16xf32, #tpu.memory_space<vmem_shared>> -> memref<40x16xf32, #tpu.memory_space<vmem_shared>>
      %dma_wait3A_177 = arith.constant 0 : i32
      %dma_wait3A_178 = arith.constant 0 : i32
      %dma_wait3A_179 = tpu.memref_slice %arg13[%run_scoped3A_87, %dma_wait3A_177, %dma_wait3A_178] : memref<16x40x16xf32, #tpu.memory_space<vmem>> -> memref<1x40x16xf32, #tpu.memory_space<vmem>>
      %dma_wait3A_180 = tpu.memref_squeeze %dma_wait3A_179 : memref<1x40x16xf32, #tpu.memory_space<vmem>> -> memref<40x16xf32, #tpu.memory_space<vmem>>
      %dma_wait3A_181 = arith.constant 0 : i32
      %dma_wait3A_182 = tpu.memref_slice %arg19[%run_scoped3A_86, %mul3A_85, %dma_wait3A_181] : memref<16x640x16xf32, #tpu.memory_space<vmem_shared>> -> memref<1x40x16xf32, #tpu.memory_space<vmem_shared>>
      %dma_wait3A_183 = tpu.memref_squeeze %dma_wait3A_182 : memref<1x40x16xf32, #tpu.memory_space<vmem_shared>> -> memref<40x16xf32, #tpu.memory_space<vmem_shared>>
      tpu.wait_dma2 semaphore(%run_scoped3A_157 : memref<!tpu.dma_semaphore, #tpu.memory_space<semaphore_mem>>) src(%dma_wait3A_183 : memref<40x16xf32, #tpu.memory_space<vmem_shared>>) dst(%dma_wait3A_180 : memref<40x16xf32, #tpu.memory_space<vmem>>)
      tpu.yield
    }) : () -> ()
    %mul3A_88 = arith.constant 40 : i32
    %mul3A_89 = arith.muli %arg1, %mul3A_88 : i32
    %run_scoped3A_90 = arith.constant 14 : i32
    %run_scoped3A_91 = arith.constant 14 : i32
    "tpu.region"() ({
      %run_scoped3A_157 = tpu.sem_alloc : memref<!tpu.dma_semaphore, #tpu.memory_space<semaphore_mem>>
      %dma_start3A = arith.constant 0 : i32
      %dma_start3A_158 = arith.constant 0 : i32
      %dma_start3A_159 = tpu.memref_slice %arg13[%run_scoped3A_91, %dma_start3A, %dma_start3A_158] : memref<16x40x16xf32, #tpu.memory_space<vmem>> -> memref<1x40x16xf32, #tpu.memory_space<vmem>>
      %dma_start3A_160 = tpu.memref_squeeze %dma_start3A_159 : memref<1x40x16xf32, #tpu.memory_space<vmem>> -> memref<40x16xf32, #tpu.memory_space<vmem>>
      %dma_start3A_161 = arith.constant 0 : i32
      %dma_start3A_162 = tpu.memref_slice %arg19[%run_scoped3A_90, %mul3A_89, %dma_start3A_161] : memref<16x640x16xf32, #tpu.memory_space<vmem_shared>> -> memref<1x40x16xf32, #tpu.memory_space<vmem_shared>>
      %dma_start3A_163 = tpu.memref_squeeze %dma_start3A_162 : memref<1x40x16xf32, #tpu.memory_space<vmem_shared>> -> memref<40x16xf32, #tpu.memory_space<vmem_shared>>
      %dma_start3A_164 = arith.constant 0 : i32
      %dma_start3A_165 = arith.constant 0 : i32
      %dma_start3A_166 = tpu.memref_slice %arg13[%run_scoped3A_91, %dma_start3A_164, %dma_start3A_165] : memref<16x40x16xf32, #tpu.memory_space<vmem>> -> memref<1x40x16xf32, #tpu.memory_space<vmem>>
      %dma_start3A_167 = tpu.memref_squeeze %dma_start3A_166 : memref<1x40x16xf32, #tpu.memory_space<vmem>> -> memref<40x16xf32, #tpu.memory_space<vmem>>
      %dma_start3A_168 = arith.constant 0 : i32
      %dma_start3A_169 = tpu.memref_slice %arg19[%run_scoped3A_90, %mul3A_89, %dma_start3A_168] : memref<16x640x16xf32, #tpu.memory_space<vmem_shared>> -> memref<1x40x16xf32, #tpu.memory_space<vmem_shared>>
      %dma_start3A_170 = tpu.memref_squeeze %dma_start3A_169 : memref<1x40x16xf32, #tpu.memory_space<vmem_shared>> -> memref<40x16xf32, #tpu.memory_space<vmem_shared>>
      tpu.enqueue_dma source(%dma_start3A_170 : memref<40x16xf32, #tpu.memory_space<vmem_shared>>) target(%dma_start3A_167 : memref<40x16xf32, #tpu.memory_space<vmem>>) target_semaphore(%run_scoped3A_157 : memref<!tpu.dma_semaphore, #tpu.memory_space<semaphore_mem>>)
      %dma_wait3A = arith.constant 0 : i32
      %dma_wait3A_171 = arith.constant 0 : i32
      %dma_wait3A_172 = tpu.memref_slice %arg13[%run_scoped3A_91, %dma_wait3A, %dma_wait3A_171] : memref<16x40x16xf32, #tpu.memory_space<vmem>> -> memref<1x40x16xf32, #tpu.memory_space<vmem>>
      %dma_wait3A_173 = tpu.memref_squeeze %dma_wait3A_172 : memref<1x40x16xf32, #tpu.memory_space<vmem>> -> memref<40x16xf32, #tpu.memory_space<vmem>>
      %dma_wait3A_174 = arith.constant 0 : i32
      %dma_wait3A_175 = tpu.memref_slice %arg19[%run_scoped3A_90, %mul3A_89, %dma_wait3A_174] : memref<16x640x16xf32, #tpu.memory_space<vmem_shared>> -> memref<1x40x16xf32, #tpu.memory_space<vmem_shared>>
      %dma_wait3A_176 = tpu.memref_squeeze %dma_wait3A_175 : memref<1x40x16xf32, #tpu.memory_space<vmem_shared>> -> memref<40x16xf32, #tpu.memory_space<vmem_shared>>
      %dma_wait3A_177 = arith.constant 0 : i32
      %dma_wait3A_178 = arith.constant 0 : i32
      %dma_wait3A_179 = tpu.memref_slice %arg13[%run_scoped3A_91, %dma_wait3A_177, %dma_wait3A_178] : memref<16x40x16xf32, #tpu.memory_space<vmem>> -> memref<1x40x16xf32, #tpu.memory_space<vmem>>
      %dma_wait3A_180 = tpu.memref_squeeze %dma_wait3A_179 : memref<1x40x16xf32, #tpu.memory_space<vmem>> -> memref<40x16xf32, #tpu.memory_space<vmem>>
      %dma_wait3A_181 = arith.constant 0 : i32
      %dma_wait3A_182 = tpu.memref_slice %arg19[%run_scoped3A_90, %mul3A_89, %dma_wait3A_181] : memref<16x640x16xf32, #tpu.memory_space<vmem_shared>> -> memref<1x40x16xf32, #tpu.memory_space<vmem_shared>>
      %dma_wait3A_183 = tpu.memref_squeeze %dma_wait3A_182 : memref<1x40x16xf32, #tpu.memory_space<vmem_shared>> -> memref<40x16xf32, #tpu.memory_space<vmem_shared>>
      tpu.wait_dma2 semaphore(%run_scoped3A_157 : memref<!tpu.dma_semaphore, #tpu.memory_space<semaphore_mem>>) src(%dma_wait3A_183 : memref<40x16xf32, #tpu.memory_space<vmem_shared>>) dst(%dma_wait3A_180 : memref<40x16xf32, #tpu.memory_space<vmem>>)
      tpu.yield
    }) : () -> ()
    %mul3A_92 = arith.constant 40 : i32
    %mul3A_93 = arith.muli %arg1, %mul3A_92 : i32
    %run_scoped3A_94 = arith.constant 15 : i32
    %run_scoped3A_95 = arith.constant 15 : i32
    "tpu.region"() ({
      %run_scoped3A_157 = tpu.sem_alloc : memref<!tpu.dma_semaphore, #tpu.memory_space<semaphore_mem>>
      %dma_start3A = arith.constant 0 : i32
      %dma_start3A_158 = arith.constant 0 : i32
      %dma_start3A_159 = tpu.memref_slice %arg13[%run_scoped3A_95, %dma_start3A, %dma_start3A_158] : memref<16x40x16xf32, #tpu.memory_space<vmem>> -> memref<1x40x16xf32, #tpu.memory_space<vmem>>
      %dma_start3A_160 = tpu.memref_squeeze %dma_start3A_159 : memref<1x40x16xf32, #tpu.memory_space<vmem>> -> memref<40x16xf32, #tpu.memory_space<vmem>>
      %dma_start3A_161 = arith.constant 0 : i32
      %dma_start3A_162 = tpu.memref_slice %arg19[%run_scoped3A_94, %mul3A_93, %dma_start3A_161] : memref<16x640x16xf32, #tpu.memory_space<vmem_shared>> -> memref<1x40x16xf32, #tpu.memory_space<vmem_shared>>
      %dma_start3A_163 = tpu.memref_squeeze %dma_start3A_162 : memref<1x40x16xf32, #tpu.memory_space<vmem_shared>> -> memref<40x16xf32, #tpu.memory_space<vmem_shared>>
      %dma_start3A_164 = arith.constant 0 : i32
      %dma_start3A_165 = arith.constant 0 : i32
      %dma_start3A_166 = tpu.memref_slice %arg13[%run_scoped3A_95, %dma_start3A_164, %dma_start3A_165] : memref<16x40x16xf32, #tpu.memory_space<vmem>> -> memref<1x40x16xf32, #tpu.memory_space<vmem>>
      %dma_start3A_167 = tpu.memref_squeeze %dma_start3A_166 : memref<1x40x16xf32, #tpu.memory_space<vmem>> -> memref<40x16xf32, #tpu.memory_space<vmem>>
      %dma_start3A_168 = arith.constant 0 : i32
      %dma_start3A_169 = tpu.memref_slice %arg19[%run_scoped3A_94, %mul3A_93, %dma_start3A_168] : memref<16x640x16xf32, #tpu.memory_space<vmem_shared>> -> memref<1x40x16xf32, #tpu.memory_space<vmem_shared>>
      %dma_start3A_170 = tpu.memref_squeeze %dma_start3A_169 : memref<1x40x16xf32, #tpu.memory_space<vmem_shared>> -> memref<40x16xf32, #tpu.memory_space<vmem_shared>>
      tpu.enqueue_dma source(%dma_start3A_170 : memref<40x16xf32, #tpu.memory_space<vmem_shared>>) target(%dma_start3A_167 : memref<40x16xf32, #tpu.memory_space<vmem>>) target_semaphore(%run_scoped3A_157 : memref<!tpu.dma_semaphore, #tpu.memory_space<semaphore_mem>>)
      %dma_wait3A = arith.constant 0 : i32
      %dma_wait3A_171 = arith.constant 0 : i32
      %dma_wait3A_172 = tpu.memref_slice %arg13[%run_scoped3A_95, %dma_wait3A, %dma_wait3A_171] : memref<16x40x16xf32, #tpu.memory_space<vmem>> -> memref<1x40x16xf32, #tpu.memory_space<vmem>>
      %dma_wait3A_173 = tpu.memref_squeeze %dma_wait3A_172 : memref<1x40x16xf32, #tpu.memory_space<vmem>> -> memref<40x16xf32, #tpu.memory_space<vmem>>
      %dma_wait3A_174 = arith.constant 0 : i32
      %dma_wait3A_175 = tpu.memref_slice %arg19[%run_scoped3A_94, %mul3A_93, %dma_wait3A_174] : memref<16x640x16xf32, #tpu.memory_space<vmem_shared>> -> memref<1x40x16xf32, #tpu.memory_space<vmem_shared>>
      %dma_wait3A_176 = tpu.memref_squeeze %dma_wait3A_175 : memref<1x40x16xf32, #tpu.memory_space<vmem_shared>> -> memref<40x16xf32, #tpu.memory_space<vmem_shared>>
      %dma_wait3A_177 = arith.constant 0 : i32
      %dma_wait3A_178 = arith.constant 0 : i32
      %dma_wait3A_179 = tpu.memref_slice %arg13[%run_scoped3A_95, %dma_wait3A_177, %dma_wait3A_178] : memref<16x40x16xf32, #tpu.memory_space<vmem>> -> memref<1x40x16xf32, #tpu.memory_space<vmem>>
      %dma_wait3A_180 = tpu.memref_squeeze %dma_wait3A_179 : memref<1x40x16xf32, #tpu.memory_space<vmem>> -> memref<40x16xf32, #tpu.memory_space<vmem>>
      %dma_wait3A_181 = arith.constant 0 : i32
      %dma_wait3A_182 = tpu.memref_slice %arg19[%run_scoped3A_94, %mul3A_93, %dma_wait3A_181] : memref<16x640x16xf32, #tpu.memory_space<vmem_shared>> -> memref<1x40x16xf32, #tpu.memory_space<vmem_shared>>
      %dma_wait3A_183 = tpu.memref_squeeze %dma_wait3A_182 : memref<1x40x16xf32, #tpu.memory_space<vmem_shared>> -> memref<40x16xf32, #tpu.memory_space<vmem_shared>>
      tpu.wait_dma2 semaphore(%run_scoped3A_157 : memref<!tpu.dma_semaphore, #tpu.memory_space<semaphore_mem>>) src(%dma_wait3A_183 : memref<40x16xf32, #tpu.memory_space<vmem_shared>>) dst(%dma_wait3A_180 : memref<40x16xf32, #tpu.memory_space<vmem>>)
      tpu.yield
    }) : () -> ()
    %mul3A_96 = arith.constant 640 : i32
    %mul3A_97 = arith.muli %arg1, %mul3A_96 : i32
    "tpu.region"() ({
      %run_scoped3A_157 = tpu.sem_alloc : memref<!tpu.dma_semaphore, #tpu.memory_space<semaphore_mem>>
      %dma_start3A = arith.constant 0 : i32
      %dma_start3A_158 = tpu.memref_slice %arg2[%mul3A_97, %dma_start3A] : memref<10240x16xf32, #tpu.memory_space<hbm>> -> memref<640x16xf32, #tpu.memory_space<hbm>>
      %dma_start3A_159 = arith.constant 0 : i32
      %dma_start3A_160 = tpu.memref_slice %arg2[%mul3A_97, %dma_start3A_159] : memref<10240x16xf32, #tpu.memory_space<hbm>> -> memref<640x16xf32, #tpu.memory_space<hbm>>
      tpu.enqueue_dma source(%dma_start3A_160 : memref<640x16xf32, #tpu.memory_space<hbm>>) target(%arg15 : memref<640x16xf32, #tpu.memory_space<vmem>>) target_semaphore(%run_scoped3A_157 : memref<!tpu.dma_semaphore, #tpu.memory_space<semaphore_mem>>)
      %dma_wait3A = arith.constant 0 : i32
      %dma_wait3A_161 = tpu.memref_slice %arg2[%mul3A_97, %dma_wait3A] : memref<10240x16xf32, #tpu.memory_space<hbm>> -> memref<640x16xf32, #tpu.memory_space<hbm>>
      %dma_wait3A_162 = arith.constant 0 : i32
      %dma_wait3A_163 = tpu.memref_slice %arg2[%mul3A_97, %dma_wait3A_162] : memref<10240x16xf32, #tpu.memory_space<hbm>> -> memref<640x16xf32, #tpu.memory_space<hbm>>
      tpu.wait_dma2 semaphore(%run_scoped3A_157 : memref<!tpu.dma_semaphore, #tpu.memory_space<semaphore_mem>>) src(%dma_wait3A_163 : memref<640x16xf32, #tpu.memory_space<hbm>>) dst(%arg15 : memref<640x16xf32, #tpu.memory_space<vmem>>)
      tpu.yield
    }) : () -> ()
    %broadcast_in_dim3A_98 = arith.constant 0 : i32
    %broadcast_in_dim3A_99 = vector.broadcast %broadcast_in_dim3A_98 : i32 to vector<16xi32>
    %broadcast_in_dim3A_100 = arith.constant 1 : i32
    %broadcast_in_dim3A_101 = vector.broadcast %broadcast_in_dim3A_100 : i32 to vector<16xi32>
    %broadcast_in_dim3A_102 = arith.constant 2 : i32
    %broadcast_in_dim3A_103 = vector.broadcast %broadcast_in_dim3A_102 : i32 to vector<16xi32>
    %broadcast_in_dim3A_104 = arith.constant 3 : i32
    %broadcast_in_dim3A_105 = vector.broadcast %broadcast_in_dim3A_104 : i32 to vector<16xi32>
    %broadcast_in_dim3A_106 = arith.constant 4 : i32
    %broadcast_in_dim3A_107 = vector.broadcast %broadcast_in_dim3A_106 : i32 to vector<16xi32>
    %broadcast_in_dim3A_108 = arith.constant 5 : i32
    %broadcast_in_dim3A_109 = vector.broadcast %broadcast_in_dim3A_108 : i32 to vector<16xi32>
    %broadcast_in_dim3A_110 = arith.constant 6 : i32
    %broadcast_in_dim3A_111 = vector.broadcast %broadcast_in_dim3A_110 : i32 to vector<16xi32>
    %broadcast_in_dim3A_112 = arith.constant 7 : i32
    %broadcast_in_dim3A_113 = vector.broadcast %broadcast_in_dim3A_112 : i32 to vector<16xi32>
    %broadcast_in_dim3A_114 = arith.constant 8 : i32
    %broadcast_in_dim3A_115 = vector.broadcast %broadcast_in_dim3A_114 : i32 to vector<16xi32>
    %broadcast_in_dim3A_116 = arith.constant 9 : i32
    %broadcast_in_dim3A_117 = vector.broadcast %broadcast_in_dim3A_116 : i32 to vector<16xi32>
    %broadcast_in_dim3A_118 = arith.constant 10 : i32
    %broadcast_in_dim3A_119 = vector.broadcast %broadcast_in_dim3A_118 : i32 to vector<16xi32>
    %broadcast_in_dim3A_120 = arith.constant 11 : i32
    %broadcast_in_dim3A_121 = vector.broadcast %broadcast_in_dim3A_120 : i32 to vector<16xi32>
    %broadcast_in_dim3A_122 = arith.constant 12 : i32
    %broadcast_in_dim3A_123 = vector.broadcast %broadcast_in_dim3A_122 : i32 to vector<16xi32>
    %broadcast_in_dim3A_124 = arith.constant 13 : i32
    %broadcast_in_dim3A_125 = vector.broadcast %broadcast_in_dim3A_124 : i32 to vector<16xi32>
    %broadcast_in_dim3A_126 = arith.constant 14 : i32
    %broadcast_in_dim3A_127 = vector.broadcast %broadcast_in_dim3A_126 : i32 to vector<16xi32>
    %broadcast_in_dim3A_128 = arith.constant 15 : i32
    %broadcast_in_dim3A_129 = vector.broadcast %broadcast_in_dim3A_128 : i32 to vector<16xi32>
    %scan3A_130 = arith.constant 0 : i32
    %scan3A_131 = arith.constant 0 : i32
    %scan3A_132 = arith.constant 40 : i32
    %scan3A_133 = arith.addi %scan3A_131, %scan3A_132 : i32
    %scan3A_134 = arith.constant 1 : i32
    scf.for %scan3A_157 = %scan3A_131 to %scan3A_133 step %scan3A_134  : i32 {
      %get3A = arith.constant 0 : i32
      %get3A_158 = arith.index_cast %get3A : i32 to index
      %get3A_159 = arith.index_cast %scan3A_157 : i32 to index
      %get3A_160 = arith.constant 0 : index
      %get3A_161 = tpu.vector_load %arg13[%get3A_158, %get3A_159, %get3A_160] {strides = array<i32>} : memref<16x40x16xf32, #tpu.memory_space<vmem>>, vector<16xf32>,
      %add3A_162 = arith.constant 1.000000e+00 : f32
      %add3A_163 = vector.broadcast %add3A_162 : f32 to vector<16xf32>
      %add3A_164 = arith.addf %get3A_161, %add3A_163 : vector<16xf32>
      %get3A_165 = arith.constant 1 : i32
      %get3A_166 = arith.index_cast %get3A_165 : i32 to index
      %get3A_167 = arith.index_cast %scan3A_157 : i32 to index
      %get3A_168 = arith.constant 0 : index
      %get3A_169 = tpu.vector_load %arg13[%get3A_166, %get3A_167, %get3A_168] {strides = array<i32>} : memref<16x40x16xf32, #tpu.memory_space<vmem>>, vector<16xf32>,
      %add3A_170 = arith.addf %add3A_164, %get3A_169 : vector<16xf32>
      %get3A_171 = arith.constant 2 : i32
      %get3A_172 = arith.index_cast %get3A_171 : i32 to index
      %get3A_173 = arith.index_cast %scan3A_157 : i32 to index
      %get3A_174 = arith.constant 0 : index
      %get3A_175 = tpu.vector_load %arg13[%get3A_172, %get3A_173, %get3A_174] {strides = array<i32>} : memref<16x40x16xf32, #tpu.memory_space<vmem>>, vector<16xf32>,
      %add3A_176 = arith.addf %add3A_170, %get3A_175 : vector<16xf32>
      %get3A_177 = arith.constant 3 : i32
      %get3A_178 = arith.index_cast %get3A_177 : i32 to index
      %get3A_179 = arith.index_cast %scan3A_157 : i32 to index
      %get3A_180 = arith.constant 0 : index
      %get3A_181 = tpu.vector_load %arg13[%get3A_178, %get3A_179, %get3A_180] {strides = array<i32>} : memref<16x40x16xf32, #tpu.memory_space<vmem>>, vector<16xf32>,
      %add3A_182 = arith.addf %add3A_176, %get3A_181 : vector<16xf32>
      %get3A_183 = arith.constant 4 : i32
      %get3A_184 = arith.index_cast %get3A_183 : i32 to index
      %get3A_185 = arith.index_cast %scan3A_157 : i32 to index
      %get3A_186 = arith.constant 0 : index
      %get3A_187 = tpu.vector_load %arg13[%get3A_184, %get3A_185, %get3A_186] {strides = array<i32>} : memref<16x40x16xf32, #tpu.memory_space<vmem>>, vector<16xf32>,
      %add3A_188 = arith.addf %add3A_182, %get3A_187 : vector<16xf32>
      %get3A_189 = arith.constant 5 : i32
      %get3A_190 = arith.index_cast %get3A_189 : i32 to index
      %get3A_191 = arith.index_cast %scan3A_157 : i32 to index
      %get3A_192 = arith.constant 0 : index
      %get3A_193 = tpu.vector_load %arg13[%get3A_190, %get3A_191, %get3A_192] {strides = array<i32>} : memref<16x40x16xf32, #tpu.memory_space<vmem>>, vector<16xf32>,
      %add3A_194 = arith.addf %add3A_188, %get3A_193 : vector<16xf32>
      %get3A_195 = arith.constant 6 : i32
      %get3A_196 = arith.index_cast %get3A_195 : i32 to index
      %get3A_197 = arith.index_cast %scan3A_157 : i32 to index
      %get3A_198 = arith.constant 0 : index
      %get3A_199 = tpu.vector_load %arg13[%get3A_196, %get3A_197, %get3A_198] {strides = array<i32>} : memref<16x40x16xf32, #tpu.memory_space<vmem>>, vector<16xf32>,
      %add3A_200 = arith.addf %add3A_194, %get3A_199 : vector<16xf32>
      %get3A_201 = arith.constant 7 : i32
      %get3A_202 = arith.index_cast %get3A_201 : i32 to index
      %get3A_203 = arith.index_cast %scan3A_157 : i32 to index
      %get3A_204 = arith.constant 0 : index
      %get3A_205 = tpu.vector_load %arg13[%get3A_202, %get3A_203, %get3A_204] {strides = array<i32>} : memref<16x40x16xf32, #tpu.memory_space<vmem>>, vector<16xf32>,
      %add3A_206 = arith.addf %add3A_200, %get3A_205 : vector<16xf32>
      %get3A_207 = arith.constant 8 : i32
      %get3A_208 = arith.index_cast %get3A_207 : i32 to index
      %get3A_209 = arith.index_cast %scan3A_157 : i32 to index
      %get3A_210 = arith.constant 0 : index
      %get3A_211 = tpu.vector_load %arg13[%get3A_208, %get3A_209, %get3A_210] {strides = array<i32>} : memref<16x40x16xf32, #tpu.memory_space<vmem>>, vector<16xf32>,
      %add3A_212 = arith.addf %add3A_206, %get3A_211 : vector<16xf32>
      %get3A_213 = arith.constant 9 : i32
      %get3A_214 = arith.index_cast %get3A_213 : i32 to index
      %get3A_215 = arith.index_cast %scan3A_157 : i32 to index
      %get3A_216 = arith.constant 0 : index
      %get3A_217 = tpu.vector_load %arg13[%get3A_214, %get3A_215, %get3A_216] {strides = array<i32>} : memref<16x40x16xf32, #tpu.memory_space<vmem>>, vector<16xf32>,
      %add3A_218 = arith.addf %add3A_212, %get3A_217 : vector<16xf32>
      %get3A_219 = arith.constant 10 : i32
      %get3A_220 = arith.index_cast %get3A_219 : i32 to index
      %get3A_221 = arith.index_cast %scan3A_157 : i32 to index
      %get3A_222 = arith.constant 0 : index
      %get3A_223 = tpu.vector_load %arg13[%get3A_220, %get3A_221, %get3A_222] {strides = array<i32>} : memref<16x40x16xf32, #tpu.memory_space<vmem>>, vector<16xf32>,
      %add3A_224 = arith.addf %add3A_218, %get3A_223 : vector<16xf32>
      %get3A_225 = arith.constant 11 : i32
      %get3A_226 = arith.index_cast %get3A_225 : i32 to index
      %get3A_227 = arith.index_cast %scan3A_157 : i32 to index
      %get3A_228 = arith.constant 0 : index
      %get3A_229 = tpu.vector_load %arg13[%get3A_226, %get3A_227, %get3A_228] {strides = array<i32>} : memref<16x40x16xf32, #tpu.memory_space<vmem>>, vector<16xf32>,
      %add3A_230 = arith.addf %add3A_224, %get3A_229 : vector<16xf32>
      %get3A_231 = arith.constant 12 : i32
      %get3A_232 = arith.index_cast %get3A_231 : i32 to index
      %get3A_233 = arith.index_cast %scan3A_157 : i32 to index
      %get3A_234 = arith.constant 0 : index
      %get3A_235 = tpu.vector_load %arg13[%get3A_232, %get3A_233, %get3A_234] {strides = array<i32>} : memref<16x40x16xf32, #tpu.memory_space<vmem>>, vector<16xf32>,
      %add3A_236 = arith.addf %add3A_230, %get3A_235 : vector<16xf32>
      %get3A_237 = arith.constant 13 : i32
      %get3A_238 = arith.index_cast %get3A_237 : i32 to index
      %get3A_239 = arith.index_cast %scan3A_157 : i32 to index
      %get3A_240 = arith.constant 0 : index
      %get3A_241 = tpu.vector_load %arg13[%get3A_238, %get3A_239, %get3A_240] {strides = array<i32>} : memref<16x40x16xf32, #tpu.memory_space<vmem>>, vector<16xf32>,
      %add3A_242 = arith.addf %add3A_236, %get3A_241 : vector<16xf32>
      %get3A_243 = arith.constant 14 : i32
      %get3A_244 = arith.index_cast %get3A_243 : i32 to index
      %get3A_245 = arith.index_cast %scan3A_157 : i32 to index
      %get3A_246 = arith.constant 0 : index
      %get3A_247 = tpu.vector_load %arg13[%get3A_244, %get3A_245, %get3A_246] {strides = array<i32>} : memref<16x40x16xf32, #tpu.memory_space<vmem>>, vector<16xf32>,
      %add3A_248 = arith.addf %add3A_242, %get3A_247 : vector<16xf32>
      %get3A_249 = arith.constant 15 : i32
      %get3A_250 = arith.index_cast %get3A_249 : i32 to index
      %get3A_251 = arith.index_cast %scan3A_157 : i32 to index
      %get3A_252 = arith.constant 0 : index
      %get3A_253 = tpu.vector_load %arg13[%get3A_250, %get3A_251, %get3A_252] {strides = array<i32>} : memref<16x40x16xf32, #tpu.memory_space<vmem>>, vector<16xf32>,
      %add3A_254 = arith.addf %add3A_248, %get3A_253 : vector<16xf32>
      %bitcast3A = vector.bitcast %add3A_254 : vector<16xf32> to vector<16xi32>
      %shift_right_logical3A = arith.constant 1 : i32
      %shift_right_logical3A_255 = vector.broadcast %shift_right_logical3A : i32 to vector<16xi32>
      %shift_right_logical3A_256 = arith.shrui %bitcast3A, %shift_right_logical3A_255 : vector<16xi32>
      %sub3A = arith.constant 1597463007 : i32
      %sub3A_257 = vector.broadcast %sub3A : i32 to vector<16xi32>
      %sub3A_258 = arith.subi %sub3A_257, %shift_right_logical3A_256 : vector<16xi32>
      %bitcast3A_259 = vector.bitcast %sub3A_258 : vector<16xi32> to vector<16xf32>
      %mul3A_260 = arith.constant 5.000000e-01 : f32
      %mul3A_261 = vector.broadcast %mul3A_260 : f32 to vector<16xf32>
      %mul3A_262 = arith.mulf %mul3A_261, %add3A_254 : vector<16xf32>
      %mul3A_263 = arith.mulf %mul3A_262, %bitcast3A_259 : vector<16xf32>
      %mul3A_264 = arith.mulf %mul3A_263, %bitcast3A_259 : vector<16xf32>
      %sub3A_265 = arith.constant 1.500000e+00 : f32
      %sub3A_266 = vector.broadcast %sub3A_265 : f32 to vector<16xf32>
      %sub3A_267 = arith.subf %sub3A_266, %mul3A_264 : vector<16xf32>
      %mul3A_268 = arith.mulf %bitcast3A_259, %sub3A_267 : vector<16xf32>
      %mul3A_269 = arith.constant 5.000000e-01 : f32
      %mul3A_270 = vector.broadcast %mul3A_269 : f32 to vector<16xf32>
      %mul3A_271 = arith.mulf %mul3A_270, %add3A_254 : vector<16xf32>
      %mul3A_272 = arith.mulf %mul3A_271, %mul3A_268 : vector<16xf32>
      %mul3A_273 = arith.mulf %mul3A_272, %mul3A_268 : vector<16xf32>
      %sub3A_274 = arith.constant 1.500000e+00 : f32
      %sub3A_275 = vector.broadcast %sub3A_274 : f32 to vector<16xf32>
      %sub3A_276 = arith.subf %sub3A_275, %mul3A_273 : vector<16xf32>
      %mul3A_277 = arith.mulf %mul3A_268, %sub3A_276 : vector<16xf32>
      %mul3A_278 = arith.constant 5.000000e-01 : f32
      %mul3A_279 = vector.broadcast %mul3A_278 : f32 to vector<16xf32>
      %mul3A_280 = arith.mulf %mul3A_279, %add3A_254 : vector<16xf32>
      %mul3A_281 = arith.mulf %mul3A_280, %mul3A_277 : vector<16xf32>
      %mul3A_282 = arith.mulf %mul3A_281, %mul3A_277 : vector<16xf32>
      %sub3A_283 = arith.constant 1.500000e+00 : f32
      %sub3A_284 = vector.broadcast %sub3A_283 : f32 to vector<16xf32>
      %sub3A_285 = arith.subf %sub3A_284, %mul3A_282 : vector<16xf32>
      %mul3A_286 = arith.mulf %mul3A_277, %sub3A_285 : vector<16xf32>
      %mul3A_287 = arith.constant 16 : i32
      %mul3A_288 = arith.muli %scan3A_157, %mul3A_287 : i32
      %swap3A = arith.index_cast %mul3A_288 : i32 to index
      %swap3A_289 = tpu.vector_load %arg14[%swap3A] {strides = array<i32>} : memref<640xf32, #tpu.memory_space<vmem>>, vector<16xf32>,
      tpu.vector_store %arg14[%swap3A], %mul3A_286 {strides = array<i32>} : memref<640xf32, #tpu.memory_space<vmem>>, vector<16xf32>,
      %mul3A_290 = arith.constant 16 : i32
      %mul3A_291 = arith.muli %scan3A_157, %mul3A_290 : i32
      %add3A_292 = arith.constant 0 : i32
      %add3A_293 = arith.addi %mul3A_291, %add3A_292 : i32
      %get3A_294 = arith.index_cast %add3A_293 : i32 to index
      %get3A_295 = arith.constant 0 : index
      %get3A_296 = tpu.vector_load %arg15[%get3A_294, %get3A_295] {strides = array<i32>} : memref<640x16xf32, #tpu.memory_space<vmem>>, vector<16xf32>,
      %broadcast_in_dim3A_297 = vector.shape_cast %broadcast_in_dim3A_99 : vector<16xi32> to vector<16x1xi32>
      %gather3A = vector.shape_cast %broadcast_in_dim3A_297 : vector<16x1xi32> to vector<16xi32>
      %gather3A_298 = tpu.dynamic_gather %mul3A_286[%gather3A] in [0] : vector<16xf32>, vector<16xi32> -> vector<16xf32>
      %mul3A_299 = arith.mulf %get3A_296, %gather3A_298 : vector<16xf32>
      %swap3A_300 = arith.index_cast %add3A_293 : i32 to index
      %swap3A_301 = arith.constant 0 : index
      %swap3A_302 = tpu.vector_load %arg15[%swap3A_300, %swap3A_301] {strides = array<i32>} : memref<640x16xf32, #tpu.memory_space<vmem>>, vector<16xf32>,
      tpu.vector_store %arg15[%swap3A_300, %swap3A_301], %mul3A_299 {strides = array<i32>} : memref<640x16xf32, #tpu.memory_space<vmem>>, vector<16xf32>,
      %mul3A_303 = arith.constant 16 : i32
      %mul3A_304 = arith.muli %scan3A_157, %mul3A_303 : i32
      %add3A_305 = arith.constant 1 : i32
      %add3A_306 = arith.addi %mul3A_304, %add3A_305 : i32
      %get3A_307 = arith.index_cast %add3A_306 : i32 to index
      %get3A_308 = arith.constant 0 : index
      %get3A_309 = tpu.vector_load %arg15[%get3A_307, %get3A_308] {strides = array<i32>} : memref<640x16xf32, #tpu.memory_space<vmem>>, vector<16xf32>,
      %broadcast_in_dim3A_310 = vector.shape_cast %broadcast_in_dim3A_101 : vector<16xi32> to vector<16x1xi32>
      %gather3A_311 = vector.shape_cast %broadcast_in_dim3A_310 : vector<16x1xi32> to vector<16xi32>
      %gather3A_312 = tpu.dynamic_gather %mul3A_286[%gather3A_311] in [0] : vector<16xf32>, vector<16xi32> -> vector<16xf32>
      %mul3A_313 = arith.mulf %get3A_309, %gather3A_312 : vector<16xf32>
      %swap3A_314 = arith.index_cast %add3A_306 : i32 to index
      %swap3A_315 = arith.constant 0 : index
      %swap3A_316 = tpu.vector_load %arg15[%swap3A_314, %swap3A_315] {strides = array<i32>} : memref<640x16xf32, #tpu.memory_space<vmem>>, vector<16xf32>,
      tpu.vector_store %arg15[%swap3A_314, %swap3A_315], %mul3A_313 {strides = array<i32>} : memref<640x16xf32, #tpu.memory_space<vmem>>, vector<16xf32>,
      %mul3A_317 = arith.constant 16 : i32
      %mul3A_318 = arith.muli %scan3A_157, %mul3A_317 : i32
      %add3A_319 = arith.constant 2 : i32
      %add3A_320 = arith.addi %mul3A_318, %add3A_319 : i32
      %get3A_321 = arith.index_cast %add3A_320 : i32 to index
      %get3A_322 = arith.constant 0 : index
      %get3A_323 = tpu.vector_load %arg15[%get3A_321, %get3A_322] {strides = array<i32>} : memref<640x16xf32, #tpu.memory_space<vmem>>, vector<16xf32>,
      %broadcast_in_dim3A_324 = vector.shape_cast %broadcast_in_dim3A_103 : vector<16xi32> to vector<16x1xi32>
      %gather3A_325 = vector.shape_cast %broadcast_in_dim3A_324 : vector<16x1xi32> to vector<16xi32>
      %gather3A_326 = tpu.dynamic_gather %mul3A_286[%gather3A_325] in [0] : vector<16xf32>, vector<16xi32> -> vector<16xf32>
      %mul3A_327 = arith.mulf %get3A_323, %gather3A_326 : vector<16xf32>
      %swap3A_328 = arith.index_cast %add3A_320 : i32 to index
      %swap3A_329 = arith.constant 0 : index
      %swap3A_330 = tpu.vector_load %arg15[%swap3A_328, %swap3A_329] {strides = array<i32>} : memref<640x16xf32, #tpu.memory_space<vmem>>, vector<16xf32>,
      tpu.vector_store %arg15[%swap3A_328, %swap3A_329], %mul3A_327 {strides = array<i32>} : memref<640x16xf32, #tpu.memory_space<vmem>>, vector<16xf32>,
      %mul3A_331 = arith.constant 16 : i32
      %mul3A_332 = arith.muli %scan3A_157, %mul3A_331 : i32
      %add3A_333 = arith.constant 3 : i32
      %add3A_334 = arith.addi %mul3A_332, %add3A_333 : i32
      %get3A_335 = arith.index_cast %add3A_334 : i32 to index
      %get3A_336 = arith.constant 0 : index
      %get3A_337 = tpu.vector_load %arg15[%get3A_335, %get3A_336] {strides = array<i32>} : memref<640x16xf32, #tpu.memory_space<vmem>>, vector<16xf32>,
      %broadcast_in_dim3A_338 = vector.shape_cast %broadcast_in_dim3A_105 : vector<16xi32> to vector<16x1xi32>
      %gather3A_339 = vector.shape_cast %broadcast_in_dim3A_338 : vector<16x1xi32> to vector<16xi32>
      %gather3A_340 = tpu.dynamic_gather %mul3A_286[%gather3A_339] in [0] : vector<16xf32>, vector<16xi32> -> vector<16xf32>
      %mul3A_341 = arith.mulf %get3A_337, %gather3A_340 : vector<16xf32>
      %swap3A_342 = arith.index_cast %add3A_334 : i32 to index
      %swap3A_343 = arith.constant 0 : index
      %swap3A_344 = tpu.vector_load %arg15[%swap3A_342, %swap3A_343] {strides = array<i32>} : memref<640x16xf32, #tpu.memory_space<vmem>>, vector<16xf32>,
      tpu.vector_store %arg15[%swap3A_342, %swap3A_343], %mul3A_341 {strides = array<i32>} : memref<640x16xf32, #tpu.memory_space<vmem>>, vector<16xf32>,
      %mul3A_345 = arith.constant 16 : i32
      %mul3A_346 = arith.muli %scan3A_157, %mul3A_345 : i32
      %add3A_347 = arith.constant 4 : i32
      %add3A_348 = arith.addi %mul3A_346, %add3A_347 : i32
      %get3A_349 = arith.index_cast %add3A_348 : i32 to index
      %get3A_350 = arith.constant 0 : index
      %get3A_351 = tpu.vector_load %arg15[%get3A_349, %get3A_350] {strides = array<i32>} : memref<640x16xf32, #tpu.memory_space<vmem>>, vector<16xf32>,
      %broadcast_in_dim3A_352 = vector.shape_cast %broadcast_in_dim3A_107 : vector<16xi32> to vector<16x1xi32>
      %gather3A_353 = vector.shape_cast %broadcast_in_dim3A_352 : vector<16x1xi32> to vector<16xi32>
      %gather3A_354 = tpu.dynamic_gather %mul3A_286[%gather3A_353] in [0] : vector<16xf32>, vector<16xi32> -> vector<16xf32>
      %mul3A_355 = arith.mulf %get3A_351, %gather3A_354 : vector<16xf32>
      %swap3A_356 = arith.index_cast %add3A_348 : i32 to index
      %swap3A_357 = arith.constant 0 : index
      %swap3A_358 = tpu.vector_load %arg15[%swap3A_356, %swap3A_357] {strides = array<i32>} : memref<640x16xf32, #tpu.memory_space<vmem>>, vector<16xf32>,
      tpu.vector_store %arg15[%swap3A_356, %swap3A_357], %mul3A_355 {strides = array<i32>} : memref<640x16xf32, #tpu.memory_space<vmem>>, vector<16xf32>,
      %mul3A_359 = arith.constant 16 : i32
      %mul3A_360 = arith.muli %scan3A_157, %mul3A_359 : i32
      %add3A_361 = arith.constant 5 : i32
      %add3A_362 = arith.addi %mul3A_360, %add3A_361 : i32
      %get3A_363 = arith.index_cast %add3A_362 : i32 to index
      %get3A_364 = arith.constant 0 : index
      %get3A_365 = tpu.vector_load %arg15[%get3A_363, %get3A_364] {strides = array<i32>} : memref<640x16xf32, #tpu.memory_space<vmem>>, vector<16xf32>,
      %broadcast_in_dim3A_366 = vector.shape_cast %broadcast_in_dim3A_109 : vector<16xi32> to vector<16x1xi32>
      %gather3A_367 = vector.shape_cast %broadcast_in_dim3A_366 : vector<16x1xi32> to vector<16xi32>
      %gather3A_368 = tpu.dynamic_gather %mul3A_286[%gather3A_367] in [0] : vector<16xf32>, vector<16xi32> -> vector<16xf32>
      %mul3A_369 = arith.mulf %get3A_365, %gather3A_368 : vector<16xf32>
      %swap3A_370 = arith.index_cast %add3A_362 : i32 to index
      %swap3A_371 = arith.constant 0 : index
      %swap3A_372 = tpu.vector_load %arg15[%swap3A_370, %swap3A_371] {strides = array<i32>} : memref<640x16xf32, #tpu.memory_space<vmem>>, vector<16xf32>,
      tpu.vector_store %arg15[%swap3A_370, %swap3A_371], %mul3A_369 {strides = array<i32>} : memref<640x16xf32, #tpu.memory_space<vmem>>, vector<16xf32>,
      %mul3A_373 = arith.constant 16 : i32
      %mul3A_374 = arith.muli %scan3A_157, %mul3A_373 : i32
      %add3A_375 = arith.constant 6 : i32
      %add3A_376 = arith.addi %mul3A_374, %add3A_375 : i32
      %get3A_377 = arith.index_cast %add3A_376 : i32 to index
      %get3A_378 = arith.constant 0 : index
      %get3A_379 = tpu.vector_load %arg15[%get3A_377, %get3A_378] {strides = array<i32>} : memref<640x16xf32, #tpu.memory_space<vmem>>, vector<16xf32>,
      %broadcast_in_dim3A_380 = vector.shape_cast %broadcast_in_dim3A_111 : vector<16xi32> to vector<16x1xi32>
      %gather3A_381 = vector.shape_cast %broadcast_in_dim3A_380 : vector<16x1xi32> to vector<16xi32>
      %gather3A_382 = tpu.dynamic_gather %mul3A_286[%gather3A_381] in [0] : vector<16xf32>, vector<16xi32> -> vector<16xf32>
      %mul3A_383 = arith.mulf %get3A_379, %gather3A_382 : vector<16xf32>
      %swap3A_384 = arith.index_cast %add3A_376 : i32 to index
      %swap3A_385 = arith.constant 0 : index
      %swap3A_386 = tpu.vector_load %arg15[%swap3A_384, %swap3A_385] {strides = array<i32>} : memref<640x16xf32, #tpu.memory_space<vmem>>, vector<16xf32>,
      tpu.vector_store %arg15[%swap3A_384, %swap3A_385], %mul3A_383 {strides = array<i32>} : memref<640x16xf32, #tpu.memory_space<vmem>>, vector<16xf32>,
      %mul3A_387 = arith.constant 16 : i32
      %mul3A_388 = arith.muli %scan3A_157, %mul3A_387 : i32
      %add3A_389 = arith.constant 7 : i32
      %add3A_390 = arith.addi %mul3A_388, %add3A_389 : i32
      %get3A_391 = arith.index_cast %add3A_390 : i32 to index
      %get3A_392 = arith.constant 0 : index
      %get3A_393 = tpu.vector_load %arg15[%get3A_391, %get3A_392] {strides = array<i32>} : memref<640x16xf32, #tpu.memory_space<vmem>>, vector<16xf32>,
      %broadcast_in_dim3A_394 = vector.shape_cast %broadcast_in_dim3A_113 : vector<16xi32> to vector<16x1xi32>
      %gather3A_395 = vector.shape_cast %broadcast_in_dim3A_394 : vector<16x1xi32> to vector<16xi32>
      %gather3A_396 = tpu.dynamic_gather %mul3A_286[%gather3A_395] in [0] : vector<16xf32>, vector<16xi32> -> vector<16xf32>
      %mul3A_397 = arith.mulf %get3A_393, %gather3A_396 : vector<16xf32>
      %swap3A_398 = arith.index_cast %add3A_390 : i32 to index
      %swap3A_399 = arith.constant 0 : index
      %swap3A_400 = tpu.vector_load %arg15[%swap3A_398, %swap3A_399] {strides = array<i32>} : memref<640x16xf32, #tpu.memory_space<vmem>>, vector<16xf32>,
      tpu.vector_store %arg15[%swap3A_398, %swap3A_399], %mul3A_397 {strides = array<i32>} : memref<640x16xf32, #tpu.memory_space<vmem>>, vector<16xf32>,
      %mul3A_401 = arith.constant 16 : i32
      %mul3A_402 = arith.muli %scan3A_157, %mul3A_401 : i32
      %add3A_403 = arith.constant 8 : i32
      %add3A_404 = arith.addi %mul3A_402, %add3A_403 : i32
      %get3A_405 = arith.index_cast %add3A_404 : i32 to index
      %get3A_406 = arith.constant 0 : index
      %get3A_407 = tpu.vector_load %arg15[%get3A_405, %get3A_406] {strides = array<i32>} : memref<640x16xf32, #tpu.memory_space<vmem>>, vector<16xf32>,
      %broadcast_in_dim3A_408 = vector.shape_cast %broadcast_in_dim3A_115 : vector<16xi32> to vector<16x1xi32>
      %gather3A_409 = vector.shape_cast %broadcast_in_dim3A_408 : vector<16x1xi32> to vector<16xi32>
      %gather3A_410 = tpu.dynamic_gather %mul3A_286[%gather3A_409] in [0] : vector<16xf32>, vector<16xi32> -> vector<16xf32>
      %mul3A_411 = arith.mulf %get3A_407, %gather3A_410 : vector<16xf32>
      %swap3A_412 = arith.index_cast %add3A_404 : i32 to index
      %swap3A_413 = arith.constant 0 : index
      %swap3A_414 = tpu.vector_load %arg15[%swap3A_412, %swap3A_413] {strides = array<i32>} : memref<640x16xf32, #tpu.memory_space<vmem>>, vector<16xf32>,
      tpu.vector_store %arg15[%swap3A_412, %swap3A_413], %mul3A_411 {strides = array<i32>} : memref<640x16xf32, #tpu.memory_space<vmem>>, vector<16xf32>,
      %mul3A_415 = arith.constant 16 : i32
      %mul3A_416 = arith.muli %scan3A_157, %mul3A_415 : i32
      %add3A_417 = arith.constant 9 : i32
      %add3A_418 = arith.addi %mul3A_416, %add3A_417 : i32
      %get3A_419 = arith.index_cast %add3A_418 : i32 to index
      %get3A_420 = arith.constant 0 : index
      %get3A_421 = tpu.vector_load %arg15[%get3A_419, %get3A_420] {strides = array<i32>} : memref<640x16xf32, #tpu.memory_space<vmem>>, vector<16xf32>,
      %broadcast_in_dim3A_422 = vector.shape_cast %broadcast_in_dim3A_117 : vector<16xi32> to vector<16x1xi32>
      %gather3A_423 = vector.shape_cast %broadcast_in_dim3A_422 : vector<16x1xi32> to vector<16xi32>
      %gather3A_424 = tpu.dynamic_gather %mul3A_286[%gather3A_423] in [0] : vector<16xf32>, vector<16xi32> -> vector<16xf32>
      %mul3A_425 = arith.mulf %get3A_421, %gather3A_424 : vector<16xf32>
      %swap3A_426 = arith.index_cast %add3A_418 : i32 to index
      %swap3A_427 = arith.constant 0 : index
      %swap3A_428 = tpu.vector_load %arg15[%swap3A_426, %swap3A_427] {strides = array<i32>} : memref<640x16xf32, #tpu.memory_space<vmem>>, vector<16xf32>,
      tpu.vector_store %arg15[%swap3A_426, %swap3A_427], %mul3A_425 {strides = array<i32>} : memref<640x16xf32, #tpu.memory_space<vmem>>, vector<16xf32>,
      %mul3A_429 = arith.constant 16 : i32
      %mul3A_430 = arith.muli %scan3A_157, %mul3A_429 : i32
      %add3A_431 = arith.constant 10 : i32
      %add3A_432 = arith.addi %mul3A_430, %add3A_431 : i32
      %get3A_433 = arith.index_cast %add3A_432 : i32 to index
      %get3A_434 = arith.constant 0 : index
      %get3A_435 = tpu.vector_load %arg15[%get3A_433, %get3A_434] {strides = array<i32>} : memref<640x16xf32, #tpu.memory_space<vmem>>, vector<16xf32>,
      %broadcast_in_dim3A_436 = vector.shape_cast %broadcast_in_dim3A_119 : vector<16xi32> to vector<16x1xi32>
      %gather3A_437 = vector.shape_cast %broadcast_in_dim3A_436 : vector<16x1xi32> to vector<16xi32>
      %gather3A_438 = tpu.dynamic_gather %mul3A_286[%gather3A_437] in [0] : vector<16xf32>, vector<16xi32> -> vector<16xf32>
      %mul3A_439 = arith.mulf %get3A_435, %gather3A_438 : vector<16xf32>
      %swap3A_440 = arith.index_cast %add3A_432 : i32 to index
      %swap3A_441 = arith.constant 0 : index
      %swap3A_442 = tpu.vector_load %arg15[%swap3A_440, %swap3A_441] {strides = array<i32>} : memref<640x16xf32, #tpu.memory_space<vmem>>, vector<16xf32>,
      tpu.vector_store %arg15[%swap3A_440, %swap3A_441], %mul3A_439 {strides = array<i32>} : memref<640x16xf32, #tpu.memory_space<vmem>>, vector<16xf32>,
      %mul3A_443 = arith.constant 16 : i32
      %mul3A_444 = arith.muli %scan3A_157, %mul3A_443 : i32
      %add3A_445 = arith.constant 11 : i32
      %add3A_446 = arith.addi %mul3A_444, %add3A_445 : i32
      %get3A_447 = arith.index_cast %add3A_446 : i32 to index
      %get3A_448 = arith.constant 0 : index
      %get3A_449 = tpu.vector_load %arg15[%get3A_447, %get3A_448] {strides = array<i32>} : memref<640x16xf32, #tpu.memory_space<vmem>>, vector<16xf32>,
      %broadcast_in_dim3A_450 = vector.shape_cast %broadcast_in_dim3A_121 : vector<16xi32> to vector<16x1xi32>
      %gather3A_451 = vector.shape_cast %broadcast_in_dim3A_450 : vector<16x1xi32> to vector<16xi32>
      %gather3A_452 = tpu.dynamic_gather %mul3A_286[%gather3A_451] in [0] : vector<16xf32>, vector<16xi32> -> vector<16xf32>
      %mul3A_453 = arith.mulf %get3A_449, %gather3A_452 : vector<16xf32>
      %swap3A_454 = arith.index_cast %add3A_446 : i32 to index
      %swap3A_455 = arith.constant 0 : index
      %swap3A_456 = tpu.vector_load %arg15[%swap3A_454, %swap3A_455] {strides = array<i32>} : memref<640x16xf32, #tpu.memory_space<vmem>>, vector<16xf32>,
      tpu.vector_store %arg15[%swap3A_454, %swap3A_455], %mul3A_453 {strides = array<i32>} : memref<640x16xf32, #tpu.memory_space<vmem>>, vector<16xf32>,
      %mul3A_457 = arith.constant 16 : i32
      %mul3A_458 = arith.muli %scan3A_157, %mul3A_457 : i32
      %add3A_459 = arith.constant 12 : i32
      %add3A_460 = arith.addi %mul3A_458, %add3A_459 : i32
      %get3A_461 = arith.index_cast %add3A_460 : i32 to index
      %get3A_462 = arith.constant 0 : index
      %get3A_463 = tpu.vector_load %arg15[%get3A_461, %get3A_462] {strides = array<i32>} : memref<640x16xf32, #tpu.memory_space<vmem>>, vector<16xf32>,
      %broadcast_in_dim3A_464 = vector.shape_cast %broadcast_in_dim3A_123 : vector<16xi32> to vector<16x1xi32>
      %gather3A_465 = vector.shape_cast %broadcast_in_dim3A_464 : vector<16x1xi32> to vector<16xi32>
      %gather3A_466 = tpu.dynamic_gather %mul3A_286[%gather3A_465] in [0] : vector<16xf32>, vector<16xi32> -> vector<16xf32>
      %mul3A_467 = arith.mulf %get3A_463, %gather3A_466 : vector<16xf32>
      %swap3A_468 = arith.index_cast %add3A_460 : i32 to index
      %swap3A_469 = arith.constant 0 : index
      %swap3A_470 = tpu.vector_load %arg15[%swap3A_468, %swap3A_469] {strides = array<i32>} : memref<640x16xf32, #tpu.memory_space<vmem>>, vector<16xf32>,
      tpu.vector_store %arg15[%swap3A_468, %swap3A_469], %mul3A_467 {strides = array<i32>} : memref<640x16xf32, #tpu.memory_space<vmem>>, vector<16xf32>,
      %mul3A_471 = arith.constant 16 : i32
      %mul3A_472 = arith.muli %scan3A_157, %mul3A_471 : i32
      %add3A_473 = arith.constant 13 : i32
      %add3A_474 = arith.addi %mul3A_472, %add3A_473 : i32
      %get3A_475 = arith.index_cast %add3A_474 : i32 to index
      %get3A_476 = arith.constant 0 : index
      %get3A_477 = tpu.vector_load %arg15[%get3A_475, %get3A_476] {strides = array<i32>} : memref<640x16xf32, #tpu.memory_space<vmem>>, vector<16xf32>,
      %broadcast_in_dim3A_478 = vector.shape_cast %broadcast_in_dim3A_125 : vector<16xi32> to vector<16x1xi32>
      %gather3A_479 = vector.shape_cast %broadcast_in_dim3A_478 : vector<16x1xi32> to vector<16xi32>
      %gather3A_480 = tpu.dynamic_gather %mul3A_286[%gather3A_479] in [0] : vector<16xf32>, vector<16xi32> -> vector<16xf32>
      %mul3A_481 = arith.mulf %get3A_477, %gather3A_480 : vector<16xf32>
      %swap3A_482 = arith.index_cast %add3A_474 : i32 to index
      %swap3A_483 = arith.constant 0 : index
      %swap3A_484 = tpu.vector_load %arg15[%swap3A_482, %swap3A_483] {strides = array<i32>} : memref<640x16xf32, #tpu.memory_space<vmem>>, vector<16xf32>,
      tpu.vector_store %arg15[%swap3A_482, %swap3A_483], %mul3A_481 {strides = array<i32>} : memref<640x16xf32, #tpu.memory_space<vmem>>, vector<16xf32>,
      %mul3A_485 = arith.constant 16 : i32
      %mul3A_486 = arith.muli %scan3A_157, %mul3A_485 : i32
      %add3A_487 = arith.constant 14 : i32
      %add3A_488 = arith.addi %mul3A_486, %add3A_487 : i32
      %get3A_489 = arith.index_cast %add3A_488 : i32 to index
      %get3A_490 = arith.constant 0 : index
      %get3A_491 = tpu.vector_load %arg15[%get3A_489, %get3A_490] {strides = array<i32>} : memref<640x16xf32, #tpu.memory_space<vmem>>, vector<16xf32>,
      %broadcast_in_dim3A_492 = vector.shape_cast %broadcast_in_dim3A_127 : vector<16xi32> to vector<16x1xi32>
      %gather3A_493 = vector.shape_cast %broadcast_in_dim3A_492 : vector<16x1xi32> to vector<16xi32>
      %gather3A_494 = tpu.dynamic_gather %mul3A_286[%gather3A_493] in [0] : vector<16xf32>, vector<16xi32> -> vector<16xf32>
      %mul3A_495 = arith.mulf %get3A_491, %gather3A_494 : vector<16xf32>
      %swap3A_496 = arith.index_cast %add3A_488 : i32 to index
      %swap3A_497 = arith.constant 0 : index
      %swap3A_498 = tpu.vector_load %arg15[%swap3A_496, %swap3A_497] {strides = array<i32>} : memref<640x16xf32, #tpu.memory_space<vmem>>, vector<16xf32>,
      tpu.vector_store %arg15[%swap3A_496, %swap3A_497], %mul3A_495 {strides = array<i32>} : memref<640x16xf32, #tpu.memory_space<vmem>>, vector<16xf32>,
      %mul3A_499 = arith.constant 16 : i32
      %mul3A_500 = arith.muli %scan3A_157, %mul3A_499 : i32
      %add3A_501 = arith.constant 15 : i32
      %add3A_502 = arith.addi %mul3A_500, %add3A_501 : i32
      %get3A_503 = arith.index_cast %add3A_502 : i32 to index
      %get3A_504 = arith.constant 0 : index
      %get3A_505 = tpu.vector_load %arg15[%get3A_503, %get3A_504] {strides = array<i32>} : memref<640x16xf32, #tpu.memory_space<vmem>>, vector<16xf32>,
      %broadcast_in_dim3A_506 = vector.shape_cast %broadcast_in_dim3A_129 : vector<16xi32> to vector<16x1xi32>
      %gather3A_507 = vector.shape_cast %broadcast_in_dim3A_506 : vector<16x1xi32> to vector<16xi32>
      %gather3A_508 = tpu.dynamic_gather %mul3A_286[%gather3A_507] in [0] : vector<16xf32>, vector<16xi32> -> vector<16xf32>
      %mul3A_509 = arith.mulf %get3A_505, %gather3A_508 : vector<16xf32>
      %swap3A_510 = arith.index_cast %add3A_502 : i32 to index
      %swap3A_511 = arith.constant 0 : index
      %swap3A_512 = tpu.vector_load %arg15[%swap3A_510, %swap3A_511] {strides = array<i32>} : memref<640x16xf32, #tpu.memory_space<vmem>>, vector<16xf32>,
      tpu.vector_store %arg15[%swap3A_510, %swap3A_511], %mul3A_509 {strides = array<i32>} : memref<640x16xf32, #tpu.memory_space<vmem>>, vector<16xf32>,
    }
    %scan3A_135 = arith.constant 40 : i32
    %mul3A_136 = arith.constant 640 : i32
    %mul3A_137 = arith.muli %arg1, %mul3A_136 : i32
    %add3A_138 = arith.addi %mul3A_21, %mul3A_137 : i32
    "tpu.region"() ({
      %run_scoped3A_157 = tpu.sem_alloc : memref<!tpu.dma_semaphore, #tpu.memory_space<semaphore_mem>>
      %dma_start3A = arith.constant 0 : i32
      %dma_start3A_158 = tpu.memref_slice %arg7[%add3A_138, %dma_start3A] : memref<20480x16xf32, #tpu.memory_space<hbm>> -> memref<640x16xf32, #tpu.memory_space<hbm>>
      %dma_start3A_159 = arith.constant 0 : i32
      %dma_start3A_160 = tpu.memref_slice %arg7[%add3A_138, %dma_start3A_159] : memref<20480x16xf32, #tpu.memory_space<hbm>> -> memref<640x16xf32, #tpu.memory_space<hbm>>
      tpu.enqueue_dma source(%arg15 : memref<640x16xf32, #tpu.memory_space<vmem>>) target(%dma_start3A_160 : memref<640x16xf32, #tpu.memory_space<hbm>>) target_semaphore(%run_scoped3A_157 : memref<!tpu.dma_semaphore, #tpu.memory_space<semaphore_mem>>)
      %dma_wait3A = arith.constant 0 : i32
      %dma_wait3A_161 = tpu.memref_slice %arg7[%add3A_138, %dma_wait3A] : memref<20480x16xf32, #tpu.memory_space<hbm>> -> memref<640x16xf32, #tpu.memory_space<hbm>>
      %dma_wait3A_162 = arith.constant 0 : i32
      %dma_wait3A_163 = tpu.memref_slice %arg7[%add3A_138, %dma_wait3A_162] : memref<20480x16xf32, #tpu.memory_space<hbm>> -> memref<640x16xf32, #tpu.memory_space<hbm>>
      tpu.wait_dma2 semaphore(%run_scoped3A_157 : memref<!tpu.dma_semaphore, #tpu.memory_space<semaphore_mem>>) src(%arg15 : memref<640x16xf32, #tpu.memory_space<vmem>>) dst(%dma_wait3A_163 : memref<640x16xf32, #tpu.memory_space<hbm>>)
      tpu.yield
    }) : () -> ()
    %mul3A_139 = arith.constant 640 : i32
    %mul3A_140 = arith.muli %arg1, %mul3A_139 : i32
    "tpu.region"() ({
      %run_scoped3A_157 = tpu.sem_alloc : memref<!tpu.dma_semaphore, #tpu.memory_space<semaphore_mem>>
      %dma_start3A = tpu.memref_slice %arg8[%arg0, %mul3A_140] : memref<2x10240xf32, #tpu.memory_space<hbm>> -> memref<1x640xf32, #tpu.memory_space<hbm>>
      %dma_start3A_158 = tpu.memref_squeeze %dma_start3A : memref<1x640xf32, #tpu.memory_space<hbm>> -> memref<640xf32, #tpu.memory_space<hbm>>
      %dma_start3A_159 = tpu.memref_slice %arg8[%arg0, %mul3A_140] : memref<2x10240xf32, #tpu.memory_space<hbm>> -> memref<1x640xf32, #tpu.memory_space<hbm>>
      %dma_start3A_160 = tpu.memref_squeeze %dma_start3A_159 : memref<1x640xf32, #tpu.memory_space<hbm>> -> memref<640xf32, #tpu.memory_space<hbm>>
      tpu.enqueue_dma source(%arg14 : memref<640xf32, #tpu.memory_space<vmem>>) target(%dma_start3A_160 : memref<640xf32, #tpu.memory_space<hbm>>) target_semaphore(%run_scoped3A_157 : memref<!tpu.dma_semaphore, #tpu.memory_space<semaphore_mem>>)
      %dma_wait3A = tpu.memref_slice %arg8[%arg0, %mul3A_140] : memref<2x10240xf32, #tpu.memory_space<hbm>> -> memref<1x640xf32, #tpu.memory_space<hbm>>
      %dma_wait3A_161 = tpu.memref_squeeze %dma_wait3A : memref<1x640xf32, #tpu.memory_space<hbm>> -> memref<640xf32, #tpu.memory_space<hbm>>
      %dma_wait3A_162 = tpu.memref_slice %arg8[%arg0, %mul3A_140] : memref<2x10240xf32, #tpu.memory_space<hbm>> -> memref<1x640xf32, #tpu.memory_space<hbm>>
      %dma_wait3A_163 = tpu.memref_squeeze %dma_wait3A_162 : memref<1x640xf32, #tpu.memory_space<hbm>> -> memref<640xf32, #tpu.memory_space<hbm>>
      tpu.wait_dma2 semaphore(%run_scoped3A_157 : memref<!tpu.dma_semaphore, #tpu.memory_space<semaphore_mem>>) src(%arg14 : memref<640xf32, #tpu.memory_space<vmem>>) dst(%dma_wait3A_163 : memref<640xf32, #tpu.memory_space<hbm>>)
      tpu.yield
    }) : () -> ()
    %barrier3A_141 = arith.constant 0 : index
    tpu.barrier barrier_id(%barrier3A_141)
    %eq3A_142 = arith.constant 0 : i32
    %eq3A_143 = arith.cmpi eq, %arg0, %eq3A_142 : i32
    %convert_element_type3A_144 = arith.extui %eq3A_143 : i1 to i32
    %cond3A_145 = arith.constant 0 : i32
    %cond3A_146 = arith.cmpi ne, %convert_element_type3A_144, %cond3A_145 : i32
    scf.if %cond3A_146 {
      %swap3A = arith.constant 96 : i32
      %swap3A_157 = arith.index_cast %swap3A : i32 to index
      %swap3A_158 = arith.constant 0 : index
      %swap3A_159 = tpu.vector_load %arg16[%swap3A_157, %swap3A_158] {strides = array<i32>} : memref<104x128xi32, #tpu.memory_space<vmem>>, vector<16xi32>,
      tpu.vector_store %arg16[%swap3A_157, %swap3A_158], %broadcast_in_dim3A_1 {strides = array<i32>} : memref<104x128xi32, #tpu.memory_space<vmem>>, vector<16xi32>,
      %swap3A_160 = arith.constant 96 : i32
      %swap3A_161 = arith.index_cast %swap3A_160 : i32 to index
      %swap3A_162 = arith.constant 16 : index
      %swap3A_163 = tpu.vector_load %arg16[%swap3A_161, %swap3A_162] {strides = array<i32>} : memref<104x128xi32, #tpu.memory_space<vmem>>, vector<16xi32>,
      tpu.vector_store %arg16[%swap3A_161, %swap3A_162], %broadcast_in_dim3A_1 {strides = array<i32>} : memref<104x128xi32, #tpu.memory_space<vmem>>, vector<16xi32>,
      %swap3A_164 = arith.constant 96 : i32
      %swap3A_165 = arith.index_cast %swap3A_164 : i32 to index
      %swap3A_166 = arith.constant 32 : index
      %swap3A_167 = tpu.vector_load %arg16[%swap3A_165, %swap3A_166] {strides = array<i32>} : memref<104x128xi32, #tpu.memory_space<vmem>>, vector<16xi32>,
      tpu.vector_store %arg16[%swap3A_165, %swap3A_166], %broadcast_in_dim3A_1 {strides = array<i32>} : memref<104x128xi32, #tpu.memory_space<vmem>>, vector<16xi32>,
      %swap3A_168 = arith.constant 96 : i32
      %swap3A_169 = arith.index_cast %swap3A_168 : i32 to index
      %swap3A_170 = arith.constant 48 : index
      %swap3A_171 = tpu.vector_load %arg16[%swap3A_169, %swap3A_170] {strides = array<i32>} : memref<104x128xi32, #tpu.memory_space<vmem>>, vector<16xi32>,
      tpu.vector_store %arg16[%swap3A_169, %swap3A_170], %broadcast_in_dim3A_1 {strides = array<i32>} : memref<104x128xi32, #tpu.memory_space<vmem>>, vector<16xi32>,
      %swap3A_172 = arith.constant 96 : i32
      %swap3A_173 = arith.index_cast %swap3A_172 : i32 to index
      %swap3A_174 = arith.constant 64 : index
      %swap3A_175 = tpu.vector_load %arg16[%swap3A_173, %swap3A_174] {strides = array<i32>} : memref<104x128xi32, #tpu.memory_space<vmem>>, vector<16xi32>,
      tpu.vector_store %arg16[%swap3A_173, %swap3A_174], %broadcast_in_dim3A_1 {strides = array<i32>} : memref<104x128xi32, #tpu.memory_space<vmem>>, vector<16xi32>,
      %swap3A_176 = arith.constant 96 : i32
      %swap3A_177 = arith.index_cast %swap3A_176 : i32 to index
      %swap3A_178 = arith.constant 80 : index
      %swap3A_179 = tpu.vector_load %arg16[%swap3A_177, %swap3A_178] {strides = array<i32>} : memref<104x128xi32, #tpu.memory_space<vmem>>, vector<16xi32>,
      tpu.vector_store %arg16[%swap3A_177, %swap3A_178], %broadcast_in_dim3A_1 {strides = array<i32>} : memref<104x128xi32, #tpu.memory_space<vmem>>, vector<16xi32>,
      %swap3A_180 = arith.constant 96 : i32
      %swap3A_181 = arith.index_cast %swap3A_180 : i32 to index
      %swap3A_182 = arith.constant 96 : index
      %swap3A_183 = tpu.vector_load %arg16[%swap3A_181, %swap3A_182] {strides = array<i32>} : memref<104x128xi32, #tpu.memory_space<vmem>>, vector<16xi32>,
      tpu.vector_store %arg16[%swap3A_181, %swap3A_182], %broadcast_in_dim3A_1 {strides = array<i32>} : memref<104x128xi32, #tpu.memory_space<vmem>>, vector<16xi32>,
      %swap3A_184 = arith.constant 96 : i32
      %swap3A_185 = arith.index_cast %swap3A_184 : i32 to index
      %swap3A_186 = arith.constant 112 : index
      %swap3A_187 = tpu.vector_load %arg16[%swap3A_185, %swap3A_186] {strides = array<i32>} : memref<104x128xi32, #tpu.memory_space<vmem>>, vector<16xi32>,
      tpu.vector_store %arg16[%swap3A_185, %swap3A_186], %broadcast_in_dim3A_1 {strides = array<i32>} : memref<104x128xi32, #tpu.memory_space<vmem>>, vector<16xi32>,
      %dma_start3A = arith.constant 0 : i32
      %dma_start3A_188 = arith.constant 0 : i32
      %dma_start3A_189 = arith.constant 0 : i32
      %dma_start3A_190 = arith.constant 0 : i32
      %dma_start3A_191 = tpu.memref_slice %arg18[%dma_start3A_188, %dma_start3A_189, %dma_start3A_190] : memref<2x128x16xf32, #tpu.memory_space<vmem>> -> memref<1x128x16xf32, #tpu.memory_space<vmem>>
      %dma_start3A_192 = tpu.memref_squeeze %dma_start3A_191 : memref<1x128x16xf32, #tpu.memory_space<vmem>> -> memref<128x16xf32, #tpu.memory_space<vmem>>
      %dma_start3A_193 = arith.constant 0 : i32
      %dma_start3A_194 = tpu.memref_slice %arg16[%dma_start3A, %dma_start3A_193] : memref<104x128xi32, #tpu.memory_space<vmem>> -> memref<1x128xi32, #tpu.memory_space<vmem>>
      %dma_start3A_195 = tpu.memref_squeeze %dma_start3A_194 : memref<1x128xi32, #tpu.memory_space<vmem>> -> memref<128xi32, #tpu.memory_space<vmem>>
      %dma_start3A_196 = arith.constant 0 : i32
      %dma_start3A_197 = arith.constant 0 : i32
      %dma_start3A_198 = tpu.memref_slice %arg7[%dma_start3A_196, %dma_start3A_197] : memref<20480x16xf32, #tpu.memory_space<hbm>> -> memref<20480x16xf32, #tpu.memory_space<hbm>>
      tpu.enqueue_indirect_dma source(%dma_start3A_198 : memref<20480x16xf32, #tpu.memory_space<hbm>>) target(%dma_start3A_192 : memref<128x16xf32, #tpu.memory_space<vmem>>) offsets(%dma_start3A_195 : memref<128xi32, #tpu.memory_space<vmem>>) semaphore(%arg21 : memref<!tpu.dma_semaphore, #tpu.memory_space<semaphore_mem>>)
      %scan3A_199 = arith.constant 0 : i32
      %scan3A_200 = arith.constant 0 : i32
      %scan3A_201 = arith.constant 48 : i32
      %scan3A_202 = arith.addi %scan3A_200, %scan3A_201 : i32
      %scan3A_203 = arith.constant 1 : i32
      scf.for %scan3A_216 = %scan3A_200 to %scan3A_202 step %scan3A_203  : i32 {
        %mul3A_217 = arith.constant 2 : i32
        %mul3A_218 = arith.muli %mul3A_217, %scan3A_216 : i32
        %add3A_219 = arith.constant 1 : i32
        %add3A_220 = arith.addi %mul3A_218, %add3A_219 : i32
        %dma_start3A_221 = arith.constant 1 : i32
        %dma_start3A_222 = arith.constant 0 : i32
        %dma_start3A_223 = arith.constant 0 : i32
        %dma_start3A_224 = tpu.memref_slice %arg18[%dma_start3A_221, %dma_start3A_222, %dma_start3A_223] : memref<2x128x16xf32, #tpu.memory_space<vmem>> -> memref<1x128x16xf32, #tpu.memory_space<vmem>>
        %dma_start3A_225 = tpu.memref_squeeze %dma_start3A_224 : memref<1x128x16xf32, #tpu.memory_space<vmem>> -> memref<128x16xf32, #tpu.memory_space<vmem>>
        %dma_start3A_226 = arith.constant 0 : i32
        %dma_start3A_227 = tpu.memref_slice %arg16[%add3A_220, %dma_start3A_226] : memref<104x128xi32, #tpu.memory_space<vmem>> -> memref<1x128xi32, #tpu.memory_space<vmem>>
        %dma_start3A_228 = tpu.memref_squeeze %dma_start3A_227 : memref<1x128xi32, #tpu.memory_space<vmem>> -> memref<128xi32, #tpu.memory_space<vmem>>
        %dma_start3A_229 = arith.constant 0 : i32
        %dma_start3A_230 = arith.constant 0 : i32
        %dma_start3A_231 = tpu.memref_slice %arg7[%dma_start3A_229, %dma_start3A_230] : memref<20480x16xf32, #tpu.memory_space<hbm>> -> memref<20480x16xf32, #tpu.memory_space<hbm>>
        tpu.enqueue_indirect_dma source(%dma_start3A_231 : memref<20480x16xf32, #tpu.memory_space<hbm>>) target(%dma_start3A_225 : memref<128x16xf32, #tpu.memory_space<vmem>>) offsets(%dma_start3A_228 : memref<128xi32, #tpu.memory_space<vmem>>) semaphore(%arg22 : memref<!tpu.dma_semaphore, #tpu.memory_space<semaphore_mem>>)
        %dma_wait3A_232 = arith.constant 0 : i32
        %dma_wait3A_233 = arith.constant 0 : i32
        %dma_wait3A_234 = arith.constant 0 : i32
        %dma_wait3A_235 = tpu.memref_slice %arg18[%dma_wait3A_232, %dma_wait3A_233, %dma_wait3A_234] : memref<2x128x16xf32, #tpu.memory_space<vmem>> -> memref<1x128x16xf32, #tpu.memory_space<vmem>>
        %dma_wait3A_236 = tpu.memref_squeeze %dma_wait3A_235 : memref<1x128x16xf32, #tpu.memory_space<vmem>> -> memref<128x16xf32, #tpu.memory_space<vmem>>
        %dma_wait3A_237 = arith.constant 0 : i32
        %dma_wait3A_238 = tpu.memref_slice %arg16[%mul3A_218, %dma_wait3A_237] : memref<104x128xi32, #tpu.memory_space<vmem>> -> memref<1x128xi32, #tpu.memory_space<vmem>>
        %dma_wait3A_239 = tpu.memref_squeeze %dma_wait3A_238 : memref<1x128xi32, #tpu.memory_space<vmem>> -> memref<128xi32, #tpu.memory_space<vmem>>
        %dma_wait3A_240 = arith.constant 0 : i32
        %dma_wait3A_241 = arith.constant 0 : i32
        %dma_wait3A_242 = tpu.memref_slice %arg7[%dma_wait3A_240, %dma_wait3A_241] : memref<20480x16xf32, #tpu.memory_space<hbm>> -> memref<20480x16xf32, #tpu.memory_space<hbm>>
        tpu.wait_indirect_dma semaphore(%arg21 : memref<!tpu.dma_semaphore, #tpu.memory_space<semaphore_mem>>) src(%dma_wait3A_242 : memref<20480x16xf32, #tpu.memory_space<hbm>>) dst(%dma_wait3A_236 : memref<128x16xf32, #tpu.memory_space<vmem>>)
        %run_scoped3A_243 = arith.constant 0 : i32
        "tpu.region"() ({
          %run_scoped3A_273 = tpu.sem_alloc : memref<!tpu.dma_semaphore, #tpu.memory_space<semaphore_mem>>
          %dma_start3A_274 = arith.constant 0 : i32
          %dma_start3A_275 = arith.constant 0 : i32
          %dma_start3A_276 = tpu.memref_slice %arg18[%run_scoped3A_243, %dma_start3A_274, %dma_start3A_275] : memref<2x128x16xf32, #tpu.memory_space<vmem>> -> memref<1x128x16xf32, #tpu.memory_space<vmem>>
          %dma_start3A_277 = tpu.memref_squeeze %dma_start3A_276 : memref<1x128x16xf32, #tpu.memory_space<vmem>> -> memref<128x16xf32, #tpu.memory_space<vmem>>
          %dma_start3A_278 = arith.constant 0 : i32
          %dma_start3A_279 = tpu.memref_slice %arg17[%mul3A_218, %dma_start3A_278] : memref<96x128xi32, #tpu.memory_space<vmem>> -> memref<1x128xi32, #tpu.memory_space<vmem>>
          %dma_start3A_280 = tpu.memref_squeeze %dma_start3A_279 : memref<1x128xi32, #tpu.memory_space<vmem>> -> memref<128xi32, #tpu.memory_space<vmem>>
          %dma_start3A_281 = arith.constant 0 : i32
          %dma_start3A_282 = arith.constant 0 : i32
          %dma_start3A_283 = tpu.memref_slice %arg20[%dma_start3A_281, %dma_start3A_282] : memref<10240x16xf32, #tpu.memory_space<vmem_shared>> -> memref<10240x16xf32, #tpu.memory_space<vmem_shared>>
          tpu.enqueue_indirect_dma source(%dma_start3A_277 : memref<128x16xf32, #tpu.memory_space<vmem>>) target(%dma_start3A_283 : memref<10240x16xf32, #tpu.memory_space<vmem_shared>>) offsets(%dma_start3A_280 : memref<128xi32, #tpu.memory_space<vmem>>) semaphore(%run_scoped3A_273 : memref<!tpu.dma_semaphore, #tpu.memory_space<semaphore_mem>>) {add = true}
          %dma_wait3A_284 = arith.constant 0 : i32
          %dma_wait3A_285 = arith.constant 0 : i32
          %dma_wait3A_286 = tpu.memref_slice %arg18[%run_scoped3A_243, %dma_wait3A_284, %dma_wait3A_285] : memref<2x128x16xf32, #tpu.memory_space<vmem>> -> memref<1x128x16xf32, #tpu.memory_space<vmem>>
          %dma_wait3A_287 = tpu.memref_squeeze %dma_wait3A_286 : memref<1x128x16xf32, #tpu.memory_space<vmem>> -> memref<128x16xf32, #tpu.memory_space<vmem>>
          %dma_wait3A_288 = arith.constant 0 : i32
          %dma_wait3A_289 = tpu.memref_slice %arg17[%mul3A_218, %dma_wait3A_288] : memref<96x128xi32, #tpu.memory_space<vmem>> -> memref<1x128xi32, #tpu.memory_space<vmem>>
          %dma_wait3A_290 = tpu.memref_squeeze %dma_wait3A_289 : memref<1x128xi32, #tpu.memory_space<vmem>> -> memref<128xi32, #tpu.memory_space<vmem>>
          %dma_wait3A_291 = arith.constant 0 : i32
          %dma_wait3A_292 = arith.constant 0 : i32
          %dma_wait3A_293 = tpu.memref_slice %arg20[%dma_wait3A_291, %dma_wait3A_292] : memref<10240x16xf32, #tpu.memory_space<vmem_shared>> -> memref<10240x16xf32, #tpu.memory_space<vmem_shared>>
          tpu.wait_indirect_dma semaphore(%run_scoped3A_273 : memref<!tpu.dma_semaphore, #tpu.memory_space<semaphore_mem>>) src(%dma_wait3A_287 : memref<128x16xf32, #tpu.memory_space<vmem>>) dst(%dma_wait3A_293 : memref<10240x16xf32, #tpu.memory_space<vmem_shared>>)
          tpu.yield
        }) : () -> ()
        %add3A_244 = arith.constant 2 : i32
        %add3A_245 = arith.addi %mul3A_218, %add3A_244 : i32
        %dma_start3A_246 = arith.constant 0 : i32
        %dma_start3A_247 = arith.constant 0 : i32
        %dma_start3A_248 = arith.constant 0 : i32
        %dma_start3A_249 = tpu.memref_slice %arg18[%dma_start3A_246, %dma_start3A_247, %dma_start3A_248] : memref<2x128x16xf32, #tpu.memory_space<vmem>> -> memref<1x128x16xf32, #tpu.memory_space<vmem>>
        %dma_start3A_250 = tpu.memref_squeeze %dma_start3A_249 : memref<1x128x16xf32, #tpu.memory_space<vmem>> -> memref<128x16xf32, #tpu.memory_space<vmem>>
        %dma_start3A_251 = arith.constant 0 : i32
        %dma_start3A_252 = tpu.memref_slice %arg16[%add3A_245, %dma_start3A_251] : memref<104x128xi32, #tpu.memory_space<vmem>> -> memref<1x128xi32, #tpu.memory_space<vmem>>
        %dma_start3A_253 = tpu.memref_squeeze %dma_start3A_252 : memref<1x128xi32, #tpu.memory_space<vmem>> -> memref<128xi32, #tpu.memory_space<vmem>>
        %dma_start3A_254 = arith.constant 0 : i32
        %dma_start3A_255 = arith.constant 0 : i32
        %dma_start3A_256 = tpu.memref_slice %arg7[%dma_start3A_254, %dma_start3A_255] : memref<20480x16xf32, #tpu.memory_space<hbm>> -> memref<20480x16xf32, #tpu.memory_space<hbm>>
        tpu.enqueue_indirect_dma source(%dma_start3A_256 : memref<20480x16xf32, #tpu.memory_space<hbm>>) target(%dma_start3A_250 : memref<128x16xf32, #tpu.memory_space<vmem>>) offsets(%dma_start3A_253 : memref<128xi32, #tpu.memory_space<vmem>>) semaphore(%arg21 : memref<!tpu.dma_semaphore, #tpu.memory_space<semaphore_mem>>)
        %add3A_257 = arith.constant 1 : i32
        %add3A_258 = arith.addi %mul3A_218, %add3A_257 : i32
        %dma_wait3A_259 = arith.constant 1 : i32
        %dma_wait3A_260 = arith.constant 0 : i32
        %dma_wait3A_261 = arith.constant 0 : i32
        %dma_wait3A_262 = tpu.memref_slice %arg18[%dma_wait3A_259, %dma_wait3A_260, %dma_wait3A_261] : memref<2x128x16xf32, #tpu.memory_space<vmem>> -> memref<1x128x16xf32, #tpu.memory_space<vmem>>
        %dma_wait3A_263 = tpu.memref_squeeze %dma_wait3A_262 : memref<1x128x16xf32, #tpu.memory_space<vmem>> -> memref<128x16xf32, #tpu.memory_space<vmem>>
        %dma_wait3A_264 = arith.constant 0 : i32
        %dma_wait3A_265 = tpu.memref_slice %arg16[%add3A_258, %dma_wait3A_264] : memref<104x128xi32, #tpu.memory_space<vmem>> -> memref<1x128xi32, #tpu.memory_space<vmem>>
        %dma_wait3A_266 = tpu.memref_squeeze %dma_wait3A_265 : memref<1x128xi32, #tpu.memory_space<vmem>> -> memref<128xi32, #tpu.memory_space<vmem>>
        %dma_wait3A_267 = arith.constant 0 : i32
        %dma_wait3A_268 = arith.constant 0 : i32
        %dma_wait3A_269 = tpu.memref_slice %arg7[%dma_wait3A_267, %dma_wait3A_268] : memref<20480x16xf32, #tpu.memory_space<hbm>> -> memref<20480x16xf32, #tpu.memory_space<hbm>>
        tpu.wait_indirect_dma semaphore(%arg22 : memref<!tpu.dma_semaphore, #tpu.memory_space<semaphore_mem>>) src(%dma_wait3A_269 : memref<20480x16xf32, #tpu.memory_space<hbm>>) dst(%dma_wait3A_263 : memref<128x16xf32, #tpu.memory_space<vmem>>)
        %add3A_270 = arith.constant 1 : i32
        %add3A_271 = arith.addi %mul3A_218, %add3A_270 : i32
        %run_scoped3A_272 = arith.constant 1 : i32
        "tpu.region"() ({
          %run_scoped3A_273 = tpu.sem_alloc : memref<!tpu.dma_semaphore, #tpu.memory_space<semaphore_mem>>
          %dma_start3A_274 = arith.constant 0 : i32
          %dma_start3A_275 = arith.constant 0 : i32
          %dma_start3A_276 = tpu.memref_slice %arg18[%run_scoped3A_272, %dma_start3A_274, %dma_start3A_275] : memref<2x128x16xf32, #tpu.memory_space<vmem>> -> memref<1x128x16xf32, #tpu.memory_space<vmem>>
          %dma_start3A_277 = tpu.memref_squeeze %dma_start3A_276 : memref<1x128x16xf32, #tpu.memory_space<vmem>> -> memref<128x16xf32, #tpu.memory_space<vmem>>
          %dma_start3A_278 = arith.constant 0 : i32
          %dma_start3A_279 = tpu.memref_slice %arg17[%add3A_271, %dma_start3A_278] : memref<96x128xi32, #tpu.memory_space<vmem>> -> memref<1x128xi32, #tpu.memory_space<vmem>>
          %dma_start3A_280 = tpu.memref_squeeze %dma_start3A_279 : memref<1x128xi32, #tpu.memory_space<vmem>> -> memref<128xi32, #tpu.memory_space<vmem>>
          %dma_start3A_281 = arith.constant 0 : i32
          %dma_start3A_282 = arith.constant 0 : i32
          %dma_start3A_283 = tpu.memref_slice %arg20[%dma_start3A_281, %dma_start3A_282] : memref<10240x16xf32, #tpu.memory_space<vmem_shared>> -> memref<10240x16xf32, #tpu.memory_space<vmem_shared>>
          tpu.enqueue_indirect_dma source(%dma_start3A_277 : memref<128x16xf32, #tpu.memory_space<vmem>>) target(%dma_start3A_283 : memref<10240x16xf32, #tpu.memory_space<vmem_shared>>) offsets(%dma_start3A_280 : memref<128xi32, #tpu.memory_space<vmem>>) semaphore(%run_scoped3A_273 : memref<!tpu.dma_semaphore, #tpu.memory_space<semaphore_mem>>) {add = true}
          %dma_wait3A_284 = arith.constant 0 : i32
          %dma_wait3A_285 = arith.constant 0 : i32
          %dma_wait3A_286 = tpu.memref_slice %arg18[%run_scoped3A_272, %dma_wait3A_284, %dma_wait3A_285] : memref<2x128x16xf32, #tpu.memory_space<vmem>> -> memref<1x128x16xf32, #tpu.memory_space<vmem>>
          %dma_wait3A_287 = tpu.memref_squeeze %dma_wait3A_286 : memref<1x128x16xf32, #tpu.memory_space<vmem>> -> memref<128x16xf32, #tpu.memory_space<vmem>>
          %dma_wait3A_288 = arith.constant 0 : i32
          %dma_wait3A_289 = tpu.memref_slice %arg17[%add3A_271, %dma_wait3A_288] : memref<96x128xi32, #tpu.memory_space<vmem>> -> memref<1x128xi32, #tpu.memory_space<vmem>>
          %dma_wait3A_290 = tpu.memref_squeeze %dma_wait3A_289 : memref<1x128xi32, #tpu.memory_space<vmem>> -> memref<128xi32, #tpu.memory_space<vmem>>
          %dma_wait3A_291 = arith.constant 0 : i32
          %dma_wait3A_292 = arith.constant 0 : i32
          %dma_wait3A_293 = tpu.memref_slice %arg20[%dma_wait3A_291, %dma_wait3A_292] : memref<10240x16xf32, #tpu.memory_space<vmem_shared>> -> memref<10240x16xf32, #tpu.memory_space<vmem_shared>>
          tpu.wait_indirect_dma semaphore(%run_scoped3A_273 : memref<!tpu.dma_semaphore, #tpu.memory_space<semaphore_mem>>) src(%dma_wait3A_287 : memref<128x16xf32, #tpu.memory_space<vmem>>) dst(%dma_wait3A_293 : memref<10240x16xf32, #tpu.memory_space<vmem_shared>>)
          tpu.yield
        }) : () -> ()
      }
      %scan3A_204 = arith.constant 48 : i32
      %dma_wait3A = arith.constant 96 : i32
      %dma_wait3A_205 = arith.constant 0 : i32
      %dma_wait3A_206 = arith.constant 0 : i32
      %dma_wait3A_207 = arith.constant 0 : i32
      %dma_wait3A_208 = tpu.memref_slice %arg18[%dma_wait3A_205, %dma_wait3A_206, %dma_wait3A_207] : memref<2x128x16xf32, #tpu.memory_space<vmem>> -> memref<1x128x16xf32, #tpu.memory_space<vmem>>
      %dma_wait3A_209 = tpu.memref_squeeze %dma_wait3A_208 : memref<1x128x16xf32, #tpu.memory_space<vmem>> -> memref<128x16xf32, #tpu.memory_space<vmem>>
      %dma_wait3A_210 = arith.constant 0 : i32
      %dma_wait3A_211 = tpu.memref_slice %arg16[%dma_wait3A, %dma_wait3A_210] : memref<104x128xi32, #tpu.memory_space<vmem>> -> memref<1x128xi32, #tpu.memory_space<vmem>>
      %dma_wait3A_212 = tpu.memref_squeeze %dma_wait3A_211 : memref<1x128xi32, #tpu.memory_space<vmem>> -> memref<128xi32, #tpu.memory_space<vmem>>
      %dma_wait3A_213 = arith.constant 0 : i32
      %dma_wait3A_214 = arith.constant 0 : i32
      %dma_wait3A_215 = tpu.memref_slice %arg7[%dma_wait3A_213, %dma_wait3A_214] : memref<20480x16xf32, #tpu.memory_space<hbm>> -> memref<20480x16xf32, #tpu.memory_space<hbm>>
      tpu.wait_indirect_dma semaphore(%arg21 : memref<!tpu.dma_semaphore, #tpu.memory_space<semaphore_mem>>) src(%dma_wait3A_215 : memref<20480x16xf32, #tpu.memory_space<hbm>>) dst(%dma_wait3A_209 : memref<128x16xf32, #tpu.memory_space<vmem>>)
    } else {
    }
    %eq3A_147 = arith.constant 1 : i32
    %eq3A_148 = arith.cmpi eq, %arg0, %eq3A_147 : i32
    %convert_element_type3A_149 = arith.extui %eq3A_148 : i1 to i32
    %cond3A_150 = arith.constant 0 : i32
    %cond3A_151 = arith.cmpi ne, %convert_element_type3A_149, %cond3A_150 : i32
    scf.if %cond3A_151 {
      %swap3A = arith.constant 64 : i32
      %swap3A_157 = arith.index_cast %swap3A : i32 to index
      %swap3A_158 = arith.constant 0 : index
      %swap3A_159 = tpu.vector_load %arg16[%swap3A_157, %swap3A_158] {strides = array<i32>} : memref<104x128xi32, #tpu.memory_space<vmem>>, vector<16xi32>,
      tpu.vector_store %arg16[%swap3A_157, %swap3A_158], %broadcast_in_dim3A_1 {strides = array<i32>} : memref<104x128xi32, #tpu.memory_space<vmem>>, vector<16xi32>,
      %swap3A_160 = arith.constant 64 : i32
      %swap3A_161 = arith.index_cast %swap3A_160 : i32 to index
      %swap3A_162 = arith.constant 16 : index
      %swap3A_163 = tpu.vector_load %arg16[%swap3A_161, %swap3A_162] {strides = array<i32>} : memref<104x128xi32, #tpu.memory_space<vmem>>, vector<16xi32>,
      tpu.vector_store %arg16[%swap3A_161, %swap3A_162], %broadcast_in_dim3A_1 {strides = array<i32>} : memref<104x128xi32, #tpu.memory_space<vmem>>, vector<16xi32>,
      %swap3A_164 = arith.constant 64 : i32
      %swap3A_165 = arith.index_cast %swap3A_164 : i32 to index
      %swap3A_166 = arith.constant 32 : index
      %swap3A_167 = tpu.vector_load %arg16[%swap3A_165, %swap3A_166] {strides = array<i32>} : memref<104x128xi32, #tpu.memory_space<vmem>>, vector<16xi32>,
      tpu.vector_store %arg16[%swap3A_165, %swap3A_166], %broadcast_in_dim3A_1 {strides = array<i32>} : memref<104x128xi32, #tpu.memory_space<vmem>>, vector<16xi32>,
      %swap3A_168 = arith.constant 64 : i32
      %swap3A_169 = arith.index_cast %swap3A_168 : i32 to index
      %swap3A_170 = arith.constant 48 : index
      %swap3A_171 = tpu.vector_load %arg16[%swap3A_169, %swap3A_170] {strides = array<i32>} : memref<104x128xi32, #tpu.memory_space<vmem>>, vector<16xi32>,
      tpu.vector_store %arg16[%swap3A_169, %swap3A_170], %broadcast_in_dim3A_1 {strides = array<i32>} : memref<104x128xi32, #tpu.memory_space<vmem>>, vector<16xi32>,
      %swap3A_172 = arith.constant 64 : i32
      %swap3A_173 = arith.index_cast %swap3A_172 : i32 to index
      %swap3A_174 = arith.constant 64 : index
      %swap3A_175 = tpu.vector_load %arg16[%swap3A_173, %swap3A_174] {strides = array<i32>} : memref<104x128xi32, #tpu.memory_space<vmem>>, vector<16xi32>,
      tpu.vector_store %arg16[%swap3A_173, %swap3A_174], %broadcast_in_dim3A_1 {strides = array<i32>} : memref<104x128xi32, #tpu.memory_space<vmem>>, vector<16xi32>,
      %swap3A_176 = arith.constant 64 : i32
      %swap3A_177 = arith.index_cast %swap3A_176 : i32 to index
      %swap3A_178 = arith.constant 80 : index
      %swap3A_179 = tpu.vector_load %arg16[%swap3A_177, %swap3A_178] {strides = array<i32>} : memref<104x128xi32, #tpu.memory_space<vmem>>, vector<16xi32>,
      tpu.vector_store %arg16[%swap3A_177, %swap3A_178], %broadcast_in_dim3A_1 {strides = array<i32>} : memref<104x128xi32, #tpu.memory_space<vmem>>, vector<16xi32>,
      %swap3A_180 = arith.constant 64 : i32
      %swap3A_181 = arith.index_cast %swap3A_180 : i32 to index
      %swap3A_182 = arith.constant 96 : index
      %swap3A_183 = tpu.vector_load %arg16[%swap3A_181, %swap3A_182] {strides = array<i32>} : memref<104x128xi32, #tpu.memory_space<vmem>>, vector<16xi32>,
      tpu.vector_store %arg16[%swap3A_181, %swap3A_182], %broadcast_in_dim3A_1 {strides = array<i32>} : memref<104x128xi32, #tpu.memory_space<vmem>>, vector<16xi32>,
      %swap3A_184 = arith.constant 64 : i32
      %swap3A_185 = arith.index_cast %swap3A_184 : i32 to index
      %swap3A_186 = arith.constant 112 : index
      %swap3A_187 = tpu.vector_load %arg16[%swap3A_185, %swap3A_186] {strides = array<i32>} : memref<104x128xi32, #tpu.memory_space<vmem>>, vector<16xi32>,
      tpu.vector_store %arg16[%swap3A_185, %swap3A_186], %broadcast_in_dim3A_1 {strides = array<i32>} : memref<104x128xi32, #tpu.memory_space<vmem>>, vector<16xi32>,
      %dma_start3A = arith.constant 0 : i32
      %dma_start3A_188 = arith.constant 0 : i32
      %dma_start3A_189 = arith.constant 0 : i32
      %dma_start3A_190 = arith.constant 0 : i32
      %dma_start3A_191 = tpu.memref_slice %arg18[%dma_start3A_188, %dma_start3A_189, %dma_start3A_190] : memref<2x128x16xf32, #tpu.memory_space<vmem>> -> memref<1x128x16xf32, #tpu.memory_space<vmem>>
      %dma_start3A_192 = tpu.memref_squeeze %dma_start3A_191 : memref<1x128x16xf32, #tpu.memory_space<vmem>> -> memref<128x16xf32, #tpu.memory_space<vmem>>
      %dma_start3A_193 = arith.constant 0 : i32
      %dma_start3A_194 = tpu.memref_slice %arg16[%dma_start3A, %dma_start3A_193] : memref<104x128xi32, #tpu.memory_space<vmem>> -> memref<1x128xi32, #tpu.memory_space<vmem>>
      %dma_start3A_195 = tpu.memref_squeeze %dma_start3A_194 : memref<1x128xi32, #tpu.memory_space<vmem>> -> memref<128xi32, #tpu.memory_space<vmem>>
      %dma_start3A_196 = arith.constant 0 : i32
      %dma_start3A_197 = arith.constant 0 : i32
      %dma_start3A_198 = tpu.memref_slice %arg7[%dma_start3A_196, %dma_start3A_197] : memref<20480x16xf32, #tpu.memory_space<hbm>> -> memref<20480x16xf32, #tpu.memory_space<hbm>>
      tpu.enqueue_indirect_dma source(%dma_start3A_198 : memref<20480x16xf32, #tpu.memory_space<hbm>>) target(%dma_start3A_192 : memref<128x16xf32, #tpu.memory_space<vmem>>) offsets(%dma_start3A_195 : memref<128xi32, #tpu.memory_space<vmem>>) semaphore(%arg21 : memref<!tpu.dma_semaphore, #tpu.memory_space<semaphore_mem>>)
      %scan3A_199 = arith.constant 0 : i32
      %scan3A_200 = arith.constant 0 : i32
      %scan3A_201 = arith.constant 32 : i32
      %scan3A_202 = arith.addi %scan3A_200, %scan3A_201 : i32
      %scan3A_203 = arith.constant 1 : i32
      scf.for %scan3A_216 = %scan3A_200 to %scan3A_202 step %scan3A_203  : i32 {
        %mul3A_217 = arith.constant 2 : i32
        %mul3A_218 = arith.muli %mul3A_217, %scan3A_216 : i32
        %add3A_219 = arith.constant 1 : i32
        %add3A_220 = arith.addi %mul3A_218, %add3A_219 : i32
        %dma_start3A_221 = arith.constant 1 : i32
        %dma_start3A_222 = arith.constant 0 : i32
        %dma_start3A_223 = arith.constant 0 : i32
        %dma_start3A_224 = tpu.memref_slice %arg18[%dma_start3A_221, %dma_start3A_222, %dma_start3A_223] : memref<2x128x16xf32, #tpu.memory_space<vmem>> -> memref<1x128x16xf32, #tpu.memory_space<vmem>>
        %dma_start3A_225 = tpu.memref_squeeze %dma_start3A_224 : memref<1x128x16xf32, #tpu.memory_space<vmem>> -> memref<128x16xf32, #tpu.memory_space<vmem>>
        %dma_start3A_226 = arith.constant 0 : i32
        %dma_start3A_227 = tpu.memref_slice %arg16[%add3A_220, %dma_start3A_226] : memref<104x128xi32, #tpu.memory_space<vmem>> -> memref<1x128xi32, #tpu.memory_space<vmem>>
        %dma_start3A_228 = tpu.memref_squeeze %dma_start3A_227 : memref<1x128xi32, #tpu.memory_space<vmem>> -> memref<128xi32, #tpu.memory_space<vmem>>
        %dma_start3A_229 = arith.constant 0 : i32
        %dma_start3A_230 = arith.constant 0 : i32
        %dma_start3A_231 = tpu.memref_slice %arg7[%dma_start3A_229, %dma_start3A_230] : memref<20480x16xf32, #tpu.memory_space<hbm>> -> memref<20480x16xf32, #tpu.memory_space<hbm>>
        tpu.enqueue_indirect_dma source(%dma_start3A_231 : memref<20480x16xf32, #tpu.memory_space<hbm>>) target(%dma_start3A_225 : memref<128x16xf32, #tpu.memory_space<vmem>>) offsets(%dma_start3A_228 : memref<128xi32, #tpu.memory_space<vmem>>) semaphore(%arg22 : memref<!tpu.dma_semaphore, #tpu.memory_space<semaphore_mem>>)
        %dma_wait3A_232 = arith.constant 0 : i32
        %dma_wait3A_233 = arith.constant 0 : i32
        %dma_wait3A_234 = arith.constant 0 : i32
        %dma_wait3A_235 = tpu.memref_slice %arg18[%dma_wait3A_232, %dma_wait3A_233, %dma_wait3A_234] : memref<2x128x16xf32, #tpu.memory_space<vmem>> -> memref<1x128x16xf32, #tpu.memory_space<vmem>>
        %dma_wait3A_236 = tpu.memref_squeeze %dma_wait3A_235 : memref<1x128x16xf32, #tpu.memory_space<vmem>> -> memref<128x16xf32, #tpu.memory_space<vmem>>
        %dma_wait3A_237 = arith.constant 0 : i32
        %dma_wait3A_238 = tpu.memref_slice %arg16[%mul3A_218, %dma_wait3A_237] : memref<104x128xi32, #tpu.memory_space<vmem>> -> memref<1x128xi32, #tpu.memory_space<vmem>>
        %dma_wait3A_239 = tpu.memref_squeeze %dma_wait3A_238 : memref<1x128xi32, #tpu.memory_space<vmem>> -> memref<128xi32, #tpu.memory_space<vmem>>
        %dma_wait3A_240 = arith.constant 0 : i32
        %dma_wait3A_241 = arith.constant 0 : i32
        %dma_wait3A_242 = tpu.memref_slice %arg7[%dma_wait3A_240, %dma_wait3A_241] : memref<20480x16xf32, #tpu.memory_space<hbm>> -> memref<20480x16xf32, #tpu.memory_space<hbm>>
        tpu.wait_indirect_dma semaphore(%arg21 : memref<!tpu.dma_semaphore, #tpu.memory_space<semaphore_mem>>) src(%dma_wait3A_242 : memref<20480x16xf32, #tpu.memory_space<hbm>>) dst(%dma_wait3A_236 : memref<128x16xf32, #tpu.memory_space<vmem>>)
        %run_scoped3A_243 = arith.constant 0 : i32
        "tpu.region"() ({
          %run_scoped3A_273 = tpu.sem_alloc : memref<!tpu.dma_semaphore, #tpu.memory_space<semaphore_mem>>
          %dma_start3A_274 = arith.constant 0 : i32
          %dma_start3A_275 = arith.constant 0 : i32
          %dma_start3A_276 = tpu.memref_slice %arg18[%run_scoped3A_243, %dma_start3A_274, %dma_start3A_275] : memref<2x128x16xf32, #tpu.memory_space<vmem>> -> memref<1x128x16xf32, #tpu.memory_space<vmem>>
          %dma_start3A_277 = tpu.memref_squeeze %dma_start3A_276 : memref<1x128x16xf32, #tpu.memory_space<vmem>> -> memref<128x16xf32, #tpu.memory_space<vmem>>
          %dma_start3A_278 = arith.constant 0 : i32
          %dma_start3A_279 = tpu.memref_slice %arg17[%mul3A_218, %dma_start3A_278] : memref<96x128xi32, #tpu.memory_space<vmem>> -> memref<1x128xi32, #tpu.memory_space<vmem>>
          %dma_start3A_280 = tpu.memref_squeeze %dma_start3A_279 : memref<1x128xi32, #tpu.memory_space<vmem>> -> memref<128xi32, #tpu.memory_space<vmem>>
          %dma_start3A_281 = arith.constant 0 : i32
          %dma_start3A_282 = arith.constant 0 : i32
          %dma_start3A_283 = tpu.memref_slice %arg20[%dma_start3A_281, %dma_start3A_282] : memref<10240x16xf32, #tpu.memory_space<vmem_shared>> -> memref<10240x16xf32, #tpu.memory_space<vmem_shared>>
          tpu.enqueue_indirect_dma source(%dma_start3A_277 : memref<128x16xf32, #tpu.memory_space<vmem>>) target(%dma_start3A_283 : memref<10240x16xf32, #tpu.memory_space<vmem_shared>>) offsets(%dma_start3A_280 : memref<128xi32, #tpu.memory_space<vmem>>) semaphore(%run_scoped3A_273 : memref<!tpu.dma_semaphore, #tpu.memory_space<semaphore_mem>>) {add = true}
          %dma_wait3A_284 = arith.constant 0 : i32
          %dma_wait3A_285 = arith.constant 0 : i32
          %dma_wait3A_286 = tpu.memref_slice %arg18[%run_scoped3A_243, %dma_wait3A_284, %dma_wait3A_285] : memref<2x128x16xf32, #tpu.memory_space<vmem>> -> memref<1x128x16xf32, #tpu.memory_space<vmem>>
          %dma_wait3A_287 = tpu.memref_squeeze %dma_wait3A_286 : memref<1x128x16xf32, #tpu.memory_space<vmem>> -> memref<128x16xf32, #tpu.memory_space<vmem>>
          %dma_wait3A_288 = arith.constant 0 : i32
          %dma_wait3A_289 = tpu.memref_slice %arg17[%mul3A_218, %dma_wait3A_288] : memref<96x128xi32, #tpu.memory_space<vmem>> -> memref<1x128xi32, #tpu.memory_space<vmem>>
          %dma_wait3A_290 = tpu.memref_squeeze %dma_wait3A_289 : memref<1x128xi32, #tpu.memory_space<vmem>> -> memref<128xi32, #tpu.memory_space<vmem>>
          %dma_wait3A_291 = arith.constant 0 : i32
          %dma_wait3A_292 = arith.constant 0 : i32
          %dma_wait3A_293 = tpu.memref_slice %arg20[%dma_wait3A_291, %dma_wait3A_292] : memref<10240x16xf32, #tpu.memory_space<vmem_shared>> -> memref<10240x16xf32, #tpu.memory_space<vmem_shared>>
          tpu.wait_indirect_dma semaphore(%run_scoped3A_273 : memref<!tpu.dma_semaphore, #tpu.memory_space<semaphore_mem>>) src(%dma_wait3A_287 : memref<128x16xf32, #tpu.memory_space<vmem>>) dst(%dma_wait3A_293 : memref<10240x16xf32, #tpu.memory_space<vmem_shared>>)
          tpu.yield
        }) : () -> ()
        %add3A_244 = arith.constant 2 : i32
        %add3A_245 = arith.addi %mul3A_218, %add3A_244 : i32
        %dma_start3A_246 = arith.constant 0 : i32
        %dma_start3A_247 = arith.constant 0 : i32
        %dma_start3A_248 = arith.constant 0 : i32
        %dma_start3A_249 = tpu.memref_slice %arg18[%dma_start3A_246, %dma_start3A_247, %dma_start3A_248] : memref<2x128x16xf32, #tpu.memory_space<vmem>> -> memref<1x128x16xf32, #tpu.memory_space<vmem>>
        %dma_start3A_250 = tpu.memref_squeeze %dma_start3A_249 : memref<1x128x16xf32, #tpu.memory_space<vmem>> -> memref<128x16xf32, #tpu.memory_space<vmem>>
        %dma_start3A_251 = arith.constant 0 : i32
        %dma_start3A_252 = tpu.memref_slice %arg16[%add3A_245, %dma_start3A_251] : memref<104x128xi32, #tpu.memory_space<vmem>> -> memref<1x128xi32, #tpu.memory_space<vmem>>
        %dma_start3A_253 = tpu.memref_squeeze %dma_start3A_252 : memref<1x128xi32, #tpu.memory_space<vmem>> -> memref<128xi32, #tpu.memory_space<vmem>>
        %dma_start3A_254 = arith.constant 0 : i32
        %dma_start3A_255 = arith.constant 0 : i32
        %dma_start3A_256 = tpu.memref_slice %arg7[%dma_start3A_254, %dma_start3A_255] : memref<20480x16xf32, #tpu.memory_space<hbm>> -> memref<20480x16xf32, #tpu.memory_space<hbm>>
        tpu.enqueue_indirect_dma source(%dma_start3A_256 : memref<20480x16xf32, #tpu.memory_space<hbm>>) target(%dma_start3A_250 : memref<128x16xf32, #tpu.memory_space<vmem>>) offsets(%dma_start3A_253 : memref<128xi32, #tpu.memory_space<vmem>>) semaphore(%arg21 : memref<!tpu.dma_semaphore, #tpu.memory_space<semaphore_mem>>)
        %add3A_257 = arith.constant 1 : i32
        %add3A_258 = arith.addi %mul3A_218, %add3A_257 : i32
        %dma_wait3A_259 = arith.constant 1 : i32
        %dma_wait3A_260 = arith.constant 0 : i32
        %dma_wait3A_261 = arith.constant 0 : i32
        %dma_wait3A_262 = tpu.memref_slice %arg18[%dma_wait3A_259, %dma_wait3A_260, %dma_wait3A_261] : memref<2x128x16xf32, #tpu.memory_space<vmem>> -> memref<1x128x16xf32, #tpu.memory_space<vmem>>
        %dma_wait3A_263 = tpu.memref_squeeze %dma_wait3A_262 : memref<1x128x16xf32, #tpu.memory_space<vmem>> -> memref<128x16xf32, #tpu.memory_space<vmem>>
        %dma_wait3A_264 = arith.constant 0 : i32
        %dma_wait3A_265 = tpu.memref_slice %arg16[%add3A_258, %dma_wait3A_264] : memref<104x128xi32, #tpu.memory_space<vmem>> -> memref<1x128xi32, #tpu.memory_space<vmem>>
        %dma_wait3A_266 = tpu.memref_squeeze %dma_wait3A_265 : memref<1x128xi32, #tpu.memory_space<vmem>> -> memref<128xi32, #tpu.memory_space<vmem>>
        %dma_wait3A_267 = arith.constant 0 : i32
        %dma_wait3A_268 = arith.constant 0 : i32
        %dma_wait3A_269 = tpu.memref_slice %arg7[%dma_wait3A_267, %dma_wait3A_268] : memref<20480x16xf32, #tpu.memory_space<hbm>> -> memref<20480x16xf32, #tpu.memory_space<hbm>>
        tpu.wait_indirect_dma semaphore(%arg22 : memref<!tpu.dma_semaphore, #tpu.memory_space<semaphore_mem>>) src(%dma_wait3A_269 : memref<20480x16xf32, #tpu.memory_space<hbm>>) dst(%dma_wait3A_263 : memref<128x16xf32, #tpu.memory_space<vmem>>)
        %add3A_270 = arith.constant 1 : i32
        %add3A_271 = arith.addi %mul3A_218, %add3A_270 : i32
        %run_scoped3A_272 = arith.constant 1 : i32
        "tpu.region"() ({
          %run_scoped3A_273 = tpu.sem_alloc : memref<!tpu.dma_semaphore, #tpu.memory_space<semaphore_mem>>
          %dma_start3A_274 = arith.constant 0 : i32
          %dma_start3A_275 = arith.constant 0 : i32
          %dma_start3A_276 = tpu.memref_slice %arg18[%run_scoped3A_272, %dma_start3A_274, %dma_start3A_275] : memref<2x128x16xf32, #tpu.memory_space<vmem>> -> memref<1x128x16xf32, #tpu.memory_space<vmem>>
          %dma_start3A_277 = tpu.memref_squeeze %dma_start3A_276 : memref<1x128x16xf32, #tpu.memory_space<vmem>> -> memref<128x16xf32, #tpu.memory_space<vmem>>
          %dma_start3A_278 = arith.constant 0 : i32
          %dma_start3A_279 = tpu.memref_slice %arg17[%add3A_271, %dma_start3A_278] : memref<96x128xi32, #tpu.memory_space<vmem>> -> memref<1x128xi32, #tpu.memory_space<vmem>>
          %dma_start3A_280 = tpu.memref_squeeze %dma_start3A_279 : memref<1x128xi32, #tpu.memory_space<vmem>> -> memref<128xi32, #tpu.memory_space<vmem>>
          %dma_start3A_281 = arith.constant 0 : i32
          %dma_start3A_282 = arith.constant 0 : i32
          %dma_start3A_283 = tpu.memref_slice %arg20[%dma_start3A_281, %dma_start3A_282] : memref<10240x16xf32, #tpu.memory_space<vmem_shared>> -> memref<10240x16xf32, #tpu.memory_space<vmem_shared>>
          tpu.enqueue_indirect_dma source(%dma_start3A_277 : memref<128x16xf32, #tpu.memory_space<vmem>>) target(%dma_start3A_283 : memref<10240x16xf32, #tpu.memory_space<vmem_shared>>) offsets(%dma_start3A_280 : memref<128xi32, #tpu.memory_space<vmem>>) semaphore(%run_scoped3A_273 : memref<!tpu.dma_semaphore, #tpu.memory_space<semaphore_mem>>) {add = true}
          %dma_wait3A_284 = arith.constant 0 : i32
          %dma_wait3A_285 = arith.constant 0 : i32
          %dma_wait3A_286 = tpu.memref_slice %arg18[%run_scoped3A_272, %dma_wait3A_284, %dma_wait3A_285] : memref<2x128x16xf32, #tpu.memory_space<vmem>> -> memref<1x128x16xf32, #tpu.memory_space<vmem>>
          %dma_wait3A_287 = tpu.memref_squeeze %dma_wait3A_286 : memref<1x128x16xf32, #tpu.memory_space<vmem>> -> memref<128x16xf32, #tpu.memory_space<vmem>>
          %dma_wait3A_288 = arith.constant 0 : i32
          %dma_wait3A_289 = tpu.memref_slice %arg17[%add3A_271, %dma_wait3A_288] : memref<96x128xi32, #tpu.memory_space<vmem>> -> memref<1x128xi32, #tpu.memory_space<vmem>>
          %dma_wait3A_290 = tpu.memref_squeeze %dma_wait3A_289 : memref<1x128xi32, #tpu.memory_space<vmem>> -> memref<128xi32, #tpu.memory_space<vmem>>
          %dma_wait3A_291 = arith.constant 0 : i32
          %dma_wait3A_292 = arith.constant 0 : i32
          %dma_wait3A_293 = tpu.memref_slice %arg20[%dma_wait3A_291, %dma_wait3A_292] : memref<10240x16xf32, #tpu.memory_space<vmem_shared>> -> memref<10240x16xf32, #tpu.memory_space<vmem_shared>>
          tpu.wait_indirect_dma semaphore(%run_scoped3A_273 : memref<!tpu.dma_semaphore, #tpu.memory_space<semaphore_mem>>) src(%dma_wait3A_287 : memref<128x16xf32, #tpu.memory_space<vmem>>) dst(%dma_wait3A_293 : memref<10240x16xf32, #tpu.memory_space<vmem_shared>>)
          tpu.yield
        }) : () -> ()
      }
      %scan3A_204 = arith.constant 32 : i32
      %dma_wait3A = arith.constant 64 : i32
      %dma_wait3A_205 = arith.constant 0 : i32
      %dma_wait3A_206 = arith.constant 0 : i32
      %dma_wait3A_207 = arith.constant 0 : i32
      %dma_wait3A_208 = tpu.memref_slice %arg18[%dma_wait3A_205, %dma_wait3A_206, %dma_wait3A_207] : memref<2x128x16xf32, #tpu.memory_space<vmem>> -> memref<1x128x16xf32, #tpu.memory_space<vmem>>
      %dma_wait3A_209 = tpu.memref_squeeze %dma_wait3A_208 : memref<1x128x16xf32, #tpu.memory_space<vmem>> -> memref<128x16xf32, #tpu.memory_space<vmem>>
      %dma_wait3A_210 = arith.constant 0 : i32
      %dma_wait3A_211 = tpu.memref_slice %arg16[%dma_wait3A, %dma_wait3A_210] : memref<104x128xi32, #tpu.memory_space<vmem>> -> memref<1x128xi32, #tpu.memory_space<vmem>>
      %dma_wait3A_212 = tpu.memref_squeeze %dma_wait3A_211 : memref<1x128xi32, #tpu.memory_space<vmem>> -> memref<128xi32, #tpu.memory_space<vmem>>
      %dma_wait3A_213 = arith.constant 0 : i32
      %dma_wait3A_214 = arith.constant 0 : i32
      %dma_wait3A_215 = tpu.memref_slice %arg7[%dma_wait3A_213, %dma_wait3A_214] : memref<20480x16xf32, #tpu.memory_space<hbm>> -> memref<20480x16xf32, #tpu.memory_space<hbm>>
      tpu.wait_indirect_dma semaphore(%arg21 : memref<!tpu.dma_semaphore, #tpu.memory_space<semaphore_mem>>) src(%dma_wait3A_215 : memref<20480x16xf32, #tpu.memory_space<hbm>>) dst(%dma_wait3A_209 : memref<128x16xf32, #tpu.memory_space<vmem>>)
    } else {
    }
    %barrier3A_152 = arith.constant 0 : index
    tpu.barrier barrier_id(%barrier3A_152)
    %mul3A_153 = arith.constant 640 : i32
    %mul3A_154 = arith.muli %arg1, %mul3A_153 : i32
    %mul3A_155 = arith.constant 640 : i32
    %mul3A_156 = arith.muli %arg1, %mul3A_155 : i32
    "tpu.region"() ({
      %run_scoped3A_157 = tpu.sem_alloc : memref<!tpu.dma_semaphore, #tpu.memory_space<semaphore_mem>>
      %dma_start3A = arith.constant 0 : i32
      %dma_start3A_158 = tpu.memref_slice %arg6[%arg0, %mul3A_156, %dma_start3A] : memref<2x10240x16xf32, #tpu.memory_space<hbm>> -> memref<1x640x16xf32, #tpu.memory_space<hbm>>
      %dma_start3A_159 = tpu.memref_squeeze %dma_start3A_158 : memref<1x640x16xf32, #tpu.memory_space<hbm>> -> memref<640x16xf32, #tpu.memory_space<hbm>>
      %dma_start3A_160 = arith.constant 0 : i32
      %dma_start3A_161 = tpu.memref_slice %arg20[%mul3A_154, %dma_start3A_160] : memref<10240x16xf32, #tpu.memory_space<vmem_shared>> -> memref<640x16xf32, #tpu.memory_space<vmem_shared>>
      tpu.enqueue_dma source(%dma_start3A_161 : memref<640x16xf32, #tpu.memory_space<vmem_shared>>) target(%dma_start3A_159 : memref<640x16xf32, #tpu.memory_space<hbm>>) target_semaphore(%run_scoped3A_157 : memref<!tpu.dma_semaphore, #tpu.memory_space<semaphore_mem>>)
      %dma_wait3A = arith.constant 0 : i32
      %dma_wait3A_162 = tpu.memref_slice %arg6[%arg0, %mul3A_156, %dma_wait3A] : memref<2x10240x16xf32, #tpu.memory_space<hbm>> -> memref<1x640x16xf32, #tpu.memory_space<hbm>>
      %dma_wait3A_163 = tpu.memref_squeeze %dma_wait3A_162 : memref<1x640x16xf32, #tpu.memory_space<hbm>> -> memref<640x16xf32, #tpu.memory_space<hbm>>
      %dma_wait3A_164 = arith.constant 0 : i32
      %dma_wait3A_165 = tpu.memref_slice %arg20[%mul3A_154, %dma_wait3A_164] : memref<10240x16xf32, #tpu.memory_space<vmem_shared>> -> memref<640x16xf32, #tpu.memory_space<vmem_shared>>
      tpu.wait_dma2 semaphore(%run_scoped3A_157 : memref<!tpu.dma_semaphore, #tpu.memory_space<semaphore_mem>>) src(%dma_wait3A_165 : memref<640x16xf32, #tpu.memory_space<vmem_shared>>) dst(%dma_wait3A_163 : memref<640x16xf32, #tpu.memory_space<hbm>>)
      tpu.yield
    }) : () -> ()
    return
  }
}

#map = affine_map<(d0, d1) -> (0, 0)>
#map1 = affine_map<(d0, d1) -> (0, 0, 0)>
module attributes {stable_mosaic.version = 14 : i64} {
  func.func @_prop_body(%arg0: i32, %arg1: i32, %arg2: memref<10240x16xf32, #tpu.memory_space<hbm>>, %arg3: memref<2592x128xi32, #tpu.memory_space<hbm>>, %arg4: memref<2592x128xi32, #tpu.memory_space<hbm>>, %arg5: memref<640x16xf32, #tpu.memory_space<hbm>>, %arg6: memref<2x10240x16xf32, #tpu.memory_space<hbm>>, %arg7: memref<104x128xi32, #tpu.memory_space<vmem>>, %arg8: memref<96x128xi32, #tpu.memory_space<vmem>>, %arg9: memref<2x128x16xf32, #tpu.memory_space<vmem>>, %arg10: memref<10240x16xf32, #tpu.memory_space<vmem_shared>>, %arg11: memref<!tpu.dma_semaphore, #tpu.memory_space<semaphore_mem>>, %arg12: memref<!tpu.dma_semaphore, #tpu.memory_space<semaphore_mem>>) attributes {dimension_semantics = [#tpu.dimension_semantics<core_parallel>, #tpu.dimension_semantics<subcore_parallel>], iteration_bounds = array<i64: 2, 16>, scalar_prefetch = 0 : i64, scratch_operands = 6 : i64, tpu.core_type = #tpu.core_type<sc_vector_subcore>, window_params = [{transform_indices = #map}, {transform_indices = #map}, {transform_indices = #map}, {transform_indices = #map}, {transform_indices = #map1}]} {
    %eq3A = arith.constant 0 : i32
    %eq3A_0 = arith.cmpi eq, %arg0, %eq3A : i32
    %mul3A = arith.constant 96 : i32
    %mul3A_1 = arith.muli %arg1, %mul3A : i32
    %mul3A_2 = arith.constant 64 : i32
    %mul3A_3 = arith.muli %arg1, %mul3A_2 : i32
    %add3A = arith.constant 1536 : i32
    %add3A_4 = arith.addi %add3A, %mul3A_3 : i32
    %select_n3A = arith.select %eq3A_0, %mul3A_1, %add3A_4 : i32
    %mul3A_5 = arith.constant 640 : i32
    %mul3A_6 = arith.muli %arg1, %mul3A_5 : i32
    "tpu.region"() ({
      %run_scoped3A = tpu.sem_alloc : memref<!tpu.dma_semaphore, #tpu.memory_space<semaphore_mem>>
      %dma_start3A = arith.constant 0 : i32
      %dma_start3A_21 = tpu.memref_slice %arg10[%mul3A_6, %dma_start3A] : memref<10240x16xf32, #tpu.memory_space<vmem_shared>> -> memref<640x16xf32, #tpu.memory_space<vmem_shared>>
      tpu.enqueue_dma source(%arg5 : memref<640x16xf32, #tpu.memory_space<hbm>>) target(%dma_start3A_21 : memref<640x16xf32, #tpu.memory_space<vmem_shared>>) target_semaphore(%run_scoped3A : memref<!tpu.dma_semaphore, #tpu.memory_space<semaphore_mem>>)
      %dma_wait3A = arith.constant 0 : i32
      %dma_wait3A_22 = tpu.memref_slice %arg10[%mul3A_6, %dma_wait3A] : memref<10240x16xf32, #tpu.memory_space<vmem_shared>> -> memref<640x16xf32, #tpu.memory_space<vmem_shared>>
      tpu.wait_dma2 semaphore(%run_scoped3A : memref<!tpu.dma_semaphore, #tpu.memory_space<semaphore_mem>>) src(%arg5 : memref<640x16xf32, #tpu.memory_space<hbm>>) dst(%dma_wait3A_22 : memref<640x16xf32, #tpu.memory_space<vmem_shared>>)
      tpu.yield
    }) : () -> ()
    "tpu.region"() ({
      %run_scoped3A = tpu.sem_alloc : memref<!tpu.dma_semaphore, #tpu.memory_space<semaphore_mem>>
      %dma_start3A = arith.constant 0 : i32
      %dma_start3A_21 = arith.constant 0 : i32
      %dma_start3A_22 = tpu.memref_slice %arg7[%dma_start3A, %dma_start3A_21] : memref<104x128xi32, #tpu.memory_space<vmem>> -> memref<96x128xi32, #tpu.memory_space<vmem>>
      %dma_start3A_23 = arith.constant 0 : i32
      %dma_start3A_24 = tpu.memref_slice %arg3[%select_n3A, %dma_start3A_23] : memref<2592x128xi32, #tpu.memory_space<hbm>> -> memref<96x128xi32, #tpu.memory_space<hbm>>
      %dma_start3A_25 = arith.constant 0 : i32
      %dma_start3A_26 = arith.constant 0 : i32
      %dma_start3A_27 = tpu.memref_slice %arg7[%dma_start3A_25, %dma_start3A_26] : memref<104x128xi32, #tpu.memory_space<vmem>> -> memref<96x128xi32, #tpu.memory_space<vmem>>
      %dma_start3A_28 = arith.constant 0 : i32
      %dma_start3A_29 = tpu.memref_slice %arg3[%select_n3A, %dma_start3A_28] : memref<2592x128xi32, #tpu.memory_space<hbm>> -> memref<96x128xi32, #tpu.memory_space<hbm>>
      tpu.enqueue_dma source(%dma_start3A_29 : memref<96x128xi32, #tpu.memory_space<hbm>>) target(%dma_start3A_27 : memref<96x128xi32, #tpu.memory_space<vmem>>) target_semaphore(%run_scoped3A : memref<!tpu.dma_semaphore, #tpu.memory_space<semaphore_mem>>)
      %dma_wait3A = arith.constant 0 : i32
      %dma_wait3A_30 = arith.constant 0 : i32
      %dma_wait3A_31 = tpu.memref_slice %arg7[%dma_wait3A, %dma_wait3A_30] : memref<104x128xi32, #tpu.memory_space<vmem>> -> memref<96x128xi32, #tpu.memory_space<vmem>>
      %dma_wait3A_32 = arith.constant 0 : i32
      %dma_wait3A_33 = tpu.memref_slice %arg3[%select_n3A, %dma_wait3A_32] : memref<2592x128xi32, #tpu.memory_space<hbm>> -> memref<96x128xi32, #tpu.memory_space<hbm>>
      %dma_wait3A_34 = arith.constant 0 : i32
      %dma_wait3A_35 = arith.constant 0 : i32
      %dma_wait3A_36 = tpu.memref_slice %arg7[%dma_wait3A_34, %dma_wait3A_35] : memref<104x128xi32, #tpu.memory_space<vmem>> -> memref<96x128xi32, #tpu.memory_space<vmem>>
      %dma_wait3A_37 = arith.constant 0 : i32
      %dma_wait3A_38 = tpu.memref_slice %arg3[%select_n3A, %dma_wait3A_37] : memref<2592x128xi32, #tpu.memory_space<hbm>> -> memref<96x128xi32, #tpu.memory_space<hbm>>
      tpu.wait_dma2 semaphore(%run_scoped3A : memref<!tpu.dma_semaphore, #tpu.memory_space<semaphore_mem>>) src(%dma_wait3A_38 : memref<96x128xi32, #tpu.memory_space<hbm>>) dst(%dma_wait3A_36 : memref<96x128xi32, #tpu.memory_space<vmem>>)
      tpu.yield
    }) : () -> ()
    "tpu.region"() ({
      %run_scoped3A = tpu.sem_alloc : memref<!tpu.dma_semaphore, #tpu.memory_space<semaphore_mem>>
      %dma_start3A = arith.constant 0 : i32
      %dma_start3A_21 = tpu.memref_slice %arg4[%select_n3A, %dma_start3A] : memref<2592x128xi32, #tpu.memory_space<hbm>> -> memref<96x128xi32, #tpu.memory_space<hbm>>
      %dma_start3A_22 = arith.constant 0 : i32
      %dma_start3A_23 = tpu.memref_slice %arg4[%select_n3A, %dma_start3A_22] : memref<2592x128xi32, #tpu.memory_space<hbm>> -> memref<96x128xi32, #tpu.memory_space<hbm>>
      tpu.enqueue_dma source(%dma_start3A_23 : memref<96x128xi32, #tpu.memory_space<hbm>>) target(%arg8 : memref<96x128xi32, #tpu.memory_space<vmem>>) target_semaphore(%run_scoped3A : memref<!tpu.dma_semaphore, #tpu.memory_space<semaphore_mem>>)
      %dma_wait3A = arith.constant 0 : i32
      %dma_wait3A_24 = tpu.memref_slice %arg4[%select_n3A, %dma_wait3A] : memref<2592x128xi32, #tpu.memory_space<hbm>> -> memref<96x128xi32, #tpu.memory_space<hbm>>
      %dma_wait3A_25 = arith.constant 0 : i32
      %dma_wait3A_26 = tpu.memref_slice %arg4[%select_n3A, %dma_wait3A_25] : memref<2592x128xi32, #tpu.memory_space<hbm>> -> memref<96x128xi32, #tpu.memory_space<hbm>>
      tpu.wait_dma2 semaphore(%run_scoped3A : memref<!tpu.dma_semaphore, #tpu.memory_space<semaphore_mem>>) src(%dma_wait3A_26 : memref<96x128xi32, #tpu.memory_space<hbm>>) dst(%arg8 : memref<96x128xi32, #tpu.memory_space<vmem>>)
      tpu.yield
    }) : () -> ()
    %barrier3A = arith.constant 0 : index
    tpu.barrier barrier_id(%barrier3A)
    %broadcast_in_dim3A = arith.constant 0 : i32
    %broadcast_in_dim3A_7 = vector.broadcast %broadcast_in_dim3A : i32 to vector<16xi32>
    %eq3A_8 = arith.constant 0 : i32
    %eq3A_9 = arith.cmpi eq, %arg0, %eq3A_8 : i32
    %convert_element_type3A = arith.extui %eq3A_9 : i1 to i32
    %cond3A = arith.constant 0 : i32
    %cond3A_10 = arith.cmpi ne, %convert_element_type3A, %cond3A : i32
    scf.if %cond3A_10 {
      %swap3A = arith.constant 96 : i32
      %swap3A_21 = arith.index_cast %swap3A : i32 to index
      %swap3A_22 = arith.constant 0 : index
      %swap3A_23 = tpu.vector_load %arg7[%swap3A_21, %swap3A_22] {strides = array<i32>} : memref<104x128xi32, #tpu.memory_space<vmem>>, vector<16xi32>,
      tpu.vector_store %arg7[%swap3A_21, %swap3A_22], %broadcast_in_dim3A_7 {strides = array<i32>} : memref<104x128xi32, #tpu.memory_space<vmem>>, vector<16xi32>,
      %swap3A_24 = arith.constant 96 : i32
      %swap3A_25 = arith.index_cast %swap3A_24 : i32 to index
      %swap3A_26 = arith.constant 16 : index
      %swap3A_27 = tpu.vector_load %arg7[%swap3A_25, %swap3A_26] {strides = array<i32>} : memref<104x128xi32, #tpu.memory_space<vmem>>, vector<16xi32>,
      tpu.vector_store %arg7[%swap3A_25, %swap3A_26], %broadcast_in_dim3A_7 {strides = array<i32>} : memref<104x128xi32, #tpu.memory_space<vmem>>, vector<16xi32>,
      %swap3A_28 = arith.constant 96 : i32
      %swap3A_29 = arith.index_cast %swap3A_28 : i32 to index
      %swap3A_30 = arith.constant 32 : index
      %swap3A_31 = tpu.vector_load %arg7[%swap3A_29, %swap3A_30] {strides = array<i32>} : memref<104x128xi32, #tpu.memory_space<vmem>>, vector<16xi32>,
      tpu.vector_store %arg7[%swap3A_29, %swap3A_30], %broadcast_in_dim3A_7 {strides = array<i32>} : memref<104x128xi32, #tpu.memory_space<vmem>>, vector<16xi32>,
      %swap3A_32 = arith.constant 96 : i32
      %swap3A_33 = arith.index_cast %swap3A_32 : i32 to index
      %swap3A_34 = arith.constant 48 : index
      %swap3A_35 = tpu.vector_load %arg7[%swap3A_33, %swap3A_34] {strides = array<i32>} : memref<104x128xi32, #tpu.memory_space<vmem>>, vector<16xi32>,
      tpu.vector_store %arg7[%swap3A_33, %swap3A_34], %broadcast_in_dim3A_7 {strides = array<i32>} : memref<104x128xi32, #tpu.memory_space<vmem>>, vector<16xi32>,
      %swap3A_36 = arith.constant 96 : i32
      %swap3A_37 = arith.index_cast %swap3A_36 : i32 to index
      %swap3A_38 = arith.constant 64 : index
      %swap3A_39 = tpu.vector_load %arg7[%swap3A_37, %swap3A_38] {strides = array<i32>} : memref<104x128xi32, #tpu.memory_space<vmem>>, vector<16xi32>,
      tpu.vector_store %arg7[%swap3A_37, %swap3A_38], %broadcast_in_dim3A_7 {strides = array<i32>} : memref<104x128xi32, #tpu.memory_space<vmem>>, vector<16xi32>,
      %swap3A_40 = arith.constant 96 : i32
      %swap3A_41 = arith.index_cast %swap3A_40 : i32 to index
      %swap3A_42 = arith.constant 80 : index
      %swap3A_43 = tpu.vector_load %arg7[%swap3A_41, %swap3A_42] {strides = array<i32>} : memref<104x128xi32, #tpu.memory_space<vmem>>, vector<16xi32>,
      tpu.vector_store %arg7[%swap3A_41, %swap3A_42], %broadcast_in_dim3A_7 {strides = array<i32>} : memref<104x128xi32, #tpu.memory_space<vmem>>, vector<16xi32>,
      %swap3A_44 = arith.constant 96 : i32
      %swap3A_45 = arith.index_cast %swap3A_44 : i32 to index
      %swap3A_46 = arith.constant 96 : index
      %swap3A_47 = tpu.vector_load %arg7[%swap3A_45, %swap3A_46] {strides = array<i32>} : memref<104x128xi32, #tpu.memory_space<vmem>>, vector<16xi32>,
      tpu.vector_store %arg7[%swap3A_45, %swap3A_46], %broadcast_in_dim3A_7 {strides = array<i32>} : memref<104x128xi32, #tpu.memory_space<vmem>>, vector<16xi32>,
      %swap3A_48 = arith.constant 96 : i32
      %swap3A_49 = arith.index_cast %swap3A_48 : i32 to index
      %swap3A_50 = arith.constant 112 : index
      %swap3A_51 = tpu.vector_load %arg7[%swap3A_49, %swap3A_50] {strides = array<i32>} : memref<104x128xi32, #tpu.memory_space<vmem>>, vector<16xi32>,
      tpu.vector_store %arg7[%swap3A_49, %swap3A_50], %broadcast_in_dim3A_7 {strides = array<i32>} : memref<104x128xi32, #tpu.memory_space<vmem>>, vector<16xi32>,
      %dma_start3A = arith.constant 0 : i32
      %dma_start3A_52 = arith.constant 0 : i32
      %dma_start3A_53 = arith.constant 0 : i32
      %dma_start3A_54 = arith.constant 0 : i32
      %dma_start3A_55 = tpu.memref_slice %arg9[%dma_start3A_52, %dma_start3A_53, %dma_start3A_54] : memref<2x128x16xf32, #tpu.memory_space<vmem>> -> memref<1x128x16xf32, #tpu.memory_space<vmem>>
      %dma_start3A_56 = tpu.memref_squeeze %dma_start3A_55 : memref<1x128x16xf32, #tpu.memory_space<vmem>> -> memref<128x16xf32, #tpu.memory_space<vmem>>
      %dma_start3A_57 = arith.constant 0 : i32
      %dma_start3A_58 = tpu.memref_slice %arg7[%dma_start3A, %dma_start3A_57] : memref<104x128xi32, #tpu.memory_space<vmem>> -> memref<1x128xi32, #tpu.memory_space<vmem>>
      %dma_start3A_59 = tpu.memref_squeeze %dma_start3A_58 : memref<1x128xi32, #tpu.memory_space<vmem>> -> memref<128xi32, #tpu.memory_space<vmem>>
      %dma_start3A_60 = arith.constant 0 : i32
      %dma_start3A_61 = arith.constant 0 : i32
      %dma_start3A_62 = tpu.memref_slice %arg2[%dma_start3A_60, %dma_start3A_61] : memref<10240x16xf32, #tpu.memory_space<hbm>> -> memref<10240x16xf32, #tpu.memory_space<hbm>>
      tpu.enqueue_indirect_dma source(%dma_start3A_62 : memref<10240x16xf32, #tpu.memory_space<hbm>>) target(%dma_start3A_56 : memref<128x16xf32, #tpu.memory_space<vmem>>) offsets(%dma_start3A_59 : memref<128xi32, #tpu.memory_space<vmem>>) semaphore(%arg11 : memref<!tpu.dma_semaphore, #tpu.memory_space<semaphore_mem>>)
      %scan3A = arith.constant 0 : i32
      %scan3A_63 = arith.constant 0 : i32
      %scan3A_64 = arith.constant 48 : i32
      %scan3A_65 = arith.addi %scan3A_63, %scan3A_64 : i32
      %scan3A_66 = arith.constant 1 : i32
      scf.for %scan3A_79 = %scan3A_63 to %scan3A_65 step %scan3A_66  : i32 {
        %mul3A_80 = arith.constant 2 : i32
        %mul3A_81 = arith.muli %mul3A_80, %scan3A_79 : i32
        %add3A_82 = arith.constant 1 : i32
        %add3A_83 = arith.addi %mul3A_81, %add3A_82 : i32
        %dma_start3A_84 = arith.constant 1 : i32
        %dma_start3A_85 = arith.constant 0 : i32
        %dma_start3A_86 = arith.constant 0 : i32
        %dma_start3A_87 = tpu.memref_slice %arg9[%dma_start3A_84, %dma_start3A_85, %dma_start3A_86] : memref<2x128x16xf32, #tpu.memory_space<vmem>> -> memref<1x128x16xf32, #tpu.memory_space<vmem>>
        %dma_start3A_88 = tpu.memref_squeeze %dma_start3A_87 : memref<1x128x16xf32, #tpu.memory_space<vmem>> -> memref<128x16xf32, #tpu.memory_space<vmem>>
        %dma_start3A_89 = arith.constant 0 : i32
        %dma_start3A_90 = tpu.memref_slice %arg7[%add3A_83, %dma_start3A_89] : memref<104x128xi32, #tpu.memory_space<vmem>> -> memref<1x128xi32, #tpu.memory_space<vmem>>
        %dma_start3A_91 = tpu.memref_squeeze %dma_start3A_90 : memref<1x128xi32, #tpu.memory_space<vmem>> -> memref<128xi32, #tpu.memory_space<vmem>>
        %dma_start3A_92 = arith.constant 0 : i32
        %dma_start3A_93 = arith.constant 0 : i32
        %dma_start3A_94 = tpu.memref_slice %arg2[%dma_start3A_92, %dma_start3A_93] : memref<10240x16xf32, #tpu.memory_space<hbm>> -> memref<10240x16xf32, #tpu.memory_space<hbm>>
        tpu.enqueue_indirect_dma source(%dma_start3A_94 : memref<10240x16xf32, #tpu.memory_space<hbm>>) target(%dma_start3A_88 : memref<128x16xf32, #tpu.memory_space<vmem>>) offsets(%dma_start3A_91 : memref<128xi32, #tpu.memory_space<vmem>>) semaphore(%arg12 : memref<!tpu.dma_semaphore, #tpu.memory_space<semaphore_mem>>)
        %dma_wait3A_95 = arith.constant 0 : i32
        %dma_wait3A_96 = arith.constant 0 : i32
        %dma_wait3A_97 = arith.constant 0 : i32
        %dma_wait3A_98 = tpu.memref_slice %arg9[%dma_wait3A_95, %dma_wait3A_96, %dma_wait3A_97] : memref<2x128x16xf32, #tpu.memory_space<vmem>> -> memref<1x128x16xf32, #tpu.memory_space<vmem>>
        %dma_wait3A_99 = tpu.memref_squeeze %dma_wait3A_98 : memref<1x128x16xf32, #tpu.memory_space<vmem>> -> memref<128x16xf32, #tpu.memory_space<vmem>>
        %dma_wait3A_100 = arith.constant 0 : i32
        %dma_wait3A_101 = tpu.memref_slice %arg7[%mul3A_81, %dma_wait3A_100] : memref<104x128xi32, #tpu.memory_space<vmem>> -> memref<1x128xi32, #tpu.memory_space<vmem>>
        %dma_wait3A_102 = tpu.memref_squeeze %dma_wait3A_101 : memref<1x128xi32, #tpu.memory_space<vmem>> -> memref<128xi32, #tpu.memory_space<vmem>>
        %dma_wait3A_103 = arith.constant 0 : i32
        %dma_wait3A_104 = arith.constant 0 : i32
        %dma_wait3A_105 = tpu.memref_slice %arg2[%dma_wait3A_103, %dma_wait3A_104] : memref<10240x16xf32, #tpu.memory_space<hbm>> -> memref<10240x16xf32, #tpu.memory_space<hbm>>
        tpu.wait_indirect_dma semaphore(%arg11 : memref<!tpu.dma_semaphore, #tpu.memory_space<semaphore_mem>>) src(%dma_wait3A_105 : memref<10240x16xf32, #tpu.memory_space<hbm>>) dst(%dma_wait3A_99 : memref<128x16xf32, #tpu.memory_space<vmem>>)
        %run_scoped3A = arith.constant 0 : i32
        "tpu.region"() ({
          %run_scoped3A_135 = tpu.sem_alloc : memref<!tpu.dma_semaphore, #tpu.memory_space<semaphore_mem>>
          %dma_start3A_136 = arith.constant 0 : i32
          %dma_start3A_137 = arith.constant 0 : i32
          %dma_start3A_138 = tpu.memref_slice %arg9[%run_scoped3A, %dma_start3A_136, %dma_start3A_137] : memref<2x128x16xf32, #tpu.memory_space<vmem>> -> memref<1x128x16xf32, #tpu.memory_space<vmem>>
          %dma_start3A_139 = tpu.memref_squeeze %dma_start3A_138 : memref<1x128x16xf32, #tpu.memory_space<vmem>> -> memref<128x16xf32, #tpu.memory_space<vmem>>
          %dma_start3A_140 = arith.constant 0 : i32
          %dma_start3A_141 = tpu.memref_slice %arg8[%mul3A_81, %dma_start3A_140] : memref<96x128xi32, #tpu.memory_space<vmem>> -> memref<1x128xi32, #tpu.memory_space<vmem>>
          %dma_start3A_142 = tpu.memref_squeeze %dma_start3A_141 : memref<1x128xi32, #tpu.memory_space<vmem>> -> memref<128xi32, #tpu.memory_space<vmem>>
          %dma_start3A_143 = arith.constant 0 : i32
          %dma_start3A_144 = arith.constant 0 : i32
          %dma_start3A_145 = tpu.memref_slice %arg10[%dma_start3A_143, %dma_start3A_144] : memref<10240x16xf32, #tpu.memory_space<vmem_shared>> -> memref<10240x16xf32, #tpu.memory_space<vmem_shared>>
          tpu.enqueue_indirect_dma source(%dma_start3A_139 : memref<128x16xf32, #tpu.memory_space<vmem>>) target(%dma_start3A_145 : memref<10240x16xf32, #tpu.memory_space<vmem_shared>>) offsets(%dma_start3A_142 : memref<128xi32, #tpu.memory_space<vmem>>) semaphore(%run_scoped3A_135 : memref<!tpu.dma_semaphore, #tpu.memory_space<semaphore_mem>>) {add = true}
          %dma_wait3A_146 = arith.constant 0 : i32
          %dma_wait3A_147 = arith.constant 0 : i32
          %dma_wait3A_148 = tpu.memref_slice %arg9[%run_scoped3A, %dma_wait3A_146, %dma_wait3A_147] : memref<2x128x16xf32, #tpu.memory_space<vmem>> -> memref<1x128x16xf32, #tpu.memory_space<vmem>>
          %dma_wait3A_149 = tpu.memref_squeeze %dma_wait3A_148 : memref<1x128x16xf32, #tpu.memory_space<vmem>> -> memref<128x16xf32, #tpu.memory_space<vmem>>
          %dma_wait3A_150 = arith.constant 0 : i32
          %dma_wait3A_151 = tpu.memref_slice %arg8[%mul3A_81, %dma_wait3A_150] : memref<96x128xi32, #tpu.memory_space<vmem>> -> memref<1x128xi32, #tpu.memory_space<vmem>>
          %dma_wait3A_152 = tpu.memref_squeeze %dma_wait3A_151 : memref<1x128xi32, #tpu.memory_space<vmem>> -> memref<128xi32, #tpu.memory_space<vmem>>
          %dma_wait3A_153 = arith.constant 0 : i32
          %dma_wait3A_154 = arith.constant 0 : i32
          %dma_wait3A_155 = tpu.memref_slice %arg10[%dma_wait3A_153, %dma_wait3A_154] : memref<10240x16xf32, #tpu.memory_space<vmem_shared>> -> memref<10240x16xf32, #tpu.memory_space<vmem_shared>>
          tpu.wait_indirect_dma semaphore(%run_scoped3A_135 : memref<!tpu.dma_semaphore, #tpu.memory_space<semaphore_mem>>) src(%dma_wait3A_149 : memref<128x16xf32, #tpu.memory_space<vmem>>) dst(%dma_wait3A_155 : memref<10240x16xf32, #tpu.memory_space<vmem_shared>>)
          tpu.yield
        }) : () -> ()
        %add3A_106 = arith.constant 2 : i32
        %add3A_107 = arith.addi %mul3A_81, %add3A_106 : i32
        %dma_start3A_108 = arith.constant 0 : i32
        %dma_start3A_109 = arith.constant 0 : i32
        %dma_start3A_110 = arith.constant 0 : i32
        %dma_start3A_111 = tpu.memref_slice %arg9[%dma_start3A_108, %dma_start3A_109, %dma_start3A_110] : memref<2x128x16xf32, #tpu.memory_space<vmem>> -> memref<1x128x16xf32, #tpu.memory_space<vmem>>
        %dma_start3A_112 = tpu.memref_squeeze %dma_start3A_111 : memref<1x128x16xf32, #tpu.memory_space<vmem>> -> memref<128x16xf32, #tpu.memory_space<vmem>>
        %dma_start3A_113 = arith.constant 0 : i32
        %dma_start3A_114 = tpu.memref_slice %arg7[%add3A_107, %dma_start3A_113] : memref<104x128xi32, #tpu.memory_space<vmem>> -> memref<1x128xi32, #tpu.memory_space<vmem>>
        %dma_start3A_115 = tpu.memref_squeeze %dma_start3A_114 : memref<1x128xi32, #tpu.memory_space<vmem>> -> memref<128xi32, #tpu.memory_space<vmem>>
        %dma_start3A_116 = arith.constant 0 : i32
        %dma_start3A_117 = arith.constant 0 : i32
        %dma_start3A_118 = tpu.memref_slice %arg2[%dma_start3A_116, %dma_start3A_117] : memref<10240x16xf32, #tpu.memory_space<hbm>> -> memref<10240x16xf32, #tpu.memory_space<hbm>>
        tpu.enqueue_indirect_dma source(%dma_start3A_118 : memref<10240x16xf32, #tpu.memory_space<hbm>>) target(%dma_start3A_112 : memref<128x16xf32, #tpu.memory_space<vmem>>) offsets(%dma_start3A_115 : memref<128xi32, #tpu.memory_space<vmem>>) semaphore(%arg11 : memref<!tpu.dma_semaphore, #tpu.memory_space<semaphore_mem>>)
        %add3A_119 = arith.constant 1 : i32
        %add3A_120 = arith.addi %mul3A_81, %add3A_119 : i32
        %dma_wait3A_121 = arith.constant 1 : i32
        %dma_wait3A_122 = arith.constant 0 : i32
        %dma_wait3A_123 = arith.constant 0 : i32
        %dma_wait3A_124 = tpu.memref_slice %arg9[%dma_wait3A_121, %dma_wait3A_122, %dma_wait3A_123] : memref<2x128x16xf32, #tpu.memory_space<vmem>> -> memref<1x128x16xf32, #tpu.memory_space<vmem>>
        %dma_wait3A_125 = tpu.memref_squeeze %dma_wait3A_124 : memref<1x128x16xf32, #tpu.memory_space<vmem>> -> memref<128x16xf32, #tpu.memory_space<vmem>>
        %dma_wait3A_126 = arith.constant 0 : i32
        %dma_wait3A_127 = tpu.memref_slice %arg7[%add3A_120, %dma_wait3A_126] : memref<104x128xi32, #tpu.memory_space<vmem>> -> memref<1x128xi32, #tpu.memory_space<vmem>>
        %dma_wait3A_128 = tpu.memref_squeeze %dma_wait3A_127 : memref<1x128xi32, #tpu.memory_space<vmem>> -> memref<128xi32, #tpu.memory_space<vmem>>
        %dma_wait3A_129 = arith.constant 0 : i32
        %dma_wait3A_130 = arith.constant 0 : i32
        %dma_wait3A_131 = tpu.memref_slice %arg2[%dma_wait3A_129, %dma_wait3A_130] : memref<10240x16xf32, #tpu.memory_space<hbm>> -> memref<10240x16xf32, #tpu.memory_space<hbm>>
        tpu.wait_indirect_dma semaphore(%arg12 : memref<!tpu.dma_semaphore, #tpu.memory_space<semaphore_mem>>) src(%dma_wait3A_131 : memref<10240x16xf32, #tpu.memory_space<hbm>>) dst(%dma_wait3A_125 : memref<128x16xf32, #tpu.memory_space<vmem>>)
        %add3A_132 = arith.constant 1 : i32
        %add3A_133 = arith.addi %mul3A_81, %add3A_132 : i32
        %run_scoped3A_134 = arith.constant 1 : i32
        "tpu.region"() ({
          %run_scoped3A_135 = tpu.sem_alloc : memref<!tpu.dma_semaphore, #tpu.memory_space<semaphore_mem>>
          %dma_start3A_136 = arith.constant 0 : i32
          %dma_start3A_137 = arith.constant 0 : i32
          %dma_start3A_138 = tpu.memref_slice %arg9[%run_scoped3A_134, %dma_start3A_136, %dma_start3A_137] : memref<2x128x16xf32, #tpu.memory_space<vmem>> -> memref<1x128x16xf32, #tpu.memory_space<vmem>>
          %dma_start3A_139 = tpu.memref_squeeze %dma_start3A_138 : memref<1x128x16xf32, #tpu.memory_space<vmem>> -> memref<128x16xf32, #tpu.memory_space<vmem>>
          %dma_start3A_140 = arith.constant 0 : i32
          %dma_start3A_141 = tpu.memref_slice %arg8[%add3A_133, %dma_start3A_140] : memref<96x128xi32, #tpu.memory_space<vmem>> -> memref<1x128xi32, #tpu.memory_space<vmem>>
          %dma_start3A_142 = tpu.memref_squeeze %dma_start3A_141 : memref<1x128xi32, #tpu.memory_space<vmem>> -> memref<128xi32, #tpu.memory_space<vmem>>
          %dma_start3A_143 = arith.constant 0 : i32
          %dma_start3A_144 = arith.constant 0 : i32
          %dma_start3A_145 = tpu.memref_slice %arg10[%dma_start3A_143, %dma_start3A_144] : memref<10240x16xf32, #tpu.memory_space<vmem_shared>> -> memref<10240x16xf32, #tpu.memory_space<vmem_shared>>
          tpu.enqueue_indirect_dma source(%dma_start3A_139 : memref<128x16xf32, #tpu.memory_space<vmem>>) target(%dma_start3A_145 : memref<10240x16xf32, #tpu.memory_space<vmem_shared>>) offsets(%dma_start3A_142 : memref<128xi32, #tpu.memory_space<vmem>>) semaphore(%run_scoped3A_135 : memref<!tpu.dma_semaphore, #tpu.memory_space<semaphore_mem>>) {add = true}
          %dma_wait3A_146 = arith.constant 0 : i32
          %dma_wait3A_147 = arith.constant 0 : i32
          %dma_wait3A_148 = tpu.memref_slice %arg9[%run_scoped3A_134, %dma_wait3A_146, %dma_wait3A_147] : memref<2x128x16xf32, #tpu.memory_space<vmem>> -> memref<1x128x16xf32, #tpu.memory_space<vmem>>
          %dma_wait3A_149 = tpu.memref_squeeze %dma_wait3A_148 : memref<1x128x16xf32, #tpu.memory_space<vmem>> -> memref<128x16xf32, #tpu.memory_space<vmem>>
          %dma_wait3A_150 = arith.constant 0 : i32
          %dma_wait3A_151 = tpu.memref_slice %arg8[%add3A_133, %dma_wait3A_150] : memref<96x128xi32, #tpu.memory_space<vmem>> -> memref<1x128xi32, #tpu.memory_space<vmem>>
          %dma_wait3A_152 = tpu.memref_squeeze %dma_wait3A_151 : memref<1x128xi32, #tpu.memory_space<vmem>> -> memref<128xi32, #tpu.memory_space<vmem>>
          %dma_wait3A_153 = arith.constant 0 : i32
          %dma_wait3A_154 = arith.constant 0 : i32
          %dma_wait3A_155 = tpu.memref_slice %arg10[%dma_wait3A_153, %dma_wait3A_154] : memref<10240x16xf32, #tpu.memory_space<vmem_shared>> -> memref<10240x16xf32, #tpu.memory_space<vmem_shared>>
          tpu.wait_indirect_dma semaphore(%run_scoped3A_135 : memref<!tpu.dma_semaphore, #tpu.memory_space<semaphore_mem>>) src(%dma_wait3A_149 : memref<128x16xf32, #tpu.memory_space<vmem>>) dst(%dma_wait3A_155 : memref<10240x16xf32, #tpu.memory_space<vmem_shared>>)
          tpu.yield
        }) : () -> ()
      }
      %scan3A_67 = arith.constant 48 : i32
      %dma_wait3A = arith.constant 96 : i32
      %dma_wait3A_68 = arith.constant 0 : i32
      %dma_wait3A_69 = arith.constant 0 : i32
      %dma_wait3A_70 = arith.constant 0 : i32
      %dma_wait3A_71 = tpu.memref_slice %arg9[%dma_wait3A_68, %dma_wait3A_69, %dma_wait3A_70] : memref<2x128x16xf32, #tpu.memory_space<vmem>> -> memref<1x128x16xf32, #tpu.memory_space<vmem>>
      %dma_wait3A_72 = tpu.memref_squeeze %dma_wait3A_71 : memref<1x128x16xf32, #tpu.memory_space<vmem>> -> memref<128x16xf32, #tpu.memory_space<vmem>>
      %dma_wait3A_73 = arith.constant 0 : i32
      %dma_wait3A_74 = tpu.memref_slice %arg7[%dma_wait3A, %dma_wait3A_73] : memref<104x128xi32, #tpu.memory_space<vmem>> -> memref<1x128xi32, #tpu.memory_space<vmem>>
      %dma_wait3A_75 = tpu.memref_squeeze %dma_wait3A_74 : memref<1x128xi32, #tpu.memory_space<vmem>> -> memref<128xi32, #tpu.memory_space<vmem>>
      %dma_wait3A_76 = arith.constant 0 : i32
      %dma_wait3A_77 = arith.constant 0 : i32
      %dma_wait3A_78 = tpu.memref_slice %arg2[%dma_wait3A_76, %dma_wait3A_77] : memref<10240x16xf32, #tpu.memory_space<hbm>> -> memref<10240x16xf32, #tpu.memory_space<hbm>>
      tpu.wait_indirect_dma semaphore(%arg11 : memref<!tpu.dma_semaphore, #tpu.memory_space<semaphore_mem>>) src(%dma_wait3A_78 : memref<10240x16xf32, #tpu.memory_space<hbm>>) dst(%dma_wait3A_72 : memref<128x16xf32, #tpu.memory_space<vmem>>)
    } else {
    }
    %eq3A_11 = arith.constant 1 : i32
    %eq3A_12 = arith.cmpi eq, %arg0, %eq3A_11 : i32
    %convert_element_type3A_13 = arith.extui %eq3A_12 : i1 to i32
    %cond3A_14 = arith.constant 0 : i32
    %cond3A_15 = arith.cmpi ne, %convert_element_type3A_13, %cond3A_14 : i32
    scf.if %cond3A_15 {
      %swap3A = arith.constant 64 : i32
      %swap3A_21 = arith.index_cast %swap3A : i32 to index
      %swap3A_22 = arith.constant 0 : index
      %swap3A_23 = tpu.vector_load %arg7[%swap3A_21, %swap3A_22] {strides = array<i32>} : memref<104x128xi32, #tpu.memory_space<vmem>>, vector<16xi32>,
      tpu.vector_store %arg7[%swap3A_21, %swap3A_22], %broadcast_in_dim3A_7 {strides = array<i32>} : memref<104x128xi32, #tpu.memory_space<vmem>>, vector<16xi32>,
      %swap3A_24 = arith.constant 64 : i32
      %swap3A_25 = arith.index_cast %swap3A_24 : i32 to index
      %swap3A_26 = arith.constant 16 : index
      %swap3A_27 = tpu.vector_load %arg7[%swap3A_25, %swap3A_26] {strides = array<i32>} : memref<104x128xi32, #tpu.memory_space<vmem>>, vector<16xi32>,
      tpu.vector_store %arg7[%swap3A_25, %swap3A_26], %broadcast_in_dim3A_7 {strides = array<i32>} : memref<104x128xi32, #tpu.memory_space<vmem>>, vector<16xi32>,
      %swap3A_28 = arith.constant 64 : i32
      %swap3A_29 = arith.index_cast %swap3A_28 : i32 to index
      %swap3A_30 = arith.constant 32 : index
      %swap3A_31 = tpu.vector_load %arg7[%swap3A_29, %swap3A_30] {strides = array<i32>} : memref<104x128xi32, #tpu.memory_space<vmem>>, vector<16xi32>,
      tpu.vector_store %arg7[%swap3A_29, %swap3A_30], %broadcast_in_dim3A_7 {strides = array<i32>} : memref<104x128xi32, #tpu.memory_space<vmem>>, vector<16xi32>,
      %swap3A_32 = arith.constant 64 : i32
      %swap3A_33 = arith.index_cast %swap3A_32 : i32 to index
      %swap3A_34 = arith.constant 48 : index
      %swap3A_35 = tpu.vector_load %arg7[%swap3A_33, %swap3A_34] {strides = array<i32>} : memref<104x128xi32, #tpu.memory_space<vmem>>, vector<16xi32>,
      tpu.vector_store %arg7[%swap3A_33, %swap3A_34], %broadcast_in_dim3A_7 {strides = array<i32>} : memref<104x128xi32, #tpu.memory_space<vmem>>, vector<16xi32>,
      %swap3A_36 = arith.constant 64 : i32
      %swap3A_37 = arith.index_cast %swap3A_36 : i32 to index
      %swap3A_38 = arith.constant 64 : index
      %swap3A_39 = tpu.vector_load %arg7[%swap3A_37, %swap3A_38] {strides = array<i32>} : memref<104x128xi32, #tpu.memory_space<vmem>>, vector<16xi32>,
      tpu.vector_store %arg7[%swap3A_37, %swap3A_38], %broadcast_in_dim3A_7 {strides = array<i32>} : memref<104x128xi32, #tpu.memory_space<vmem>>, vector<16xi32>,
      %swap3A_40 = arith.constant 64 : i32
      %swap3A_41 = arith.index_cast %swap3A_40 : i32 to index
      %swap3A_42 = arith.constant 80 : index
      %swap3A_43 = tpu.vector_load %arg7[%swap3A_41, %swap3A_42] {strides = array<i32>} : memref<104x128xi32, #tpu.memory_space<vmem>>, vector<16xi32>,
      tpu.vector_store %arg7[%swap3A_41, %swap3A_42], %broadcast_in_dim3A_7 {strides = array<i32>} : memref<104x128xi32, #tpu.memory_space<vmem>>, vector<16xi32>,
      %swap3A_44 = arith.constant 64 : i32
      %swap3A_45 = arith.index_cast %swap3A_44 : i32 to index
      %swap3A_46 = arith.constant 96 : index
      %swap3A_47 = tpu.vector_load %arg7[%swap3A_45, %swap3A_46] {strides = array<i32>} : memref<104x128xi32, #tpu.memory_space<vmem>>, vector<16xi32>,
      tpu.vector_store %arg7[%swap3A_45, %swap3A_46], %broadcast_in_dim3A_7 {strides = array<i32>} : memref<104x128xi32, #tpu.memory_space<vmem>>, vector<16xi32>,
      %swap3A_48 = arith.constant 64 : i32
      %swap3A_49 = arith.index_cast %swap3A_48 : i32 to index
      %swap3A_50 = arith.constant 112 : index
      %swap3A_51 = tpu.vector_load %arg7[%swap3A_49, %swap3A_50] {strides = array<i32>} : memref<104x128xi32, #tpu.memory_space<vmem>>, vector<16xi32>,
      tpu.vector_store %arg7[%swap3A_49, %swap3A_50], %broadcast_in_dim3A_7 {strides = array<i32>} : memref<104x128xi32, #tpu.memory_space<vmem>>, vector<16xi32>,
      %dma_start3A = arith.constant 0 : i32
      %dma_start3A_52 = arith.constant 0 : i32
      %dma_start3A_53 = arith.constant 0 : i32
      %dma_start3A_54 = arith.constant 0 : i32
      %dma_start3A_55 = tpu.memref_slice %arg9[%dma_start3A_52, %dma_start3A_53, %dma_start3A_54] : memref<2x128x16xf32, #tpu.memory_space<vmem>> -> memref<1x128x16xf32, #tpu.memory_space<vmem>>
      %dma_start3A_56 = tpu.memref_squeeze %dma_start3A_55 : memref<1x128x16xf32, #tpu.memory_space<vmem>> -> memref<128x16xf32, #tpu.memory_space<vmem>>
      %dma_start3A_57 = arith.constant 0 : i32
      %dma_start3A_58 = tpu.memref_slice %arg7[%dma_start3A, %dma_start3A_57] : memref<104x128xi32, #tpu.memory_space<vmem>> -> memref<1x128xi32, #tpu.memory_space<vmem>>
      %dma_start3A_59 = tpu.memref_squeeze %dma_start3A_58 : memref<1x128xi32, #tpu.memory_space<vmem>> -> memref<128xi32, #tpu.memory_space<vmem>>
      %dma_start3A_60 = arith.constant 0 : i32
      %dma_start3A_61 = arith.constant 0 : i32
      %dma_start3A_62 = tpu.memref_slice %arg2[%dma_start3A_60, %dma_start3A_61] : memref<10240x16xf32, #tpu.memory_space<hbm>> -> memref<10240x16xf32, #tpu.memory_space<hbm>>
      tpu.enqueue_indirect_dma source(%dma_start3A_62 : memref<10240x16xf32, #tpu.memory_space<hbm>>) target(%dma_start3A_56 : memref<128x16xf32, #tpu.memory_space<vmem>>) offsets(%dma_start3A_59 : memref<128xi32, #tpu.memory_space<vmem>>) semaphore(%arg11 : memref<!tpu.dma_semaphore, #tpu.memory_space<semaphore_mem>>)
      %scan3A = arith.constant 0 : i32
      %scan3A_63 = arith.constant 0 : i32
      %scan3A_64 = arith.constant 32 : i32
      %scan3A_65 = arith.addi %scan3A_63, %scan3A_64 : i32
      %scan3A_66 = arith.constant 1 : i32
      scf.for %scan3A_79 = %scan3A_63 to %scan3A_65 step %scan3A_66  : i32 {
        %mul3A_80 = arith.constant 2 : i32
        %mul3A_81 = arith.muli %mul3A_80, %scan3A_79 : i32
        %add3A_82 = arith.constant 1 : i32
        %add3A_83 = arith.addi %mul3A_81, %add3A_82 : i32
        %dma_start3A_84 = arith.constant 1 : i32
        %dma_start3A_85 = arith.constant 0 : i32
        %dma_start3A_86 = arith.constant 0 : i32
        %dma_start3A_87 = tpu.memref_slice %arg9[%dma_start3A_84, %dma_start3A_85, %dma_start3A_86] : memref<2x128x16xf32, #tpu.memory_space<vmem>> -> memref<1x128x16xf32, #tpu.memory_space<vmem>>
        %dma_start3A_88 = tpu.memref_squeeze %dma_start3A_87 : memref<1x128x16xf32, #tpu.memory_space<vmem>> -> memref<128x16xf32, #tpu.memory_space<vmem>>
        %dma_start3A_89 = arith.constant 0 : i32
        %dma_start3A_90 = tpu.memref_slice %arg7[%add3A_83, %dma_start3A_89] : memref<104x128xi32, #tpu.memory_space<vmem>> -> memref<1x128xi32, #tpu.memory_space<vmem>>
        %dma_start3A_91 = tpu.memref_squeeze %dma_start3A_90 : memref<1x128xi32, #tpu.memory_space<vmem>> -> memref<128xi32, #tpu.memory_space<vmem>>
        %dma_start3A_92 = arith.constant 0 : i32
        %dma_start3A_93 = arith.constant 0 : i32
        %dma_start3A_94 = tpu.memref_slice %arg2[%dma_start3A_92, %dma_start3A_93] : memref<10240x16xf32, #tpu.memory_space<hbm>> -> memref<10240x16xf32, #tpu.memory_space<hbm>>
        tpu.enqueue_indirect_dma source(%dma_start3A_94 : memref<10240x16xf32, #tpu.memory_space<hbm>>) target(%dma_start3A_88 : memref<128x16xf32, #tpu.memory_space<vmem>>) offsets(%dma_start3A_91 : memref<128xi32, #tpu.memory_space<vmem>>) semaphore(%arg12 : memref<!tpu.dma_semaphore, #tpu.memory_space<semaphore_mem>>)
        %dma_wait3A_95 = arith.constant 0 : i32
        %dma_wait3A_96 = arith.constant 0 : i32
        %dma_wait3A_97 = arith.constant 0 : i32
        %dma_wait3A_98 = tpu.memref_slice %arg9[%dma_wait3A_95, %dma_wait3A_96, %dma_wait3A_97] : memref<2x128x16xf32, #tpu.memory_space<vmem>> -> memref<1x128x16xf32, #tpu.memory_space<vmem>>
        %dma_wait3A_99 = tpu.memref_squeeze %dma_wait3A_98 : memref<1x128x16xf32, #tpu.memory_space<vmem>> -> memref<128x16xf32, #tpu.memory_space<vmem>>
        %dma_wait3A_100 = arith.constant 0 : i32
        %dma_wait3A_101 = tpu.memref_slice %arg7[%mul3A_81, %dma_wait3A_100] : memref<104x128xi32, #tpu.memory_space<vmem>> -> memref<1x128xi32, #tpu.memory_space<vmem>>
        %dma_wait3A_102 = tpu.memref_squeeze %dma_wait3A_101 : memref<1x128xi32, #tpu.memory_space<vmem>> -> memref<128xi32, #tpu.memory_space<vmem>>
        %dma_wait3A_103 = arith.constant 0 : i32
        %dma_wait3A_104 = arith.constant 0 : i32
        %dma_wait3A_105 = tpu.memref_slice %arg2[%dma_wait3A_103, %dma_wait3A_104] : memref<10240x16xf32, #tpu.memory_space<hbm>> -> memref<10240x16xf32, #tpu.memory_space<hbm>>
        tpu.wait_indirect_dma semaphore(%arg11 : memref<!tpu.dma_semaphore, #tpu.memory_space<semaphore_mem>>) src(%dma_wait3A_105 : memref<10240x16xf32, #tpu.memory_space<hbm>>) dst(%dma_wait3A_99 : memref<128x16xf32, #tpu.memory_space<vmem>>)
        %run_scoped3A = arith.constant 0 : i32
        "tpu.region"() ({
          %run_scoped3A_135 = tpu.sem_alloc : memref<!tpu.dma_semaphore, #tpu.memory_space<semaphore_mem>>
          %dma_start3A_136 = arith.constant 0 : i32
          %dma_start3A_137 = arith.constant 0 : i32
          %dma_start3A_138 = tpu.memref_slice %arg9[%run_scoped3A, %dma_start3A_136, %dma_start3A_137] : memref<2x128x16xf32, #tpu.memory_space<vmem>> -> memref<1x128x16xf32, #tpu.memory_space<vmem>>
          %dma_start3A_139 = tpu.memref_squeeze %dma_start3A_138 : memref<1x128x16xf32, #tpu.memory_space<vmem>> -> memref<128x16xf32, #tpu.memory_space<vmem>>
          %dma_start3A_140 = arith.constant 0 : i32
          %dma_start3A_141 = tpu.memref_slice %arg8[%mul3A_81, %dma_start3A_140] : memref<96x128xi32, #tpu.memory_space<vmem>> -> memref<1x128xi32, #tpu.memory_space<vmem>>
          %dma_start3A_142 = tpu.memref_squeeze %dma_start3A_141 : memref<1x128xi32, #tpu.memory_space<vmem>> -> memref<128xi32, #tpu.memory_space<vmem>>
          %dma_start3A_143 = arith.constant 0 : i32
          %dma_start3A_144 = arith.constant 0 : i32
          %dma_start3A_145 = tpu.memref_slice %arg10[%dma_start3A_143, %dma_start3A_144] : memref<10240x16xf32, #tpu.memory_space<vmem_shared>> -> memref<10240x16xf32, #tpu.memory_space<vmem_shared>>
          tpu.enqueue_indirect_dma source(%dma_start3A_139 : memref<128x16xf32, #tpu.memory_space<vmem>>) target(%dma_start3A_145 : memref<10240x16xf32, #tpu.memory_space<vmem_shared>>) offsets(%dma_start3A_142 : memref<128xi32, #tpu.memory_space<vmem>>) semaphore(%run_scoped3A_135 : memref<!tpu.dma_semaphore, #tpu.memory_space<semaphore_mem>>) {add = true}
          %dma_wait3A_146 = arith.constant 0 : i32
          %dma_wait3A_147 = arith.constant 0 : i32
          %dma_wait3A_148 = tpu.memref_slice %arg9[%run_scoped3A, %dma_wait3A_146, %dma_wait3A_147] : memref<2x128x16xf32, #tpu.memory_space<vmem>> -> memref<1x128x16xf32, #tpu.memory_space<vmem>>
          %dma_wait3A_149 = tpu.memref_squeeze %dma_wait3A_148 : memref<1x128x16xf32, #tpu.memory_space<vmem>> -> memref<128x16xf32, #tpu.memory_space<vmem>>
          %dma_wait3A_150 = arith.constant 0 : i32
          %dma_wait3A_151 = tpu.memref_slice %arg8[%mul3A_81, %dma_wait3A_150] : memref<96x128xi32, #tpu.memory_space<vmem>> -> memref<1x128xi32, #tpu.memory_space<vmem>>
          %dma_wait3A_152 = tpu.memref_squeeze %dma_wait3A_151 : memref<1x128xi32, #tpu.memory_space<vmem>> -> memref<128xi32, #tpu.memory_space<vmem>>
          %dma_wait3A_153 = arith.constant 0 : i32
          %dma_wait3A_154 = arith.constant 0 : i32
          %dma_wait3A_155 = tpu.memref_slice %arg10[%dma_wait3A_153, %dma_wait3A_154] : memref<10240x16xf32, #tpu.memory_space<vmem_shared>> -> memref<10240x16xf32, #tpu.memory_space<vmem_shared>>
          tpu.wait_indirect_dma semaphore(%run_scoped3A_135 : memref<!tpu.dma_semaphore, #tpu.memory_space<semaphore_mem>>) src(%dma_wait3A_149 : memref<128x16xf32, #tpu.memory_space<vmem>>) dst(%dma_wait3A_155 : memref<10240x16xf32, #tpu.memory_space<vmem_shared>>)
          tpu.yield
        }) : () -> ()
        %add3A_106 = arith.constant 2 : i32
        %add3A_107 = arith.addi %mul3A_81, %add3A_106 : i32
        %dma_start3A_108 = arith.constant 0 : i32
        %dma_start3A_109 = arith.constant 0 : i32
        %dma_start3A_110 = arith.constant 0 : i32
        %dma_start3A_111 = tpu.memref_slice %arg9[%dma_start3A_108, %dma_start3A_109, %dma_start3A_110] : memref<2x128x16xf32, #tpu.memory_space<vmem>> -> memref<1x128x16xf32, #tpu.memory_space<vmem>>
        %dma_start3A_112 = tpu.memref_squeeze %dma_start3A_111 : memref<1x128x16xf32, #tpu.memory_space<vmem>> -> memref<128x16xf32, #tpu.memory_space<vmem>>
        %dma_start3A_113 = arith.constant 0 : i32
        %dma_start3A_114 = tpu.memref_slice %arg7[%add3A_107, %dma_start3A_113] : memref<104x128xi32, #tpu.memory_space<vmem>> -> memref<1x128xi32, #tpu.memory_space<vmem>>
        %dma_start3A_115 = tpu.memref_squeeze %dma_start3A_114 : memref<1x128xi32, #tpu.memory_space<vmem>> -> memref<128xi32, #tpu.memory_space<vmem>>
        %dma_start3A_116 = arith.constant 0 : i32
        %dma_start3A_117 = arith.constant 0 : i32
        %dma_start3A_118 = tpu.memref_slice %arg2[%dma_start3A_116, %dma_start3A_117] : memref<10240x16xf32, #tpu.memory_space<hbm>> -> memref<10240x16xf32, #tpu.memory_space<hbm>>
        tpu.enqueue_indirect_dma source(%dma_start3A_118 : memref<10240x16xf32, #tpu.memory_space<hbm>>) target(%dma_start3A_112 : memref<128x16xf32, #tpu.memory_space<vmem>>) offsets(%dma_start3A_115 : memref<128xi32, #tpu.memory_space<vmem>>) semaphore(%arg11 : memref<!tpu.dma_semaphore, #tpu.memory_space<semaphore_mem>>)
        %add3A_119 = arith.constant 1 : i32
        %add3A_120 = arith.addi %mul3A_81, %add3A_119 : i32
        %dma_wait3A_121 = arith.constant 1 : i32
        %dma_wait3A_122 = arith.constant 0 : i32
        %dma_wait3A_123 = arith.constant 0 : i32
        %dma_wait3A_124 = tpu.memref_slice %arg9[%dma_wait3A_121, %dma_wait3A_122, %dma_wait3A_123] : memref<2x128x16xf32, #tpu.memory_space<vmem>> -> memref<1x128x16xf32, #tpu.memory_space<vmem>>
        %dma_wait3A_125 = tpu.memref_squeeze %dma_wait3A_124 : memref<1x128x16xf32, #tpu.memory_space<vmem>> -> memref<128x16xf32, #tpu.memory_space<vmem>>
        %dma_wait3A_126 = arith.constant 0 : i32
        %dma_wait3A_127 = tpu.memref_slice %arg7[%add3A_120, %dma_wait3A_126] : memref<104x128xi32, #tpu.memory_space<vmem>> -> memref<1x128xi32, #tpu.memory_space<vmem>>
        %dma_wait3A_128 = tpu.memref_squeeze %dma_wait3A_127 : memref<1x128xi32, #tpu.memory_space<vmem>> -> memref<128xi32, #tpu.memory_space<vmem>>
        %dma_wait3A_129 = arith.constant 0 : i32
        %dma_wait3A_130 = arith.constant 0 : i32
        %dma_wait3A_131 = tpu.memref_slice %arg2[%dma_wait3A_129, %dma_wait3A_130] : memref<10240x16xf32, #tpu.memory_space<hbm>> -> memref<10240x16xf32, #tpu.memory_space<hbm>>
        tpu.wait_indirect_dma semaphore(%arg12 : memref<!tpu.dma_semaphore, #tpu.memory_space<semaphore_mem>>) src(%dma_wait3A_131 : memref<10240x16xf32, #tpu.memory_space<hbm>>) dst(%dma_wait3A_125 : memref<128x16xf32, #tpu.memory_space<vmem>>)
        %add3A_132 = arith.constant 1 : i32
        %add3A_133 = arith.addi %mul3A_81, %add3A_132 : i32
        %run_scoped3A_134 = arith.constant 1 : i32
        "tpu.region"() ({
          %run_scoped3A_135 = tpu.sem_alloc : memref<!tpu.dma_semaphore, #tpu.memory_space<semaphore_mem>>
          %dma_start3A_136 = arith.constant 0 : i32
          %dma_start3A_137 = arith.constant 0 : i32
          %dma_start3A_138 = tpu.memref_slice %arg9[%run_scoped3A_134, %dma_start3A_136, %dma_start3A_137] : memref<2x128x16xf32, #tpu.memory_space<vmem>> -> memref<1x128x16xf32, #tpu.memory_space<vmem>>
          %dma_start3A_139 = tpu.memref_squeeze %dma_start3A_138 : memref<1x128x16xf32, #tpu.memory_space<vmem>> -> memref<128x16xf32, #tpu.memory_space<vmem>>
          %dma_start3A_140 = arith.constant 0 : i32
          %dma_start3A_141 = tpu.memref_slice %arg8[%add3A_133, %dma_start3A_140] : memref<96x128xi32, #tpu.memory_space<vmem>> -> memref<1x128xi32, #tpu.memory_space<vmem>>
          %dma_start3A_142 = tpu.memref_squeeze %dma_start3A_141 : memref<1x128xi32, #tpu.memory_space<vmem>> -> memref<128xi32, #tpu.memory_space<vmem>>
          %dma_start3A_143 = arith.constant 0 : i32
          %dma_start3A_144 = arith.constant 0 : i32
          %dma_start3A_145 = tpu.memref_slice %arg10[%dma_start3A_143, %dma_start3A_144] : memref<10240x16xf32, #tpu.memory_space<vmem_shared>> -> memref<10240x16xf32, #tpu.memory_space<vmem_shared>>
          tpu.enqueue_indirect_dma source(%dma_start3A_139 : memref<128x16xf32, #tpu.memory_space<vmem>>) target(%dma_start3A_145 : memref<10240x16xf32, #tpu.memory_space<vmem_shared>>) offsets(%dma_start3A_142 : memref<128xi32, #tpu.memory_space<vmem>>) semaphore(%run_scoped3A_135 : memref<!tpu.dma_semaphore, #tpu.memory_space<semaphore_mem>>) {add = true}
          %dma_wait3A_146 = arith.constant 0 : i32
          %dma_wait3A_147 = arith.constant 0 : i32
          %dma_wait3A_148 = tpu.memref_slice %arg9[%run_scoped3A_134, %dma_wait3A_146, %dma_wait3A_147] : memref<2x128x16xf32, #tpu.memory_space<vmem>> -> memref<1x128x16xf32, #tpu.memory_space<vmem>>
          %dma_wait3A_149 = tpu.memref_squeeze %dma_wait3A_148 : memref<1x128x16xf32, #tpu.memory_space<vmem>> -> memref<128x16xf32, #tpu.memory_space<vmem>>
          %dma_wait3A_150 = arith.constant 0 : i32
          %dma_wait3A_151 = tpu.memref_slice %arg8[%add3A_133, %dma_wait3A_150] : memref<96x128xi32, #tpu.memory_space<vmem>> -> memref<1x128xi32, #tpu.memory_space<vmem>>
          %dma_wait3A_152 = tpu.memref_squeeze %dma_wait3A_151 : memref<1x128xi32, #tpu.memory_space<vmem>> -> memref<128xi32, #tpu.memory_space<vmem>>
          %dma_wait3A_153 = arith.constant 0 : i32
          %dma_wait3A_154 = arith.constant 0 : i32
          %dma_wait3A_155 = tpu.memref_slice %arg10[%dma_wait3A_153, %dma_wait3A_154] : memref<10240x16xf32, #tpu.memory_space<vmem_shared>> -> memref<10240x16xf32, #tpu.memory_space<vmem_shared>>
          tpu.wait_indirect_dma semaphore(%run_scoped3A_135 : memref<!tpu.dma_semaphore, #tpu.memory_space<semaphore_mem>>) src(%dma_wait3A_149 : memref<128x16xf32, #tpu.memory_space<vmem>>) dst(%dma_wait3A_155 : memref<10240x16xf32, #tpu.memory_space<vmem_shared>>)
          tpu.yield
        }) : () -> ()
      }
      %scan3A_67 = arith.constant 32 : i32
      %dma_wait3A = arith.constant 64 : i32
      %dma_wait3A_68 = arith.constant 0 : i32
      %dma_wait3A_69 = arith.constant 0 : i32
      %dma_wait3A_70 = arith.constant 0 : i32
      %dma_wait3A_71 = tpu.memref_slice %arg9[%dma_wait3A_68, %dma_wait3A_69, %dma_wait3A_70] : memref<2x128x16xf32, #tpu.memory_space<vmem>> -> memref<1x128x16xf32, #tpu.memory_space<vmem>>
      %dma_wait3A_72 = tpu.memref_squeeze %dma_wait3A_71 : memref<1x128x16xf32, #tpu.memory_space<vmem>> -> memref<128x16xf32, #tpu.memory_space<vmem>>
      %dma_wait3A_73 = arith.constant 0 : i32
      %dma_wait3A_74 = tpu.memref_slice %arg7[%dma_wait3A, %dma_wait3A_73] : memref<104x128xi32, #tpu.memory_space<vmem>> -> memref<1x128xi32, #tpu.memory_space<vmem>>
      %dma_wait3A_75 = tpu.memref_squeeze %dma_wait3A_74 : memref<1x128xi32, #tpu.memory_space<vmem>> -> memref<128xi32, #tpu.memory_space<vmem>>
      %dma_wait3A_76 = arith.constant 0 : i32
      %dma_wait3A_77 = arith.constant 0 : i32
      %dma_wait3A_78 = tpu.memref_slice %arg2[%dma_wait3A_76, %dma_wait3A_77] : memref<10240x16xf32, #tpu.memory_space<hbm>> -> memref<10240x16xf32, #tpu.memory_space<hbm>>
      tpu.wait_indirect_dma semaphore(%arg11 : memref<!tpu.dma_semaphore, #tpu.memory_space<semaphore_mem>>) src(%dma_wait3A_78 : memref<10240x16xf32, #tpu.memory_space<hbm>>) dst(%dma_wait3A_72 : memref<128x16xf32, #tpu.memory_space<vmem>>)
    } else {
    }
    %barrier3A_16 = arith.constant 0 : index
    tpu.barrier barrier_id(%barrier3A_16)
    %mul3A_17 = arith.constant 640 : i32
    %mul3A_18 = arith.muli %arg1, %mul3A_17 : i32
    %mul3A_19 = arith.constant 640 : i32
    %mul3A_20 = arith.muli %arg1, %mul3A_19 : i32
    "tpu.region"() ({
      %run_scoped3A = tpu.sem_alloc : memref<!tpu.dma_semaphore, #tpu.memory_space<semaphore_mem>>
      %dma_start3A = arith.constant 0 : i32
      %dma_start3A_21 = tpu.memref_slice %arg6[%arg0, %mul3A_20, %dma_start3A] : memref<2x10240x16xf32, #tpu.memory_space<hbm>> -> memref<1x640x16xf32, #tpu.memory_space<hbm>>
      %dma_start3A_22 = tpu.memref_squeeze %dma_start3A_21 : memref<1x640x16xf32, #tpu.memory_space<hbm>> -> memref<640x16xf32, #tpu.memory_space<hbm>>
      %dma_start3A_23 = arith.constant 0 : i32
      %dma_start3A_24 = tpu.memref_slice %arg10[%mul3A_18, %dma_start3A_23] : memref<10240x16xf32, #tpu.memory_space<vmem_shared>> -> memref<640x16xf32, #tpu.memory_space<vmem_shared>>
      tpu.enqueue_dma source(%dma_start3A_24 : memref<640x16xf32, #tpu.memory_space<vmem_shared>>) target(%dma_start3A_22 : memref<640x16xf32, #tpu.memory_space<hbm>>) target_semaphore(%run_scoped3A : memref<!tpu.dma_semaphore, #tpu.memory_space<semaphore_mem>>)
      %dma_wait3A = arith.constant 0 : i32
      %dma_wait3A_25 = tpu.memref_slice %arg6[%arg0, %mul3A_20, %dma_wait3A] : memref<2x10240x16xf32, #tpu.memory_space<hbm>> -> memref<1x640x16xf32, #tpu.memory_space<hbm>>
      %dma_wait3A_26 = tpu.memref_squeeze %dma_wait3A_25 : memref<1x640x16xf32, #tpu.memory_space<hbm>> -> memref<640x16xf32, #tpu.memory_space<hbm>>
      %dma_wait3A_27 = arith.constant 0 : i32
      %dma_wait3A_28 = tpu.memref_slice %arg10[%mul3A_18, %dma_wait3A_27] : memref<10240x16xf32, #tpu.memory_space<vmem_shared>> -> memref<640x16xf32, #tpu.memory_space<vmem_shared>>
      tpu.wait_dma2 semaphore(%run_scoped3A : memref<!tpu.dma_semaphore, #tpu.memory_space<semaphore_mem>>) src(%dma_wait3A_28 : memref<640x16xf32, #tpu.memory_space<vmem_shared>>) dst(%dma_wait3A_26 : memref<640x16xf32, #tpu.memory_space<hbm>>)
      tpu.yield
    }) : () -> ()
    return
  }
}

module attributes {stable_mosaic.version = 14 : i64} {
  func.func @_lin1_body(%arg0: i32, %arg1: memref<10000x128xf32, #tpu.memory_space<vmem>>, %arg2: memref<128x16xf32, #tpu.memory_space<vmem>>, %arg3: memref<10000x16xf32, #tpu.memory_space<vmem>>) attributes {dimension_semantics = [#tpu.dimension_semantics<arbitrary>], iteration_bounds = array<i64: 1>, scalar_prefetch = 0 : i64, scratch_operands = 0 : i64, tpu.core_type = #tpu.core_type<tc>, window_params = [{transform_indices = @transform_0, window_bounds = array<i64: 10000, 128>}, {pipeline_mode = #tpu.pipeline_mode<synchronous>, transform_indices = @transform_1, window_bounds = array<i64: 128, 16>}, {transform_indices = @transform_2, window_bounds = array<i64: 10000, 16>}]} {
    %get3A = arith.constant 0 : index
    %get3A_0 = arith.constant 0 : index
    %get3A_1 = vector.load %arg1[%get3A, %get3A_0] : memref<10000x128xf32, #tpu.memory_space<vmem>>, vector<10000x128xf32>
    %get3A_2 = arith.constant 0 : index
    %get3A_3 = arith.constant 0 : index
    %get3A_4 = vector.load %arg2[%get3A_2, %get3A_3] : memref<128x16xf32, #tpu.memory_space<vmem>>, vector<128x16xf32>
    %dot_general3A = arith.constant dense<0.000000e+00> : vector<10000x16xf32>
    %dot_general3A_5 = tpu.matmul %get3A_1, %get3A_4, %dot_general3A {dimension_numbers = #tpu.dot_dimension_numbers<[1], [0], [0], [1], [0, 0, 1, 1], [], []>, transpose_lhs_hint = false} : vector<10000x128xf32>, vector<128x16xf32>, vector<10000x16xf32> -> vector<10000x16xf32>
    %swap3A = arith.constant 0 : index
    %swap3A_6 = arith.constant 0 : index
    %swap3A_7 = vector.load %arg3[%swap3A, %swap3A_6] : memref<10000x16xf32, #tpu.memory_space<vmem>>, vector<10000x16xf32>
    tpu.vector_store %arg3[%swap3A, %swap3A_6], %dot_general3A_5 {strides = array<i32>} : memref<10000x16xf32, #tpu.memory_space<vmem>>, vector<10000x16xf32>,
    return
  }
  func.func @transform_0(%arg0: i32) -> (i32, i32) {
    %c0_i32 = arith.constant 0 : i32
    %c0_i32_0 = arith.constant 0 : i32
    return %arg0, %c0_i32 : i32, i32
  }
  func.func @transform_1(%arg0: i32) -> (i32, i32) {
    %c0_i32 = arith.constant 0 : i32
    %c0_i32_0 = arith.constant 0 : i32
    %c0_i32_1 = arith.constant 0 : i32
    return %c0_i32, %c0_i32_0 : i32, i32
  }
  func.func @transform_2(%arg0: i32) -> (i32, i32) {
    %c0_i32 = arith.constant 0 : i32
    %c0_i32_0 = arith.constant 0 : i32
    return %arg0, %c0_i32 : i32, i32
  }
}

module attributes {stable_mosaic.version = 14 : i64} {
  func.func @_hid_body(%arg0: i32, %arg1: memref<2x10000x16xf32, #tpu.memory_space<vmem>>, %arg2: memref<10000x16xf32, #tpu.memory_space<vmem>>, %arg3: memref<10000x1xf32, #tpu.memory_space<vmem>>, %arg4: memref<1x16xf32, #tpu.memory_space<vmem>>, %arg5: memref<10000x16xf32, #tpu.memory_space<vmem>>) attributes {dimension_semantics = [#tpu.dimension_semantics<arbitrary>], iteration_bounds = array<i64: 1>, scalar_prefetch = 0 : i64, scratch_operands = 0 : i64, tpu.core_type = #tpu.core_type<tc>, window_params = [{transform_indices = @transform_0, window_bounds = array<i64: 2, 10000, 16>}, {transform_indices = @transform_1, window_bounds = array<i64: 10000, 16>}, {transform_indices = @transform_2, window_bounds = array<i64: 10000, 1>}, {pipeline_mode = #tpu.pipeline_mode<synchronous>, transform_indices = @transform_3, window_bounds = array<i64: 1, 16>}, {transform_indices = @transform_4, window_bounds = array<i64: 10000, 16>}]} {
    %get3A = arith.constant 0 : index
    %get3A_0 = arith.constant 0 : index
    %get3A_1 = vector.load %arg3[%get3A, %get3A_0] : memref<10000x1xf32, #tpu.memory_space<vmem>>, vector<10000x1xf32>
    %get3A_2 = arith.constant 0 : index
    %get3A_3 = arith.constant 0 : index
    %get3A_4 = arith.constant 0 : index
    %get3A_5 = vector.load %arg1[%get3A_2, %get3A_3, %get3A_4] : memref<2x10000x16xf32, #tpu.memory_space<vmem>>, vector<1x10000x16xf32>
    %get3A_6 = vector.shape_cast %get3A_5 : vector<1x10000x16xf32> to vector<10000x16xf32>
    %get3A_7 = arith.constant 1 : index
    %get3A_8 = arith.constant 0 : index
    %get3A_9 = arith.constant 0 : index
    %get3A_10 = vector.load %arg1[%get3A_7, %get3A_8, %get3A_9] : memref<2x10000x16xf32, #tpu.memory_space<vmem>>, vector<1x10000x16xf32>
    %get3A_11 = vector.shape_cast %get3A_10 : vector<1x10000x16xf32> to vector<10000x16xf32>
    %add3A = arith.addf %get3A_6, %get3A_11 : vector<10000x16xf32>
    %get3A_12 = arith.constant 0 : index
    %get3A_13 = arith.constant 0 : index
    %get3A_14 = vector.load %arg2[%get3A_12, %get3A_13] : memref<10000x16xf32, #tpu.memory_space<vmem>>, vector<10000x16xf32>
    %add3A_15 = arith.addf %add3A, %get3A_14 : vector<10000x16xf32>
    %mul3A = vector.broadcast %get3A_1 : vector<10000x1xf32> to vector<10000x16xf32>
    %mul3A_16 = arith.mulf %mul3A, %add3A_15 : vector<10000x16xf32>
    %get3A_17 = arith.constant 0 : index
    %get3A_18 = arith.constant 0 : index
    %get3A_19 = vector.load %arg4[%get3A_17, %get3A_18] : memref<1x16xf32, #tpu.memory_space<vmem>>, vector<1x16xf32>
    %add3A_20 = vector.broadcast %get3A_19 : vector<1x16xf32> to vector<10000x16xf32>
    %add3A_21 = arith.addf %mul3A_16, %add3A_20 : vector<10000x16xf32>
    %max3A = arith.constant 0.000000e+00 : f32
    %max3A_22 = vector.broadcast %max3A : f32 to vector<10000x16xf32>
    %max3A_23 = arith.maximumf %add3A_21, %max3A_22 : vector<10000x16xf32>
    %mul3A_24 = vector.broadcast %get3A_1 : vector<10000x1xf32> to vector<10000x16xf32>
    %mul3A_25 = arith.mulf %mul3A_24, %max3A_23 : vector<10000x16xf32>
    %swap3A = arith.constant 0 : index
    %swap3A_26 = arith.constant 0 : index
    %swap3A_27 = vector.load %arg5[%swap3A, %swap3A_26] : memref<10000x16xf32, #tpu.memory_space<vmem>>, vector<10000x16xf32>
    tpu.vector_store %arg5[%swap3A, %swap3A_26], %mul3A_25 {strides = array<i32>} : memref<10000x16xf32, #tpu.memory_space<vmem>>, vector<10000x16xf32>,
    return
  }
  func.func @transform_0(%arg0: i32) -> (i32, i32, i32) {
    %c0_i32 = arith.constant 0 : i32
    %c0_i32_0 = arith.constant 0 : i32
    %c0_i32_1 = arith.constant 0 : i32
    return %c0_i32, %arg0, %c0_i32_0 : i32, i32, i32
  }
  func.func @transform_1(%arg0: i32) -> (i32, i32) {
    %c0_i32 = arith.constant 0 : i32
    %c0_i32_0 = arith.constant 0 : i32
    return %arg0, %c0_i32 : i32, i32
  }
  func.func @transform_2(%arg0: i32) -> (i32, i32) {
    %c0_i32 = arith.constant 0 : i32
    %c0_i32_0 = arith.constant 0 : i32
    return %arg0, %c0_i32 : i32, i32
  }
  func.func @transform_3(%arg0: i32) -> (i32, i32) {
    %c0_i32 = arith.constant 0 : i32
    %c0_i32_0 = arith.constant 0 : i32
    %c0_i32_1 = arith.constant 0 : i32
    return %c0_i32, %c0_i32_0 : i32, i32
  }
  func.func @transform_4(%arg0: i32) -> (i32, i32) {
    %c0_i32 = arith.constant 0 : i32
    %c0_i32_0 = arith.constant 0 : i32
    return %arg0, %c0_i32 : i32, i32
  }
}

module attributes {stable_mosaic.version = 14 : i64} {
  func.func @_out_body(%arg0: i32, %arg1: memref<2x10000x16xf32, #tpu.memory_space<vmem>>, %arg2: memref<10000x16xf32, #tpu.memory_space<vmem>>, %arg3: memref<10000x1xf32, #tpu.memory_space<vmem>>, %arg4: memref<16x64xf32, #tpu.memory_space<vmem>>, %arg5: memref<1x64xf32, #tpu.memory_space<vmem>>, %arg6: memref<10000x64xf32, #tpu.memory_space<vmem>>) attributes {dimension_semantics = [#tpu.dimension_semantics<arbitrary>], iteration_bounds = array<i64: 1>, scalar_prefetch = 0 : i64, scratch_operands = 0 : i64, tpu.core_type = #tpu.core_type<tc>, window_params = [{transform_indices = @transform_0, window_bounds = array<i64: 2, 10000, 16>}, {transform_indices = @transform_1, window_bounds = array<i64: 10000, 16>}, {transform_indices = @transform_2, window_bounds = array<i64: 10000, 1>}, {pipeline_mode = #tpu.pipeline_mode<synchronous>, transform_indices = @transform_3, window_bounds = array<i64: 16, 64>}, {pipeline_mode = #tpu.pipeline_mode<synchronous>, transform_indices = @transform_4, window_bounds = array<i64: 1, 64>}, {transform_indices = @transform_5, window_bounds = array<i64: 10000, 64>}]} {
    %get3A = arith.constant 0 : index
    %get3A_0 = arith.constant 0 : index
    %get3A_1 = vector.load %arg3[%get3A, %get3A_0] : memref<10000x1xf32, #tpu.memory_space<vmem>>, vector<10000x1xf32>
    %get3A_2 = arith.constant 0 : index
    %get3A_3 = arith.constant 0 : index
    %get3A_4 = arith.constant 0 : index
    %get3A_5 = vector.load %arg1[%get3A_2, %get3A_3, %get3A_4] : memref<2x10000x16xf32, #tpu.memory_space<vmem>>, vector<1x10000x16xf32>
    %get3A_6 = vector.shape_cast %get3A_5 : vector<1x10000x16xf32> to vector<10000x16xf32>
    %get3A_7 = arith.constant 1 : index
    %get3A_8 = arith.constant 0 : index
    %get3A_9 = arith.constant 0 : index
    %get3A_10 = vector.load %arg1[%get3A_7, %get3A_8, %get3A_9] : memref<2x10000x16xf32, #tpu.memory_space<vmem>>, vector<1x10000x16xf32>
    %get3A_11 = vector.shape_cast %get3A_10 : vector<1x10000x16xf32> to vector<10000x16xf32>
    %add3A = arith.addf %get3A_6, %get3A_11 : vector<10000x16xf32>
    %get3A_12 = arith.constant 0 : index
    %get3A_13 = arith.constant 0 : index
    %get3A_14 = vector.load %arg2[%get3A_12, %get3A_13] : memref<10000x16xf32, #tpu.memory_space<vmem>>, vector<10000x16xf32>
    %add3A_15 = arith.addf %add3A, %get3A_14 : vector<10000x16xf32>
    %mul3A = vector.broadcast %get3A_1 : vector<10000x1xf32> to vector<10000x16xf32>
    %mul3A_16 = arith.mulf %mul3A, %add3A_15 : vector<10000x16xf32>
    %get3A_17 = arith.constant 0 : index
    %get3A_18 = arith.constant 0 : index
    %get3A_19 = vector.load %arg4[%get3A_17, %get3A_18] : memref<16x64xf32, #tpu.memory_space<vmem>>, vector<16x64xf32>
    %dot_general3A = arith.constant dense<0.000000e+00> : vector<10000x64xf32>
    %dot_general3A_20 = tpu.matmul %mul3A_16, %get3A_19, %dot_general3A {dimension_numbers = #tpu.dot_dimension_numbers<[1], [0], [0], [1], [0, 0, 1, 1], [], []>, transpose_lhs_hint = false} : vector<10000x16xf32>, vector<16x64xf32>, vector<10000x64xf32> -> vector<10000x64xf32>
    %get3A_21 = arith.constant 0 : index
    %get3A_22 = arith.constant 0 : index
    %get3A_23 = vector.load %arg5[%get3A_21, %get3A_22] : memref<1x64xf32, #tpu.memory_space<vmem>>, vector<1x64xf32>
    %add3A_24 = vector.broadcast %get3A_23 : vector<1x64xf32> to vector<10000x64xf32>
    %add3A_25 = arith.addf %dot_general3A_20, %add3A_24 : vector<10000x64xf32>
    %reduce_max3A = arith.constant dense<0xFF800000> : vector<10000xf32>
    %reduce_max3A_26 = vector.multi_reduction <maximumf>, %add3A_25, %reduce_max3A [1] : vector<10000x64xf32> to vector<10000xf32>
    %broadcast_in_dim3A = vector.shape_cast %reduce_max3A_26 : vector<10000xf32> to vector<10000x1xf32>
    %sub3A = vector.broadcast %broadcast_in_dim3A : vector<10000x1xf32> to vector<10000x64xf32>
    %sub3A_27 = arith.subf %add3A_25, %sub3A : vector<10000x64xf32>
    %exp3A = math.exp %sub3A_27 : vector<10000x64xf32>
    %reduce_sum3A = arith.constant dense<0.000000e+00> : vector<10000xf32>
    %reduce_sum3A_28 = vector.multi_reduction <add>, %exp3A, %reduce_sum3A [1] : vector<10000x64xf32> to vector<10000xf32>
    %broadcast_in_dim3A_29 = vector.shape_cast %reduce_sum3A_28 : vector<10000xf32> to vector<10000x1xf32>
    %log3A = math.log %broadcast_in_dim3A_29 : vector<10000x1xf32>
    %add3A_30 = arith.addf %log3A, %broadcast_in_dim3A : vector<10000x1xf32>
    %sub3A_31 = vector.broadcast %add3A_30 : vector<10000x1xf32> to vector<10000x64xf32>
    %sub3A_32 = arith.subf %add3A_25, %sub3A_31 : vector<10000x64xf32>
    %swap3A = arith.constant 0 : index
    %swap3A_33 = arith.constant 0 : index
    %swap3A_34 = vector.load %arg6[%swap3A, %swap3A_33] : memref<10000x64xf32, #tpu.memory_space<vmem>>, vector<10000x64xf32>
    tpu.vector_store %arg6[%swap3A, %swap3A_33], %sub3A_32 {strides = array<i32>} : memref<10000x64xf32, #tpu.memory_space<vmem>>, vector<10000x64xf32>,
    return
  }
  func.func @transform_0(%arg0: i32) -> (i32, i32, i32) {
    %c0_i32 = arith.constant 0 : i32
    %c0_i32_0 = arith.constant 0 : i32
    %c0_i32_1 = arith.constant 0 : i32
    return %c0_i32, %arg0, %c0_i32_0 : i32, i32, i32
  }
  func.func @transform_1(%arg0: i32) -> (i32, i32) {
    %c0_i32 = arith.constant 0 : i32
    %c0_i32_0 = arith.constant 0 : i32
    return %arg0, %c0_i32 : i32, i32
  }
  func.func @transform_2(%arg0: i32) -> (i32, i32) {
    %c0_i32 = arith.constant 0 : i32
    %c0_i32_0 = arith.constant 0 : i32
    return %arg0, %c0_i32 : i32, i32
  }
  func.func @transform_3(%arg0: i32) -> (i32, i32) {
    %c0_i32 = arith.constant 0 : i32
    %c0_i32_0 = arith.constant 0 : i32
    %c0_i32_1 = arith.constant 0 : i32
    return %c0_i32, %c0_i32_0 : i32, i32
  }
  func.func @transform_4(%arg0: i32) -> (i32, i32) {
    %c0_i32 = arith.constant 0 : i32
    %c0_i32_0 = arith.constant 0 : i32
    %c0_i32_1 = arith.constant 0 : i32
    return %c0_i32, %c0_i32_0 : i32, i32
  }
  func.func @transform_5(%arg0: i32) -> (i32, i32) {
    %c0_i32 = arith.constant 0 : i32
    %c0_i32_0 = arith.constant 0 : i32
    return %arg0, %c0_i32 : i32, i32
  }
}

</mosaic_0001>

<sc_bundles>
// kernel: kernel.10.cloned.1.call-start
scs
__scs_entry_jumppad:
0x0: {  	(pc) =	sbr.rel $0x88, $3  }
0x1: {  	(tag) =	ssettag $0x0;
	lr =	simm.s32 $0x1  }
0x2: {  	[smem:$0x3F9B] =	sst lr;
	_ =	strace $0xD0000000  }
0x3: {  	_ = 	snop  }
0x4: {  	_ = 	snop  }
0x5: {  	_ = 	snop  }
0x6: {  	_ = 	snop  }
0x7: {  	_ = 	snop  }
__scs_overlays_trampoline_lowered:
0x8: {  	[smem:$0x3FAA] =	sst s0  }
0x9: {  	[smem:$0x3FAB] =	sst s1  }
0xa: {  	[smem:$0x3FAC] =	sst s2  }
0xb: {  	[smem:$0x3FAD] =	sst s3  }
0xc: {  	[smem:$0x3FAE] =	sst s4  }
0xd: {  	[smem:$0x3FAF] =	sst s5  }
0xe: {  	[smem:$0x3FB0] =	sst s6  }
0xf: {  	[smem:$0x3FB1] =	sst s7  }
0x10: {  	[smem:$0x3FB2] =	sst s8  }
0x11: {  	[smem:$0x3FB3] =	sst s9;
	s0 =	simm.s32 @!p0 $0x0  }
0x12: {  	s1 =	sld [smem:$0x3F99];
	s0 =	simm.s32 @p0 $0x1  }
0x13: {  	[smem:$0x3FB4] =	sst s0;
	s0 =	simm.s32 @!p1 $0x0  }
0x14: {  	s2 =	sld [smem:$0x3F98];
	s0 =	simm.s32 @p1 $0x1  }
0x15: {  	[smem:$0x3FB5] =	sst s0;
	s0 =	simm.s32 @!p2 $0x0  }
0x16: {  	s3 =	sld [smem:$0x3FDB];
	s0 =	simm.s32 @p2 $0x1  }
0x17: {  	s4 =	simm.s32 $0x1BF5;
	[smem:$0x3FB7] =	sst s0  }
0x18: {  	s0 =	sld [smem:$0x3F9A];
	_ =	swait.ge [sflag:s4], $0x0  }
0x19: {  	s7 =	sld [smem:$0x3F9B]  }
0x1a: {  	s8 =	sadd.s32 $0xFFFFE003, lr  }
0x1b: {  	s9 =	sadd.s32 $0xFFFFFEF7, lr;
	s5 =	simm.s32 $0xFFFFFFFF;
	p2 =	slt.u32 s8, $0xFFFFF086  }
0x1c: {  	p1 =	slt.u32 s9, $0xF7A;
	s5 =	simm.s32 @!p2 $0x0  }
0x1d: {  	s5 =	simm.s32 @p1 $0x1;
	p0 =	seq.s32 s7, s2  }
0x1e: {  	s7 =	smul.u32 @!p0 $0xF7A, s2;
	p2 =	seq.s32 @!p0 s5, $0x0  }
0x1f: {  	s9 =	smul.u32 $0xF7A, s1;
	s8 =	simm.s32 @!p0 $0x1BF5;
	p2 =	por !p2, p0  }
0x20: {  	[sflag:s8] =	ssyncset.s32 @!p0 $0xFFFFF086;
	s6 =	sadd.s32 @!p0 s3, s7;
	s7 =	simm.s32 @!p0 $0x108  }
0x21: {  	s3 =	sadd.s32 s3, s9;
	s6 =	sadd.s32 @!p0 $0x88, s6;
	s7 =	simm.s32 @p2 $0x1082  }
0x22: {  	[simem:s7], [sflag:s8] =	dma.local @!p0 [hbm:s6], $0xF7A  }
0x23: {  	s9 =	sor.u32 $0xD0000000, s2;
	s6 =	simm.s32 $0x108;
	_ =	swait.ge @!p0 [sflag:s8], $0x0  }
0x24: {  	s3 =	sadd.s32 $0x88, s3;
	s6 =	simm.s32 @!p1 $0x1082;
	[sflag:s4] =	ssyncset.s32 $0xFFFFF086  }
0x25: {  	[simem:s6], [sflag:s4] =	dma.local [hbm:s3], $0xF7A  }
0x26: {  	[smem:$0x3F9B] =	sst s1;
	(tag) =	ssettag s2;
	_ =	strace s9  }
0x27: {  	s1 =	sld [smem:$0x3FAB]  }
0x28: {  	s2 =	sld [smem:$0x3FAC]  }
0x29: {  	s4 =	sld [smem:$0x3FAE]  }
0x2a: {  	p0 =	seq.s32 s5, $0x0;
	s5 =	sld [smem:$0x3FAF]  }
0x2b: {  	s6 =	sld [smem:$0x3FB0]  }
0x2c: {  	s7 =	sld [smem:$0x3FB1]  }
0x2d: {  	s3 =	simm.s32 $0x108;
	s8 =	sld [smem:$0x3FB2]  }
0x2e: {  	s3 =	simm.s32 @!p0 $0x1082;
	s9 =	sld [smem:$0x3FB3]  }
0x2f: {  	lr =	sadd.s32 s0, s3;
	s0 =	sld [smem:$0x3FAA]  }
0x30: {  	s3 =	sld [smem:$0x3FAD]  }
0x31: {  	[smem:$0x3FB6] =	sst s10  }
0x32: {  	s10 =	sld [smem:$0x3FB4];
	_ =	sdelay $0x3  }
0x33: {  	p0 =	seq.s32 s10, $0x1;
	s10 =	sld [smem:$0x3FB6];
	_ =	sdelay $0x3  }
0x34: {  	[smem:$0x3FB6] =	sst s10  }
0x35: {  	s10 =	sld [smem:$0x3FB5];
	_ =	sdelay $0x3  }
0x36: {  	p1 =	seq.s32 s10, $0x1;
	s10 =	sld [smem:$0x3FB6];
	_ =	sdelay $0x3  }
0x37: {  	[smem:$0x3FB6] =	sst s10  }
0x38: {  	s10 =	sld [smem:$0x3FB7]  }
0x39: {  	_ = 	snop;
	(pc) =	sbr.ind lr, $3  }
0x3a: {  	_ = 	snop  }
0x3b: {  	_ = 	snop  }
0x3c: {  	p2 =	seq.s32 s10, $0x1;
	s10 =	sld [smem:$0x3FB6]  }
0x3d: {  	_ =	shalt  }
0x3e: {  	_ =	shalt  }
0x3f: {  	_ =	shalt  }
0x40: {  	_ =	shalt  }
0x41: {  	_ =	shalt  }
0x42: {  	_ =	shalt  }
0x43: {  	_ =	shalt  }
0x44: {  	_ =	shalt  }
0x45: {  	_ =	shalt  }
0x46: {  	_ =	shalt  }
0x47: {  	_ =	shalt  }
0x48: {  	_ =	shalt  }
0x49: {  	_ =	shalt  }
0x4a: {  	_ =	shalt  }
0x4b: {  	_ =	shalt  }
0x4c: {  	_ =	shalt  }
0x4d: {  	_ =	shalt  }
0x4e: {  	_ =	shalt  }
0x4f: {  	_ =	shalt  }
0x50: {  	_ =	shalt  }
0x51: {  	_ =	shalt  }
0x52: {  	_ =	shalt  }
0x53: {  	_ =	shalt  }
0x54: {  	_ =	shalt  }
0x55: {  	_ =	shalt  }
0x56: {  	_ =	shalt  }
0x57: {  	_ =	shalt  }
0x58: {  	_ =	shalt  }
0x59: {  	_ =	shalt  }
0x5a: {  	_ =	shalt  }
0x5b: {  	_ =	shalt  }
0x5c: {  	_ =	shalt  }
0x5d: {  	_ =	shalt  }
0x5e: {  	_ =	shalt  }
0x5f: {  	_ =	shalt  }
0x60: {  	_ =	shalt  }
0x61: {  	_ =	shalt  }
0x62: {  	_ =	shalt  }
0x63: {  	_ =	shalt  }
0x64: {  	_ =	shalt  }
0x65: {  	_ =	shalt  }
0x66: {  	_ =	shalt  }
0x67: {  	_ =	shalt  }
0x68: {  	_ =	shalt  }
0x69: {  	_ =	shalt  }
0x6a: {  	_ =	shalt  }
0x6b: {  	_ =	shalt  }
0x6c: {  	_ =	shalt  }
0x6d: {  	_ =	shalt  }
0x6e: {  	_ =	shalt  }
0x6f: {  	_ =	shalt  }
0x70: {  	_ =	shalt  }
0x71: {  	_ =	shalt  }
0x72: {  	_ =	shalt  }
0x73: {  	_ =	shalt  }
0x74: {  	_ =	shalt  }
0x75: {  	_ =	shalt  }
0x76: {  	_ =	shalt  }
0x77: {  	_ =	shalt  }
0x78: {  	_ =	shalt  }
0x79: {  	_ =	shalt  }
0x7a: {  	_ =	shalt  }
0x7b: {  	_ =	shalt  }
0x7c: {  	_ =	shalt  }
0x7d: {  	_ =	shalt  }
0x7e: {  	_ =	shalt  }
0x7f: {  	_ =	shalt  }
0x80: {  	_ =	shalt  }
0x81: {  	_ =	shalt  }
0x82: {  	_ =	shalt  }
0x83: {  	_ =	shalt  }
0x84: {  	_ =	shalt  }
0x85: {  	_ =	shalt  }
0x86: {  	_ =	shalt  }
0x87: {  	_ =	shalt  }
.Lfunc_end0:
.L_simem_size_0:
called_computation.1_lowered:
.L_overlay_start_0:
0x88: {  	s2 =	sld [smem:$0x3FD9]  }
0x89: {  	s3 =	sld [smem:$0x3FFE];
	_ =	sdelay $0x1  }
0x8a: {  	s1 =	srdreg.scid  }
0x8b: {  	s0 =	sand.u32 $0x1, s1  }
0x8c: {  	s17 =	sshll.u32 s0, $0xA;
	s2 =	sadd.s32 s3, s2  }
0x8d: {  	s2 =	sadd.s32 s2, s17  }
0x8e: {  	[smem:$0x3FC2] =	sst s2  }
0x8f: {  	_ = 	snop  }
0x90: {  	s2 =	sld [smem:$0x3FD0];
	(tm) =	ssettm $0x1  }
0x91: {  	s18 =	sld [smem:$0x3FFB];
	_ =	sdelay $0x3  }
0x92: {  	_ =	strace s18  }
0x93: {  	s3 =	sld [smem:$0x3FFC];
	_ =	sdelay $0x3  }
0x94: {  	_ =	strace s3  }
0x95: {  	s3 =	sld [smem:$0x3FFD];
	_ =	sdelay $0x3  }
0x96: {  	_ =	strace s3  }
0x97: {  	_ =	strace $0x8FFFFFFF  }
0x98: {  	s19 =	sld [smem:$0x3FDB];
	_ =	sdelay $0x1  }
0x99: {  	s4 =	simm.s32 $_scs_section_size  }
0x9a: {  	s5 =	simm.s32 $_size__tile_overlayer_lowered;
	s6 =	simm.s32 $_tile_overlayer_lowered  }
0x9b: {  	s22 =	simm.s32 $0x1BFF;
	s21 =	sshll.u32 s6, $0x1;
	s3 =	sadd.s32 s4, s19  }
0x9c: {  	s7 =	simm.s32 $0x0;
	s20 =	sshll.u32 s5, $0x1;
	s5 =	sadd.s32 s21, s3  }
0x9d: {  	[timem:s7], [sflag:s22] =	dma.local [hbm:s5], s20  }
0x9e: {  	_ =	swait.ge [sflag:s22], s20  }
0x9f: {  	s4 =	ssub.s32 $0x0, s20;
	[sflag:s22] =	ssyncset.done $0x0  }
0xa0: {  	[sflag:s22] =	ssyncadd.s32 s4;
	_ =	sdelay $0x1  }
0xa1: {  	s23 =	simm.s32 $0x1B8B  }
0xa2: {  	_ =	swait.ge [sflag:s23], $0x1  }
0xa3: {  	[sflag:s23] =	ssyncset.done $0x0  }
0xa4: {  	s25 =	simm.s32 $0x1B8E;
	s24 =	sld [smem:$0x3FFE];
	[sflag:s23] =	ssyncadd.s32 $0xFFFFFFFF  }
0xa5: {  	s26 =	simm.s32 $execute0_lowered;
	[smem:$0x3FD2] =	sst s25  }
0xa6: {  	s5 =	sshll.u32 s26, $0x1;
	_ =	strace $0x80000049;
	[dreg:$0x1] =	wrdreg $0xFFFFFFFF  }
0xa7: {  	s28 =	simm.s32 $_size_execute0_lowered;
	s3 =	sadd.s32 s3, s5;
	[dreg:$0x0] =	wrdreg $0x0  }
0xa8: {  	s5 =	sshll.u32 s28, $0x1;
	[dreg:$0x2] =	wrdreg s3  }
0xa9: {  	[dreg:$0x3] =	wrdreg s5  }
0xaa: {  	[dreg:$0x4] =	wrdreg $0xC0  }
0xab: {  	_ =	task [dreg:s7], $0x5FFFF  }
0xac: {  	[dreg:$0x1] =	wrdreg $0xFFFFFFFF  }
0xad: {  	[dreg:$0x0] =	wrdreg $0x60  }
0xae: {  	[dreg:$0x2] =	wrdreg s24  }
0xaf: {  	[dreg:$0x3] =	wrdreg s2  }
0xb0: {  	[dreg:$0x4] =	wrdreg $0x74000  }
0xb1: {  	[dreg:$0x5] =	wrdreg $0x9  }
0xb2: {  	_ =	task.clear_ibuf [dreg:s7], $0x6FFFF;
	_ =	strace $0x90000049  }
0xb3: {  	s29 =	simm.s32 $0x9;
	_ =	strace $0x8000004B  }
0xb4: {  	_ =	swait.ge [sflag:s29], $0x1  }
0xb5: {  	[sflag:s29] =	ssyncadd.s32 $0xFFFFFFFF  }
0xb6: {  	_ =	strace $0x9000004B  }
0xb7: {  	_ =	sfence  }
0xb8: {  	s30 =	sld [smem:$0x0];
	_ =	sdelay $0x2  }
0xb9: {  	s31 =	sshll.u32 s1, $0xD;
	s1 =	sshrl.u32 s1, $0x2  }
0xba: {  	s3 =	sand.u32 $0x4000, s31;
	s1 =	sadd.s32 s1, s30  }
0xbb: {  	s0 =	sor.u32 s3, s0;
	s1 =	sshll.u32 s1, $0x11  }
0xbc: {  	s0 =	sor.u32 s1, s0  }
0xbd: {  	s0 =	sadd.s32 $0x8F2B, s0  }
0xbe: {  	[sflag:s0] =	ssyncadd.remote.s32 $0x1  }
0xbf: {  	_ =	sfence.sel $0xFFFF  }
0xc0: {  	[dreg:$0x0] =	wrdreg $0xFFFFFFFF;
	(pc) =	sbr.abs _section_cstart, $3  }
0xc1: {  	[dreg:$0x1] =	wrdreg $0xFFFFFFFF  }
0xc2: {  	_ =	task.clear_ibuf [dreg:s7], $0x2FFFF;
	_ =	strace $0x9FFFFFFF  }
0xc3: {  	(tm) =	ssettm $0x7FFFFFFF  }
tec
execute0_lowered:
.L_overlay_start_1:
0x0: {  	(tag) =	ssettag $0x1  }
0x1: {  	s6 =	rddreg [dreg:$0x0]  }
0x2: {  	s7 =	rddreg [dreg:$0x1]  }
0x3: {  	s1 =	rddreg [dreg:$0x2]  }
0x4: {  	s0 =	rddreg [dreg:$0x3];
	s3 =	simm.s32 $0x0  }
0x5: {  	s4 =	srdreg.scid;
	s2 =	stileid.u32;
	s16 =	simm.s32 $0x6C00  }
0x6: {  	s17 =	simm.s32 $0x1;
	s18 =	simm.s32 $0x2;
	s19 =	simm.s32 $0x0  }
0x7: {  	[smem:$0x7FF] =	sst s3;
	s11 =	sand.u32 $0x1, s4;
	s4 =	smul.u32 $0x60, s2  }
0x8: {  	s8 =	sshll.u32 s2, $0x6;
	s9 =	smul.u32 $0x2800, s2;
	p0 =	seq.s32 s11, $0x0  }
0x9: {  	s5 =	sadd.s32 $0x600, s8;
	s10 =	smul.u32 $0x28000, s11;
	_ =	strace $0x8000004A  }
0xa: {  	s14 =	ssub.s32 $0x2, s11;
	s5 =	smov.u32 @p0 s4;
	s4 =	sadd.s32 $0x1200, s6  }
0xb: {  	s15 =	sshrl.u32 s14, $0x1;
	s31 =	sadd.s32 s9, s1;
	p0 =	sne.s32 s11, $0x0  }
0xc: {  	s12 =	sshll.u32 s5, $0x4;
	s10 =	sadd.s32 s9, s10;
	s5 =	sadd.s32 $0x10400, s6  }
.Ltmp0:
0xd: {  	s14 =	ssub.s32 s14, s15;
	s11 =	sshrl.u32 s31, $0x3;
	(pc) =	sbr.rel .LBB2_1-.Ltmp0, $4  }
0xe: {  	s15 =	simm.s32 $0x6400;
	s13 =	sadd.s32 s12, s6;
	s10 =	sshrl.u32 s10, $0x3  }
0xf: {  	s7 =	sadd.s32 s7, s12;
	s12 =	simm.s32 $0x3;
	s10 =	sadd.s32 s10, s6  }
0x10: {  	s6 =	sor.u32 $0x1C03, s8;
	s8 =	sadd.s32 $0x25400, s13;
	s13 =	simm.s32 $0x3400  }
0x11: {  	v0 =	vimm.s32 $0x0;
	s9 =	sadd.s32 $0x6200, s10;
	s10 =	smax.u32 s14, $0x1;
	s14 =	simm.s32 $0x80  }
.LBB2_7:
0x12: {  	s21 =	sadd.s32 $0x80, s20;
	[sflag:s12] =	ssyncadd.s32 $0xFFFFF800  }
0x13: {  	[tilespmem:s16], [sflag:$0x2] =	stream.indirect.gather [hbm4b:s4+s14], $0x10, s21, s14, $0xb8;
	[tilespmem:$0x9C00] =	vst v63  }
0x14: {  	_ =	swait.ge [sflag:s17], $0x800  }
0x15: {  	[sflag:s17] =	ssyncset.done $0x0  }
0x16: {  	s29 =	sadd.s32 $0x3400, s20;
	[sflag:s17] =	ssyncadd.s32 $0xFFFFF800  }
0x17: {  	[spmem:s1] =	stream.indirect.scatter.add.f32 [tilespmem:s15], [sflag:$0x3], $0x10, s29, s14, $0xb8;
	[tilespmem:$0x9C00] =	vst v63  }
0x18: {  	_ =	swait.ge [sflag:s12], $0x800  }
0x19: {  	[sflag:s12] =	ssyncset.done $0x0  }
0x1a: {  	s30 =	sadd.s32 $0x100, s20;
	[sflag:s12] =	ssyncadd.s32 $0xFFFFF800  }
0x1b: {  	[tilespmem:s15], [sflag:$0x1] =	stream.indirect.gather [hbm4b:s4+s14], $0x10, s30, s14, $0xb8;
	[tilespmem:$0x9C00] =	vst v63  }
0x1c: {  	_ =	swait.ge [sflag:s18], $0x800  }
0x1d: {  	[sflag:s18] =	ssyncset.done $0x0  }
0x1e: {  	s31 =	sadd.s32 $0x3480, s20;
	[sflag:s18] =	ssyncadd.s32 $0xFFFFF800  }
0x1f: {  	[spmem:s1] =	stream.indirect.scatter.add.f32 [tilespmem:s16], [sflag:$0x3], $0x10, s31, s14, $0xb8;
	[tilespmem:$0x9C00] =	vst v63  }
0x20: {  	_ =	swait.ge [sflag:s12], $0x800  }
0x21: {  	[sflag:s12] =	ssyncset.done $0x0  }
0x22: {  	[sflag:s12] =	ssyncadd.s32 $0xFFFFF800  }
.LBB2_8:
0x23: {  	_ =	swait.ge [sflag:s17], $0x800  }
0x24: {  	s19 =	sadd.s32 $0x1, s19;
	[sflag:s17] =	ssyncset.done $0x0  }
0x25: {  	p1 =	sne.s32 s19, s10;
	[sflag:s17] =	ssyncadd.s32 $0xFFFFF800  }
.Ltmp1:
0x26: {  	[bflag:$0x0] =	sbarrier.arrive $0xFFFF;
	(pc) =	sbr.rel @!p1 .LBB2_9-.Ltmp1, $4  }
0x27: {  	[hbm:s9], [sflag:s6] =	dma.local [spmem:s11], $0x500  }
0x28: {  	_ =	swait.ge [sflag:s12], $0x500  }
0x29: {  	[sflag:s12] =	ssyncset.done $0x0  }
0x2a: {  	[sflag:s12] =	ssyncadd.s32 $0xFFFFFB00  }
.LBB2_1:
0x2b: {  	[spmem:s11], [sflag:s6] =	dma.local [hbm:s5], $0x500  }
0x2c: {  	_ =	swait.ge [sflag:s12], $0x500  }
0x2d: {  	[sflag:s12] =	ssyncset.done $0x0  }
0x2e: {  	[sflag:s12] =	ssyncadd.s32 $0xFFFFFB00  }
0x2f: {  	[tilespmem:s3], [sflag:$0x3] =	stream.linear.gather [hbm4b:s7+s3], $0x3000, $0x38;
	[tilespmem:$0x9C00] =	vst v63  }
0x30: {  	_ =	swait.ge [sflag:s12], $0x3000  }
0x31: {  	[sflag:s12] =	ssyncset.done $0x0  }
0x32: {  	[sflag:s12] =	ssyncadd.s32 $0xFFFFD000  }
0x33: {  	[tilespmem:s13], [sflag:$0x3] =	stream.linear.gather [hbm4b:s8+s3], $0x3000, $0x38;
	[tilespmem:$0x9C00] =	vst v63  }
.Ltmp2:
0x34: {  	_ =	swait.ge [sflag:s12], $0x3000;
	(pc) =	sbr.rel @p0 .LBB2_5-.Ltmp2, $3  }
0x35: {  	[sflag:s12] =	ssyncset.done $0x0  }
0x36: {  	[sflag:s12] =	ssyncadd.s32 $0xFFFFD000  }
0x37: {  	[bflag:$0x0] =	sbarrier.arrive $0xFFFF;
	_ =	sdelay $0x1  }
0x38: {  	[tilespmem:$0x3000] =	vst v0  }
0x39: {  	[tilespmem:$0x3010] =	vst v0  }
0x3a: {  	[tilespmem:$0x3020] =	vst v0  }
0x3b: {  	[tilespmem:$0x3030] =	vst v0  }
0x3c: {  	[tilespmem:$0x3040] =	vst v0  }
0x3d: {  	[tilespmem:$0x3050] =	vst v0  }
0x3e: {  	[tilespmem:$0x3060] =	vst v0  }
0x3f: {  	[tilespmem:$0x3070] =	vst v0;
	s20 =	simm.s32 $0x0  }
0x40: {  	[tilespmem:s15], [sflag:$0x1] =	stream.indirect.gather [hbm4b:s4+s14], $0x10, s20, s14, $0xb8;
	[tilespmem:$0x9C00] =	vst v63  }
0x41: {  	s28 =	simm.s32 $0x80  }
0x42: {  	[tilespmem:s16], [sflag:$0x2] =	stream.indirect.gather [hbm4b:s4+s14], $0x10, s28, s14, $0xb8;
	[tilespmem:$0x9C00] =	vst v63  }
0x43: {  	_ =	swait.ge [sflag:s17], $0x800  }
0x44: {  	[sflag:s17] =	ssyncset.done $0x0  }
0x45: {  	s29 =	simm.s32 $0x3400;
	[sflag:s17] =	ssyncadd.s32 $0xFFFFF800  }
0x46: {  	[spmem:s1] =	stream.indirect.scatter.add.f32 [tilespmem:s15], [sflag:$0x3], $0x10, s29, s14, $0xb8;
	[tilespmem:$0x9C00] =	vst v63  }
0x47: {  	_ =	swait.ge [sflag:s12], $0x800  }
0x48: {  	[sflag:s12] =	ssyncset.done $0x0  }
0x49: {  	s30 =	simm.s32 $0x100;
	[sflag:s12] =	ssyncadd.s32 $0xFFFFF800  }
0x4a: {  	[tilespmem:s15], [sflag:$0x1] =	stream.indirect.gather [hbm4b:s4+s14], $0x10, s30, s14, $0xb8;
	[tilespmem:$0x9C00] =	vst v63  }
0x4b: {  	_ =	swait.ge [sflag:s18], $0x800  }
0x4c: {  	[sflag:s18] =	ssyncset.done $0x0  }
0x4d: {  	s31 =	simm.s32 $0x3480;
	[sflag:s18] =	ssyncadd.s32 $0xFFFFF800  }
0x4e: {  	[spmem:s1] =	stream.indirect.scatter.add.f32 [tilespmem:s16], [sflag:$0x3], $0x10, s31, s14, $0xb8;
	[tilespmem:$0x9C00] =	vst v63  }
0x4f: {  	_ =	swait.ge [sflag:s12], $0x800  }
0x50: {  	s21 =	simm.s32 $0x800;
	s20 =	simm.s32 $0x100;
	[sflag:s12] =	ssyncset.done $0x0  }
.LBB2_3:
0x51: {  	s22 =	sadd.s32 $0x80, s20  }
0x52: {  	[sflag:s12] =	ssyncadd.s32 $0xFFFFF800;
	s23 =	smov.u32 s21;
	s24 =	sadd.s32 $0x400, s21  }
0x53: {  	[tilespmem:s16], [sflag:$0x2] =	stream.indirect.gather [hbm4b:s4+s14], $0x10, s22, s14, $0xb8;
	[tilespmem:$0x9C00] =	vst v63  }
0x54: {  	p1 =	seq.s32 s21, $0xBC00;
	_ =	swait.ge [sflag:s17], $0x800  }
0x55: {  	[sflag:s17] =	ssyncset.done $0x0  }
0x56: {  	s21 =	sadd.s32 $0x3400, s20;
	[sflag:s17] =	ssyncadd.s32 $0xFFFFF800  }
0x57: {  	[spmem:s1] =	stream.indirect.scatter.add.f32 [tilespmem:s15], [sflag:$0x3], $0x10, s21, s14, $0xb8;
	[tilespmem:$0x9C00] =	vst v63  }
0x58: {  	_ =	swait.ge [sflag:s12], $0x800  }
0x59: {  	[sflag:s12] =	ssyncset.done $0x0  }
0x5a: {  	s21 =	sadd.s32 $0x100, s20;
	[sflag:s12] =	ssyncadd.s32 $0xFFFFF800  }
0x5b: {  	[tilespmem:s15], [sflag:$0x1] =	stream.indirect.gather [hbm4b:s4+s14], $0x10, s21, s14, $0xb8;
	[tilespmem:$0x9C00] =	vst v63  }
0x5c: {  	_ =	swait.ge [sflag:s18], $0x800  }
.Ltmp3:
0x5d: {  	[sflag:s18] =	ssyncset.done $0x0;
	(pc) =	sbr.rel @!p1 .LBB2_3-.Ltmp3, $4  }
0x5e: {  	s20 =	sadd.s32 $0x3480, s20;
	[sflag:s18] =	ssyncadd.s32 $0xFFFFF800  }
0x5f: {  	[spmem:s1] =	stream.indirect.scatter.add.f32 [tilespmem:s16], [sflag:$0x3], $0x10, s20, s14, $0xb8;
	[tilespmem:$0x9C00] =	vst v63  }
0x60: {  	_ =	swait.ge [sflag:s12], $0x800  }
0x61: {  	s21 =	smov.u32 s24;
	s20 =	sshra.s32 s23, $0x2;
	[sflag:s12] =	ssyncset.done $0x0  }
0x62: {  	s21 =	sadd.s32 $0x80, s20;
	[sflag:s12] =	ssyncadd.s32 $0xFFFFF800  }
0x63: {  	[tilespmem:s16], [sflag:$0x2] =	stream.indirect.gather [hbm4b:s4+s14], $0x10, s21, s14, $0xb8;
	[tilespmem:$0x9C00] =	vst v63  }
0x64: {  	_ =	swait.ge [sflag:s17], $0x800  }
0x65: {  	[sflag:s17] =	ssyncset.done $0x0  }
0x66: {  	s29 =	sadd.s32 $0x3400, s20;
	[sflag:s17] =	ssyncadd.s32 $0xFFFFF800  }
0x67: {  	[spmem:s1] =	stream.indirect.scatter.add.f32 [tilespmem:s15], [sflag:$0x3], $0x10, s29, s14, $0xb8;
	[tilespmem:$0x9C00] =	vst v63  }
0x68: {  	_ =	swait.ge [sflag:s12], $0x800  }
0x69: {  	[sflag:s12] =	ssyncset.done $0x0  }
0x6a: {  	s30 =	sadd.s32 $0x100, s20;
	[sflag:s12] =	ssyncadd.s32 $0xFFFFF800  }
0x6b: {  	[tilespmem:s15], [sflag:$0x1] =	stream.indirect.gather [hbm4b:s4+s14], $0x10, s30, s14, $0xb8;
	[tilespmem:$0x9C00] =	vst v63  }
0x6c: {  	_ =	swait.ge [sflag:s18], $0x800  }
0x6d: {  	[sflag:s18] =	ssyncset.done $0x0  }
.Ltmp4:
0x6e: {  	s31 =	sadd.s32 $0x3480, s20;
	[sflag:s18] =	ssyncadd.s32 $0xFFFFF800;
	(pc) =	sbr.rel .LBB2_8-.Ltmp4, $4  }
0x6f: {  	[spmem:s1] =	stream.indirect.scatter.add.f32 [tilespmem:s16], [sflag:$0x3], $0x10, s31, s14, $0xb8;
	[tilespmem:$0x9C00] =	vst v63  }
0x70: {  	_ =	swait.ge [sflag:s12], $0x800  }
0x71: {  	[sflag:s12] =	ssyncset.done $0x0  }
0x72: {  	[sflag:s12] =	ssyncadd.s32 $0xFFFFF800  }
.LBB2_5:
0x73: {  	[tilespmem:$0x2000] =	vst v0  }
0x74: {  	[tilespmem:$0x2010] =	vst v0  }
0x75: {  	[tilespmem:$0x2020] =	vst v0  }
0x76: {  	[tilespmem:$0x2030] =	vst v0  }
0x77: {  	[tilespmem:$0x2040] =	vst v0  }
0x78: {  	[tilespmem:$0x2050] =	vst v0  }
0x79: {  	[tilespmem:$0x2060] =	vst v0  }
0x7a: {  	[tilespmem:$0x2070] =	vst v0;
	s20 =	simm.s32 $0x0  }
0x7b: {  	[tilespmem:s15], [sflag:$0x1] =	stream.indirect.gather [hbm4b:s4+s14], $0x10, s20, s14, $0xb8;
	[tilespmem:$0x9C00] =	vst v63  }
0x7c: {  	s28 =	simm.s32 $0x80  }
0x7d: {  	[tilespmem:s16], [sflag:$0x2] =	stream.indirect.gather [hbm4b:s4+s14], $0x10, s28, s14, $0xb8;
	[tilespmem:$0x9C00] =	vst v63  }
0x7e: {  	_ =	swait.ge [sflag:s17], $0x800  }
0x7f: {  	[sflag:s17] =	ssyncset.done $0x0  }
0x80: {  	s29 =	simm.s32 $0x3400;
	[sflag:s17] =	ssyncadd.s32 $0xFFFFF800  }
0x81: {  	[spmem:s1] =	stream.indirect.scatter.add.f32 [tilespmem:s15], [sflag:$0x3], $0x10, s29, s14, $0xb8;
	[tilespmem:$0x9C00] =	vst v63  }
0x82: {  	_ =	swait.ge [sflag:s12], $0x800  }
0x83: {  	[sflag:s12] =	ssyncset.done $0x0  }
0x84: {  	s30 =	simm.s32 $0x100;
	[sflag:s12] =	ssyncadd.s32 $0xFFFFF800  }
0x85: {  	[tilespmem:s15], [sflag:$0x1] =	stream.indirect.gather [hbm4b:s4+s14], $0x10, s30, s14, $0xb8;
	[tilespmem:$0x9C00] =	vst v63  }
0x86: {  	_ =	swait.ge [sflag:s18], $0x800  }
0x87: {  	[sflag:s18] =	ssyncset.done $0x0  }
0x88: {  	s31 =	simm.s32 $0x3480;
	[sflag:s18] =	ssyncadd.s32 $0xFFFFF800  }
0x89: {  	[spmem:s1] =	stream.indirect.scatter.add.f32 [tilespmem:s16], [sflag:$0x3], $0x10, s31, s14, $0xb8;
	[tilespmem:$0x9C00] =	vst v63  }
0x8a: {  	_ =	swait.ge [sflag:s12], $0x800  }
0x8b: {  	s21 =	simm.s32 $0x800;
	s20 =	simm.s32 $0x100;
	[sflag:s12] =	ssyncset.done $0x0  }
.LBB2_6:
0x8c: {  	s22 =	sadd.s32 $0x80, s20  }
0x8d: {  	[sflag:s12] =	ssyncadd.s32 $0xFFFFF800;
	s23 =	smov.u32 s21;
	s24 =	sadd.s32 $0x400, s21  }
0x8e: {  	[tilespmem:s16], [sflag:$0x2] =	stream.indirect.gather [hbm4b:s4+s14], $0x10, s22, s14, $0xb8;
	[tilespmem:$0x9C00] =	vst v63  }
0x8f: {  	p1 =	sne.s32 s21, $0x7C00;
	_ =	swait.ge [sflag:s17], $0x800  }
0x90: {  	[sflag:s17] =	ssyncset.done $0x0  }
0x91: {  	s21 =	sadd.s32 $0x3400, s20;
	[sflag:s17] =	ssyncadd.s32 $0xFFFFF800  }
0x92: {  	[spmem:s1] =	stream.indirect.scatter.add.f32 [tilespmem:s15], [sflag:$0x3], $0x10, s21, s14, $0xb8;
	[tilespmem:$0x9C00] =	vst v63  }
0x93: {  	_ =	swait.ge [sflag:s12], $0x800  }
0x94: {  	[sflag:s12] =	ssyncset.done $0x0  }
0x95: {  	s21 =	sadd.s32 $0x100, s20;
	[sflag:s12] =	ssyncadd.s32 $0xFFFFF800  }
0x96: {  	[tilespmem:s15], [sflag:$0x1] =	stream.indirect.gather [hbm4b:s4+s14], $0x10, s21, s14, $0xb8;
	[tilespmem:$0x9C00] =	vst v63  }
0x97: {  	_ =	swait.ge [sflag:s18], $0x800  }
.Ltmp5:
0x98: {  	[sflag:s18] =	ssyncset.done $0x0;
	(pc) =	sbr.rel @p1 .LBB2_6-.Ltmp5, $4  }
0x99: {  	s20 =	sadd.s32 $0x3480, s20;
	[sflag:s18] =	ssyncadd.s32 $0xFFFFF800  }
0x9a: {  	[spmem:s1] =	stream.indirect.scatter.add.f32 [tilespmem:s16], [sflag:$0x3], $0x10, s20, s14, $0xb8;
	[tilespmem:$0x9C00] =	vst v63  }
0x9b: {  	_ =	swait.ge [sflag:s12], $0x800  }
0x9c: {  	s21 =	smov.u32 s24;
	s20 =	sshra.s32 s23, $0x2;
	[sflag:s12] =	ssyncset.done $0x0  }
.Ltmp6:
0x9d: {  	_ = 	snop;
	(pc) =	sbr.rel .LBB2_7-.Ltmp6, $1  }
0x9e: {  	_ =	sdelay $0x3  }
.LBB2_9:
0x9f: {  	_ =	sfence.sel $0x180000  }
0xa0: {  	[bflag:$0x0] =	sbarrier.arrive $0xFFFF  }
0xa1: {  	p0 =	sne.s32 s2, $0x0;
	_ =	strace $0x9000004A  }
0xa2: {  	s0 =	sadd.s32 @!p0 $0x100000, s0;
	[bflag:$0x2] =	sbarrier.arrive $0xFFFF  }
0xa3: {  	[sflag:s0] =	ssyncadd.tile.s32 @!p0 $0x1;
	_ =	shalt  }
.Lfunc_end2:
_tile_overlayer_lowered:
.L_overlay_start_2:
0xa4: {  	(tag) =	ssettag $0x2  }
0xa5: {  	s0 =	rddreg [dreg:$0x0];
	s2 =	stileid.u32  }
0xa6: {  	s1 =	rddreg [dreg:$0x1];
	p0 =	sne.s32 s2, $0x0  }
0xa7: {  	s3 =	rddreg [dreg:$0x2];
	[bflag:$0x3] =	sbarrier.arrive $0xFFFF;
	s2 =	simm.s32 @!p0 $0x1C03  }
0xa8: {  	[timem:s3], [sflag:s2] =	dma.local @!p0 [hbm:s0], s1  }
0xa9: {  	s0 =	simm.s32 @!p0 $0x3  }
0xaa: {  	_ =	swait.ge @!p0 [sflag:s0], s1  }
0xab: {  	s1 =	ssub.s32 @!p0 $0x0, s1;
	[sflag:s0] =	ssyncset.done @!p0 $0x0  }
0xac: {  	[sflag:s0] =	ssyncadd.s32 @!p0 s1  }
0xad: {  	[bflag:$0x3] =	sbarrier.arrive $0xFFFF  }
0xae: {  	_ =	shalt  }

// kernel: kernel.7.cloned.1.call-start
scs
__scs_entry_jumppad:
0x0: {  	(pc) =	sbr.rel $0x88, $3  }
0x1: {  	(tag) =	ssettag $0x0;
	lr =	simm.s32 $0x1  }
0x2: {  	[smem:$0x3F9B] =	sst lr;
	_ =	strace $0xD0000000  }
0x3: {  	_ = 	snop  }
0x4: {  	_ = 	snop  }
0x5: {  	_ = 	snop  }
0x6: {  	_ = 	snop  }
0x7: {  	_ = 	snop  }
__scs_overlays_trampoline_lowered:
0x8: {  	[smem:$0x3FAA] =	sst s0  }
0x9: {  	[smem:$0x3FAB] =	sst s1  }
0xa: {  	[smem:$0x3FAC] =	sst s2  }
0xb: {  	[smem:$0x3FAD] =	sst s3  }
0xc: {  	[smem:$0x3FAE] =	sst s4  }
0xd: {  	[smem:$0x3FAF] =	sst s5  }
0xe: {  	[smem:$0x3FB0] =	sst s6  }
0xf: {  	[smem:$0x3FB1] =	sst s7  }
0x10: {  	[smem:$0x3FB2] =	sst s8  }
0x11: {  	[smem:$0x3FB3] =	sst s9;
	s0 =	simm.s32 @!p0 $0x0  }
0x12: {  	s1 =	sld [smem:$0x3F99];
	s0 =	simm.s32 @p0 $0x1  }
0x13: {  	[smem:$0x3FB4] =	sst s0;
	s0 =	simm.s32 @!p1 $0x0  }
0x14: {  	s2 =	sld [smem:$0x3F98];
	s0 =	simm.s32 @p1 $0x1  }
0x15: {  	[smem:$0x3FB5] =	sst s0;
	s0 =	simm.s32 @!p2 $0x0  }
0x16: {  	s3 =	sld [smem:$0x3FDB];
	s0 =	simm.s32 @p2 $0x1  }
0x17: {  	s4 =	simm.s32 $0x1BF5;
	[smem:$0x3FB7] =	sst s0  }
0x18: {  	s0 =	sld [smem:$0x3F9A];
	_ =	swait.ge [sflag:s4], $0x0  }
0x19: {  	s7 =	sld [smem:$0x3F9B]  }
0x1a: {  	s8 =	sadd.s32 $0xFFFFE003, lr  }
0x1b: {  	s9 =	sadd.s32 $0xFFFFFEF7, lr;
	s5 =	simm.s32 $0xFFFFFFFF;
	p2 =	slt.u32 s8, $0xFFFFF086  }
0x1c: {  	p1 =	slt.u32 s9, $0xF7A;
	s5 =	simm.s32 @!p2 $0x0  }
0x1d: {  	s5 =	simm.s32 @p1 $0x1;
	p0 =	seq.s32 s7, s2  }
0x1e: {  	s7 =	smul.u32 @!p0 $0xF7A, s2;
	p2 =	seq.s32 @!p0 s5, $0x0  }
0x1f: {  	s9 =	smul.u32 $0xF7A, s1;
	s8 =	simm.s32 @!p0 $0x1BF5;
	p2 =	por !p2, p0  }
0x20: {  	[sflag:s8] =	ssyncset.s32 @!p0 $0xFFFFF086;
	s6 =	sadd.s32 @!p0 s3, s7;
	s7 =	simm.s32 @!p0 $0x108  }
0x21: {  	s3 =	sadd.s32 s3, s9;
	s6 =	sadd.s32 @!p0 $0x88, s6;
	s7 =	simm.s32 @p2 $0x1082  }
0x22: {  	[simem:s7], [sflag:s8] =	dma.local @!p0 [hbm:s6], $0xF7A  }
0x23: {  	s9 =	sor.u32 $0xD0000000, s2;
	s6 =	simm.s32 $0x108;
	_ =	swait.ge @!p0 [sflag:s8], $0x0  }
0x24: {  	s3 =	sadd.s32 $0x88, s3;
	s6 =	simm.s32 @!p1 $0x1082;
	[sflag:s4] =	ssyncset.s32 $0xFFFFF086  }
0x25: {  	[simem:s6], [sflag:s4] =	dma.local [hbm:s3], $0xF7A  }
0x26: {  	[smem:$0x3F9B] =	sst s1;
	(tag) =	ssettag s2;
	_ =	strace s9  }
0x27: {  	s1 =	sld [smem:$0x3FAB]  }
0x28: {  	s2 =	sld [smem:$0x3FAC]  }
0x29: {  	s4 =	sld [smem:$0x3FAE]  }
0x2a: {  	p0 =	seq.s32 s5, $0x0;
	s5 =	sld [smem:$0x3FAF]  }
0x2b: {  	s6 =	sld [smem:$0x3FB0]  }
0x2c: {  	s7 =	sld [smem:$0x3FB1]  }
0x2d: {  	s3 =	simm.s32 $0x108;
	s8 =	sld [smem:$0x3FB2]  }
0x2e: {  	s3 =	simm.s32 @!p0 $0x1082;
	s9 =	sld [smem:$0x3FB3]  }
0x2f: {  	lr =	sadd.s32 s0, s3;
	s0 =	sld [smem:$0x3FAA]  }
0x30: {  	s3 =	sld [smem:$0x3FAD]  }
0x31: {  	[smem:$0x3FB6] =	sst s10  }
0x32: {  	s10 =	sld [smem:$0x3FB4];
	_ =	sdelay $0x3  }
0x33: {  	p0 =	seq.s32 s10, $0x1;
	s10 =	sld [smem:$0x3FB6];
	_ =	sdelay $0x3  }
0x34: {  	[smem:$0x3FB6] =	sst s10  }
0x35: {  	s10 =	sld [smem:$0x3FB5];
	_ =	sdelay $0x3  }
0x36: {  	p1 =	seq.s32 s10, $0x1;
	s10 =	sld [smem:$0x3FB6];
	_ =	sdelay $0x3  }
0x37: {  	[smem:$0x3FB6] =	sst s10  }
0x38: {  	s10 =	sld [smem:$0x3FB7]  }
0x39: {  	_ = 	snop;
	(pc) =	sbr.ind lr, $3  }
0x3a: {  	_ = 	snop  }
0x3b: {  	_ = 	snop  }
0x3c: {  	p2 =	seq.s32 s10, $0x1;
	s10 =	sld [smem:$0x3FB6]  }
0x3d: {  	_ =	shalt  }
0x3e: {  	_ =	shalt  }
0x3f: {  	_ =	shalt  }
0x40: {  	_ =	shalt  }
0x41: {  	_ =	shalt  }
0x42: {  	_ =	shalt  }
0x43: {  	_ =	shalt  }
0x44: {  	_ =	shalt  }
0x45: {  	_ =	shalt  }
0x46: {  	_ =	shalt  }
0x47: {  	_ =	shalt  }
0x48: {  	_ =	shalt  }
0x49: {  	_ =	shalt  }
0x4a: {  	_ =	shalt  }
0x4b: {  	_ =	shalt  }
0x4c: {  	_ =	shalt  }
0x4d: {  	_ =	shalt  }
0x4e: {  	_ =	shalt  }
0x4f: {  	_ =	shalt  }
0x50: {  	_ =	shalt  }
0x51: {  	_ =	shalt  }
0x52: {  	_ =	shalt  }
0x53: {  	_ =	shalt  }
0x54: {  	_ =	shalt  }
0x55: {  	_ =	shalt  }
0x56: {  	_ =	shalt  }
0x57: {  	_ =	shalt  }
0x58: {  	_ =	shalt  }
0x59: {  	_ =	shalt  }
0x5a: {  	_ =	shalt  }
0x5b: {  	_ =	shalt  }
0x5c: {  	_ =	shalt  }
0x5d: {  	_ =	shalt  }
0x5e: {  	_ =	shalt  }
0x5f: {  	_ =	shalt  }
0x60: {  	_ =	shalt  }
0x61: {  	_ =	shalt  }
0x62: {  	_ =	shalt  }
0x63: {  	_ =	shalt  }
0x64: {  	_ =	shalt  }
0x65: {  	_ =	shalt  }
0x66: {  	_ =	shalt  }
0x67: {  	_ =	shalt  }
0x68: {  	_ =	shalt  }
0x69: {  	_ =	shalt  }
0x6a: {  	_ =	shalt  }
0x6b: {  	_ =	shalt  }
0x6c: {  	_ =	shalt  }
0x6d: {  	_ =	shalt  }
0x6e: {  	_ =	shalt  }
0x6f: {  	_ =	shalt  }
0x70: {  	_ =	shalt  }
0x71: {  	_ =	shalt  }
0x72: {  	_ =	shalt  }
0x73: {  	_ =	shalt  }
0x74: {  	_ =	shalt  }
0x75: {  	_ =	shalt  }
0x76: {  	_ =	shalt  }
0x77: {  	_ =	shalt  }
0x78: {  	_ =	shalt  }
0x79: {  	_ =	shalt  }
0x7a: {  	_ =	shalt  }
0x7b: {  	_ =	shalt  }
0x7c: {  	_ =	shalt  }
0x7d: {  	_ =	shalt  }
0x7e: {  	_ =	shalt  }
0x7f: {  	_ =	shalt  }
0x80: {  	_ =	shalt  }
0x81: {  	_ =	shalt  }
0x82: {  	_ =	shalt  }
0x83: {  	_ =	shalt  }
0x84: {  	_ =	shalt  }
0x85: {  	_ =	shalt  }
0x86: {  	_ =	shalt  }
0x87: {  	_ =	shalt  }
.Lfunc_end0:
.L_simem_size_0:
called_computation_lowered:
.L_overlay_start_0:
0x88: {  	s2 =	sld [smem:$0x3FD9]  }
0x89: {  	s3 =	sld [smem:$0x3FFE];
	_ =	sdelay $0x1  }
0x8a: {  	s1 =	srdreg.scid  }
0x8b: {  	s0 =	sand.u32 $0x1, s1  }
0x8c: {  	s17 =	sshll.u32 s0, $0xA;
	s2 =	sadd.s32 s3, s2  }
0x8d: {  	s2 =	sadd.s32 s2, s17  }
0x8e: {  	[smem:$0x3FC2] =	sst s2  }
0x8f: {  	_ = 	snop  }
0x90: {  	s2 =	sld [smem:$0x3FD0];
	(tm) =	ssettm $0x1  }
0x91: {  	s18 =	sld [smem:$0x3FFB];
	_ =	sdelay $0x3  }
0x92: {  	_ =	strace s18  }
0x93: {  	s3 =	sld [smem:$0x3FFC];
	_ =	sdelay $0x3  }
0x94: {  	_ =	strace s3  }
0x95: {  	s3 =	sld [smem:$0x3FFD];
	_ =	sdelay $0x3  }
0x96: {  	_ =	strace s3  }
0x97: {  	_ =	strace $0x8FFFFFFF  }
0x98: {  	s19 =	sld [smem:$0x3FDB];
	_ =	sdelay $0x1  }
0x99: {  	s4 =	simm.s32 $_scs_section_size  }
0x9a: {  	s5 =	simm.s32 $_size__tile_overlayer_lowered;
	s6 =	simm.s32 $_tile_overlayer_lowered  }
0x9b: {  	s22 =	simm.s32 $0x1BFF;
	s21 =	sshll.u32 s6, $0x1;
	s3 =	sadd.s32 s4, s19  }
0x9c: {  	s7 =	simm.s32 $0x0;
	s20 =	sshll.u32 s5, $0x1;
	s5 =	sadd.s32 s21, s3  }
0x9d: {  	[timem:s7], [sflag:s22] =	dma.local [hbm:s5], s20  }
0x9e: {  	_ =	swait.ge [sflag:s22], s20  }
0x9f: {  	s4 =	ssub.s32 $0x0, s20;
	[sflag:s22] =	ssyncset.done $0x0  }
0xa0: {  	[sflag:s22] =	ssyncadd.s32 s4;
	_ =	sdelay $0x1  }
0xa1: {  	s23 =	simm.s32 $0x1B8B  }
0xa2: {  	_ =	swait.ge [sflag:s23], $0x1  }
0xa3: {  	[sflag:s23] =	ssyncset.done $0x0  }
0xa4: {  	s25 =	simm.s32 $0x1B8E;
	s24 =	sld [smem:$0x3FFE];
	[sflag:s23] =	ssyncadd.s32 $0xFFFFFFFF  }
0xa5: {  	s26 =	simm.s32 $execute0_lowered;
	[smem:$0x3FD2] =	sst s25  }
0xa6: {  	s5 =	sshll.u32 s26, $0x1;
	_ =	strace $0x80000046;
	[dreg:$0x1] =	wrdreg $0xFFFFFFFF  }
0xa7: {  	s28 =	simm.s32 $_size_execute0_lowered;
	s3 =	sadd.s32 s3, s5;
	[dreg:$0x0] =	wrdreg $0x0  }
0xa8: {  	s5 =	sshll.u32 s28, $0x1;
	[dreg:$0x2] =	wrdreg s3  }
0xa9: {  	[dreg:$0x3] =	wrdreg s5  }
0xaa: {  	[dreg:$0x4] =	wrdreg $0xC0  }
0xab: {  	_ =	task [dreg:s7], $0x5FFFF  }
0xac: {  	[dreg:$0x1] =	wrdreg $0xFFFFFFFF  }
0xad: {  	[dreg:$0x0] =	wrdreg $0x60  }
0xae: {  	[dreg:$0x2] =	wrdreg s24  }
0xaf: {  	[dreg:$0x3] =	wrdreg s2  }
0xb0: {  	[dreg:$0x4] =	wrdreg $0x18E800  }
0xb1: {  	[dreg:$0x5] =	wrdreg $0x1B6800  }
0xb2: {  	[dreg:$0x6] =	wrdreg $0x9  }
0xb3: {  	_ =	task.clear_ibuf [dreg:s7], $0x7FFFF;
	_ =	strace $0x90000046  }
0xb4: {  	s29 =	simm.s32 $0x9;
	_ =	strace $0x80000048  }
0xb5: {  	_ =	swait.ge [sflag:s29], $0x1  }
0xb6: {  	[sflag:s29] =	ssyncadd.s32 $0xFFFFFFFF  }
0xb7: {  	_ =	strace $0x90000048  }
0xb8: {  	_ =	sfence  }
0xb9: {  	s30 =	sld [smem:$0x0];
	_ =	sdelay $0x2  }
0xba: {  	s31 =	sshll.u32 s1, $0xD;
	s1 =	sshrl.u32 s1, $0x2  }
0xbb: {  	s3 =	sand.u32 $0x4000, s31;
	s1 =	sadd.s32 s1, s30  }
0xbc: {  	s0 =	sor.u32 s3, s0;
	s1 =	sshll.u32 s1, $0x11  }
0xbd: {  	s0 =	sor.u32 s1, s0  }
0xbe: {  	s0 =	sadd.s32 $0x8F2B, s0  }
0xbf: {  	[sflag:s0] =	ssyncadd.remote.s32 $0x1  }
0xc0: {  	_ =	sfence.sel $0xFFFF  }
0xc1: {  	[dreg:$0x0] =	wrdreg $0xFFFFFFFF;
	(pc) =	sbr.abs _section_cstart, $3  }
0xc2: {  	[dreg:$0x1] =	wrdreg $0xFFFFFFFF  }
0xc3: {  	_ =	task.clear_ibuf [dreg:s7], $0x2FFFF;
	_ =	strace $0x9FFFFFFF  }
0xc4: {  	(tm) =	ssettm $0x7FFFFFFF  }
0xc5: {  	_ =	shalt  }
tec
execute0_lowered:
.L_overlay_start_1:
0x0: {  	(tag) =	ssettag $0x1  }
0x1: {  	s0 =	rddreg [dreg:$0x0];
	s22 =	stileid.u32  }
0x2: {  	s1 =	rddreg [dreg:$0x1];
	s8 =	smul.u32 $0x2800, s22  }
0x3: {  	s7 =	rddreg [dreg:$0x2];
	s12 =	smul.u32 $0x280, s22  }
0x4: {  	s3 =	srdreg.scid;
	s14 =	smul.u32 $0xA00, s22  }
0x5: {  	s2 =	rddreg [dreg:$0x3];
	s9 =	sand.u32 $0x1, s3;
	s20 =	smul.u32 $0x60, s22  }
0x6: {  	s3 =	simm.s32 $0x0;
	s13 =	sadd.s32 $0x6200, s0;
	s5 =	smul.u32 $0x28000, s9  }
0x7: {  	[smem:$0x7FF] =	sst s3;
	s10 =	smul.u32 $0x2800, s9;
	s18 =	ssub.s32 $0x2, s9  }
0x8: {  	p0 =	seq.s32 s9, $0x0;
	s4 =	sshrl.u32 s8, $0x3;
	_ =	strace $0x80000047  }
0x9: {  	s19 =	sshrl.u32 s18, $0x1;
	s26 =	sadd.s32 s1, s14;
	s11 =	sadd.s32 s4, s0  }
0xa: {  	s4 =	sadd.s32 $0x10400, s0;
	s5 =	sadd.s32 s8, s5;
	s15 =	sadd.s32 s12, s10  }
0xb: {  	s18 =	ssub.s32 s18, s19;
	[dreg:$0x5] =	wrdreg s26;
	s8 =	sadd.s32 s8, s2  }
0xc: {  	s5 =	sshrl.u32 s5, $0x3;
	s6 =	sshrl.u32 s15, $0x3;
	[dreg:$0xa] =	wrdreg s8  }
0xd: {  	s16 =	sadd.s32 s5, s0;
	s5 =	sadd.s32 $0x1AA00, s0;
	s17 =	sadd.s32 s6, s0  }
0xe: {  	s0 =	sadd.s32 s14, s0;
	s6 =	sshll.u32 s22, $0x6;
	s14 =	sadd.s32 s13, s14  }
0xf: {  	s22 =	smul.u32 $0xA000, s22;
	s21 =	sadd.s32 $0x600, s6;
	[dreg:$0x6] =	wrdreg s14  }
0x10: {  	s0 =	sadd.s32 $0x25400, s0;
	s14 =	sadd.s32 s12, s7;
	s21 =	smov.u32 @p0 s20  }
0x11: {  	s24 =	sshrl.u32 s22, $0x2;
	[dreg:$0xb] =	wrdreg s0;
	s12 =	sadd.s32 $0x2800, s14  }
0x12: {  	s19 =	sadd.s32 $0x7800, s14;
	s20 =	sadd.s32 $0xA000, s14;
	p0 =	sne.s32 s9, $0x0  }
0x13: {  	s22 =	sadd.s32 $0xC800, s14;
	s28 =	sadd.s32 $0x14000, s14;
	s29 =	sadd.s32 $0x16800, s14  }
0x14: {  	s30 =	sadd.s32 $0x19000, s14;
	s31 =	sadd.s32 $0x1B800, s14;
	[dreg:$0xc] =	wrdreg s12  }
0x15: {  	s8 =	sadd.s32 $0x25800, s14;
	s9 =	simm.s32 $0x3;
	[dreg:$0xe] =	wrdreg s19  }
0x16: {  	s23 =	sshll.u32 s21, $0x4;
	s26 =	sadd.s32 s24, s7;
	[dreg:$0xf] =	wrdreg s20  }
0x17: {  	s21 =	sshll.u32 s15, $0x1;
	[dreg:$0x10] =	wrdreg s22;
	s24 =	sadd.s32 $0x24A00, s17  }
0x18: {  	s7 =	sadd.s32 $0x23000, s14;
	s12 =	simm.s32 $0x80;
	[dreg:$0x9] =	wrdreg s26  }
0x19: {  	s15 =	simm.s32 $0x18680;
	s1 =	sadd.s32 s1, s23;
	[dreg:$0x13] =	wrdreg s24  }
0x1a: {  	s17 =	simm.s32 $0x2;
	s25 =	sadd.s32 s13, s23;
	[dreg:$0x7] =	wrdreg s1  }
0x1b: {  	s13 =	sadd.s32 $0x5000, s14;
	s23 =	sadd.s32 $0x1200, s11;
	[dreg:$0x8] =	wrdreg s25  }
0x1c: {  	v1 =	vimm.f32 $1.000000000e+00;
	v2 =	vimm.s32 $0x1;
	v3 =	vimm.s32 $0x0;
	s0 =	sadd.s32 s5, s21;
	s26 =	smax.u32 s18, $0x1;
	[dreg:$0xd] =	wrdreg s13  }
.Ltmp0:
0x1d: {  	v4 =	vimm.s32 $0x2;
	v5 =	vimm.s32 $0x3;
	v6 =	vimm.s32 $0x4;
	s24 =	simm.s32 $0x11A80;
	[dreg:$0x11] =	wrdreg s23;
	(pc) =	sbr.rel .LBB2_1-.Ltmp0, $4  }
0x1e: {  	v7 =	vimm.s32 $0x5;
	v8 =	vimm.s32 $0x6;
	v9 =	vimm.s32 $0x7;
	s11 =	simm.s32 $0xF280;
	s18 =	simm.s32 $0x0;
	[dreg:$0x12] =	wrdreg s0  }
0x1f: {  	v10 =	vimm.s32 $0x8;
	v11 =	vimm.s32 $0x9;
	v12 =	vimm.s32 $0xA;
	s25 =	sadd.s32 $0x10A00, s16;
	[dreg:$0x15] =	wrdreg s26;
	s26 =	sadd.s32 $0x11800, s14  }
0x20: {  	v13 =	vimm.s32 $0xB;
	v14 =	vimm.s32 $0xC;
	v15 =	vimm.s32 $0xD;
	s1 =	sadd.s32 $0x1E000, s14;
	s0 =	sadd.s32 $0x20800, s14;
	s13 =	simm.s32 $0x17E80  }
0x21: {  	v16 =	vimm.s32 $0xE;
	v17 =	vimm.s32 $0xF;
	v0 =	vmov s10;
	s16 =	simm.s32 $0x1;
	[dreg:$0x14] =	wrdreg s25;
	s25 =	sadd.s32 $0xF000, s14  }
.LBB2_13:
0x22: {  	s21 =	sadd.s32 $0x11B00, s10;
	[sflag:s9] =	ssyncadd.s32 $0xFFFFF800  }
0x23: {  	[tilespmem:s15], [sflag:$0x2] =	stream.indirect.gather [hbm4b:s5+s12], $0x10, s21, s12, $0xb8;
	[tilespmem:$0x1DE80] =	vst v63  }
0x24: {  	_ =	swait.ge [sflag:s16], $0x800  }
0x25: {  	[sflag:s16] =	ssyncset.done $0x0  }
0x26: {  	s22 =	sadd.s32 $0x14E80, s10;
	[sflag:s16] =	ssyncadd.s32 $0xFFFFF800  }
0x27: {  	[spmem:s2] =	stream.indirect.scatter.add.f32 [tilespmem:s13], [sflag:$0x3], $0x10, s22, s12, $0xb8;
	[tilespmem:$0x1DE80] =	vst v63  }
0x28: {  	_ =	swait.ge [sflag:s9], $0x800  }
0x29: {  	[sflag:s9] =	ssyncset.done $0x0  }
0x2a: {  	s23 =	sadd.s32 $0x11B80, s10;
	[sflag:s9] =	ssyncadd.s32 $0xFFFFF800  }
0x2b: {  	[tilespmem:s13], [sflag:$0x1] =	stream.indirect.gather [hbm4b:s5+s12], $0x10, s23, s12, $0xb8;
	[tilespmem:$0x1DE80] =	vst v63  }
0x2c: {  	_ =	swait.ge [sflag:s17], $0x800  }
0x2d: {  	[sflag:s17] =	ssyncset.done $0x0  }
0x2e: {  	s24 =	sadd.s32 $0x14F00, s10;
	[sflag:s17] =	ssyncadd.s32 $0xFFFFF800  }
0x2f: {  	[spmem:s2] =	stream.indirect.scatter.add.f32 [tilespmem:s15], [sflag:$0x3], $0x10, s24, s12, $0xb8;
	[tilespmem:$0x1DE80] =	vst v63  }
0x30: {  	_ =	swait.ge [sflag:s9], $0x800  }
0x31: {  	[sflag:s9] =	ssyncset.done $0x0  }
0x32: {  	[sflag:s9] =	ssyncadd.s32 $0xFFFFF800  }
.LBB2_14:
0x33: {  	_ =	swait.ge [sflag:s16], $0x800  }
0x34: {  	[sflag:s16] =	ssyncset.done $0x0  }
0x35: {  	[sflag:s16] =	ssyncadd.s32 $0xFFFFF800  }
0x36: {  	[bflag:$0x0] =	sbarrier.arrive $0xFFFF  }
0x37: {  	s10 =	rddreg [dreg:$0x14]  }
0x38: {  	[hbm:s10], [sflag:s19] =	dma.local [spmem:s20], $0x500  }
0x39: {  	_ =	swait.ge [sflag:s9], $0x500  }
0x3a: {  	s18 =	sadd.s32 $0x1, s18;
	s24 =	rddreg [dreg:$0x15]  }
0x3b: {  	p1 =	sne.s32 s18, s24  }
.Ltmp1:
0x3c: {  	_ = 	snop;
	(pc) =	sbr.rel @!p1 .LBB2_15-.Ltmp1, $3  }
0x3d: {  	_ =	sdelay $0x1  }
0x3e: {  	[sflag:s9] =	ssyncset.done $0x0  }
0x3f: {  	[sflag:s9] =	ssyncadd.s32 $0xFFFFFB00;
	s24 =	simm.s32 $0x11A80  }
.LBB2_1:
0x40: {  	[tilespmem:s3], [sflag:$0x3] =	stream.linear.gather [hbm4b:s4+s3], $0x2800, $0x38;
	[tilespmem:$0x1DE80] =	vst v63  }
0x41: {  	_ =	swait.ge [sflag:s9], $0x2800  }
0x42: {  	[sflag:s9] =	ssyncset.done $0x0  }
0x43: {  	s19 =	simm.s32 $0x2800;
	s10 =	rddreg [dreg:$0x5];
	[sflag:s9] =	ssyncadd.s32 $0xFFFFD800  }
0x44: {  	[tilespmem:s19], [sflag:$0x3] =	stream.linear.gather [hbm4b:s10+s3], $0x5000, $0x38;
	[tilespmem:$0x1DE80] =	vst v63  }
0x45: {  	_ =	swait.ge [sflag:s9], $0x5000  }
0x46: {  	[sflag:s9] =	ssyncset.done $0x0  }
0x47: {  	s23 =	simm.s32 $0x7800;
	s22 =	rddreg [dreg:$0x6];
	[sflag:s9] =	ssyncadd.s32 $0xFFFFB000  }
0x48: {  	[tilespmem:s23], [sflag:$0x3] =	stream.linear.gather [hbm4b:s22+s3], $0x5000, $0x38;
	[tilespmem:$0x1DE80] =	vst v63  }
0x49: {  	_ =	swait.ge [sflag:s9], $0x5000  }
0x4a: {  	[sflag:s9] =	ssyncset.done $0x0  }
0x4b: {  	s10 =	simm.s32 $0x0;
	[sflag:s9] =	ssyncadd.s32 $0xFFFFB000  }
.LBB2_2:
0x4c: {  	s19 =	sshra.s32 s10, $0x2  }
0x4d: {  	v18 =	vld [tilespmem:s19+$0x2800]  }
0x4e: {  	v19 =	vld [tilespmem:s19+$0x7800];
	_ =	sdelay $0x4  }
0x4f: {  	vm0 =	veq.s32 v18, v19  }
0x50: {  	v18 =	vsel vm0, $0x2710, v19;
	_ =	sdelay $0x3  }
0x51: {  	[tilespmem:s19+$0x7800] =	vst v18  }
0x52: {  	[tilespmem:v18+s3+$0x0] =	vst.idx.add.f32.msk $0xffff, v1  }
0x53: {  	v18 =	vld [tilespmem:s19+$0x2810]  }
0x54: {  	v19 =	vld [tilespmem:s19+$0x7810];
	_ =	sdelay $0x4  }
0x55: {  	vm9 =	veq.s32 v18, v19  }
0x56: {  	v18 =	vsel vm9, $0x2710, v19;
	_ =	sdelay $0x3  }
0x57: {  	[tilespmem:s19+$0x7810] =	vst v18  }
0x58: {  	[tilespmem:v18+s3+$0x0] =	vst.idx.add.f32.msk $0xffff, v1  }
0x59: {  	v18 =	vld [tilespmem:s19+$0x2820]  }
0x5a: {  	v19 =	vld [tilespmem:s19+$0x7820];
	_ =	sdelay $0x4  }
0x5b: {  	vm10 =	veq.s32 v18, v19  }
0x5c: {  	v18 =	vsel vm10, $0x2710, v19;
	_ =	sdelay $0x3  }
0x5d: {  	[tilespmem:s19+$0x7820] =	vst v18  }
0x5e: {  	[tilespmem:v18+s3+$0x0] =	vst.idx.add.f32.msk $0xffff, v1  }
0x5f: {  	v18 =	vld [tilespmem:s19+$0x2830]  }
0x60: {  	v19 =	vld [tilespmem:s19+$0x7830];
	_ =	sdelay $0x4  }
0x61: {  	vm11 =	veq.s32 v18, v19  }
0x62: {  	v18 =	vsel vm11, $0x2710, v19;
	_ =	sdelay $0x3  }
0x63: {  	[tilespmem:s19+$0x7830] =	vst v18  }
0x64: {  	[tilespmem:v18+s3+$0x0] =	vst.idx.add.f32.msk $0xffff, v1  }
0x65: {  	v18 =	vld [tilespmem:s19+$0x2840]  }
0x66: {  	v19 =	vld [tilespmem:s19+$0x7840];
	_ =	sdelay $0x4  }
0x67: {  	vm12 =	veq.s32 v18, v19  }
0x68: {  	v18 =	vsel vm12, $0x2710, v19;
	_ =	sdelay $0x3  }
0x69: {  	[tilespmem:s19+$0x7840] =	vst v18  }
0x6a: {  	[tilespmem:v18+s3+$0x0] =	vst.idx.add.f32.msk $0xffff, v1  }
0x6b: {  	v18 =	vld [tilespmem:s19+$0x2850]  }
0x6c: {  	v19 =	vld [tilespmem:s19+$0x7850];
	_ =	sdelay $0x4  }
0x6d: {  	vm13 =	veq.s32 v18, v19  }
0x6e: {  	v18 =	vsel vm13, $0x2710, v19;
	_ =	sdelay $0x3  }
0x6f: {  	[tilespmem:s19+$0x7850] =	vst v18  }
0x70: {  	[tilespmem:v18+s3+$0x0] =	vst.idx.add.f32.msk $0xffff, v1  }
0x71: {  	v18 =	vld [tilespmem:s19+$0x2860]  }
0x72: {  	v19 =	vld [tilespmem:s19+$0x7860];
	_ =	sdelay $0x4  }
0x73: {  	vm14 =	veq.s32 v18, v19  }
0x74: {  	v18 =	vsel vm14, $0x2710, v19;
	_ =	sdelay $0x3  }
0x75: {  	[tilespmem:s19+$0x7860] =	vst v18  }
0x76: {  	[tilespmem:v18+s3+$0x0] =	vst.idx.add.f32.msk $0xffff, v1  }
0x77: {  	v18 =	vld [tilespmem:s19+$0x2870]  }
0x78: {  	v19 =	vld [tilespmem:s19+$0x7870];
	_ =	sdelay $0x4  }
0x79: {  	vm15 =	veq.s32 v18, v19  }
0x7a: {  	p1 =	sne.s32 s10, $0x13E00;
	v18 =	vsel vm15, $0x2710, v19  }
.Ltmp2:
0x7b: {  	_ = 	snop;
	(pc) =	sbr.rel @p1 .LBB2_2-.Ltmp2, $3  }
0x7c: {  	_ =	sdelay $0x1  }
0x7d: {  	[tilespmem:s19+$0x7870] =	vst v18  }
0x7e: {  	s10 =	sadd.s32 $0x200, s10;
	[tilespmem:v18+s3+$0x0] =	vst.idx.add.f32.msk $0xffff, v1  }
0x7f: {  	s10 =	simm.s32 $0x0;
	s19 =	rddreg [dreg:$0x7]  }
0x80: {  	[tilespmem:s24], [sflag:$0x3] =	stream.linear.gather [hbm4b:s19+s10], $0x3000, $0x38;
	[tilespmem:$0x1DE80] =	vst v63  }
0x81: {  	_ =	swait.ge [sflag:s9], $0x3000  }
0x82: {  	[sflag:s9] =	ssyncset.done $0x0  }
0x83: {  	s20 =	simm.s32 $0x14E80;
	s23 =	rddreg [dreg:$0x8];
	[sflag:s9] =	ssyncadd.s32 $0xFFFFD000  }
0x84: {  	[tilespmem:s20], [sflag:$0x3] =	stream.linear.gather [hbm4b:s23+s10], $0x3000, $0x38;
	[tilespmem:$0x1DE80] =	vst v63  }
0x85: {  	_ =	swait.ge [sflag:s9], $0x3000  }
0x86: {  	[sflag:s9] =	ssyncset.done $0x0  }
0x87: {  	s19 =	simm.s32 $0x0;
	[sflag:s9] =	ssyncadd.s32 $0xFFFFD000  }
0x88: {  	v29 =	vld [tilespmem:s19+$0x11A80]  }
0x89: {  	v31 =	vld [tilespmem:s19+$0x11A90]  }
0x8a: {  	v23 =	vld [tilespmem:s19+$0x11AA0]  }
0x8b: {  	v18 =	vld [tilespmem:s19+$0x11AE0]  }
0x8c: {  	v22 =	vld [tilespmem:s19+$0x11AB0]  }
0x8d: {  	v21 =	vld [tilespmem:s19+$0x11AC0]  }
0x8e: {  	v20 =	vld [tilespmem:s19+$0x11AD0];
	v19 =	vadd.s32 v0, v31  }
0x8f: {  	v30 =	vld [tilespmem:s19+$0x14E80];
	v24 =	vadd.s32 v0, v23;
	[tilespmem:s19+$0x11A90] =	vst v19  }
0x90: {  	v25 =	vadd.s32 v0, v18;
	v19 =	vld [tilespmem:s19+$0x11AF0];
	[tilespmem:s19+$0x11AA0] =	vst v24  }
0x91: {  	v28 =	vld [tilespmem:s19+$0x14E90];
	v24 =	vadd.s32 v0, v22;
	[tilespmem:s19+$0x11AE0] =	vst v25  }
0x92: {  	v27 =	vld [tilespmem:s19+$0x14EA0];
	[tilespmem:s19+$0x11AB0] =	vst v24;
	v24 =	vadd.s32 v0, v21  }
0x93: {  	v26 =	vld [tilespmem:s19+$0x14EB0];
	[tilespmem:s19+$0x11AC0] =	vst v24;
	v24 =	vadd.s32 v0, v20  }
0x94: {  	v63 =	vadd.s32 v0, v29;
	[tilespmem:s19+$0x11AD0] =	vst v24;
	v24 =	vld [tilespmem:s19+$0x14EC0]  }
0x95: {  	vm0 =	veq.s32 v29, v30;
	v25 =	vld [tilespmem:s19+$0x14ED0];
	[tilespmem:s19+$0x11A80] =	vst v63;
	v32 =	vadd.s32 v0, v19  }
0x96: {  	s10 =	simm.s32 $0x200;
	v29 =	vld [tilespmem:s19+$0x14EE0];
	v30 =	vsel vm0, $0x2710, v30;
	vm0 =	veq.s32 v31, v28;
	[tilespmem:s19+$0x11AF0] =	vst v32  }
.LBB2_4:
0x97: {  	s20 =	sshra.s32 s10, $0x2;
	p1 =	sne.s32 s10, $0xBE00;
	[tilespmem:s19+$0x14E80] =	vst v30;
	v28 =	vsel vm0, $0x2710, v28;
	vm0 =	veq.s32 v23, v27;
	v30 =	vld [tilespmem:s19+$0x14EF0]  }
0x98: {  	v31 =	vld [tilespmem:s20+$0x11A80];
	[tilespmem:s19+$0x14E90] =	vst v28;
	v23 =	vsel vm0, $0x2710, v27;
	vm0 =	veq.s32 v22, v26  }
0x99: {  	v32 =	vld [tilespmem:s20+$0x11A90];
	[tilespmem:s19+$0x14EA0] =	vst v23;
	v22 =	vsel vm0, $0x2710, v26;
	vm0 =	veq.s32 v21, v24  }
0x9a: {  	v23 =	vld [tilespmem:s20+$0x11AA0];
	[tilespmem:s19+$0x14EB0] =	vst v22;
	v21 =	vsel vm0, $0x2710, v24;
	vm0 =	veq.s32 v20, v25  }
0x9b: {  	v22 =	vld [tilespmem:s20+$0x11AB0];
	[tilespmem:s19+$0x14EC0] =	vst v21;
	v20 =	vsel vm0, $0x2710, v25;
	vm0 =	veq.s32 v18, v29  }
0x9c: {  	v21 =	vld [tilespmem:s20+$0x11AC0];
	[tilespmem:s19+$0x14ED0] =	vst v20;
	v18 =	vsel vm0, $0x2710, v29;
	vm0 =	veq.s32 v19, v30  }
0x9d: {  	v29 =	vadd.s32 v0, v31;
	v20 =	vld [tilespmem:s20+$0x11AD0];
	[tilespmem:s19+$0x14EE0] =	vst v18;
	v19 =	vsel vm0, $0x2710, v30  }
0x9e: {  	v24 =	vadd.s32 v0, v32;
	v18 =	vld [tilespmem:s20+$0x11AE0];
	[tilespmem:s19+$0x14EF0] =	vst v19;
	s19 =	smov.u32 s20  }
0x9f: {  	[tilespmem:s19+$0x11A90] =	vst v24;
	v24 =	vadd.s32 v0, v23;
	v19 =	vld [tilespmem:s19+$0x11AF0]  }
0xa0: {  	v30 =	vld [tilespmem:s19+$0x14E80];
	[tilespmem:s19+$0x11AA0] =	vst v24;
	v24 =	vadd.s32 v0, v22  }
0xa1: {  	v28 =	vld [tilespmem:s19+$0x14E90];
	[tilespmem:s19+$0x11AB0] =	vst v24;
	v24 =	vadd.s32 v0, v21  }
.Ltmp3:
0xa2: {  	v27 =	vld [tilespmem:s19+$0x14EA0];
	[tilespmem:s19+$0x11AC0] =	vst v24;
	v24 =	vadd.s32 v0, v20;
	(pc) =	sbr.rel @p1 .LBB2_4-.Ltmp3, $4  }
0xa3: {  	v26 =	vld [tilespmem:s19+$0x14EB0];
	[tilespmem:s19+$0x11AD0] =	vst v24;
	v25 =	vadd.s32 v0, v18  }
0xa4: {  	v24 =	vld [tilespmem:s19+$0x14EC0];
	[tilespmem:s19+$0x11AE0] =	vst v25;
	v33 =	vadd.s32 v0, v19  }
0xa5: {  	vm0 =	veq.s32 v31, v30;
	v25 =	vld [tilespmem:s19+$0x14ED0];
	[tilespmem:s19+$0x11AF0] =	vst v33  }
0xa6: {  	s10 =	sadd.s32 $0x200, s10;
	v30 =	vsel vm0, $0x2710, v30;
	[tilespmem:s19+$0x11A80] =	vst v29;
	vm0 =	veq.s32 v32, v28;
	v29 =	vld [tilespmem:s19+$0x14EE0]  }
0xa7: {  	[tilespmem:s19+$0x14E80] =	vst v30;
	v28 =	vsel vm0, $0x2710, v28;
	vm10 =	veq.s32 v23, v27;
	v23 =	vld [tilespmem:s19+$0x14EF0]  }
0xa8: {  	[tilespmem:s19+$0x14E90] =	vst v28;
	v27 =	vsel vm10, $0x2710, v27;
	vm11 =	veq.s32 v22, v26  }
0xa9: {  	[tilespmem:s19+$0x14EA0] =	vst v27;
	v22 =	vsel vm11, $0x2710, v26;
	vm12 =	veq.s32 v21, v24  }
0xaa: {  	[tilespmem:s19+$0x14EB0] =	vst v22;
	v21 =	vsel vm12, $0x2710, v24;
	vm13 =	veq.s32 v20, v25  }
0xab: {  	[tilespmem:s19+$0x14EC0] =	vst v21;
	v20 =	vsel vm13, $0x2710, v25;
	vm14 =	veq.s32 v18, v29  }
0xac: {  	[tilespmem:s19+$0x14ED0] =	vst v20;
	v18 =	vsel vm14, $0x2710, v29;
	vm15 =	veq.s32 v19, v23  }
0xad: {  	[tilespmem:s19+$0x14EE0] =	vst v18;
	v18 =	vsel vm15, $0x2710, v23  }
0xae: {  	s10 =	rddreg [dreg:$0x9];
	[tilespmem:s19+$0x14EF0] =	vst v18  }
0xaf: {  	[spmem:s10] =	stream.linear.scatter [tilespmem:s3], [sflag:$0x3], $0x2800, $0x38;
	[tilespmem:$0x1DE80] =	vst v63  }
0xb0: {  	_ =	swait.ge [sflag:s9], $0x2800  }
0xb1: {  	[sflag:s9] =	ssyncset.done $0x0;
	s20 =	rddreg [dreg:$0xa]  }
0xb2: {  	s19 =	sor.u32 $0x1C03, s6;
	[sflag:s9] =	ssyncadd.s32 $0xFFFFD800;
	s20 =	sshrl.u32 s20, $0x3  }
0xb3: {  	[spmem:s20], [sflag:s19] =	dma.local [hbm:s4], $0x500  }
0xb4: {  	_ =	swait.ge [sflag:s9], $0x500  }
0xb5: {  	s21 =	simm.s32 @!p0 $0x7800;
	[sflag:s9] =	ssyncset.done $0x0  }
0xb6: {  	s10 =	simm.s32 @!p0 $0x0;
	s22 =	rddreg [dreg:$0xb];
	[sflag:s9] =	ssyncadd.s32 $0xFFFFFB00  }
0xb7: {  	[hbm4b:s22+s10] =	stream.linear.scatter @!p0 [tilespmem:s21], [sflag:$0x3], $0x5000, $0x38;
	[tilespmem:$0x1DE80] =	vst v63  }
0xb8: {  	s10 =	simm.s32 @!p0 $0x3  }
0xb9: {  	_ =	swait.ge @!p0 [sflag:s10], $0x5000  }
0xba: {  	[sflag:s10] =	ssyncset.done @!p0 $0x0  }
0xbb: {  	[sflag:s10] =	ssyncadd.s32 @!p0 $0xFFFFB000  }
0xbc: {  	s21 =	simm.s32 $0xC800;
	[bflag:$0x0] =	sbarrier.arrive $0xFFFF  }
0xbd: {  	[tilespmem:s21], [sflag:$0x3] =	stream.linear.gather [spmem:s14], $0x280, $0x38;
	[tilespmem:$0x1DE80] =	vst v63  }
0xbe: {  	_ =	swait.ge [sflag:s9], $0x280  }
0xbf: {  	[sflag:s9] =	ssyncset.done $0x0  }
0xc0: {  	s23 =	simm.s32 $0xCA80;
	s22 =	rddreg [dreg:$0xc];
	[sflag:s9] =	ssyncadd.s32 $0xFFFFFD80  }
0xc1: {  	[tilespmem:s23], [sflag:$0x3] =	stream.linear.gather [spmem:s22], $0x280, $0x38;
	[tilespmem:$0x1DE80] =	vst v63  }
0xc2: {  	_ =	swait.ge [sflag:s9], $0x280  }
0xc3: {  	[sflag:s9] =	ssyncset.done $0x0  }
0xc4: {  	s23 =	simm.s32 $0xCD00;
	s22 =	rddreg [dreg:$0xd];
	[sflag:s9] =	ssyncadd.s32 $0xFFFFFD80  }
0xc5: {  	[tilespmem:s23], [sflag:$0x3] =	stream.linear.gather [spmem:s22], $0x280, $0x38;
	[tilespmem:$0x1DE80] =	vst v63  }
0xc6: {  	_ =	swait.ge [sflag:s9], $0x280  }
0xc7: {  	[sflag:s9] =	ssyncset.done $0x0  }
0xc8: {  	s23 =	simm.s32 $0xCF80;
	s22 =	rddreg [dreg:$0xe];
	[sflag:s9] =	ssyncadd.s32 $0xFFFFFD80  }
0xc9: {  	[tilespmem:s23], [sflag:$0x3] =	stream.linear.gather [spmem:s22], $0x280, $0x38;
	[tilespmem:$0x1DE80] =	vst v63  }
0xca: {  	_ =	swait.ge [sflag:s9], $0x280  }
0xcb: {  	[sflag:s9] =	ssyncset.done $0x0  }
0xcc: {  	s23 =	simm.s32 $0xD200;
	s22 =	rddreg [dreg:$0xf];
	[sflag:s9] =	ssyncadd.s32 $0xFFFFFD80  }
0xcd: {  	[tilespmem:s23], [sflag:$0x3] =	stream.linear.gather [spmem:s22], $0x280, $0x38;
	[tilespmem:$0x1DE80] =	vst v63  }
0xce: {  	_ =	swait.ge [sflag:s9], $0x280  }
0xcf: {  	[sflag:s9] =	ssyncset.done $0x0  }
0xd0: {  	s22 =	simm.s32 $0xD480;
	s21 =	rddreg [dreg:$0x10];
	[sflag:s9] =	ssyncadd.s32 $0xFFFFFD80  }
0xd1: {  	[tilespmem:s22], [sflag:$0x3] =	stream.linear.gather [spmem:s21], $0x280, $0x38;
	[tilespmem:$0x1DE80] =	vst v63  }
0xd2: {  	_ =	swait.ge [sflag:s9], $0x280  }
0xd3: {  	[sflag:s9] =	ssyncset.done $0x0  }
0xd4: {  	s23 =	simm.s32 $0xD700;
	[sflag:s9] =	ssyncadd.s32 $0xFFFFFD80  }
0xd5: {  	[tilespmem:s23], [sflag:$0x3] =	stream.linear.gather [spmem:s25], $0x280, $0x38;
	[tilespmem:$0x1DE80] =	vst v63  }
0xd6: {  	_ =	swait.ge [sflag:s9], $0x280  }
0xd7: {  	[sflag:s9] =	ssyncset.done $0x0  }
0xd8: {  	s21 =	simm.s32 $0xD980;
	[sflag:s9] =	ssyncadd.s32 $0xFFFFFD80  }
0xd9: {  	[tilespmem:s21], [sflag:$0x3] =	stream.linear.gather [spmem:s26], $0x280, $0x38;
	[tilespmem:$0x1DE80] =	vst v63  }
0xda: {  	_ =	swait.ge [sflag:s9], $0x280  }
0xdb: {  	[sflag:s9] =	ssyncset.done $0x0  }
0xdc: {  	s22 =	simm.s32 $0xDC00;
	[sflag:s9] =	ssyncadd.s32 $0xFFFFFD80  }
0xdd: {  	[tilespmem:s22], [sflag:$0x3] =	stream.linear.gather [spmem:s28], $0x280, $0x38;
	[tilespmem:$0x1DE80] =	vst v63  }
0xde: {  	_ =	swait.ge [sflag:s9], $0x280  }
0xdf: {  	[sflag:s9] =	ssyncset.done $0x0  }
0xe0: {  	s23 =	simm.s32 $0xDE80;
	[sflag:s9] =	ssyncadd.s32 $0xFFFFFD80  }
0xe1: {  	[tilespmem:s23], [sflag:$0x3] =	stream.linear.gather [spmem:s29], $0x280, $0x38;
	[tilespmem:$0x1DE80] =	vst v63  }
0xe2: {  	_ =	swait.ge [sflag:s9], $0x280  }
0xe3: {  	[sflag:s9] =	ssyncset.done $0x0  }
0xe4: {  	s21 =	simm.s32 $0xE100;
	[sflag:s9] =	ssyncadd.s32 $0xFFFFFD80  }
0xe5: {  	[tilespmem:s21], [sflag:$0x3] =	stream.linear.gather [spmem:s30], $0x280, $0x38;
	[tilespmem:$0x1DE80] =	vst v63  }
0xe6: {  	_ =	swait.ge [sflag:s9], $0x280  }
0xe7: {  	[sflag:s9] =	ssyncset.done $0x0  }
0xe8: {  	s22 =	simm.s32 $0xE380;
	[sflag:s9] =	ssyncadd.s32 $0xFFFFFD80  }
0xe9: {  	[tilespmem:s22], [sflag:$0x3] =	stream.linear.gather [spmem:s31], $0x280, $0x38;
	[tilespmem:$0x1DE80] =	vst v63  }
0xea: {  	_ =	swait.ge [sflag:s9], $0x280  }
0xeb: {  	[sflag:s9] =	ssyncset.done $0x0  }
0xec: {  	s23 =	simm.s32 $0xE600;
	[sflag:s9] =	ssyncadd.s32 $0xFFFFFD80  }
0xed: {  	[tilespmem:s23], [sflag:$0x3] =	stream.linear.gather [spmem:s1], $0x280, $0x38;
	[tilespmem:$0x1DE80] =	vst v63  }
0xee: {  	_ =	swait.ge [sflag:s9], $0x280  }
0xef: {  	[sflag:s9] =	ssyncset.done $0x0  }
0xf0: {  	s21 =	simm.s32 $0xE880;
	[sflag:s9] =	ssyncadd.s32 $0xFFFFFD80  }
0xf1: {  	[tilespmem:s21], [sflag:$0x3] =	stream.linear.gather [spmem:s0], $0x280, $0x38;
	[tilespmem:$0x1DE80] =	vst v63  }
0xf2: {  	_ =	swait.ge [sflag:s9], $0x280  }
0xf3: {  	[sflag:s9] =	ssyncset.done $0x0  }
0xf4: {  	s22 =	simm.s32 $0xEB00;
	[sflag:s9] =	ssyncadd.s32 $0xFFFFFD80  }
0xf5: {  	[tilespmem:s22], [sflag:$0x3] =	stream.linear.gather [spmem:s7], $0x280, $0x38;
	[tilespmem:$0x1DE80] =	vst v63  }
0xf6: {  	_ =	swait.ge [sflag:s9], $0x280  }
0xf7: {  	[sflag:s9] =	ssyncset.done $0x0  }
0xf8: {  	s23 =	simm.s32 $0xED80;
	[sflag:s9] =	ssyncadd.s32 $0xFFFFFD80  }
0xf9: {  	[tilespmem:s23], [sflag:$0x3] =	stream.linear.gather [spmem:s8], $0x280, $0x38;
	[tilespmem:$0x1DE80] =	vst v63  }
0xfa: {  	_ =	swait.ge [sflag:s9], $0x280  }
0xfb: {  	[sflag:s9] =	ssyncset.done $0x0  }
0xfc: {  	s21 =	simm.s32 $0x0;
	s22 =	rddreg [dreg:$0x11];
	[sflag:s9] =	ssyncadd.s32 $0xFFFFFD80  }
0xfd: {  	[tilespmem:s11], [sflag:$0x3] =	stream.linear.gather [hbm4b:s22+s21], $0x2800, $0x38;
	[tilespmem:$0x1DE80] =	vst v63  }
0xfe: {  	_ =	swait.ge [sflag:s9], $0x2800  }
0xff: {  	[sflag:s9] =	ssyncset.done $0x0  }
0x100: {  	s23 =	simm.s32 $0x0;
	[sflag:s9] =	ssyncadd.s32 $0xFFFFD800  }
0x101: {  	v18 =	vld [tilespmem:s23+$0xC800];
	_ =	sdelay $0x1  }
0x102: {  	v19 =	vld [tilespmem:s23+$0xCA80];
	_ =	sdelay $0x1  }
0x103: {  	v20 =	vld [tilespmem:s23+$0xCD00]  }
0x104: {  	v18 =	vadd.f32 $1.000000000e+00, v18  }
0x105: {  	v21 =	vld [tilespmem:s23+$0xCF80]  }
0x106: {  	v18 =	vadd.f32 v19, v18  }
0x107: {  	v19 =	vld [tilespmem:s23+$0xD200]  }
0x108: {  	v18 =	vadd.f32 v20, v18  }
0x109: {  	v20 =	vld [tilespmem:s23+$0xD480]  }
0x10a: {  	v18 =	vadd.f32 v21, v18  }
0x10b: {  	v21 =	vld [tilespmem:s23+$0xD700]  }
0x10c: {  	v18 =	vadd.f32 v19, v18  }
0x10d: {  	v19 =	vld [tilespmem:s23+$0xD980]  }
0x10e: {  	v18 =	vadd.f32 v20, v18  }
0x10f: {  	v20 =	vld [tilespmem:s23+$0xDC00]  }
0x110: {  	v18 =	vadd.f32 v21, v18  }
0x111: {  	v21 =	vld [tilespmem:s23+$0xDE80]  }
0x112: {  	v18 =	vadd.f32 v19, v18  }
0x113: {  	v19 =	vld [tilespmem:s23+$0xE100]  }
0x114: {  	v18 =	vadd.f32 v20, v18  }
0x115: {  	v20 =	vld [tilespmem:s23+$0xE380]  }
0x116: {  	v18 =	vadd.f32 v21, v18  }
0x117: {  	v21 =	vld [tilespmem:s23+$0xE600]  }
0x118: {  	v18 =	vadd.f32 v19, v18  }
0x119: {  	v19 =	vld [tilespmem:s23+$0xE880]  }
0x11a: {  	v18 =	vadd.f32 v20, v18  }
0x11b: {  	v20 =	vld [tilespmem:s23+$0xEB00]  }
0x11c: {  	v18 =	vadd.f32 v21, v18  }
0x11d: {  	v21 =	vld [tilespmem:s23+$0xED80]  }
0x11e: {  	v18 =	vadd.f32 v19, v18;
	_ =	sdelay $0x1  }
0x11f: {  	v18 =	vadd.f32 v20, v18;
	_ =	sdelay $0x1  }
0x120: {  	v18 =	vadd.f32 v21, v18;
	_ =	sdelay $0x1  }
0x121: {  	v19 =	vshrl.u32 v18, $0x1;
	v18 =	vmul.f32 $5.000000000e-01, v18  }
0x122: {  	v19 =	vsub.s32 $0x5F3759DF, v19  }
0x123: {  	v20 =	vmul.f32 v19, v18;
	_ =	sdelay $0x1  }
0x124: {  	v20 =	vmul.f32 v19, v20;
	_ =	sdelay $0x1  }
0x125: {  	v20 =	vsub.f32 $1.500000000e+00, v20;
	_ =	sdelay $0x1  }
0x126: {  	v19 =	vmul.f32 v19, v20;
	_ =	sdelay $0x1  }
0x127: {  	v20 =	vmul.f32 v19, v18;
	_ =	sdelay $0x1  }
0x128: {  	v20 =	vmul.f32 v20, v19;
	_ =	sdelay $0x1  }
0x129: {  	v20 =	vsub.f32 $1.500000000e+00, v20;
	_ =	sdelay $0x1  }
0x12a: {  	v19 =	vmul.f32 v20, v19;
	_ =	sdelay $0x1  }
0x12b: {  	v18 =	vmul.f32 v19, v18;
	_ =	sdelay $0x1  }
0x12c: {  	v18 =	vmul.f32 v18, v19;
	_ =	sdelay $0x1  }
0x12d: {  	v18 =	vsub.f32 $1.500000000e+00, v18;
	_ =	sdelay $0x1  }
0x12e: {  	v18 =	vmul.f32 v18, v19;
	_ =	sdelay $0x1  }
0x12f: {  	s21 =	simm.s32 $0xF300;
	[tilespmem:s23+$0xF000] =	vst v18  }
0x130: {  	v21 =	vld [tilespmem:s21+$0x70]  }
0x131: {  	v26 =	vld [tilespmem:s21+$0x60]  }
0x132: {  	v23 =	vld [tilespmem:s21+$0x30]  }
0x133: {  	v27 =	vperm.xlane v18, v17;
	v19 =	vld [tilespmem:s21+$0x50]  }
0x134: {  	v20 =	vperm.xlane v18, v4;
	v29 =	vperm.xlane v18, v16;
	v24 =	vld [tilespmem:s21+$0xFFFFFFA0]  }
0x135: {  	v25 =	vperm.xlane v18, v15;
	v22 =	vld [tilespmem:s21+$0x10];
	v28 =	vmul.f32 v27, v21  }
0x136: {  	s22 =	simm.s32 $0x40;
	s23 =	simm.s32 $0xF300;
	v21 =	vld [tilespmem:s21+$0xFFFFFFE0];
	v27 =	vperm.xlane v18, v13;
	v26 =	vmul.f32 v29, v26  }
.LBB2_6:
0x137: {  	p1 =	sne.s32 s22, $0x9C0  }
0x138: {  	v29 =	vperm.xlane v18, v8;
	v30 =	vld [tilespmem:s21+$0x0];
	v31 =	vperm.xlane v18, v11;
	[tilespmem:s21+$0x70] =	vst v28;
	s23 =	sadd.s32 $0x100, s23;
	s10 =	smov.u32 s22;
	s22 =	sadd.s32 $0x40, s22  }
0x139: {  	v28 =	vld [tilespmem:s21+$0xFFFFFFD0];
	v23 =	vmul.f32 v27, v23;
	v19 =	vmul.f32 v25, v19;
	[tilespmem:s21+$0x60] =	vst v26  }
0x13a: {  	v25 =	vperm.xlane v18, v10;
	v20 =	vmul.f32 v20, v24;
	v24 =	vld [tilespmem:s21+$0xFFFFFFC0]  }
0x13b: {  	v26 =	vperm.xlane v18, v7;
	v22 =	vmul.f32 v31, v22;
	[tilespmem:s21+$0x30] =	vst v23;
	v23 =	vld [tilespmem:s21+$0x40]  }
0x13c: {  	[tilespmem:s21+$0xFFFFFFA0] =	vst v20;
	v20 =	vmul.f32 v29, v21;
	v21 =	vld [tilespmem:s21+$0x20]  }
0x13d: {  	v29 =	vperm.xlane v18, v6;
	v27 =	vld [tilespmem:s21+$0xFFFFFFB0];
	v25 =	vmul.f32 v25, v30;
	[tilespmem:s21+$0x10] =	vst v22  }
0x13e: {  	v22 =	vld [tilespmem:s21+$0xFFFFFF80];
	v26 =	vmul.f32 v26, v28;
	[tilespmem:s21+$0xFFFFFFE0] =	vst v20;
	v20 =	vperm.xlane v18, v14  }
0x13f: {  	v24 =	vmul.f32 v29, v24;
	v28 =	vld [tilespmem:s21+$0xFFFFFFF0];
	v29 =	vperm.xlane v18, v12;
	[tilespmem:s21+$0x50] =	vst v19  }
0x140: {  	v30 =	vperm.xlane v18, v5;
	v19 =	vld [tilespmem:s21+$0xFFFFFF90];
	[tilespmem:s21+$0xFFFFFFD0] =	vst v26;
	v20 =	vmul.f32 v20, v23  }
0x141: {  	v23 =	vperm.xlane v18, v3;
	[tilespmem:s21+$0x0] =	vst v25;
	v21 =	vmul.f32 v29, v21  }
0x142: {  	v26 =	vperm.xlane v18, v9;
	v25 =	vmul.f32 v30, v27;
	[tilespmem:s21+$0x40] =	vst v20  }
0x143: {  	v18 =	vperm.xlane v18, v2;
	v20 =	vmul.f32 v23, v22;
	[tilespmem:s21+$0xFFFFFFC0] =	vst v24  }
0x144: {  	v22 =	vmul.f32 v26, v28;
	[tilespmem:s21+$0x20] =	vst v21  }
0x145: {  	v18 =	vmul.f32 v18, v19;
	[tilespmem:s21+$0xFFFFFFB0] =	vst v25  }
0x146: {  	[tilespmem:s21+$0xFFFFFFF0] =	vst v22  }
0x147: {  	[tilespmem:s21+$0xFFFFFF90] =	vst v18  }
0x148: {  	s10 =	sshra.s32 s10, $0x2;
	[tilespmem:s21+$0xFFFFFF80] =	vst v20;
	s21 =	smov.u32 s23  }
0x149: {  	v18 =	vld [tilespmem:s10+$0xC800];
	_ =	sdelay $0x1  }
0x14a: {  	v19 =	vld [tilespmem:s10+$0xCA80];
	_ =	sdelay $0x1  }
0x14b: {  	v20 =	vld [tilespmem:s10+$0xCD00]  }
0x14c: {  	v18 =	vadd.f32 $1.000000000e+00, v18  }
0x14d: {  	v21 =	vld [tilespmem:s10+$0xCF80]  }
0x14e: {  	v18 =	vadd.f32 v19, v18  }
0x14f: {  	v19 =	vld [tilespmem:s10+$0xD200]  }
0x150: {  	v18 =	vadd.f32 v20, v18  }
0x151: {  	v20 =	vld [tilespmem:s10+$0xD480]  }
0x152: {  	v18 =	vadd.f32 v21, v18  }
0x153: {  	v21 =	vld [tilespmem:s10+$0xD700]  }
0x154: {  	v18 =	vadd.f32 v19, v18  }
0x155: {  	v19 =	vld [tilespmem:s10+$0xD980]  }
0x156: {  	v18 =	vadd.f32 v20, v18  }
0x157: {  	v20 =	vld [tilespmem:s10+$0xDC00]  }
0x158: {  	v18 =	vadd.f32 v21, v18  }
0x159: {  	v21 =	vld [tilespmem:s10+$0xDE80]  }
0x15a: {  	v18 =	vadd.f32 v19, v18  }
0x15b: {  	v19 =	vld [tilespmem:s10+$0xE100]  }
0x15c: {  	v18 =	vadd.f32 v20, v18  }
0x15d: {  	v20 =	vld [tilespmem:s10+$0xE380]  }
0x15e: {  	v18 =	vadd.f32 v21, v18  }
0x15f: {  	v21 =	vld [tilespmem:s10+$0xE600]  }
0x160: {  	v18 =	vadd.f32 v19, v18  }
0x161: {  	v19 =	vld [tilespmem:s10+$0xE880]  }
0x162: {  	v18 =	vadd.f32 v20, v18  }
0x163: {  	v20 =	vld [tilespmem:s10+$0xEB00]  }
0x164: {  	v18 =	vadd.f32 v21, v18  }
0x165: {  	v21 =	vld [tilespmem:s10+$0xED80]  }
0x166: {  	v18 =	vadd.f32 v19, v18;
	_ =	sdelay $0x1  }
0x167: {  	v18 =	vadd.f32 v20, v18;
	_ =	sdelay $0x1  }
0x168: {  	v18 =	vadd.f32 v21, v18;
	_ =	sdelay $0x1  }
0x169: {  	v19 =	vshrl.u32 v18, $0x1;
	v18 =	vmul.f32 $5.000000000e-01, v18  }
0x16a: {  	v19 =	vsub.s32 $0x5F3759DF, v19  }
0x16b: {  	v20 =	vmul.f32 v19, v18;
	_ =	sdelay $0x1  }
0x16c: {  	v20 =	vmul.f32 v19, v20;
	_ =	sdelay $0x1  }
0x16d: {  	v20 =	vsub.f32 $1.500000000e+00, v20;
	_ =	sdelay $0x1  }
0x16e: {  	v19 =	vmul.f32 v19, v20;
	_ =	sdelay $0x1  }
0x16f: {  	v20 =	vmul.f32 v19, v18;
	_ =	sdelay $0x1  }
0x170: {  	v20 =	vmul.f32 v20, v19;
	_ =	sdelay $0x1  }
0x171: {  	v20 =	vsub.f32 $1.500000000e+00, v20;
	_ =	sdelay $0x1  }
0x172: {  	v19 =	vmul.f32 v20, v19;
	_ =	sdelay $0x1  }
0x173: {  	v18 =	vmul.f32 v19, v18;
	_ =	sdelay $0x1  }
0x174: {  	v18 =	vmul.f32 v18, v19;
	_ =	sdelay $0x1  }
0x175: {  	v18 =	vsub.f32 $1.500000000e+00, v18;
	_ =	sdelay $0x1  }
0x176: {  	v18 =	vmul.f32 v18, v19;
	_ =	sdelay $0x1  }
0x177: {  	[tilespmem:s10+$0xF000] =	vst v18;
	v20 =	vperm.xlane v18, v4  }
0x178: {  	v21 =	vld [tilespmem:s23+$0x70]  }
0x179: {  	v26 =	vld [tilespmem:s23+$0x60]  }
.Ltmp4:
0x17a: {  	v23 =	vld [tilespmem:s23+$0x30];
	(pc) =	sbr.rel @p1 .LBB2_6-.Ltmp4, $4  }
0x17b: {  	v27 =	vperm.xlane v18, v17;
	v19 =	vld [tilespmem:s23+$0x50]  }
0x17c: {  	v29 =	vperm.xlane v18, v16;
	v24 =	vld [tilespmem:s23+$0xFFFFFFA0]  }
0x17d: {  	v25 =	vperm.xlane v18, v15;
	v22 =	vld [tilespmem:s23+$0x10];
	v28 =	vmul.f32 v27, v21  }
0x17e: {  	v27 =	vperm.xlane v18, v13;
	v21 =	vld [tilespmem:s23+$0xFFFFFFE0];
	v26 =	vmul.f32 v29, v26  }
0x17f: {  	_ = 	snop  }
0x180: {  	[tilespmem:s21+$0x70] =	vst v28;
	v43 =	vperm.xlane v18, v11;
	v44 =	vld [tilespmem:s21+$0xFFFFFFD0];
	v23 =	vmul.f32 v27, v23  }
0x181: {  	v29 =	vld [tilespmem:s21+$0x0];
	v45 =	vperm.xlane v18, v8;
	[tilespmem:s21+$0x60] =	vst v26;
	v19 =	vmul.f32 v25, v19  }
0x182: {  	v47 =	vld [tilespmem:s21+$0x40];
	v48 =	vperm.xlane v18, v7;
	v20 =	vmul.f32 v20, v24;
	[tilespmem:s21+$0x30] =	vst v23  }
0x183: {  	v46 =	vld [tilespmem:s21+$0xFFFFFFC0];
	v51 =	vperm.xlane v18, v10;
	v22 =	vmul.f32 v43, v22;
	[tilespmem:s21+$0x50] =	vst v19  }
0x184: {  	v50 =	vld [tilespmem:s21+$0x20];
	v54 =	vperm.xlane v18, v14;
	[tilespmem:s21+$0xFFFFFFA0] =	vst v20;
	v49 =	vmul.f32 v45, v21  }
0x185: {  	v52 =	vld [tilespmem:s21+$0xFFFFFFB0];
	v55 =	vperm.xlane v18, v6;
	[tilespmem:s21+$0x10] =	vst v22;
	v53 =	vmul.f32 v48, v44  }
0x186: {  	v56 =	vld [tilespmem:s21+$0xFFFFFFF0];
	v60 =	vperm.xlane v18, v5;
	v25 =	vmul.f32 v51, v29;
	[tilespmem:s21+$0xFFFFFFE0] =	vst v49  }
0x187: {  	v58 =	vld [tilespmem:s21+$0xFFFFFF80];
	v19 =	vperm.xlane v18, v12;
	v20 =	vmul.f32 v54, v47;
	[tilespmem:s21+$0xFFFFFFD0] =	vst v53  }
0x188: {  	v57 =	vld [tilespmem:s21+$0xFFFFFF90];
	v61 =	vperm.xlane v18, v9;
	v59 =	vmul.f32 v55, v46;
	[tilespmem:s21+$0x0] =	vst v25  }
0x189: {  	v63 =	vperm.xlane v18, v2;
	v19 =	vmul.f32 v19, v50;
	[tilespmem:s21+$0x40] =	vst v20  }
0x18a: {  	v18 =	vperm.xlane v18, v3;
	v62 =	vmul.f32 v60, v52;
	[tilespmem:s21+$0xFFFFFFC0] =	vst v59  }
0x18b: {  	v21 =	vmul.f32 v61, v56;
	[tilespmem:s21+$0x20] =	vst v19  }
0x18c: {  	v18 =	vmul.f32 v18, v58;
	[tilespmem:s21+$0xFFFFFFB0] =	vst v62  }
0x18d: {  	v19 =	vmul.f32 v63, v57;
	[tilespmem:s21+$0xFFFFFFF0] =	vst v21  }
0x18e: {  	[tilespmem:s21+$0xFFFFFF80] =	vst v18  }
0x18f: {  	s10 =	rddreg [dreg:$0x12];
	[tilespmem:s21+$0xFFFFFF90] =	vst v19  }
0x190: {  	[hbm4b:s10+s3] =	stream.linear.scatter [tilespmem:s11], [sflag:$0x3], $0x2800, $0x38;
	[tilespmem:$0x1DE80] =	vst v63  }
0x191: {  	_ =	swait.ge [sflag:s9], $0x2800  }
0x192: {  	[sflag:s9] =	ssyncset.done $0x0  }
0x193: {  	s23 =	simm.s32 $0xF000;
	s22 =	rddreg [dreg:$0x13];
	[sflag:s9] =	ssyncadd.s32 $0xFFFFD800  }
0x194: {  	[hbm4b:s22+s3] =	stream.linear.scatter [tilespmem:s23], [sflag:$0x3], $0x280, $0x38;
	[tilespmem:$0x1DE80] =	vst v63  }
.Ltmp5:
0x195: {  	_ =	swait.ge [sflag:s9], $0x280;
	(pc) =	sbr.rel @p0 .LBB2_11-.Ltmp5, $3  }
0x196: {  	[sflag:s9] =	ssyncset.done $0x0  }
0x197: {  	[sflag:s9] =	ssyncadd.s32 $0xFFFFFD80  }
0x198: {  	[bflag:$0x0] =	sbarrier.arrive $0xFFFF;
	_ =	sdelay $0x1  }
0x199: {  	[tilespmem:$0x14A80] =	vst v3  }
0x19a: {  	[tilespmem:$0x14A90] =	vst v3  }
0x19b: {  	[tilespmem:$0x14AA0] =	vst v3  }
0x19c: {  	[tilespmem:$0x14AB0] =	vst v3  }
0x19d: {  	[tilespmem:$0x14AC0] =	vst v3  }
0x19e: {  	[tilespmem:$0x14AD0] =	vst v3  }
0x19f: {  	[tilespmem:$0x14AE0] =	vst v3  }
0x1a0: {  	[tilespmem:$0x14AF0] =	vst v3  }
0x1a1: {  	[tilespmem:s13], [sflag:$0x1] =	stream.indirect.gather [hbm4b:s5+s12], $0x10, s24, s12, $0xb8;
	[tilespmem:$0x1DE80] =	vst v63  }
0x1a2: {  	s10 =	simm.s32 $0x11B00  }
0x1a3: {  	[tilespmem:s15], [sflag:$0x2] =	stream.indirect.gather [hbm4b:s5+s12], $0x10, s10, s12, $0xb8;
	[tilespmem:$0x1DE80] =	vst v63  }
0x1a4: {  	_ =	swait.ge [sflag:s16], $0x800  }
0x1a5: {  	[sflag:s16] =	ssyncset.done $0x0  }
0x1a6: {  	s22 =	simm.s32 $0x14E80;
	[sflag:s16] =	ssyncadd.s32 $0xFFFFF800  }
0x1a7: {  	[spmem:s2] =	stream.indirect.scatter.add.f32 [tilespmem:s13], [sflag:$0x3], $0x10, s22, s12, $0xb8;
	[tilespmem:$0x1DE80] =	vst v63  }
0x1a8: {  	_ =	swait.ge [sflag:s9], $0x800  }
0x1a9: {  	[sflag:s9] =	ssyncset.done $0x0  }
0x1aa: {  	s23 =	simm.s32 $0x11B80;
	[sflag:s9] =	ssyncadd.s32 $0xFFFFF800  }
0x1ab: {  	[tilespmem:s13], [sflag:$0x1] =	stream.indirect.gather [hbm4b:s5+s12], $0x10, s23, s12, $0xb8;
	[tilespmem:$0x1DE80] =	vst v63  }
0x1ac: {  	_ =	swait.ge [sflag:s17], $0x800  }
0x1ad: {  	[sflag:s17] =	ssyncset.done $0x0  }
0x1ae: {  	s24 =	simm.s32 $0x14F00;
	[sflag:s17] =	ssyncadd.s32 $0xFFFFF800  }
0x1af: {  	[spmem:s2] =	stream.indirect.scatter.add.f32 [tilespmem:s15], [sflag:$0x3], $0x10, s24, s12, $0xb8;
	[tilespmem:$0x1DE80] =	vst v63  }
0x1b0: {  	_ =	swait.ge [sflag:s9], $0x800  }
0x1b1: {  	s21 =	simm.s32 $0x800;
	s10 =	simm.s32 $0x100;
	[sflag:s9] =	ssyncset.done $0x0  }
.LBB2_9:
0x1b2: {  	s22 =	sadd.s32 $0x11B00, s10  }
0x1b3: {  	[sflag:s9] =	ssyncadd.s32 $0xFFFFF800;
	s23 =	smov.u32 s21;
	s24 =	sadd.s32 $0x400, s21  }
0x1b4: {  	[tilespmem:s15], [sflag:$0x2] =	stream.indirect.gather [hbm4b:s5+s12], $0x10, s22, s12, $0xb8;
	[tilespmem:$0x1DE80] =	vst v63  }
0x1b5: {  	p1 =	seq.s32 s21, $0xBC00;
	_ =	swait.ge [sflag:s16], $0x800  }
0x1b6: {  	[sflag:s16] =	ssyncset.done $0x0  }
0x1b7: {  	s21 =	sadd.s32 $0x14E80, s10;
	[sflag:s16] =	ssyncadd.s32 $0xFFFFF800  }
0x1b8: {  	[spmem:s2] =	stream.indirect.scatter.add.f32 [tilespmem:s13], [sflag:$0x3], $0x10, s21, s12, $0xb8;
	[tilespmem:$0x1DE80] =	vst v63  }
0x1b9: {  	_ =	swait.ge [sflag:s9], $0x800  }
0x1ba: {  	[sflag:s9] =	ssyncset.done $0x0  }
0x1bb: {  	s21 =	sadd.s32 $0x11B80, s10;
	[sflag:s9] =	ssyncadd.s32 $0xFFFFF800  }
0x1bc: {  	[tilespmem:s13], [sflag:$0x1] =	stream.indirect.gather [hbm4b:s5+s12], $0x10, s21, s12, $0xb8;
	[tilespmem:$0x1DE80] =	vst v63  }
0x1bd: {  	_ =	swait.ge [sflag:s17], $0x800  }
.Ltmp6:
0x1be: {  	[sflag:s17] =	ssyncset.done $0x0;
	(pc) =	sbr.rel @!p1 .LBB2_9-.Ltmp6, $4  }
0x1bf: {  	s10 =	sadd.s32 $0x14F00, s10;
	[sflag:s17] =	ssyncadd.s32 $0xFFFFF800  }
0x1c0: {  	[spmem:s2] =	stream.indirect.scatter.add.f32 [tilespmem:s15], [sflag:$0x3], $0x10, s10, s12, $0xb8;
	[tilespmem:$0x1DE80] =	vst v63  }
0x1c1: {  	_ =	swait.ge [sflag:s9], $0x800  }
0x1c2: {  	s21 =	smov.u32 s24;
	s10 =	sshra.s32 s23, $0x2;
	[sflag:s9] =	ssyncset.done $0x0  }
0x1c3: {  	s21 =	sadd.s32 $0x11B00, s10;
	[sflag:s9] =	ssyncadd.s32 $0xFFFFF800  }
0x1c4: {  	[tilespmem:s15], [sflag:$0x2] =	stream.indirect.gather [hbm4b:s5+s12], $0x10, s21, s12, $0xb8;
	[tilespmem:$0x1DE80] =	vst v63  }
0x1c5: {  	_ =	swait.ge [sflag:s16], $0x800  }
0x1c6: {  	[sflag:s16] =	ssyncset.done $0x0  }
0x1c7: {  	s22 =	sadd.s32 $0x14E80, s10;
	[sflag:s16] =	ssyncadd.s32 $0xFFFFF800  }
0x1c8: {  	[spmem:s2] =	stream.indirect.scatter.add.f32 [tilespmem:s13], [sflag:$0x3], $0x10, s22, s12, $0xb8;
	[tilespmem:$0x1DE80] =	vst v63  }
0x1c9: {  	_ =	swait.ge [sflag:s9], $0x800  }
0x1ca: {  	[sflag:s9] =	ssyncset.done $0x0  }
0x1cb: {  	s23 =	sadd.s32 $0x11B80, s10;
	[sflag:s9] =	ssyncadd.s32 $0xFFFFF800  }
0x1cc: {  	[tilespmem:s13], [sflag:$0x1] =	stream.indirect.gather [hbm4b:s5+s12], $0x10, s23, s12, $0xb8;
	[tilespmem:$0x1DE80] =	vst v63  }
0x1cd: {  	_ =	swait.ge [sflag:s17], $0x800  }
0x1ce: {  	[sflag:s17] =	ssyncset.done $0x0  }
.Ltmp7:
0x1cf: {  	s24 =	sadd.s32 $0x14F00, s10;
	[sflag:s17] =	ssyncadd.s32 $0xFFFFF800;
	(pc) =	sbr.rel .LBB2_14-.Ltmp7, $4  }
0x1d0: {  	[spmem:s2] =	stream.indirect.scatter.add.f32 [tilespmem:s15], [sflag:$0x3], $0x10, s24, s12, $0xb8;
	[tilespmem:$0x1DE80] =	vst v63  }
0x1d1: {  	_ =	swait.ge [sflag:s9], $0x800  }
0x1d2: {  	[sflag:s9] =	ssyncset.done $0x0  }
0x1d3: {  	[sflag:s9] =	ssyncadd.s32 $0xFFFFF800  }
.LBB2_11:
0x1d4: {  	[tilespmem:$0x13A80] =	vst v3  }
0x1d5: {  	[tilespmem:$0x13A90] =	vst v3  }
0x1d6: {  	[tilespmem:$0x13AA0] =	vst v3  }
0x1d7: {  	[tilespmem:$0x13AB0] =	vst v3  }
0x1d8: {  	[tilespmem:$0x13AC0] =	vst v3  }
0x1d9: {  	[tilespmem:$0x13AD0] =	vst v3  }
0x1da: {  	[tilespmem:$0x13AE0] =	vst v3  }
0x1db: {  	[tilespmem:$0x13AF0] =	vst v3  }
0x1dc: {  	[tilespmem:s13], [sflag:$0x1] =	stream.indirect.gather [hbm4b:s5+s12], $0x10, s24, s12, $0xb8;
	[tilespmem:$0x1DE80] =	vst v63  }
0x1dd: {  	s10 =	simm.s32 $0x11B00  }
0x1de: {  	[tilespmem:s15], [sflag:$0x2] =	stream.indirect.gather [hbm4b:s5+s12], $0x10, s10, s12, $0xb8;
	[tilespmem:$0x1DE80] =	vst v63  }
0x1df: {  	_ =	swait.ge [sflag:s16], $0x800  }
0x1e0: {  	[sflag:s16] =	ssyncset.done $0x0  }
0x1e1: {  	s22 =	simm.s32 $0x14E80;
	[sflag:s16] =	ssyncadd.s32 $0xFFFFF800  }
0x1e2: {  	[spmem:s2] =	stream.indirect.scatter.add.f32 [tilespmem:s13], [sflag:$0x3], $0x10, s22, s12, $0xb8;
	[tilespmem:$0x1DE80] =	vst v63  }
0x1e3: {  	_ =	swait.ge [sflag:s9], $0x800  }
0x1e4: {  	[sflag:s9] =	ssyncset.done $0x0  }
0x1e5: {  	s23 =	simm.s32 $0x11B80;
	[sflag:s9] =	ssyncadd.s32 $0xFFFFF800  }
0x1e6: {  	[tilespmem:s13], [sflag:$0x1] =	stream.indirect.gather [hbm4b:s5+s12], $0x10, s23, s12, $0xb8;
	[tilespmem:$0x1DE80] =	vst v63  }
0x1e7: {  	_ =	swait.ge [sflag:s17], $0x800  }
0x1e8: {  	[sflag:s17] =	ssyncset.done $0x0  }
0x1e9: {  	s24 =	simm.s32 $0x14F00;
	[sflag:s17] =	ssyncadd.s32 $0xFFFFF800  }
0x1ea: {  	[spmem:s2] =	stream.indirect.scatter.add.f32 [tilespmem:s15], [sflag:$0x3], $0x10, s24, s12, $0xb8;
	[tilespmem:$0x1DE80] =	vst v63  }
0x1eb: {  	_ =	swait.ge [sflag:s9], $0x800  }
0x1ec: {  	s21 =	simm.s32 $0x800;
	s10 =	simm.s32 $0x100;
	[sflag:s9] =	ssyncset.done $0x0  }
.LBB2_12:
0x1ed: {  	s22 =	sadd.s32 $0x11B00, s10  }
0x1ee: {  	[sflag:s9] =	ssyncadd.s32 $0xFFFFF800;
	s23 =	smov.u32 s21;
	s24 =	sadd.s32 $0x400, s21  }
0x1ef: {  	[tilespmem:s15], [sflag:$0x2] =	stream.indirect.gather [hbm4b:s5+s12], $0x10, s22, s12, $0xb8;
	[tilespmem:$0x1DE80] =	vst v63  }
0x1f0: {  	p1 =	sne.s32 s21, $0x7C00;
	_ =	swait.ge [sflag:s16], $0x800  }
0x1f1: {  	[sflag:s16] =	ssyncset.done $0x0  }
0x1f2: {  	s21 =	sadd.s32 $0x14E80, s10;
	[sflag:s16] =	ssyncadd.s32 $0xFFFFF800  }
0x1f3: {  	[spmem:s2] =	stream.indirect.scatter.add.f32 [tilespmem:s13], [sflag:$0x3], $0x10, s21, s12, $0xb8;
	[tilespmem:$0x1DE80] =	vst v63  }
0x1f4: {  	_ =	swait.ge [sflag:s9], $0x800  }
0x1f5: {  	[sflag:s9] =	ssyncset.done $0x0  }
0x1f6: {  	s21 =	sadd.s32 $0x11B80, s10;
	[sflag:s9] =	ssyncadd.s32 $0xFFFFF800  }
0x1f7: {  	[tilespmem:s13], [sflag:$0x1] =	stream.indirect.gather [hbm4b:s5+s12], $0x10, s21, s12, $0xb8;
	[tilespmem:$0x1DE80] =	vst v63  }
0x1f8: {  	_ =	swait.ge [sflag:s17], $0x800  }
.Ltmp8:
0x1f9: {  	[sflag:s17] =	ssyncset.done $0x0;
	(pc) =	sbr.rel @p1 .LBB2_12-.Ltmp8, $4  }
0x1fa: {  	s10 =	sadd.s32 $0x14F00, s10;
	[sflag:s17] =	ssyncadd.s32 $0xFFFFF800  }
0x1fb: {  	[spmem:s2] =	stream.indirect.scatter.add.f32 [tilespmem:s15], [sflag:$0x3], $0x10, s10, s12, $0xb8;
	[tilespmem:$0x1DE80] =	vst v63  }
0x1fc: {  	_ =	swait.ge [sflag:s9], $0x800  }
0x1fd: {  	s21 =	smov.u32 s24;
	s10 =	sshra.s32 s23, $0x2;
	[sflag:s9] =	ssyncset.done $0x0  }
.Ltmp9:
0x1fe: {  	_ = 	snop;
	(pc) =	sbr.rel .LBB2_13-.Ltmp9, $1  }
0x1ff: {  	_ =	sdelay $0x3  }
.LBB2_15:
0x200: {  	_ =	sfence.sel $0x180000  }
0x201: {  	[bflag:$0x0] =	sbarrier.arrive $0xFFFF  }
0x202: {  	_ =	strace $0x90000047  }
0x203: {  	s0 =	stileid.u32;
	[bflag:$0x2] =	sbarrier.arrive $0xFFFF  }
0x204: {  	p0 =	sne.s32 s0, $0x0;
	s0 =	rddreg [dreg:$0x4]  }
0x205: {  	s0 =	sadd.s32 @!p0 $0x100000, s0  }
0x206: {  	[sflag:s0] =	ssyncadd.tile.s32 @!p0 $0x1;
	_ =	shalt  }
.Lfunc_end2:
_tile_overlayer_lowered:
.L_overlay_start_2:
0x207: {  	(tag) =	ssettag $0x2  }
0x208: {  	s0 =	rddreg [dreg:$0x0];
	s2 =	stileid.u32  }
0x209: {  	s1 =	rddreg [dreg:$0x1];
	p0 =	sne.s32 s2, $0x0  }
0x20a: {  	s3 =	rddreg [dreg:$0x2];
	[bflag:$0x3] =	sbarrier.arrive $0xFFFF;
	s2 =	simm.s32 @!p0 $0x1C03  }
0x20b: {  	[timem:s3], [sflag:s2] =	dma.local @!p0 [hbm:s0], s1  }
0x20c: {  	s0 =	simm.s32 @!p0 $0x3  }
0x20d: {  	_ =	swait.ge @!p0 [sflag:s0], s1  }
0x20e: {  	s1 =	ssub.s32 @!p0 $0x0, s1;
	[sflag:s0] =	ssyncset.done @!p0 $0x0  }
0x20f: {  	[sflag:s0] =	ssyncadd.s32 @!p0 s1  }
0x210: {  	[bflag:$0x3] =	sbarrier.arrive $0xFFFF  }
0x211: {  	_ =	shalt  }

</sc_bundles>
